<compile_context>
chip_gen: v7x
topology: tpu7x:2x2x1
jax: 0.10.2.dev20260603
libtpu: 0.0.44.dev20260713+nightly
codegen_flags: <defaults>
</compile_context>

<pallas_src>
import functools

import jax
import jax.numpy as jnp
from jax import lax
from jax.experimental import pallas as pl
from jax.experimental.pallas import tpu as pltpu
from jax.experimental.pallas import tpu_sc as plsc

_BR = 256
_NW = 32
_CH = 8
_NB = 2
_LANES = 16


def _sc_degpart_body(adj_hbm, out_hbm, buf, part, sem0, sem1):
    n = adj_hbm.shape[1]
    rows_w = n // _NW
    n_chunks = rows_w // _CH
    wid = lax.axis_index("s") * 2 + lax.axis_index("c")
    base = wid * rows_w
    sems = (sem0, sem1)

    def copy_in(ci, b):
        return pltpu.make_async_copy(
            adj_hbm.at[0, pl.ds(base + ci * _CH, _CH)], buf.at[b], sems[b])

    for b in range(_NB):
        copy_in(b, b).start()

    for ci in range(n_chunks):
        b = ci % _NB
        copy_in(ci, b).wait()

        def row_body(r, carry):
            def col_body(i, acc):
                for j in range(16):
                    acc = acc + buf[b, r, pl.ds(i * 256 + j * 16, _LANES)]
                return acc
            acc = lax.fori_loop(
                0, n // (16 * _LANES), col_body,
                jnp.zeros((_LANES,), jnp.float32))
            part[ci * _CH + r] = acc
            return carry

        lax.fori_loop(0, _CH, row_body, 0)

        nxt = ci + _NB
        if nxt < n_chunks:
            copy_in(nxt, b).start()

    pltpu.sync_copy(part, out_hbm.at[pl.ds(base, rows_w)])


def _sc_degpart(adj_t):
    n = adj_t.shape[1]
    rows_w = n // _NW
    mesh = plsc.VectorSubcoreMesh(core_axis_name="c", subcore_axis_name="s")
    return functools.partial(
        pl.kernel,
        mesh=mesh,
        out_type=jax.ShapeDtypeStruct((n, _LANES), jnp.float32),
        scratch_types=[
            pltpu.VMEM((_NB, _CH, n), jnp.float32),
            pltpu.VMEM((rows_w, _LANES), jnp.float32),
            pltpu.SemaphoreType.DMA,
            pltpu.SemaphoreType.DMA,
        ],
    )(_sc_degpart_body)(adj_t)


def _prep1_kernel(x_ref, wsum_ref, g_ref):
    g = jnp.dot(x_ref[...], wsum_ref[...], preferred_element_type=jnp.float32)
    g_ref[...] = jnp.concatenate(
        [g, jnp.ones((x_ref.shape[0], 1), jnp.float32)], axis=1)


def _passA_kernel(a1a_ref, a1b_ref, g1_ref, bsum_ref, wo_ref, p1_ref):
    s = pl.program_id(0)
    half = a1a_ref.shape[1] * pl.num_programs(0)
    hid = wo_ref.shape[0]
    g1 = g1_ref[...]

    def half_step(a_ref, base):
        acc = jnp.dot(a_ref[0], g1, preferred_element_type=jnp.float32)
        g1r = g1_ref[pl.ds(base, _BR), :]
        deg1 = acc[:, hid:] + g1r[:, hid:] + 1.0
        gcn = jnp.maximum(
            (acc[:, :hid] + g1r[:, :hid]) / jnp.maximum(deg1, 1e-12)
            + bsum_ref[...], 0.0)
        return jnp.dot(gcn, wo_ref[...], preferred_element_type=jnp.float32)

    p1_ref[0] = half_step(a1a_ref, s * _BR)
    p1_ref[1] = half_step(a1b_ref, half + s * _BR)


def _prep0_kernel(x_ref, wsum_ref, degp_ref, g_ref, d_ref):
    deg0 = jnp.sum(degp_ref[...], axis=1, keepdims=True)
    d = jax.lax.rsqrt(jnp.maximum(deg0 + 1.0, 1e-12))
    d_ref[...] = d
    g_ref[...] = d * jnp.dot(x_ref[...], wsum_ref[...],
                             preferred_element_type=jnp.float32)


def _passB_kernel(a0a_ref, a0b_ref, g0_ref, d_ref, p1_ref, bsum_ref, wo_ref,
                  bout_ref, out_ref):
    s = pl.program_id(0)
    half = a0a_ref.shape[1] * pl.num_programs(0)
    g0 = g0_ref[...]

    def half_step(a_ref, h, base):
        acc = jnp.dot(a_ref[0], g0, preferred_element_type=jnp.float32)
        g0r = g0_ref[pl.ds(base, _BR), :]
        dr = d_ref[pl.ds(base, _BR), :]
        gcn = jnp.maximum(dr * (acc + g0r) + bsum_ref[...], 0.0)
        return jnp.maximum(
            jnp.dot(gcn, wo_ref[...], preferred_element_type=jnp.float32)
            + p1_ref[h, pl.ds(base - h * half, _BR), :] + bout_ref[...], 0.0)

    out_ref[0] = half_step(a0a_ref, 0, s * _BR)
    out_ref[1] = half_step(a0b_ref, 1, half + s * _BR)


def kernel(x, adj_t, W, b, W_out, b_out):
    n, _ = x.shape
    hid = W.shape[-1]
    out_dim = W_out.shape[1]
    n_r = n // _BR
    half_r = n_r // 2

    Wsum = W.sum(axis=1)
    bsum = b.sum(axis=1)[:, None, :]
    wo0, wo1 = W_out[:hid], W_out[hid:]
    bout = b_out[None, :]

    degp = _sc_degpart(adj_t)

    g1 = pl.pallas_call(
        _prep1_kernel,
        out_shape=jax.ShapeDtypeStruct((n, hid + 1), jnp.float32),
    )(x, Wsum[1])

    p1 = pl.pallas_call(
        _passA_kernel,
        grid=(half_r,),
        in_specs=[
            pl.BlockSpec((1, _BR, n), lambda s: (1, s, 0)),
            pl.BlockSpec((1, _BR, n), lambda s: (1, half_r + s, 0)),
            pl.BlockSpec((n, hid + 1), lambda s: (0, 0)),
            pl.BlockSpec((1, hid), lambda s: (0, 0)),
            pl.BlockSpec((hid, out_dim), lambda s: (0, 0)),
        ],
        out_specs=pl.BlockSpec((2, _BR, out_dim), lambda s: (0, s, 0)),
        out_shape=jax.ShapeDtypeStruct((2, n // 2, out_dim), jnp.float32),
    )(adj_t, adj_t, g1, bsum[1], wo1)

    degp, p1 = lax.optimization_barrier((degp, p1))

    g0, dvec = pl.pallas_call(
        _prep0_kernel,
        out_shape=[
            jax.ShapeDtypeStruct((n, hid), jnp.float32),
            jax.ShapeDtypeStruct((n, 1), jnp.float32),
        ],
    )(x, Wsum[0], degp)

    out2 = pl.pallas_call(
        _passB_kernel,
        grid=(half_r,),
        in_specs=[
            pl.BlockSpec((1, _BR, n), lambda s: (0, s, 0)),
            pl.BlockSpec((1, _BR, n), lambda s: (0, half_r + s, 0)),
            pl.BlockSpec((n, hid), lambda s: (0, 0)),
            pl.BlockSpec((n, 1), lambda s: (0, 0)),
            pl.BlockSpec((2, n // 2, out_dim), lambda s: (0, 0, 0)),
            pl.BlockSpec((1, hid), lambda s: (0, 0)),
            pl.BlockSpec((hid, out_dim), lambda s: (0, 0)),
            pl.BlockSpec((1, out_dim), lambda s: (0, 0)),
        ],
        out_specs=pl.BlockSpec((2, _BR, out_dim), lambda s: (0, s, 0)),
        out_shape=jax.ShapeDtypeStruct((2, n // 2, out_dim), jnp.float32),
    )(adj_t, adj_t, g0, dvec, p1, bsum[0], wo0, bout)

    return out2.reshape(n, out_dim)

# --- scband reference (transcript-rebuilt; emitter-appended) ---
"""Pipeline reference for scband-gconv-layer-55482387530254 (READ-ONLY COPY).

The authoritative reference and input builder live on the scoring server;
editing this copy changes nothing except your own understanding.
"""

import jax, jax.numpy as jnp
import numpy as np

NUM_MAPS = 2
NUM_LAYERS = 2
IN_DIM = 32
HID_DIM = 32
OUT_DIM = 32
N = 4096
SYMMETRIC = [True, False]


def setup_inputs(seed: int = 0) -> dict:
    key = jax.random.key(seed)
    ks = jax.random.split(key, 6)
    x = jax.random.normal(ks[0], (N, IN_DIM), dtype=jnp.float32)
    # adj_t: one dense (weighted) adjacency per sensor map, values in [0, 1)
    adj_t = jax.random.uniform(ks[1], (NUM_MAPS, N, N), dtype=jnp.float32)
    # GCNConv weights: independent conv per (map, hop)
    sc = 1.0 / np.sqrt(IN_DIM)
    W = jax.random.uniform(ks[2], (NUM_MAPS, NUM_LAYERS, IN_DIM, HID_DIM), minval=-sc, maxval=sc, dtype=jnp.float32)
    b = jnp.zeros((NUM_MAPS, NUM_LAYERS, HID_DIM), dtype=jnp.float32)
    so = 1.0 / np.sqrt(HID_DIM * NUM_MAPS)
    W_out = jax.random.uniform(ks[3], (HID_DIM * NUM_MAPS, OUT_DIM), minval=-so, maxval=so, dtype=jnp.float32)
    b_out = jnp.zeros((OUT_DIM,), dtype=jnp.float32)
    return {"x": x, "adj_t": adj_t, "W": W, "b": b, "W_out": W_out, "b_out": b_out}


def _gcn_norm(adj, symmetric):
    n = adj.shape[-1]
    a = adj + jnp.eye(n, dtype=adj.dtype)  # add self-loops
    deg = a.sum(axis=-1)
    if symmetric:
        d = jax.lax.rsqrt(jnp.maximum(deg, 1e-12))
        return d[:, None] * a * d[None, :]  # D^-1/2 A D^-1/2
    else:
        return a / jnp.maximum(deg, 1e-12)[:, None]  # D^-1 A (row norm)


def reference(x, adj_t, W, b, W_out, b_out):
    # bn=False path of GConvLayer.forward, conv_type='GCN', concat=True, eval mode (no dropout)
    gcn_outputs = []
    for i in range(NUM_MAPS):
        a = _gcn_norm(adj_t[i], SYMMETRIC[i])
        ax = a @ x  # aggregated neighborhood features (shared input x for every hop conv)
        block_sum = jnp.zeros((x.shape[0], HID_DIM), dtype=x.dtype)
        for j in range(NUM_LAYERS):
            block_sum = block_sum + (ax @ W[i, j] + b[i, j])
        gcn_outputs.append(jax.nn.relu(block_sum))
    h = jnp.concatenate(gcn_outputs, axis=-1)
    out = jax.nn.relu(h @ W_out + b_out)
    return out

if __name__ == "__main__":
    import jax
    _d = setup_inputs()
    print(jax.jit(kernel)(*tuple(_d.values())))

</pallas_src>

<mosaic_0001>
#map = affine_map<(d0, d1) -> (0, 0, 0)>
#map1 = affine_map<(d0, d1) -> (0, 0)>
module attributes {stable_mosaic.version = 14 : i64} {
  func.func @_sc_degpart_body(%arg0: i32, %arg1: i32, %arg2: memref<2x4096x4096xf32, #tpu.memory_space<hbm>>, %arg3: memref<4096x16xf32, #tpu.memory_space<hbm>>, %arg4: memref<2x8x4096xf32, #tpu.memory_space<vmem>>, %arg5: memref<128x16xf32, #tpu.memory_space<vmem>>, %arg6: memref<!tpu.dma_semaphore, #tpu.memory_space<semaphore_mem>>, %arg7: memref<!tpu.dma_semaphore, #tpu.memory_space<semaphore_mem>>) attributes {dimension_semantics = [#tpu.dimension_semantics<core_parallel>, #tpu.dimension_semantics<subcore_parallel>], iteration_bounds = array<i64: 2, 16>, scalar_prefetch = 0 : i64, scratch_operands = 4 : i64, tpu.core_type = #tpu.core_type<sc_vector_subcore>, window_params = [{transform_indices = #map}, {transform_indices = #map1}]} {
    %mul3A = arith.constant 2 : i32
    %mul3A_0 = arith.muli %arg1, %mul3A : i32
    %add3A = arith.addi %mul3A_0, %arg0 : i32
    %mul3A_1 = arith.constant 128 : i32
    %mul3A_2 = arith.muli %add3A, %mul3A_1 : i32
    %add3A_3 = arith.constant 0 : i32
    %add3A_4 = arith.addi %mul3A_2, %add3A_3 : i32
    %dma_start3A = arith.constant 0 : i32
    %dma_start3A_5 = arith.constant 0 : i32
    %dma_start3A_6 = arith.constant 0 : i32
    %dma_start3A_7 = arith.constant 0 : i32
    %dma_start3A_8 = tpu.memref_slice %arg4[%dma_start3A_5, %dma_start3A_6, %dma_start3A_7] : memref<2x8x4096xf32, #tpu.memory_space<vmem>> -> memref<1x8x4096xf32, #tpu.memory_space<vmem>>
    %dma_start3A_9 = tpu.memref_squeeze %dma_start3A_8 : memref<1x8x4096xf32, #tpu.memory_space<vmem>> -> memref<8x4096xf32, #tpu.memory_space<vmem>>
    %dma_start3A_10 = arith.constant 0 : i32
    %dma_start3A_11 = tpu.memref_slice %arg2[%dma_start3A, %add3A_4, %dma_start3A_10] : memref<2x4096x4096xf32, #tpu.memory_space<hbm>> -> memref<1x8x4096xf32, #tpu.memory_space<hbm>>
    %dma_start3A_12 = tpu.memref_squeeze %dma_start3A_11 : memref<1x8x4096xf32, #tpu.memory_space<hbm>> -> memref<8x4096xf32, #tpu.memory_space<hbm>>
    %dma_start3A_13 = arith.constant 0 : i32
    %dma_start3A_14 = arith.constant 0 : i32
    %dma_start3A_15 = tpu.memref_slice %arg4[%dma_start3A_5, %dma_start3A_13, %dma_start3A_14] : memref<2x8x4096xf32, #tpu.memory_space<vmem>> -> memref<1x8x4096xf32, #tpu.memory_space<vmem>>
    %dma_start3A_16 = tpu.memref_squeeze %dma_start3A_15 : memref<1x8x4096xf32, #tpu.memory_space<vmem>> -> memref<8x4096xf32, #tpu.memory_space<vmem>>
    %dma_start3A_17 = arith.constant 0 : i32
    %dma_start3A_18 = tpu.memref_slice %arg2[%dma_start3A, %add3A_4, %dma_start3A_17] : memref<2x4096x4096xf32, #tpu.memory_space<hbm>> -> memref<1x8x4096xf32, #tpu.memory_space<hbm>>
    %dma_start3A_19 = tpu.memref_squeeze %dma_start3A_18 : memref<1x8x4096xf32, #tpu.memory_space<hbm>> -> memref<8x4096xf32, #tpu.memory_space<hbm>>
    tpu.enqueue_dma source(%dma_start3A_19 : memref<8x4096xf32, #tpu.memory_space<hbm>>) target(%dma_start3A_16 : memref<8x4096xf32, #tpu.memory_space<vmem>>) target_semaphore(%arg6 : memref<!tpu.dma_semaphore, #tpu.memory_space<semaphore_mem>>)
    %add3A_20 = arith.constant 8 : i32
    %add3A_21 = arith.addi %mul3A_2, %add3A_20 : i32
    %dma_start3A_22 = arith.constant 0 : i32
    %dma_start3A_23 = arith.constant 1 : i32
    %dma_start3A_24 = arith.constant 0 : i32
    %dma_start3A_25 = arith.constant 0 : i32
    %dma_start3A_26 = tpu.memref_slice %arg4[%dma_start3A_23, %dma_start3A_24, %dma_start3A_25] : memref<2x8x4096xf32, #tpu.memory_space<vmem>> -> memref<1x8x4096xf32, #tpu.memory_space<vmem>>
    %dma_start3A_27 = tpu.memref_squeeze %dma_start3A_26 : memref<1x8x4096xf32, #tpu.memory_space<vmem>> -> memref<8x4096xf32, #tpu.memory_space<vmem>>
    %dma_start3A_28 = arith.constant 0 : i32
    %dma_start3A_29 = tpu.memref_slice %arg2[%dma_start3A_22, %add3A_21, %dma_start3A_28] : memref<2x4096x4096xf32, #tpu.memory_space<hbm>> -> memref<1x8x4096xf32, #tpu.memory_space<hbm>>
    %dma_start3A_30 = tpu.memref_squeeze %dma_start3A_29 : memref<1x8x4096xf32, #tpu.memory_space<hbm>> -> memref<8x4096xf32, #tpu.memory_space<hbm>>
    %dma_start3A_31 = arith.constant 0 : i32
    %dma_start3A_32 = arith.constant 0 : i32
    %dma_start3A_33 = tpu.memref_slice %arg4[%dma_start3A_23, %dma_start3A_31, %dma_start3A_32] : memref<2x8x4096xf32, #tpu.memory_space<vmem>> -> memref<1x8x4096xf32, #tpu.memory_space<vmem>>
    %dma_start3A_34 = tpu.memref_squeeze %dma_start3A_33 : memref<1x8x4096xf32, #tpu.memory_space<vmem>> -> memref<8x4096xf32, #tpu.memory_space<vmem>>
    %dma_start3A_35 = arith.constant 0 : i32
    %dma_start3A_36 = tpu.memref_slice %arg2[%dma_start3A_22, %add3A_21, %dma_start3A_35] : memref<2x4096x4096xf32, #tpu.memory_space<hbm>> -> memref<1x8x4096xf32, #tpu.memory_space<hbm>>
    %dma_start3A_37 = tpu.memref_squeeze %dma_start3A_36 : memref<1x8x4096xf32, #tpu.memory_space<hbm>> -> memref<8x4096xf32, #tpu.memory_space<hbm>>
    tpu.enqueue_dma source(%dma_start3A_37 : memref<8x4096xf32, #tpu.memory_space<hbm>>) target(%dma_start3A_34 : memref<8x4096xf32, #tpu.memory_space<vmem>>) target_semaphore(%arg7 : memref<!tpu.dma_semaphore, #tpu.memory_space<semaphore_mem>>)
    %add3A_38 = arith.constant 0 : i32
    %add3A_39 = arith.addi %mul3A_2, %add3A_38 : i32
    %dma_wait3A = arith.constant 0 : i32
    %dma_wait3A_40 = arith.constant 0 : i32
    %dma_wait3A_41 = arith.constant 0 : i32
    %dma_wait3A_42 = arith.constant 0 : i32
    %dma_wait3A_43 = tpu.memref_slice %arg4[%dma_wait3A_40, %dma_wait3A_41, %dma_wait3A_42] : memref<2x8x4096xf32, #tpu.memory_space<vmem>> -> memref<1x8x4096xf32, #tpu.memory_space<vmem>>
    %dma_wait3A_44 = tpu.memref_squeeze %dma_wait3A_43 : memref<1x8x4096xf32, #tpu.memory_space<vmem>> -> memref<8x4096xf32, #tpu.memory_space<vmem>>
    %dma_wait3A_45 = arith.constant 0 : i32
    %dma_wait3A_46 = tpu.memref_slice %arg2[%dma_wait3A, %add3A_39, %dma_wait3A_45] : memref<2x4096x4096xf32, #tpu.memory_space<hbm>> -> memref<1x8x4096xf32, #tpu.memory_space<hbm>>
    %dma_wait3A_47 = tpu.memref_squeeze %dma_wait3A_46 : memref<1x8x4096xf32, #tpu.memory_space<hbm>> -> memref<8x4096xf32, #tpu.memory_space<hbm>>
    %dma_wait3A_48 = arith.constant 0 : i32
    %dma_wait3A_49 = arith.constant 0 : i32
    %dma_wait3A_50 = tpu.memref_slice %arg4[%dma_wait3A_40, %dma_wait3A_48, %dma_wait3A_49] : memref<2x8x4096xf32, #tpu.memory_space<vmem>> -> memref<1x8x4096xf32, #tpu.memory_space<vmem>>
    %dma_wait3A_51 = tpu.memref_squeeze %dma_wait3A_50 : memref<1x8x4096xf32, #tpu.memory_space<vmem>> -> memref<8x4096xf32, #tpu.memory_space<vmem>>
    %dma_wait3A_52 = arith.constant 0 : i32
    %dma_wait3A_53 = tpu.memref_slice %arg2[%dma_wait3A, %add3A_39, %dma_wait3A_52] : memref<2x4096x4096xf32, #tpu.memory_space<hbm>> -> memref<1x8x4096xf32, #tpu.memory_space<hbm>>
    %dma_wait3A_54 = tpu.memref_squeeze %dma_wait3A_53 : memref<1x8x4096xf32, #tpu.memory_space<hbm>> -> memref<8x4096xf32, #tpu.memory_space<hbm>>
    tpu.wait_dma2 semaphore(%arg6 : memref<!tpu.dma_semaphore, #tpu.memory_space<semaphore_mem>>) src(%dma_wait3A_54 : memref<8x4096xf32, #tpu.memory_space<hbm>>) dst(%dma_wait3A_51 : memref<8x4096xf32, #tpu.memory_space<vmem>>)
    %scan3A = arith.constant 0 : i32
    %scan3A_55 = arith.constant 0 : i32
    %scan3A_56 = arith.constant 8 : i32
    %scan3A_57 = arith.addi %scan3A_55, %scan3A_56 : i32
    %scan3A_58 = arith.constant 1 : i32
    scf.for %scan3A_672 = %scan3A_55 to %scan3A_57 step %scan3A_58  : i32 {
      %broadcast_in_dim3A = arith.constant 0.000000e+00 : f32
      %broadcast_in_dim3A_673 = vector.broadcast %broadcast_in_dim3A : f32 to vector<16xf32>
      %scan3A_674 = arith.constant 0 : i32
      %scan3A_675 = arith.constant 16 : i32
      %scan3A_676 = arith.addi %scan3A_674, %scan3A_675 : i32
      %scan3A_677 = arith.constant 1 : i32
      %scan3A_678 = scf.for %scan3A_686 = %scan3A_674 to %scan3A_676 step %scan3A_677 iter_args(%scan3A_687 = %broadcast_in_dim3A_673) -> (vector<16xf32>)  : i32 {
        %mul3A_688 = arith.constant 256 : i32
        %mul3A_689 = arith.muli %scan3A_686, %mul3A_688 : i32
        %add3A_690 = arith.constant 0 : i32
        %add3A_691 = arith.addi %mul3A_689, %add3A_690 : i32
        %get3A = arith.constant 0 : i32
        %get3A_692 = arith.index_cast %get3A : i32 to index
        %get3A_693 = arith.index_cast %scan3A_672 : i32 to index
        %get3A_694 = arith.index_cast %add3A_691 : i32 to index
        %get3A_695 = tpu.vector_load %arg4[%get3A_692, %get3A_693, %get3A_694] {strides = array<i32>} : memref<2x8x4096xf32, #tpu.memory_space<vmem>>, vector<1x1x16xf32>,
        %get3A_696 = vector.shape_cast %get3A_695 : vector<1x1x16xf32> to vector<16xf32>
        %add3A_697 = arith.addf %scan3A_687, %get3A_696 : vector<16xf32>
        %mul3A_698 = arith.constant 256 : i32
        %mul3A_699 = arith.muli %scan3A_686, %mul3A_698 : i32
        %add3A_700 = arith.constant 16 : i32
        %add3A_701 = arith.addi %mul3A_699, %add3A_700 : i32
        %get3A_702 = arith.constant 0 : i32
        %get3A_703 = arith.index_cast %get3A_702 : i32 to index
        %get3A_704 = arith.index_cast %scan3A_672 : i32 to index
        %get3A_705 = arith.index_cast %add3A_701 : i32 to index
        %get3A_706 = tpu.vector_load %arg4[%get3A_703, %get3A_704, %get3A_705] {strides = array<i32>} : memref<2x8x4096xf32, #tpu.memory_space<vmem>>, vector<1x1x16xf32>,
        %get3A_707 = vector.shape_cast %get3A_706 : vector<1x1x16xf32> to vector<16xf32>
        %add3A_708 = arith.addf %add3A_697, %get3A_707 : vector<16xf32>
        %mul3A_709 = arith.constant 256 : i32
        %mul3A_710 = arith.muli %scan3A_686, %mul3A_709 : i32
        %add3A_711 = arith.constant 32 : i32
        %add3A_712 = arith.addi %mul3A_710, %add3A_711 : i32
        %get3A_713 = arith.constant 0 : i32
        %get3A_714 = arith.index_cast %get3A_713 : i32 to index
        %get3A_715 = arith.index_cast %scan3A_672 : i32 to index
        %get3A_716 = arith.index_cast %add3A_712 : i32 to index
        %get3A_717 = tpu.vector_load %arg4[%get3A_714, %get3A_715, %get3A_716] {strides = array<i32>} : memref<2x8x4096xf32, #tpu.memory_space<vmem>>, vector<1x1x16xf32>,
        %get3A_718 = vector.shape_cast %get3A_717 : vector<1x1x16xf32> to vector<16xf32>
        %add3A_719 = arith.addf %add3A_708, %get3A_718 : vector<16xf32>
        %mul3A_720 = arith.constant 256 : i32
        %mul3A_721 = arith.muli %scan3A_686, %mul3A_720 : i32
        %add3A_722 = arith.constant 48 : i32
        %add3A_723 = arith.addi %mul3A_721, %add3A_722 : i32
        %get3A_724 = arith.constant 0 : i32
        %get3A_725 = arith.index_cast %get3A_724 : i32 to index
        %get3A_726 = arith.index_cast %scan3A_672 : i32 to index
        %get3A_727 = arith.index_cast %add3A_723 : i32 to index
        %get3A_728 = tpu.vector_load %arg4[%get3A_725, %get3A_726, %get3A_727] {strides = array<i32>} : memref<2x8x4096xf32, #tpu.memory_space<vmem>>, vector<1x1x16xf32>,
        %get3A_729 = vector.shape_cast %get3A_728 : vector<1x1x16xf32> to vector<16xf32>
        %add3A_730 = arith.addf %add3A_719, %get3A_729 : vector<16xf32>
        %mul3A_731 = arith.constant 256 : i32
        %mul3A_732 = arith.muli %scan3A_686, %mul3A_731 : i32
        %add3A_733 = arith.constant 64 : i32
        %add3A_734 = arith.addi %mul3A_732, %add3A_733 : i32
        %get3A_735 = arith.constant 0 : i32
        %get3A_736 = arith.index_cast %get3A_735 : i32 to index
        %get3A_737 = arith.index_cast %scan3A_672 : i32 to index
        %get3A_738 = arith.index_cast %add3A_734 : i32 to index
        %get3A_739 = tpu.vector_load %arg4[%get3A_736, %get3A_737, %get3A_738] {strides = array<i32>} : memref<2x8x4096xf32, #tpu.memory_space<vmem>>, vector<1x1x16xf32>,
        %get3A_740 = vector.shape_cast %get3A_739 : vector<1x1x16xf32> to vector<16xf32>
        %add3A_741 = arith.addf %add3A_730, %get3A_740 : vector<16xf32>
        %mul3A_742 = arith.constant 256 : i32
        %mul3A_743 = arith.muli %scan3A_686, %mul3A_742 : i32
        %add3A_744 = arith.constant 80 : i32
        %add3A_745 = arith.addi %mul3A_743, %add3A_744 : i32
        %get3A_746 = arith.constant 0 : i32
        %get3A_747 = arith.index_cast %get3A_746 : i32 to index
        %get3A_748 = arith.index_cast %scan3A_672 : i32 to index
        %get3A_749 = arith.index_cast %add3A_745 : i32 to index
        %get3A_750 = tpu.vector_load %arg4[%get3A_747, %get3A_748, %get3A_749] {strides = array<i32>} : memref<2x8x4096xf32, #tpu.memory_space<vmem>>, vector<1x1x16xf32>,
        %get3A_751 = vector.shape_cast %get3A_750 : vector<1x1x16xf32> to vector<16xf32>
        %add3A_752 = arith.addf %add3A_741, %get3A_751 : vector<16xf32>
        %mul3A_753 = arith.constant 256 : i32
        %mul3A_754 = arith.muli %scan3A_686, %mul3A_753 : i32
        %add3A_755 = arith.constant 96 : i32
        %add3A_756 = arith.addi %mul3A_754, %add3A_755 : i32
        %get3A_757 = arith.constant 0 : i32
        %get3A_758 = arith.index_cast %get3A_757 : i32 to index
        %get3A_759 = arith.index_cast %scan3A_672 : i32 to index
        %get3A_760 = arith.index_cast %add3A_756 : i32 to index
        %get3A_761 = tpu.vector_load %arg4[%get3A_758, %get3A_759, %get3A_760] {strides = array<i32>} : memref<2x8x4096xf32, #tpu.memory_space<vmem>>, vector<1x1x16xf32>,
        %get3A_762 = vector.shape_cast %get3A_761 : vector<1x1x16xf32> to vector<16xf32>
        %add3A_763 = arith.addf %add3A_752, %get3A_762 : vector<16xf32>
        %mul3A_764 = arith.constant 256 : i32
        %mul3A_765 = arith.muli %scan3A_686, %mul3A_764 : i32
        %add3A_766 = arith.constant 112 : i32
        %add3A_767 = arith.addi %mul3A_765, %add3A_766 : i32
        %get3A_768 = arith.constant 0 : i32
        %get3A_769 = arith.index_cast %get3A_768 : i32 to index
        %get3A_770 = arith.index_cast %scan3A_672 : i32 to index
        %get3A_771 = arith.index_cast %add3A_767 : i32 to index
        %get3A_772 = tpu.vector_load %arg4[%get3A_769, %get3A_770, %get3A_771] {strides = array<i32>} : memref<2x8x4096xf32, #tpu.memory_space<vmem>>, vector<1x1x16xf32>,
        %get3A_773 = vector.shape_cast %get3A_772 : vector<1x1x16xf32> to vector<16xf32>
        %add3A_774 = arith.addf %add3A_763, %get3A_773 : vector<16xf32>
        %mul3A_775 = arith.constant 256 : i32
        %mul3A_776 = arith.muli %scan3A_686, %mul3A_775 : i32
        %add3A_777 = arith.constant 128 : i32
        %add3A_778 = arith.addi %mul3A_776, %add3A_777 : i32
        %get3A_779 = arith.constant 0 : i32
        %get3A_780 = arith.index_cast %get3A_779 : i32 to index
        %get3A_781 = arith.index_cast %scan3A_672 : i32 to index
        %get3A_782 = arith.index_cast %add3A_778 : i32 to index
        %get3A_783 = tpu.vector_load %arg4[%get3A_780, %get3A_781, %get3A_782] {strides = array<i32>} : memref<2x8x4096xf32, #tpu.memory_space<vmem>>, vector<1x1x16xf32>,
        %get3A_784 = vector.shape_cast %get3A_783 : vector<1x1x16xf32> to vector<16xf32>
        %add3A_785 = arith.addf %add3A_774, %get3A_784 : vector<16xf32>
        %mul3A_786 = arith.constant 256 : i32
        %mul3A_787 = arith.muli %scan3A_686, %mul3A_786 : i32
        %add3A_788 = arith.constant 144 : i32
        %add3A_789 = arith.addi %mul3A_787, %add3A_788 : i32
        %get3A_790 = arith.constant 0 : i32
        %get3A_791 = arith.index_cast %get3A_790 : i32 to index
        %get3A_792 = arith.index_cast %scan3A_672 : i32 to index
        %get3A_793 = arith.index_cast %add3A_789 : i32 to index
        %get3A_794 = tpu.vector_load %arg4[%get3A_791, %get3A_792, %get3A_793] {strides = array<i32>} : memref<2x8x4096xf32, #tpu.memory_space<vmem>>, vector<1x1x16xf32>,
        %get3A_795 = vector.shape_cast %get3A_794 : vector<1x1x16xf32> to vector<16xf32>
        %add3A_796 = arith.addf %add3A_785, %get3A_795 : vector<16xf32>
        %mul3A_797 = arith.constant 256 : i32
        %mul3A_798 = arith.muli %scan3A_686, %mul3A_797 : i32
        %add3A_799 = arith.constant 160 : i32
        %add3A_800 = arith.addi %mul3A_798, %add3A_799 : i32
        %get3A_801 = arith.constant 0 : i32
        %get3A_802 = arith.index_cast %get3A_801 : i32 to index
        %get3A_803 = arith.index_cast %scan3A_672 : i32 to index
        %get3A_804 = arith.index_cast %add3A_800 : i32 to index
        %get3A_805 = tpu.vector_load %arg4[%get3A_802, %get3A_803, %get3A_804] {strides = array<i32>} : memref<2x8x4096xf32, #tpu.memory_space<vmem>>, vector<1x1x16xf32>,
        %get3A_806 = vector.shape_cast %get3A_805 : vector<1x1x16xf32> to vector<16xf32>
        %add3A_807 = arith.addf %add3A_796, %get3A_806 : vector<16xf32>
        %mul3A_808 = arith.constant 256 : i32
        %mul3A_809 = arith.muli %scan3A_686, %mul3A_808 : i32
        %add3A_810 = arith.constant 176 : i32
        %add3A_811 = arith.addi %mul3A_809, %add3A_810 : i32
        %get3A_812 = arith.constant 0 : i32
        %get3A_813 = arith.index_cast %get3A_812 : i32 to index
        %get3A_814 = arith.index_cast %scan3A_672 : i32 to index
        %get3A_815 = arith.index_cast %add3A_811 : i32 to index
        %get3A_816 = tpu.vector_load %arg4[%get3A_813, %get3A_814, %get3A_815] {strides = array<i32>} : memref<2x8x4096xf32, #tpu.memory_space<vmem>>, vector<1x1x16xf32>,
        %get3A_817 = vector.shape_cast %get3A_816 : vector<1x1x16xf32> to vector<16xf32>
        %add3A_818 = arith.addf %add3A_807, %get3A_817 : vector<16xf32>
        %mul3A_819 = arith.constant 256 : i32
        %mul3A_820 = arith.muli %scan3A_686, %mul3A_819 : i32
        %add3A_821 = arith.constant 192 : i32
        %add3A_822 = arith.addi %mul3A_820, %add3A_821 : i32
        %get3A_823 = arith.constant 0 : i32
        %get3A_824 = arith.index_cast %get3A_823 : i32 to index
        %get3A_825 = arith.index_cast %scan3A_672 : i32 to index
        %get3A_826 = arith.index_cast %add3A_822 : i32 to index
        %get3A_827 = tpu.vector_load %arg4[%get3A_824, %get3A_825, %get3A_826] {strides = array<i32>} : memref<2x8x4096xf32, #tpu.memory_space<vmem>>, vector<1x1x16xf32>,
        %get3A_828 = vector.shape_cast %get3A_827 : vector<1x1x16xf32> to vector<16xf32>
        %add3A_829 = arith.addf %add3A_818, %get3A_828 : vector<16xf32>
        %mul3A_830 = arith.constant 256 : i32
        %mul3A_831 = arith.muli %scan3A_686, %mul3A_830 : i32
        %add3A_832 = arith.constant 208 : i32
        %add3A_833 = arith.addi %mul3A_831, %add3A_832 : i32
        %get3A_834 = arith.constant 0 : i32
        %get3A_835 = arith.index_cast %get3A_834 : i32 to index
        %get3A_836 = arith.index_cast %scan3A_672 : i32 to index
        %get3A_837 = arith.index_cast %add3A_833 : i32 to index
        %get3A_838 = tpu.vector_load %arg4[%get3A_835, %get3A_836, %get3A_837] {strides = array<i32>} : memref<2x8x4096xf32, #tpu.memory_space<vmem>>, vector<1x1x16xf32>,
        %get3A_839 = vector.shape_cast %get3A_838 : vector<1x1x16xf32> to vector<16xf32>
        %add3A_840 = arith.addf %add3A_829, %get3A_839 : vector<16xf32>
        %mul3A_841 = arith.constant 256 : i32
        %mul3A_842 = arith.muli %scan3A_686, %mul3A_841 : i32
        %add3A_843 = arith.constant 224 : i32
        %add3A_844 = arith.addi %mul3A_842, %add3A_843 : i32
        %get3A_845 = arith.constant 0 : i32
        %get3A_846 = arith.index_cast %get3A_845 : i32 to index
        %get3A_847 = arith.index_cast %scan3A_672 : i32 to index
        %get3A_848 = arith.index_cast %add3A_844 : i32 to index
        %get3A_849 = tpu.vector_load %arg4[%get3A_846, %get3A_847, %get3A_848] {strides = array<i32>} : memref<2x8x4096xf32, #tpu.memory_space<vmem>>, vector<1x1x16xf32>,
        %get3A_850 = vector.shape_cast %get3A_849 : vector<1x1x16xf32> to vector<16xf32>
        %add3A_851 = arith.addf %add3A_840, %get3A_850 : vector<16xf32>
        %mul3A_852 = arith.constant 256 : i32
        %mul3A_853 = arith.muli %scan3A_686, %mul3A_852 : i32
        %add3A_854 = arith.constant 240 : i32
        %add3A_855 = arith.addi %mul3A_853, %add3A_854 : i32
        %get3A_856 = arith.constant 0 : i32
        %get3A_857 = arith.index_cast %get3A_856 : i32 to index
        %get3A_858 = arith.index_cast %scan3A_672 : i32 to index
        %get3A_859 = arith.index_cast %add3A_855 : i32 to index
        %get3A_860 = tpu.vector_load %arg4[%get3A_857, %get3A_858, %get3A_859] {strides = array<i32>} : memref<2x8x4096xf32, #tpu.memory_space<vmem>>, vector<1x1x16xf32>,
        %get3A_861 = vector.shape_cast %get3A_860 : vector<1x1x16xf32> to vector<16xf32>
        %add3A_862 = arith.addf %add3A_851, %get3A_861 : vector<16xf32>
        scf.yield %add3A_862 : vector<16xf32>
      }
      %scan3A_679 = arith.constant 16 : i32
      %add3A_680 = arith.constant 0 : i32
      %add3A_681 = arith.addi %add3A_680, %scan3A_672 : i32
      %swap3A = arith.index_cast %add3A_681 : i32 to index
      %swap3A_682 = arith.constant 0 : index
      %swap3A_683 = tpu.vector_load %arg5[%swap3A, %swap3A_682] {strides = array<i32>} : memref<128x16xf32, #tpu.memory_space<vmem>>, vector<1x16xf32>,
      %swap3A_684 = vector.shape_cast %swap3A_683 : vector<1x16xf32> to vector<16xf32>
      %swap3A_685 = vector.shape_cast %scan3A_678 : vector<16xf32> to vector<1x16xf32>
      tpu.vector_store %arg5[%swap3A, %swap3A_682], %swap3A_685 {strides = array<i32>} : memref<128x16xf32, #tpu.memory_space<vmem>>, vector<1x16xf32>,
    }
    %scan3A_59 = arith.constant 8 : i32
    %add3A_60 = arith.constant 16 : i32
    %add3A_61 = arith.addi %mul3A_2, %add3A_60 : i32
    %dma_start3A_62 = arith.constant 0 : i32
    %dma_start3A_63 = arith.constant 0 : i32
    %dma_start3A_64 = arith.constant 0 : i32
    %dma_start3A_65 = arith.constant 0 : i32
    %dma_start3A_66 = tpu.memref_slice %arg4[%dma_start3A_63, %dma_start3A_64, %dma_start3A_65] : memref<2x8x4096xf32, #tpu.memory_space<vmem>> -> memref<1x8x4096xf32, #tpu.memory_space<vmem>>
    %dma_start3A_67 = tpu.memref_squeeze %dma_start3A_66 : memref<1x8x4096xf32, #tpu.memory_space<vmem>> -> memref<8x4096xf32, #tpu.memory_space<vmem>>
    %dma_start3A_68 = arith.constant 0 : i32
    %dma_start3A_69 = tpu.memref_slice %arg2[%dma_start3A_62, %add3A_61, %dma_start3A_68] : memref<2x4096x4096xf32, #tpu.memory_space<hbm>> -> memref<1x8x4096xf32, #tpu.memory_space<hbm>>
    %dma_start3A_70 = tpu.memref_squeeze %dma_start3A_69 : memref<1x8x4096xf32, #tpu.memory_space<hbm>> -> memref<8x4096xf32, #tpu.memory_space<hbm>>
    %dma_start3A_71 = arith.constant 0 : i32
    %dma_start3A_72 = arith.constant 0 : i32
    %dma_start3A_73 = tpu.memref_slice %arg4[%dma_start3A_63, %dma_start3A_71, %dma_start3A_72] : memref<2x8x4096xf32, #tpu.memory_space<vmem>> -> memref<1x8x4096xf32, #tpu.memory_space<vmem>>
    %dma_start3A_74 = tpu.memref_squeeze %dma_start3A_73 : memref<1x8x4096xf32, #tpu.memory_space<vmem>> -> memref<8x4096xf32, #tpu.memory_space<vmem>>
    %dma_start3A_75 = arith.constant 0 : i32
    %dma_start3A_76 = tpu.memref_slice %arg2[%dma_start3A_62, %add3A_61, %dma_start3A_75] : memref<2x4096x4096xf32, #tpu.memory_space<hbm>> -> memref<1x8x4096xf32, #tpu.memory_space<hbm>>
    %dma_start3A_77 = tpu.memref_squeeze %dma_start3A_76 : memref<1x8x4096xf32, #tpu.memory_space<hbm>> -> memref<8x4096xf32, #tpu.memory_space<hbm>>
    tpu.enqueue_dma source(%dma_start3A_77 : memref<8x4096xf32, #tpu.memory_space<hbm>>) target(%dma_start3A_74 : memref<8x4096xf32, #tpu.memory_space<vmem>>) target_semaphore(%arg6 : memref<!tpu.dma_semaphore, #tpu.memory_space<semaphore_mem>>)
    %add3A_78 = arith.constant 8 : i32
    %add3A_79 = arith.addi %mul3A_2, %add3A_78 : i32
    %dma_wait3A_80 = arith.constant 0 : i32
    %dma_wait3A_81 = arith.constant 1 : i32
    %dma_wait3A_82 = arith.constant 0 : i32
    %dma_wait3A_83 = arith.constant 0 : i32
    %dma_wait3A_84 = tpu.memref_slice %arg4[%dma_wait3A_81, %dma_wait3A_82, %dma_wait3A_83] : memref<2x8x4096xf32, #tpu.memory_space<vmem>> -> memref<1x8x4096xf32, #tpu.memory_space<vmem>>
    %dma_wait3A_85 = tpu.memref_squeeze %dma_wait3A_84 : memref<1x8x4096xf32, #tpu.memory_space<vmem>> -> memref<8x4096xf32, #tpu.memory_space<vmem>>
    %dma_wait3A_86 = arith.constant 0 : i32
    %dma_wait3A_87 = tpu.memref_slice %arg2[%dma_wait3A_80, %add3A_79, %dma_wait3A_86] : memref<2x4096x4096xf32, #tpu.memory_space<hbm>> -> memref<1x8x4096xf32, #tpu.memory_space<hbm>>
    %dma_wait3A_88 = tpu.memref_squeeze %dma_wait3A_87 : memref<1x8x4096xf32, #tpu.memory_space<hbm>> -> memref<8x4096xf32, #tpu.memory_space<hbm>>
    %dma_wait3A_89 = arith.constant 0 : i32
    %dma_wait3A_90 = arith.constant 0 : i32
    %dma_wait3A_91 = tpu.memref_slice %arg4[%dma_wait3A_81, %dma_wait3A_89, %dma_wait3A_90] : memref<2x8x4096xf32, #tpu.memory_space<vmem>> -> memref<1x8x4096xf32, #tpu.memory_space<vmem>>
    %dma_wait3A_92 = tpu.memref_squeeze %dma_wait3A_91 : memref<1x8x4096xf32, #tpu.memory_space<vmem>> -> memref<8x4096xf32, #tpu.memory_space<vmem>>
    %dma_wait3A_93 = arith.constant 0 : i32
    %dma_wait3A_94 = tpu.memref_slice %arg2[%dma_wait3A_80, %add3A_79, %dma_wait3A_93] : memref<2x4096x4096xf32, #tpu.memory_space<hbm>> -> memref<1x8x4096xf32, #tpu.memory_space<hbm>>
    %dma_wait3A_95 = tpu.memref_squeeze %dma_wait3A_94 : memref<1x8x4096xf32, #tpu.memory_space<hbm>> -> memref<8x4096xf32, #tpu.memory_space<hbm>>
    tpu.wait_dma2 semaphore(%arg7 : memref<!tpu.dma_semaphore, #tpu.memory_space<semaphore_mem>>) src(%dma_wait3A_95 : memref<8x4096xf32, #tpu.memory_space<hbm>>) dst(%dma_wait3A_92 : memref<8x4096xf32, #tpu.memory_space<vmem>>)
    %scan3A_96 = arith.constant 0 : i32
    %scan3A_97 = arith.constant 0 : i32
    %scan3A_98 = arith.constant 8 : i32
    %scan3A_99 = arith.addi %scan3A_97, %scan3A_98 : i32
    %scan3A_100 = arith.constant 1 : i32
    scf.for %scan3A_672 = %scan3A_97 to %scan3A_99 step %scan3A_100  : i32 {
      %broadcast_in_dim3A = arith.constant 0.000000e+00 : f32
      %broadcast_in_dim3A_673 = vector.broadcast %broadcast_in_dim3A : f32 to vector<16xf32>
      %scan3A_674 = arith.constant 0 : i32
      %scan3A_675 = arith.constant 16 : i32
      %scan3A_676 = arith.addi %scan3A_674, %scan3A_675 : i32
      %scan3A_677 = arith.constant 1 : i32
      %scan3A_678 = scf.for %scan3A_686 = %scan3A_674 to %scan3A_676 step %scan3A_677 iter_args(%scan3A_687 = %broadcast_in_dim3A_673) -> (vector<16xf32>)  : i32 {
        %mul3A_688 = arith.constant 256 : i32
        %mul3A_689 = arith.muli %scan3A_686, %mul3A_688 : i32
        %add3A_690 = arith.constant 0 : i32
        %add3A_691 = arith.addi %mul3A_689, %add3A_690 : i32
        %get3A = arith.constant 1 : i32
        %get3A_692 = arith.index_cast %get3A : i32 to index
        %get3A_693 = arith.index_cast %scan3A_672 : i32 to index
        %get3A_694 = arith.index_cast %add3A_691 : i32 to index
        %get3A_695 = tpu.vector_load %arg4[%get3A_692, %get3A_693, %get3A_694] {strides = array<i32>} : memref<2x8x4096xf32, #tpu.memory_space<vmem>>, vector<1x1x16xf32>,
        %get3A_696 = vector.shape_cast %get3A_695 : vector<1x1x16xf32> to vector<16xf32>
        %add3A_697 = arith.addf %scan3A_687, %get3A_696 : vector<16xf32>
        %mul3A_698 = arith.constant 256 : i32
        %mul3A_699 = arith.muli %scan3A_686, %mul3A_698 : i32
        %add3A_700 = arith.constant 16 : i32
        %add3A_701 = arith.addi %mul3A_699, %add3A_700 : i32
        %get3A_702 = arith.constant 1 : i32
        %get3A_703 = arith.index_cast %get3A_702 : i32 to index
        %get3A_704 = arith.index_cast %scan3A_672 : i32 to index
        %get3A_705 = arith.index_cast %add3A_701 : i32 to index
        %get3A_706 = tpu.vector_load %arg4[%get3A_703, %get3A_704, %get3A_705] {strides = array<i32>} : memref<2x8x4096xf32, #tpu.memory_space<vmem>>, vector<1x1x16xf32>,
        %get3A_707 = vector.shape_cast %get3A_706 : vector<1x1x16xf32> to vector<16xf32>
        %add3A_708 = arith.addf %add3A_697, %get3A_707 : vector<16xf32>
        %mul3A_709 = arith.constant 256 : i32
        %mul3A_710 = arith.muli %scan3A_686, %mul3A_709 : i32
        %add3A_711 = arith.constant 32 : i32
        %add3A_712 = arith.addi %mul3A_710, %add3A_711 : i32
        %get3A_713 = arith.constant 1 : i32
        %get3A_714 = arith.index_cast %get3A_713 : i32 to index
        %get3A_715 = arith.index_cast %scan3A_672 : i32 to index
        %get3A_716 = arith.index_cast %add3A_712 : i32 to index
        %get3A_717 = tpu.vector_load %arg4[%get3A_714, %get3A_715, %get3A_716] {strides = array<i32>} : memref<2x8x4096xf32, #tpu.memory_space<vmem>>, vector<1x1x16xf32>,
        %get3A_718 = vector.shape_cast %get3A_717 : vector<1x1x16xf32> to vector<16xf32>
        %add3A_719 = arith.addf %add3A_708, %get3A_718 : vector<16xf32>
        %mul3A_720 = arith.constant 256 : i32
        %mul3A_721 = arith.muli %scan3A_686, %mul3A_720 : i32
        %add3A_722 = arith.constant 48 : i32
        %add3A_723 = arith.addi %mul3A_721, %add3A_722 : i32
        %get3A_724 = arith.constant 1 : i32
        %get3A_725 = arith.index_cast %get3A_724 : i32 to index
        %get3A_726 = arith.index_cast %scan3A_672 : i32 to index
        %get3A_727 = arith.index_cast %add3A_723 : i32 to index
        %get3A_728 = tpu.vector_load %arg4[%get3A_725, %get3A_726, %get3A_727] {strides = array<i32>} : memref<2x8x4096xf32, #tpu.memory_space<vmem>>, vector<1x1x16xf32>,
        %get3A_729 = vector.shape_cast %get3A_728 : vector<1x1x16xf32> to vector<16xf32>
        %add3A_730 = arith.addf %add3A_719, %get3A_729 : vector<16xf32>
        %mul3A_731 = arith.constant 256 : i32
        %mul3A_732 = arith.muli %scan3A_686, %mul3A_731 : i32
        %add3A_733 = arith.constant 64 : i32
        %add3A_734 = arith.addi %mul3A_732, %add3A_733 : i32
        %get3A_735 = arith.constant 1 : i32
        %get3A_736 = arith.index_cast %get3A_735 : i32 to index
        %get3A_737 = arith.index_cast %scan3A_672 : i32 to index
        %get3A_738 = arith.index_cast %add3A_734 : i32 to index
        %get3A_739 = tpu.vector_load %arg4[%get3A_736, %get3A_737, %get3A_738] {strides = array<i32>} : memref<2x8x4096xf32, #tpu.memory_space<vmem>>, vector<1x1x16xf32>,
        %get3A_740 = vector.shape_cast %get3A_739 : vector<1x1x16xf32> to vector<16xf32>
        %add3A_741 = arith.addf %add3A_730, %get3A_740 : vector<16xf32>
        %mul3A_742 = arith.constant 256 : i32
        %mul3A_743 = arith.muli %scan3A_686, %mul3A_742 : i32
        %add3A_744 = arith.constant 80 : i32
        %add3A_745 = arith.addi %mul3A_743, %add3A_744 : i32
        %get3A_746 = arith.constant 1 : i32
        %get3A_747 = arith.index_cast %get3A_746 : i32 to index
        %get3A_748 = arith.index_cast %scan3A_672 : i32 to index
        %get3A_749 = arith.index_cast %add3A_745 : i32 to index
        %get3A_750 = tpu.vector_load %arg4[%get3A_747, %get3A_748, %get3A_749] {strides = array<i32>} : memref<2x8x4096xf32, #tpu.memory_space<vmem>>, vector<1x1x16xf32>,
        %get3A_751 = vector.shape_cast %get3A_750 : vector<1x1x16xf32> to vector<16xf32>
        %add3A_752 = arith.addf %add3A_741, %get3A_751 : vector<16xf32>
        %mul3A_753 = arith.constant 256 : i32
        %mul3A_754 = arith.muli %scan3A_686, %mul3A_753 : i32
        %add3A_755 = arith.constant 96 : i32
        %add3A_756 = arith.addi %mul3A_754, %add3A_755 : i32
        %get3A_757 = arith.constant 1 : i32
        %get3A_758 = arith.index_cast %get3A_757 : i32 to index
        %get3A_759 = arith.index_cast %scan3A_672 : i32 to index
        %get3A_760 = arith.index_cast %add3A_756 : i32 to index
        %get3A_761 = tpu.vector_load %arg4[%get3A_758, %get3A_759, %get3A_760] {strides = array<i32>} : memref<2x8x4096xf32, #tpu.memory_space<vmem>>, vector<1x1x16xf32>,
        %get3A_762 = vector.shape_cast %get3A_761 : vector<1x1x16xf32> to vector<16xf32>
        %add3A_763 = arith.addf %add3A_752, %get3A_762 : vector<16xf32>
        %mul3A_764 = arith.constant 256 : i32
        %mul3A_765 = arith.muli %scan3A_686, %mul3A_764 : i32
        %add3A_766 = arith.constant 112 : i32
        %add3A_767 = arith.addi %mul3A_765, %add3A_766 : i32
        %get3A_768 = arith.constant 1 : i32
        %get3A_769 = arith.index_cast %get3A_768 : i32 to index
        %get3A_770 = arith.index_cast %scan3A_672 : i32 to index
        %get3A_771 = arith.index_cast %add3A_767 : i32 to index
        %get3A_772 = tpu.vector_load %arg4[%get3A_769, %get3A_770, %get3A_771] {strides = array<i32>} : memref<2x8x4096xf32, #tpu.memory_space<vmem>>, vector<1x1x16xf32>,
        %get3A_773 = vector.shape_cast %get3A_772 : vector<1x1x16xf32> to vector<16xf32>
        %add3A_774 = arith.addf %add3A_763, %get3A_773 : vector<16xf32>
        %mul3A_775 = arith.constant 256 : i32
        %mul3A_776 = arith.muli %scan3A_686, %mul3A_775 : i32
        %add3A_777 = arith.constant 128 : i32
        %add3A_778 = arith.addi %mul3A_776, %add3A_777 : i32
        %get3A_779 = arith.constant 1 : i32
        %get3A_780 = arith.index_cast %get3A_779 : i32 to index
        %get3A_781 = arith.index_cast %scan3A_672 : i32 to index
        %get3A_782 = arith.index_cast %add3A_778 : i32 to index
        %get3A_783 = tpu.vector_load %arg4[%get3A_780, %get3A_781, %get3A_782] {strides = array<i32>} : memref<2x8x4096xf32, #tpu.memory_space<vmem>>, vector<1x1x16xf32>,
        %get3A_784 = vector.shape_cast %get3A_783 : vector<1x1x16xf32> to vector<16xf32>
        %add3A_785 = arith.addf %add3A_774, %get3A_784 : vector<16xf32>
        %mul3A_786 = arith.constant 256 : i32
        %mul3A_787 = arith.muli %scan3A_686, %mul3A_786 : i32
        %add3A_788 = arith.constant 144 : i32
        %add3A_789 = arith.addi %mul3A_787, %add3A_788 : i32
        %get3A_790 = arith.constant 1 : i32
        %get3A_791 = arith.index_cast %get3A_790 : i32 to index
        %get3A_792 = arith.index_cast %scan3A_672 : i32 to index
        %get3A_793 = arith.index_cast %add3A_789 : i32 to index
        %get3A_794 = tpu.vector_load %arg4[%get3A_791, %get3A_792, %get3A_793] {strides = array<i32>} : memref<2x8x4096xf32, #tpu.memory_space<vmem>>, vector<1x1x16xf32>,
        %get3A_795 = vector.shape_cast %get3A_794 : vector<1x1x16xf32> to vector<16xf32>
        %add3A_796 = arith.addf %add3A_785, %get3A_795 : vector<16xf32>
        %mul3A_797 = arith.constant 256 : i32
        %mul3A_798 = arith.muli %scan3A_686, %mul3A_797 : i32
        %add3A_799 = arith.constant 160 : i32
        %add3A_800 = arith.addi %mul3A_798, %add3A_799 : i32
        %get3A_801 = arith.constant 1 : i32
        %get3A_802 = arith.index_cast %get3A_801 : i32 to index
        %get3A_803 = arith.index_cast %scan3A_672 : i32 to index
        %get3A_804 = arith.index_cast %add3A_800 : i32 to index
        %get3A_805 = tpu.vector_load %arg4[%get3A_802, %get3A_803, %get3A_804] {strides = array<i32>} : memref<2x8x4096xf32, #tpu.memory_space<vmem>>, vector<1x1x16xf32>,
        %get3A_806 = vector.shape_cast %get3A_805 : vector<1x1x16xf32> to vector<16xf32>
        %add3A_807 = arith.addf %add3A_796, %get3A_806 : vector<16xf32>
        %mul3A_808 = arith.constant 256 : i32
        %mul3A_809 = arith.muli %scan3A_686, %mul3A_808 : i32
        %add3A_810 = arith.constant 176 : i32
        %add3A_811 = arith.addi %mul3A_809, %add3A_810 : i32
        %get3A_812 = arith.constant 1 : i32
        %get3A_813 = arith.index_cast %get3A_812 : i32 to index
        %get3A_814 = arith.index_cast %scan3A_672 : i32 to index
        %get3A_815 = arith.index_cast %add3A_811 : i32 to index
        %get3A_816 = tpu.vector_load %arg4[%get3A_813, %get3A_814, %get3A_815] {strides = array<i32>} : memref<2x8x4096xf32, #tpu.memory_space<vmem>>, vector<1x1x16xf32>,
        %get3A_817 = vector.shape_cast %get3A_816 : vector<1x1x16xf32> to vector<16xf32>
        %add3A_818 = arith.addf %add3A_807, %get3A_817 : vector<16xf32>
        %mul3A_819 = arith.constant 256 : i32
        %mul3A_820 = arith.muli %scan3A_686, %mul3A_819 : i32
        %add3A_821 = arith.constant 192 : i32
        %add3A_822 = arith.addi %mul3A_820, %add3A_821 : i32
        %get3A_823 = arith.constant 1 : i32
        %get3A_824 = arith.index_cast %get3A_823 : i32 to index
        %get3A_825 = arith.index_cast %scan3A_672 : i32 to index
        %get3A_826 = arith.index_cast %add3A_822 : i32 to index
        %get3A_827 = tpu.vector_load %arg4[%get3A_824, %get3A_825, %get3A_826] {strides = array<i32>} : memref<2x8x4096xf32, #tpu.memory_space<vmem>>, vector<1x1x16xf32>,
        %get3A_828 = vector.shape_cast %get3A_827 : vector<1x1x16xf32> to vector<16xf32>
        %add3A_829 = arith.addf %add3A_818, %get3A_828 : vector<16xf32>
        %mul3A_830 = arith.constant 256 : i32
        %mul3A_831 = arith.muli %scan3A_686, %mul3A_830 : i32
        %add3A_832 = arith.constant 208 : i32
        %add3A_833 = arith.addi %mul3A_831, %add3A_832 : i32
        %get3A_834 = arith.constant 1 : i32
        %get3A_835 = arith.index_cast %get3A_834 : i32 to index
        %get3A_836 = arith.index_cast %scan3A_672 : i32 to index
        %get3A_837 = arith.index_cast %add3A_833 : i32 to index
        %get3A_838 = tpu.vector_load %arg4[%get3A_835, %get3A_836, %get3A_837] {strides = array<i32>} : memref<2x8x4096xf32, #tpu.memory_space<vmem>>, vector<1x1x16xf32>,
        %get3A_839 = vector.shape_cast %get3A_838 : vector<1x1x16xf32> to vector<16xf32>
        %add3A_840 = arith.addf %add3A_829, %get3A_839 : vector<16xf32>
        %mul3A_841 = arith.constant 256 : i32
        %mul3A_842 = arith.muli %scan3A_686, %mul3A_841 : i32
        %add3A_843 = arith.constant 224 : i32
        %add3A_844 = arith.addi %mul3A_842, %add3A_843 : i32
        %get3A_845 = arith.constant 1 : i32
        %get3A_846 = arith.index_cast %get3A_845 : i32 to index
        %get3A_847 = arith.index_cast %scan3A_672 : i32 to index
        %get3A_848 = arith.index_cast %add3A_844 : i32 to index
        %get3A_849 = tpu.vector_load %arg4[%get3A_846, %get3A_847, %get3A_848] {strides = array<i32>} : memref<2x8x4096xf32, #tpu.memory_space<vmem>>, vector<1x1x16xf32>,
        %get3A_850 = vector.shape_cast %get3A_849 : vector<1x1x16xf32> to vector<16xf32>
        %add3A_851 = arith.addf %add3A_840, %get3A_850 : vector<16xf32>
        %mul3A_852 = arith.constant 256 : i32
        %mul3A_853 = arith.muli %scan3A_686, %mul3A_852 : i32
        %add3A_854 = arith.constant 240 : i32
        %add3A_855 = arith.addi %mul3A_853, %add3A_854 : i32
        %get3A_856 = arith.constant 1 : i32
        %get3A_857 = arith.index_cast %get3A_856 : i32 to index
        %get3A_858 = arith.index_cast %scan3A_672 : i32 to index
        %get3A_859 = arith.index_cast %add3A_855 : i32 to index
        %get3A_860 = tpu.vector_load %arg4[%get3A_857, %get3A_858, %get3A_859] {strides = array<i32>} : memref<2x8x4096xf32, #tpu.memory_space<vmem>>, vector<1x1x16xf32>,
        %get3A_861 = vector.shape_cast %get3A_860 : vector<1x1x16xf32> to vector<16xf32>
        %add3A_862 = arith.addf %add3A_851, %get3A_861 : vector<16xf32>
        scf.yield %add3A_862 : vector<16xf32>
      }
      %scan3A_679 = arith.constant 16 : i32
      %add3A_680 = arith.constant 8 : i32
      %add3A_681 = arith.addi %add3A_680, %scan3A_672 : i32
      %swap3A = arith.index_cast %add3A_681 : i32 to index
      %swap3A_682 = arith.constant 0 : index
      %swap3A_683 = tpu.vector_load %arg5[%swap3A, %swap3A_682] {strides = array<i32>} : memref<128x16xf32, #tpu.memory_space<vmem>>, vector<1x16xf32>,
      %swap3A_684 = vector.shape_cast %swap3A_683 : vector<1x16xf32> to vector<16xf32>
      %swap3A_685 = vector.shape_cast %scan3A_678 : vector<16xf32> to vector<1x16xf32>
      tpu.vector_store %arg5[%swap3A, %swap3A_682], %swap3A_685 {strides = array<i32>} : memref<128x16xf32, #tpu.memory_space<vmem>>, vector<1x16xf32>,
    }
    %scan3A_101 = arith.constant 8 : i32
    %add3A_102 = arith.constant 24 : i32
    %add3A_103 = arith.addi %mul3A_2, %add3A_102 : i32
    %dma_start3A_104 = arith.constant 0 : i32
    %dma_start3A_105 = arith.constant 1 : i32
    %dma_start3A_106 = arith.constant 0 : i32
    %dma_start3A_107 = arith.constant 0 : i32
    %dma_start3A_108 = tpu.memref_slice %arg4[%dma_start3A_105, %dma_start3A_106, %dma_start3A_107] : memref<2x8x4096xf32, #tpu.memory_space<vmem>> -> memref<1x8x4096xf32, #tpu.memory_space<vmem>>
    %dma_start3A_109 = tpu.memref_squeeze %dma_start3A_108 : memref<1x8x4096xf32, #tpu.memory_space<vmem>> -> memref<8x4096xf32, #tpu.memory_space<vmem>>
    %dma_start3A_110 = arith.constant 0 : i32
    %dma_start3A_111 = tpu.memref_slice %arg2[%dma_start3A_104, %add3A_103, %dma_start3A_110] : memref<2x4096x4096xf32, #tpu.memory_space<hbm>> -> memref<1x8x4096xf32, #tpu.memory_space<hbm>>
    %dma_start3A_112 = tpu.memref_squeeze %dma_start3A_111 : memref<1x8x4096xf32, #tpu.memory_space<hbm>> -> memref<8x4096xf32, #tpu.memory_space<hbm>>
    %dma_start3A_113 = arith.constant 0 : i32
    %dma_start3A_114 = arith.constant 0 : i32
    %dma_start3A_115 = tpu.memref_slice %arg4[%dma_start3A_105, %dma_start3A_113, %dma_start3A_114] : memref<2x8x4096xf32, #tpu.memory_space<vmem>> -> memref<1x8x4096xf32, #tpu.memory_space<vmem>>
    %dma_start3A_116 = tpu.memref_squeeze %dma_start3A_115 : memref<1x8x4096xf32, #tpu.memory_space<vmem>> -> memref<8x4096xf32, #tpu.memory_space<vmem>>
    %dma_start3A_117 = arith.constant 0 : i32
    %dma_start3A_118 = tpu.memref_slice %arg2[%dma_start3A_104, %add3A_103, %dma_start3A_117] : memref<2x4096x4096xf32, #tpu.memory_space<hbm>> -> memref<1x8x4096xf32, #tpu.memory_space<hbm>>
    %dma_start3A_119 = tpu.memref_squeeze %dma_start3A_118 : memref<1x8x4096xf32, #tpu.memory_space<hbm>> -> memref<8x4096xf32, #tpu.memory_space<hbm>>
    tpu.enqueue_dma source(%dma_start3A_119 : memref<8x4096xf32, #tpu.memory_space<hbm>>) target(%dma_start3A_116 : memref<8x4096xf32, #tpu.memory_space<vmem>>) target_semaphore(%arg7 : memref<!tpu.dma_semaphore, #tpu.memory_space<semaphore_mem>>)
    %add3A_120 = arith.constant 16 : i32
    %add3A_121 = arith.addi %mul3A_2, %add3A_120 : i32
    %dma_wait3A_122 = arith.constant 0 : i32
    %dma_wait3A_123 = arith.constant 0 : i32
    %dma_wait3A_124 = arith.constant 0 : i32
    %dma_wait3A_125 = arith.constant 0 : i32
    %dma_wait3A_126 = tpu.memref_slice %arg4[%dma_wait3A_123, %dma_wait3A_124, %dma_wait3A_125] : memref<2x8x4096xf32, #tpu.memory_space<vmem>> -> memref<1x8x4096xf32, #tpu.memory_space<vmem>>
    %dma_wait3A_127 = tpu.memref_squeeze %dma_wait3A_126 : memref<1x8x4096xf32, #tpu.memory_space<vmem>> -> memref<8x4096xf32, #tpu.memory_space<vmem>>
    %dma_wait3A_128 = arith.constant 0 : i32
    %dma_wait3A_129 = tpu.memref_slice %arg2[%dma_wait3A_122, %add3A_121, %dma_wait3A_128] : memref<2x4096x4096xf32, #tpu.memory_space<hbm>> -> memref<1x8x4096xf32, #tpu.memory_space<hbm>>
    %dma_wait3A_130 = tpu.memref_squeeze %dma_wait3A_129 : memref<1x8x4096xf32, #tpu.memory_space<hbm>> -> memref<8x4096xf32, #tpu.memory_space<hbm>>
    %dma_wait3A_131 = arith.constant 0 : i32
    %dma_wait3A_132 = arith.constant 0 : i32
    %dma_wait3A_133 = tpu.memref_slice %arg4[%dma_wait3A_123, %dma_wait3A_131, %dma_wait3A_132] : memref<2x8x4096xf32, #tpu.memory_space<vmem>> -> memref<1x8x4096xf32, #tpu.memory_space<vmem>>
    %dma_wait3A_134 = tpu.memref_squeeze %dma_wait3A_133 : memref<1x8x4096xf32, #tpu.memory_space<vmem>> -> memref<8x4096xf32, #tpu.memory_space<vmem>>
    %dma_wait3A_135 = arith.constant 0 : i32
    %dma_wait3A_136 = tpu.memref_slice %arg2[%dma_wait3A_122, %add3A_121, %dma_wait3A_135] : memref<2x4096x4096xf32, #tpu.memory_space<hbm>> -> memref<1x8x4096xf32, #tpu.memory_space<hbm>>
    %dma_wait3A_137 = tpu.memref_squeeze %dma_wait3A_136 : memref<1x8x4096xf32, #tpu.memory_space<hbm>> -> memref<8x4096xf32, #tpu.memory_space<hbm>>
    tpu.wait_dma2 semaphore(%arg6 : memref<!tpu.dma_semaphore, #tpu.memory_space<semaphore_mem>>) src(%dma_wait3A_137 : memref<8x4096xf32, #tpu.memory_space<hbm>>) dst(%dma_wait3A_134 : memref<8x4096xf32, #tpu.memory_space<vmem>>)
    %scan3A_138 = arith.constant 0 : i32
    %scan3A_139 = arith.constant 0 : i32
    %scan3A_140 = arith.constant 8 : i32
    %scan3A_141 = arith.addi %scan3A_139, %scan3A_140 : i32
    %scan3A_142 = arith.constant 1 : i32
    scf.for %scan3A_672 = %scan3A_139 to %scan3A_141 step %scan3A_142  : i32 {
      %broadcast_in_dim3A = arith.constant 0.000000e+00 : f32
      %broadcast_in_dim3A_673 = vector.broadcast %broadcast_in_dim3A : f32 to vector<16xf32>
      %scan3A_674 = arith.constant 0 : i32
      %scan3A_675 = arith.constant 16 : i32
      %scan3A_676 = arith.addi %scan3A_674, %scan3A_675 : i32
      %scan3A_677 = arith.constant 1 : i32
      %scan3A_678 = scf.for %scan3A_686 = %scan3A_674 to %scan3A_676 step %scan3A_677 iter_args(%scan3A_687 = %broadcast_in_dim3A_673) -> (vector<16xf32>)  : i32 {
        %mul3A_688 = arith.constant 256 : i32
        %mul3A_689 = arith.muli %scan3A_686, %mul3A_688 : i32
        %add3A_690 = arith.constant 0 : i32
        %add3A_691 = arith.addi %mul3A_689, %add3A_690 : i32
        %get3A = arith.constant 0 : i32
        %get3A_692 = arith.index_cast %get3A : i32 to index
        %get3A_693 = arith.index_cast %scan3A_672 : i32 to index
        %get3A_694 = arith.index_cast %add3A_691 : i32 to index
        %get3A_695 = tpu.vector_load %arg4[%get3A_692, %get3A_693, %get3A_694] {strides = array<i32>} : memref<2x8x4096xf32, #tpu.memory_space<vmem>>, vector<1x1x16xf32>,
        %get3A_696 = vector.shape_cast %get3A_695 : vector<1x1x16xf32> to vector<16xf32>
        %add3A_697 = arith.addf %scan3A_687, %get3A_696 : vector<16xf32>
        %mul3A_698 = arith.constant 256 : i32
        %mul3A_699 = arith.muli %scan3A_686, %mul3A_698 : i32
        %add3A_700 = arith.constant 16 : i32
        %add3A_701 = arith.addi %mul3A_699, %add3A_700 : i32
        %get3A_702 = arith.constant 0 : i32
        %get3A_703 = arith.index_cast %get3A_702 : i32 to index
        %get3A_704 = arith.index_cast %scan3A_672 : i32 to index
        %get3A_705 = arith.index_cast %add3A_701 : i32 to index
        %get3A_706 = tpu.vector_load %arg4[%get3A_703, %get3A_704, %get3A_705] {strides = array<i32>} : memref<2x8x4096xf32, #tpu.memory_space<vmem>>, vector<1x1x16xf32>,
        %get3A_707 = vector.shape_cast %get3A_706 : vector<1x1x16xf32> to vector<16xf32>
        %add3A_708 = arith.addf %add3A_697, %get3A_707 : vector<16xf32>
        %mul3A_709 = arith.constant 256 : i32
        %mul3A_710 = arith.muli %scan3A_686, %mul3A_709 : i32
        %add3A_711 = arith.constant 32 : i32
        %add3A_712 = arith.addi %mul3A_710, %add3A_711 : i32
        %get3A_713 = arith.constant 0 : i32
        %get3A_714 = arith.index_cast %get3A_713 : i32 to index
        %get3A_715 = arith.index_cast %scan3A_672 : i32 to index
        %get3A_716 = arith.index_cast %add3A_712 : i32 to index
        %get3A_717 = tpu.vector_load %arg4[%get3A_714, %get3A_715, %get3A_716] {strides = array<i32>} : memref<2x8x4096xf32, #tpu.memory_space<vmem>>, vector<1x1x16xf32>,
        %get3A_718 = vector.shape_cast %get3A_717 : vector<1x1x16xf32> to vector<16xf32>
        %add3A_719 = arith.addf %add3A_708, %get3A_718 : vector<16xf32>
        %mul3A_720 = arith.constant 256 : i32
        %mul3A_721 = arith.muli %scan3A_686, %mul3A_720 : i32
        %add3A_722 = arith.constant 48 : i32
        %add3A_723 = arith.addi %mul3A_721, %add3A_722 : i32
        %get3A_724 = arith.constant 0 : i32
        %get3A_725 = arith.index_cast %get3A_724 : i32 to index
        %get3A_726 = arith.index_cast %scan3A_672 : i32 to index
        %get3A_727 = arith.index_cast %add3A_723 : i32 to index
        %get3A_728 = tpu.vector_load %arg4[%get3A_725, %get3A_726, %get3A_727] {strides = array<i32>} : memref<2x8x4096xf32, #tpu.memory_space<vmem>>, vector<1x1x16xf32>,
        %get3A_729 = vector.shape_cast %get3A_728 : vector<1x1x16xf32> to vector<16xf32>
        %add3A_730 = arith.addf %add3A_719, %get3A_729 : vector<16xf32>
        %mul3A_731 = arith.constant 256 : i32
        %mul3A_732 = arith.muli %scan3A_686, %mul3A_731 : i32
        %add3A_733 = arith.constant 64 : i32
        %add3A_734 = arith.addi %mul3A_732, %add3A_733 : i32
        %get3A_735 = arith.constant 0 : i32
        %get3A_736 = arith.index_cast %get3A_735 : i32 to index
        %get3A_737 = arith.index_cast %scan3A_672 : i32 to index
        %get3A_738 = arith.index_cast %add3A_734 : i32 to index
        %get3A_739 = tpu.vector_load %arg4[%get3A_736, %get3A_737, %get3A_738] {strides = array<i32>} : memref<2x8x4096xf32, #tpu.memory_space<vmem>>, vector<1x1x16xf32>,
        %get3A_740 = vector.shape_cast %get3A_739 : vector<1x1x16xf32> to vector<16xf32>
        %add3A_741 = arith.addf %add3A_730, %get3A_740 : vector<16xf32>
        %mul3A_742 = arith.constant 256 : i32
        %mul3A_743 = arith.muli %scan3A_686, %mul3A_742 : i32
        %add3A_744 = arith.constant 80 : i32
        %add3A_745 = arith.addi %mul3A_743, %add3A_744 : i32
        %get3A_746 = arith.constant 0 : i32
        %get3A_747 = arith.index_cast %get3A_746 : i32 to index
        %get3A_748 = arith.index_cast %scan3A_672 : i32 to index
        %get3A_749 = arith.index_cast %add3A_745 : i32 to index
        %get3A_750 = tpu.vector_load %arg4[%get3A_747, %get3A_748, %get3A_749] {strides = array<i32>} : memref<2x8x4096xf32, #tpu.memory_space<vmem>>, vector<1x1x16xf32>,
        %get3A_751 = vector.shape_cast %get3A_750 : vector<1x1x16xf32> to vector<16xf32>
        %add3A_752 = arith.addf %add3A_741, %get3A_751 : vector<16xf32>
        %mul3A_753 = arith.constant 256 : i32
        %mul3A_754 = arith.muli %scan3A_686, %mul3A_753 : i32
        %add3A_755 = arith.constant 96 : i32
        %add3A_756 = arith.addi %mul3A_754, %add3A_755 : i32
        %get3A_757 = arith.constant 0 : i32
        %get3A_758 = arith.index_cast %get3A_757 : i32 to index
        %get3A_759 = arith.index_cast %scan3A_672 : i32 to index
        %get3A_760 = arith.index_cast %add3A_756 : i32 to index
        %get3A_761 = tpu.vector_load %arg4[%get3A_758, %get3A_759, %get3A_760] {strides = array<i32>} : memref<2x8x4096xf32, #tpu.memory_space<vmem>>, vector<1x1x16xf32>,
        %get3A_762 = vector.shape_cast %get3A_761 : vector<1x1x16xf32> to vector<16xf32>
        %add3A_763 = arith.addf %add3A_752, %get3A_762 : vector<16xf32>
        %mul3A_764 = arith.constant 256 : i32
        %mul3A_765 = arith.muli %scan3A_686, %mul3A_764 : i32
        %add3A_766 = arith.constant 112 : i32
        %add3A_767 = arith.addi %mul3A_765, %add3A_766 : i32
        %get3A_768 = arith.constant 0 : i32
        %get3A_769 = arith.index_cast %get3A_768 : i32 to index
        %get3A_770 = arith.index_cast %scan3A_672 : i32 to index
        %get3A_771 = arith.index_cast %add3A_767 : i32 to index
        %get3A_772 = tpu.vector_load %arg4[%get3A_769, %get3A_770, %get3A_771] {strides = array<i32>} : memref<2x8x4096xf32, #tpu.memory_space<vmem>>, vector<1x1x16xf32>,
        %get3A_773 = vector.shape_cast %get3A_772 : vector<1x1x16xf32> to vector<16xf32>
        %add3A_774 = arith.addf %add3A_763, %get3A_773 : vector<16xf32>
        %mul3A_775 = arith.constant 256 : i32
        %mul3A_776 = arith.muli %scan3A_686, %mul3A_775 : i32
        %add3A_777 = arith.constant 128 : i32
        %add3A_778 = arith.addi %mul3A_776, %add3A_777 : i32
        %get3A_779 = arith.constant 0 : i32
        %get3A_780 = arith.index_cast %get3A_779 : i32 to index
        %get3A_781 = arith.index_cast %scan3A_672 : i32 to index
        %get3A_782 = arith.index_cast %add3A_778 : i32 to index
        %get3A_783 = tpu.vector_load %arg4[%get3A_780, %get3A_781, %get3A_782] {strides = array<i32>} : memref<2x8x4096xf32, #tpu.memory_space<vmem>>, vector<1x1x16xf32>,
        %get3A_784 = vector.shape_cast %get3A_783 : vector<1x1x16xf32> to vector<16xf32>
        %add3A_785 = arith.addf %add3A_774, %get3A_784 : vector<16xf32>
        %mul3A_786 = arith.constant 256 : i32
        %mul3A_787 = arith.muli %scan3A_686, %mul3A_786 : i32
        %add3A_788 = arith.constant 144 : i32
        %add3A_789 = arith.addi %mul3A_787, %add3A_788 : i32
        %get3A_790 = arith.constant 0 : i32
        %get3A_791 = arith.index_cast %get3A_790 : i32 to index
        %get3A_792 = arith.index_cast %scan3A_672 : i32 to index
        %get3A_793 = arith.index_cast %add3A_789 : i32 to index
        %get3A_794 = tpu.vector_load %arg4[%get3A_791, %get3A_792, %get3A_793] {strides = array<i32>} : memref<2x8x4096xf32, #tpu.memory_space<vmem>>, vector<1x1x16xf32>,
        %get3A_795 = vector.shape_cast %get3A_794 : vector<1x1x16xf32> to vector<16xf32>
        %add3A_796 = arith.addf %add3A_785, %get3A_795 : vector<16xf32>
        %mul3A_797 = arith.constant 256 : i32
        %mul3A_798 = arith.muli %scan3A_686, %mul3A_797 : i32
        %add3A_799 = arith.constant 160 : i32
        %add3A_800 = arith.addi %mul3A_798, %add3A_799 : i32
        %get3A_801 = arith.constant 0 : i32
        %get3A_802 = arith.index_cast %get3A_801 : i32 to index
        %get3A_803 = arith.index_cast %scan3A_672 : i32 to index
        %get3A_804 = arith.index_cast %add3A_800 : i32 to index
        %get3A_805 = tpu.vector_load %arg4[%get3A_802, %get3A_803, %get3A_804] {strides = array<i32>} : memref<2x8x4096xf32, #tpu.memory_space<vmem>>, vector<1x1x16xf32>,
        %get3A_806 = vector.shape_cast %get3A_805 : vector<1x1x16xf32> to vector<16xf32>
        %add3A_807 = arith.addf %add3A_796, %get3A_806 : vector<16xf32>
        %mul3A_808 = arith.constant 256 : i32
        %mul3A_809 = arith.muli %scan3A_686, %mul3A_808 : i32
        %add3A_810 = arith.constant 176 : i32
        %add3A_811 = arith.addi %mul3A_809, %add3A_810 : i32
        %get3A_812 = arith.constant 0 : i32
        %get3A_813 = arith.index_cast %get3A_812 : i32 to index
        %get3A_814 = arith.index_cast %scan3A_672 : i32 to index
        %get3A_815 = arith.index_cast %add3A_811 : i32 to index
        %get3A_816 = tpu.vector_load %arg4[%get3A_813, %get3A_814, %get3A_815] {strides = array<i32>} : memref<2x8x4096xf32, #tpu.memory_space<vmem>>, vector<1x1x16xf32>,
        %get3A_817 = vector.shape_cast %get3A_816 : vector<1x1x16xf32> to vector<16xf32>
        %add3A_818 = arith.addf %add3A_807, %get3A_817 : vector<16xf32>
        %mul3A_819 = arith.constant 256 : i32
        %mul3A_820 = arith.muli %scan3A_686, %mul3A_819 : i32
        %add3A_821 = arith.constant 192 : i32
        %add3A_822 = arith.addi %mul3A_820, %add3A_821 : i32
        %get3A_823 = arith.constant 0 : i32
        %get3A_824 = arith.index_cast %get3A_823 : i32 to index
        %get3A_825 = arith.index_cast %scan3A_672 : i32 to index
        %get3A_826 = arith.index_cast %add3A_822 : i32 to index
        %get3A_827 = tpu.vector_load %arg4[%get3A_824, %get3A_825, %get3A_826] {strides = array<i32>} : memref<2x8x4096xf32, #tpu.memory_space<vmem>>, vector<1x1x16xf32>,
        %get3A_828 = vector.shape_cast %get3A_827 : vector<1x1x16xf32> to vector<16xf32>
        %add3A_829 = arith.addf %add3A_818, %get3A_828 : vector<16xf32>
        %mul3A_830 = arith.constant 256 : i32
        %mul3A_831 = arith.muli %scan3A_686, %mul3A_830 : i32
        %add3A_832 = arith.constant 208 : i32
        %add3A_833 = arith.addi %mul3A_831, %add3A_832 : i32
        %get3A_834 = arith.constant 0 : i32
        %get3A_835 = arith.index_cast %get3A_834 : i32 to index
        %get3A_836 = arith.index_cast %scan3A_672 : i32 to index
        %get3A_837 = arith.index_cast %add3A_833 : i32 to index
        %get3A_838 = tpu.vector_load %arg4[%get3A_835, %get3A_836, %get3A_837] {strides = array<i32>} : memref<2x8x4096xf32, #tpu.memory_space<vmem>>, vector<1x1x16xf32>,
        %get3A_839 = vector.shape_cast %get3A_838 : vector<1x1x16xf32> to vector<16xf32>
        %add3A_840 = arith.addf %add3A_829, %get3A_839 : vector<16xf32>
        %mul3A_841 = arith.constant 256 : i32
        %mul3A_842 = arith.muli %scan3A_686, %mul3A_841 : i32
        %add3A_843 = arith.constant 224 : i32
        %add3A_844 = arith.addi %mul3A_842, %add3A_843 : i32
        %get3A_845 = arith.constant 0 : i32
        %get3A_846 = arith.index_cast %get3A_845 : i32 to index
        %get3A_847 = arith.index_cast %scan3A_672 : i32 to index
        %get3A_848 = arith.index_cast %add3A_844 : i32 to index
        %get3A_849 = tpu.vector_load %arg4[%get3A_846, %get3A_847, %get3A_848] {strides = array<i32>} : memref<2x8x4096xf32, #tpu.memory_space<vmem>>, vector<1x1x16xf32>,
        %get3A_850 = vector.shape_cast %get3A_849 : vector<1x1x16xf32> to vector<16xf32>
        %add3A_851 = arith.addf %add3A_840, %get3A_850 : vector<16xf32>
        %mul3A_852 = arith.constant 256 : i32
        %mul3A_853 = arith.muli %scan3A_686, %mul3A_852 : i32
        %add3A_854 = arith.constant 240 : i32
        %add3A_855 = arith.addi %mul3A_853, %add3A_854 : i32
        %get3A_856 = arith.constant 0 : i32
        %get3A_857 = arith.index_cast %get3A_856 : i32 to index
        %get3A_858 = arith.index_cast %scan3A_672 : i32 to index
        %get3A_859 = arith.index_cast %add3A_855 : i32 to index
        %get3A_860 = tpu.vector_load %arg4[%get3A_857, %get3A_858, %get3A_859] {strides = array<i32>} : memref<2x8x4096xf32, #tpu.memory_space<vmem>>, vector<1x1x16xf32>,
        %get3A_861 = vector.shape_cast %get3A_860 : vector<1x1x16xf32> to vector<16xf32>
        %add3A_862 = arith.addf %add3A_851, %get3A_861 : vector<16xf32>
        scf.yield %add3A_862 : vector<16xf32>
      }
      %scan3A_679 = arith.constant 16 : i32
      %add3A_680 = arith.constant 16 : i32
      %add3A_681 = arith.addi %add3A_680, %scan3A_672 : i32
      %swap3A = arith.index_cast %add3A_681 : i32 to index
      %swap3A_682 = arith.constant 0 : index
      %swap3A_683 = tpu.vector_load %arg5[%swap3A, %swap3A_682] {strides = array<i32>} : memref<128x16xf32, #tpu.memory_space<vmem>>, vector<1x16xf32>,
      %swap3A_684 = vector.shape_cast %swap3A_683 : vector<1x16xf32> to vector<16xf32>
      %swap3A_685 = vector.shape_cast %scan3A_678 : vector<16xf32> to vector<1x16xf32>
      tpu.vector_store %arg5[%swap3A, %swap3A_682], %swap3A_685 {strides = array<i32>} : memref<128x16xf32, #tpu.memory_space<vmem>>, vector<1x16xf32>,
    }
    %scan3A_143 = arith.constant 8 : i32
    %add3A_144 = arith.constant 32 : i32
    %add3A_145 = arith.addi %mul3A_2, %add3A_144 : i32
    %dma_start3A_146 = arith.constant 0 : i32
    %dma_start3A_147 = arith.constant 0 : i32
    %dma_start3A_148 = arith.constant 0 : i32
    %dma_start3A_149 = arith.constant 0 : i32
    %dma_start3A_150 = tpu.memref_slice %arg4[%dma_start3A_147, %dma_start3A_148, %dma_start3A_149] : memref<2x8x4096xf32, #tpu.memory_space<vmem>> -> memref<1x8x4096xf32, #tpu.memory_space<vmem>>
    %dma_start3A_151 = tpu.memref_squeeze %dma_start3A_150 : memref<1x8x4096xf32, #tpu.memory_space<vmem>> -> memref<8x4096xf32, #tpu.memory_space<vmem>>
    %dma_start3A_152 = arith.constant 0 : i32
    %dma_start3A_153 = tpu.memref_slice %arg2[%dma_start3A_146, %add3A_145, %dma_start3A_152] : memref<2x4096x4096xf32, #tpu.memory_space<hbm>> -> memref<1x8x4096xf32, #tpu.memory_space<hbm>>
    %dma_start3A_154 = tpu.memref_squeeze %dma_start3A_153 : memref<1x8x4096xf32, #tpu.memory_space<hbm>> -> memref<8x4096xf32, #tpu.memory_space<hbm>>
    %dma_start3A_155 = arith.constant 0 : i32
    %dma_start3A_156 = arith.constant 0 : i32
    %dma_start3A_157 = tpu.memref_slice %arg4[%dma_start3A_147, %dma_start3A_155, %dma_start3A_156] : memref<2x8x4096xf32, #tpu.memory_space<vmem>> -> memref<1x8x4096xf32, #tpu.memory_space<vmem>>
    %dma_start3A_158 = tpu.memref_squeeze %dma_start3A_157 : memref<1x8x4096xf32, #tpu.memory_space<vmem>> -> memref<8x4096xf32, #tpu.memory_space<vmem>>
    %dma_start3A_159 = arith.constant 0 : i32
    %dma_start3A_160 = tpu.memref_slice %arg2[%dma_start3A_146, %add3A_145, %dma_start3A_159] : memref<2x4096x4096xf32, #tpu.memory_space<hbm>> -> memref<1x8x4096xf32, #tpu.memory_space<hbm>>
    %dma_start3A_161 = tpu.memref_squeeze %dma_start3A_160 : memref<1x8x4096xf32, #tpu.memory_space<hbm>> -> memref<8x4096xf32, #tpu.memory_space<hbm>>
    tpu.enqueue_dma source(%dma_start3A_161 : memref<8x4096xf32, #tpu.memory_space<hbm>>) target(%dma_start3A_158 : memref<8x4096xf32, #tpu.memory_space<vmem>>) target_semaphore(%arg6 : memref<!tpu.dma_semaphore, #tpu.memory_space<semaphore_mem>>)
    %add3A_162 = arith.constant 24 : i32
    %add3A_163 = arith.addi %mul3A_2, %add3A_162 : i32
    %dma_wait3A_164 = arith.constant 0 : i32
    %dma_wait3A_165 = arith.constant 1 : i32
    %dma_wait3A_166 = arith.constant 0 : i32
    %dma_wait3A_167 = arith.constant 0 : i32
    %dma_wait3A_168 = tpu.memref_slice %arg4[%dma_wait3A_165, %dma_wait3A_166, %dma_wait3A_167] : memref<2x8x4096xf32, #tpu.memory_space<vmem>> -> memref<1x8x4096xf32, #tpu.memory_space<vmem>>
    %dma_wait3A_169 = tpu.memref_squeeze %dma_wait3A_168 : memref<1x8x4096xf32, #tpu.memory_space<vmem>> -> memref<8x4096xf32, #tpu.memory_space<vmem>>
    %dma_wait3A_170 = arith.constant 0 : i32
    %dma_wait3A_171 = tpu.memref_slice %arg2[%dma_wait3A_164, %add3A_163, %dma_wait3A_170] : memref<2x4096x4096xf32, #tpu.memory_space<hbm>> -> memref<1x8x4096xf32, #tpu.memory_space<hbm>>
    %dma_wait3A_172 = tpu.memref_squeeze %dma_wait3A_171 : memref<1x8x4096xf32, #tpu.memory_space<hbm>> -> memref<8x4096xf32, #tpu.memory_space<hbm>>
    %dma_wait3A_173 = arith.constant 0 : i32
    %dma_wait3A_174 = arith.constant 0 : i32
    %dma_wait3A_175 = tpu.memref_slice %arg4[%dma_wait3A_165, %dma_wait3A_173, %dma_wait3A_174] : memref<2x8x4096xf32, #tpu.memory_space<vmem>> -> memref<1x8x4096xf32, #tpu.memory_space<vmem>>
    %dma_wait3A_176 = tpu.memref_squeeze %dma_wait3A_175 : memref<1x8x4096xf32, #tpu.memory_space<vmem>> -> memref<8x4096xf32, #tpu.memory_space<vmem>>
    %dma_wait3A_177 = arith.constant 0 : i32
    %dma_wait3A_178 = tpu.memref_slice %arg2[%dma_wait3A_164, %add3A_163, %dma_wait3A_177] : memref<2x4096x4096xf32, #tpu.memory_space<hbm>> -> memref<1x8x4096xf32, #tpu.memory_space<hbm>>
    %dma_wait3A_179 = tpu.memref_squeeze %dma_wait3A_178 : memref<1x8x4096xf32, #tpu.memory_space<hbm>> -> memref<8x4096xf32, #tpu.memory_space<hbm>>
    tpu.wait_dma2 semaphore(%arg7 : memref<!tpu.dma_semaphore, #tpu.memory_space<semaphore_mem>>) src(%dma_wait3A_179 : memref<8x4096xf32, #tpu.memory_space<hbm>>) dst(%dma_wait3A_176 : memref<8x4096xf32, #tpu.memory_space<vmem>>)
    %scan3A_180 = arith.constant 0 : i32
    %scan3A_181 = arith.constant 0 : i32
    %scan3A_182 = arith.constant 8 : i32
    %scan3A_183 = arith.addi %scan3A_181, %scan3A_182 : i32
    %scan3A_184 = arith.constant 1 : i32
    scf.for %scan3A_672 = %scan3A_181 to %scan3A_183 step %scan3A_184  : i32 {
      %broadcast_in_dim3A = arith.constant 0.000000e+00 : f32
      %broadcast_in_dim3A_673 = vector.broadcast %broadcast_in_dim3A : f32 to vector<16xf32>
      %scan3A_674 = arith.constant 0 : i32
      %scan3A_675 = arith.constant 16 : i32
      %scan3A_676 = arith.addi %scan3A_674, %scan3A_675 : i32
      %scan3A_677 = arith.constant 1 : i32
      %scan3A_678 = scf.for %scan3A_686 = %scan3A_674 to %scan3A_676 step %scan3A_677 iter_args(%scan3A_687 = %broadcast_in_dim3A_673) -> (vector<16xf32>)  : i32 {
        %mul3A_688 = arith.constant 256 : i32
        %mul3A_689 = arith.muli %scan3A_686, %mul3A_688 : i32
        %add3A_690 = arith.constant 0 : i32
        %add3A_691 = arith.addi %mul3A_689, %add3A_690 : i32
        %get3A = arith.constant 1 : i32
        %get3A_692 = arith.index_cast %get3A : i32 to index
        %get3A_693 = arith.index_cast %scan3A_672 : i32 to index
        %get3A_694 = arith.index_cast %add3A_691 : i32 to index
        %get3A_695 = tpu.vector_load %arg4[%get3A_692, %get3A_693, %get3A_694] {strides = array<i32>} : memref<2x8x4096xf32, #tpu.memory_space<vmem>>, vector<1x1x16xf32>,
        %get3A_696 = vector.shape_cast %get3A_695 : vector<1x1x16xf32> to vector<16xf32>
        %add3A_697 = arith.addf %scan3A_687, %get3A_696 : vector<16xf32>
        %mul3A_698 = arith.constant 256 : i32
        %mul3A_699 = arith.muli %scan3A_686, %mul3A_698 : i32
        %add3A_700 = arith.constant 16 : i32
        %add3A_701 = arith.addi %mul3A_699, %add3A_700 : i32
        %get3A_702 = arith.constant 1 : i32
        %get3A_703 = arith.index_cast %get3A_702 : i32 to index
        %get3A_704 = arith.index_cast %scan3A_672 : i32 to index
        %get3A_705 = arith.index_cast %add3A_701 : i32 to index
        %get3A_706 = tpu.vector_load %arg4[%get3A_703, %get3A_704, %get3A_705] {strides = array<i32>} : memref<2x8x4096xf32, #tpu.memory_space<vmem>>, vector<1x1x16xf32>,
        %get3A_707 = vector.shape_cast %get3A_706 : vector<1x1x16xf32> to vector<16xf32>
        %add3A_708 = arith.addf %add3A_697, %get3A_707 : vector<16xf32>
        %mul3A_709 = arith.constant 256 : i32
        %mul3A_710 = arith.muli %scan3A_686, %mul3A_709 : i32
        %add3A_711 = arith.constant 32 : i32
        %add3A_712 = arith.addi %mul3A_710, %add3A_711 : i32
        %get3A_713 = arith.constant 1 : i32
        %get3A_714 = arith.index_cast %get3A_713 : i32 to index
        %get3A_715 = arith.index_cast %scan3A_672 : i32 to index
        %get3A_716 = arith.index_cast %add3A_712 : i32 to index
        %get3A_717 = tpu.vector_load %arg4[%get3A_714, %get3A_715, %get3A_716] {strides = array<i32>} : memref<2x8x4096xf32, #tpu.memory_space<vmem>>, vector<1x1x16xf32>,
        %get3A_718 = vector.shape_cast %get3A_717 : vector<1x1x16xf32> to vector<16xf32>
        %add3A_719 = arith.addf %add3A_708, %get3A_718 : vector<16xf32>
        %mul3A_720 = arith.constant 256 : i32
        %mul3A_721 = arith.muli %scan3A_686, %mul3A_720 : i32
        %add3A_722 = arith.constant 48 : i32
        %add3A_723 = arith.addi %mul3A_721, %add3A_722 : i32
        %get3A_724 = arith.constant 1 : i32
        %get3A_725 = arith.index_cast %get3A_724 : i32 to index
        %get3A_726 = arith.index_cast %scan3A_672 : i32 to index
        %get3A_727 = arith.index_cast %add3A_723 : i32 to index
        %get3A_728 = tpu.vector_load %arg4[%get3A_725, %get3A_726, %get3A_727] {strides = array<i32>} : memref<2x8x4096xf32, #tpu.memory_space<vmem>>, vector<1x1x16xf32>,
        %get3A_729 = vector.shape_cast %get3A_728 : vector<1x1x16xf32> to vector<16xf32>
        %add3A_730 = arith.addf %add3A_719, %get3A_729 : vector<16xf32>
        %mul3A_731 = arith.constant 256 : i32
        %mul3A_732 = arith.muli %scan3A_686, %mul3A_731 : i32
        %add3A_733 = arith.constant 64 : i32
        %add3A_734 = arith.addi %mul3A_732, %add3A_733 : i32
        %get3A_735 = arith.constant 1 : i32
        %get3A_736 = arith.index_cast %get3A_735 : i32 to index
        %get3A_737 = arith.index_cast %scan3A_672 : i32 to index
        %get3A_738 = arith.index_cast %add3A_734 : i32 to index
        %get3A_739 = tpu.vector_load %arg4[%get3A_736, %get3A_737, %get3A_738] {strides = array<i32>} : memref<2x8x4096xf32, #tpu.memory_space<vmem>>, vector<1x1x16xf32>,
        %get3A_740 = vector.shape_cast %get3A_739 : vector<1x1x16xf32> to vector<16xf32>
        %add3A_741 = arith.addf %add3A_730, %get3A_740 : vector<16xf32>
        %mul3A_742 = arith.constant 256 : i32
        %mul3A_743 = arith.muli %scan3A_686, %mul3A_742 : i32
        %add3A_744 = arith.constant 80 : i32
        %add3A_745 = arith.addi %mul3A_743, %add3A_744 : i32
        %get3A_746 = arith.constant 1 : i32
        %get3A_747 = arith.index_cast %get3A_746 : i32 to index
        %get3A_748 = arith.index_cast %scan3A_672 : i32 to index
        %get3A_749 = arith.index_cast %add3A_745 : i32 to index
        %get3A_750 = tpu.vector_load %arg4[%get3A_747, %get3A_748, %get3A_749] {strides = array<i32>} : memref<2x8x4096xf32, #tpu.memory_space<vmem>>, vector<1x1x16xf32>,
        %get3A_751 = vector.shape_cast %get3A_750 : vector<1x1x16xf32> to vector<16xf32>
        %add3A_752 = arith.addf %add3A_741, %get3A_751 : vector<16xf32>
        %mul3A_753 = arith.constant 256 : i32
        %mul3A_754 = arith.muli %scan3A_686, %mul3A_753 : i32
        %add3A_755 = arith.constant 96 : i32
        %add3A_756 = arith.addi %mul3A_754, %add3A_755 : i32
        %get3A_757 = arith.constant 1 : i32
        %get3A_758 = arith.index_cast %get3A_757 : i32 to index
        %get3A_759 = arith.index_cast %scan3A_672 : i32 to index
        %get3A_760 = arith.index_cast %add3A_756 : i32 to index
        %get3A_761 = tpu.vector_load %arg4[%get3A_758, %get3A_759, %get3A_760] {strides = array<i32>} : memref<2x8x4096xf32, #tpu.memory_space<vmem>>, vector<1x1x16xf32>,
        %get3A_762 = vector.shape_cast %get3A_761 : vector<1x1x16xf32> to vector<16xf32>
        %add3A_763 = arith.addf %add3A_752, %get3A_762 : vector<16xf32>
        %mul3A_764 = arith.constant 256 : i32
        %mul3A_765 = arith.muli %scan3A_686, %mul3A_764 : i32
        %add3A_766 = arith.constant 112 : i32
        %add3A_767 = arith.addi %mul3A_765, %add3A_766 : i32
        %get3A_768 = arith.constant 1 : i32
        %get3A_769 = arith.index_cast %get3A_768 : i32 to index
        %get3A_770 = arith.index_cast %scan3A_672 : i32 to index
        %get3A_771 = arith.index_cast %add3A_767 : i32 to index
        %get3A_772 = tpu.vector_load %arg4[%get3A_769, %get3A_770, %get3A_771] {strides = array<i32>} : memref<2x8x4096xf32, #tpu.memory_space<vmem>>, vector<1x1x16xf32>,
        %get3A_773 = vector.shape_cast %get3A_772 : vector<1x1x16xf32> to vector<16xf32>
        %add3A_774 = arith.addf %add3A_763, %get3A_773 : vector<16xf32>
        %mul3A_775 = arith.constant 256 : i32
        %mul3A_776 = arith.muli %scan3A_686, %mul3A_775 : i32
        %add3A_777 = arith.constant 128 : i32
        %add3A_778 = arith.addi %mul3A_776, %add3A_777 : i32
        %get3A_779 = arith.constant 1 : i32
        %get3A_780 = arith.index_cast %get3A_779 : i32 to index
        %get3A_781 = arith.index_cast %scan3A_672 : i32 to index
        %get3A_782 = arith.index_cast %add3A_778 : i32 to index
        %get3A_783 = tpu.vector_load %arg4[%get3A_780, %get3A_781, %get3A_782] {strides = array<i32>} : memref<2x8x4096xf32, #tpu.memory_space<vmem>>, vector<1x1x16xf32>,
        %get3A_784 = vector.shape_cast %get3A_783 : vector<1x1x16xf32> to vector<16xf32>
        %add3A_785 = arith.addf %add3A_774, %get3A_784 : vector<16xf32>
        %mul3A_786 = arith.constant 256 : i32
        %mul3A_787 = arith.muli %scan3A_686, %mul3A_786 : i32
        %add3A_788 = arith.constant 144 : i32
        %add3A_789 = arith.addi %mul3A_787, %add3A_788 : i32
        %get3A_790 = arith.constant 1 : i32
        %get3A_791 = arith.index_cast %get3A_790 : i32 to index
        %get3A_792 = arith.index_cast %scan3A_672 : i32 to index
        %get3A_793 = arith.index_cast %add3A_789 : i32 to index
        %get3A_794 = tpu.vector_load %arg4[%get3A_791, %get3A_792, %get3A_793] {strides = array<i32>} : memref<2x8x4096xf32, #tpu.memory_space<vmem>>, vector<1x1x16xf32>,
        %get3A_795 = vector.shape_cast %get3A_794 : vector<1x1x16xf32> to vector<16xf32>
        %add3A_796 = arith.addf %add3A_785, %get3A_795 : vector<16xf32>
        %mul3A_797 = arith.constant 256 : i32
        %mul3A_798 = arith.muli %scan3A_686, %mul3A_797 : i32
        %add3A_799 = arith.constant 160 : i32
        %add3A_800 = arith.addi %mul3A_798, %add3A_799 : i32
        %get3A_801 = arith.constant 1 : i32
        %get3A_802 = arith.index_cast %get3A_801 : i32 to index
        %get3A_803 = arith.index_cast %scan3A_672 : i32 to index
        %get3A_804 = arith.index_cast %add3A_800 : i32 to index
        %get3A_805 = tpu.vector_load %arg4[%get3A_802, %get3A_803, %get3A_804] {strides = array<i32>} : memref<2x8x4096xf32, #tpu.memory_space<vmem>>, vector<1x1x16xf32>,
        %get3A_806 = vector.shape_cast %get3A_805 : vector<1x1x16xf32> to vector<16xf32>
        %add3A_807 = arith.addf %add3A_796, %get3A_806 : vector<16xf32>
        %mul3A_808 = arith.constant 256 : i32
        %mul3A_809 = arith.muli %scan3A_686, %mul3A_808 : i32
        %add3A_810 = arith.constant 176 : i32
        %add3A_811 = arith.addi %mul3A_809, %add3A_810 : i32
        %get3A_812 = arith.constant 1 : i32
        %get3A_813 = arith.index_cast %get3A_812 : i32 to index
        %get3A_814 = arith.index_cast %scan3A_672 : i32 to index
        %get3A_815 = arith.index_cast %add3A_811 : i32 to index
        %get3A_816 = tpu.vector_load %arg4[%get3A_813, %get3A_814, %get3A_815] {strides = array<i32>} : memref<2x8x4096xf32, #tpu.memory_space<vmem>>, vector<1x1x16xf32>,
        %get3A_817 = vector.shape_cast %get3A_816 : vector<1x1x16xf32> to vector<16xf32>
        %add3A_818 = arith.addf %add3A_807, %get3A_817 : vector<16xf32>
        %mul3A_819 = arith.constant 256 : i32
        %mul3A_820 = arith.muli %scan3A_686, %mul3A_819 : i32
        %add3A_821 = arith.constant 192 : i32
        %add3A_822 = arith.addi %mul3A_820, %add3A_821 : i32
        %get3A_823 = arith.constant 1 : i32
        %get3A_824 = arith.index_cast %get3A_823 : i32 to index
        %get3A_825 = arith.index_cast %scan3A_672 : i32 to index
        %get3A_826 = arith.index_cast %add3A_822 : i32 to index
        %get3A_827 = tpu.vector_load %arg4[%get3A_824, %get3A_825, %get3A_826] {strides = array<i32>} : memref<2x8x4096xf32, #tpu.memory_space<vmem>>, vector<1x1x16xf32>,
        %get3A_828 = vector.shape_cast %get3A_827 : vector<1x1x16xf32> to vector<16xf32>
        %add3A_829 = arith.addf %add3A_818, %get3A_828 : vector<16xf32>
        %mul3A_830 = arith.constant 256 : i32
        %mul3A_831 = arith.muli %scan3A_686, %mul3A_830 : i32
        %add3A_832 = arith.constant 208 : i32
        %add3A_833 = arith.addi %mul3A_831, %add3A_832 : i32
        %get3A_834 = arith.constant 1 : i32
        %get3A_835 = arith.index_cast %get3A_834 : i32 to index
        %get3A_836 = arith.index_cast %scan3A_672 : i32 to index
        %get3A_837 = arith.index_cast %add3A_833 : i32 to index
        %get3A_838 = tpu.vector_load %arg4[%get3A_835, %get3A_836, %get3A_837] {strides = array<i32>} : memref<2x8x4096xf32, #tpu.memory_space<vmem>>, vector<1x1x16xf32>,
        %get3A_839 = vector.shape_cast %get3A_838 : vector<1x1x16xf32> to vector<16xf32>
        %add3A_840 = arith.addf %add3A_829, %get3A_839 : vector<16xf32>
        %mul3A_841 = arith.constant 256 : i32
        %mul3A_842 = arith.muli %scan3A_686, %mul3A_841 : i32
        %add3A_843 = arith.constant 224 : i32
        %add3A_844 = arith.addi %mul3A_842, %add3A_843 : i32
        %get3A_845 = arith.constant 1 : i32
        %get3A_846 = arith.index_cast %get3A_845 : i32 to index
        %get3A_847 = arith.index_cast %scan3A_672 : i32 to index
        %get3A_848 = arith.index_cast %add3A_844 : i32 to index
        %get3A_849 = tpu.vector_load %arg4[%get3A_846, %get3A_847, %get3A_848] {strides = array<i32>} : memref<2x8x4096xf32, #tpu.memory_space<vmem>>, vector<1x1x16xf32>,
        %get3A_850 = vector.shape_cast %get3A_849 : vector<1x1x16xf32> to vector<16xf32>
        %add3A_851 = arith.addf %add3A_840, %get3A_850 : vector<16xf32>
        %mul3A_852 = arith.constant 256 : i32
        %mul3A_853 = arith.muli %scan3A_686, %mul3A_852 : i32
        %add3A_854 = arith.constant 240 : i32
        %add3A_855 = arith.addi %mul3A_853, %add3A_854 : i32
        %get3A_856 = arith.constant 1 : i32
        %get3A_857 = arith.index_cast %get3A_856 : i32 to index
        %get3A_858 = arith.index_cast %scan3A_672 : i32 to index
        %get3A_859 = arith.index_cast %add3A_855 : i32 to index
        %get3A_860 = tpu.vector_load %arg4[%get3A_857, %get3A_858, %get3A_859] {strides = array<i32>} : memref<2x8x4096xf32, #tpu.memory_space<vmem>>, vector<1x1x16xf32>,
        %get3A_861 = vector.shape_cast %get3A_860 : vector<1x1x16xf32> to vector<16xf32>
        %add3A_862 = arith.addf %add3A_851, %get3A_861 : vector<16xf32>
        scf.yield %add3A_862 : vector<16xf32>
      }
      %scan3A_679 = arith.constant 16 : i32
      %add3A_680 = arith.constant 24 : i32
      %add3A_681 = arith.addi %add3A_680, %scan3A_672 : i32
      %swap3A = arith.index_cast %add3A_681 : i32 to index
      %swap3A_682 = arith.constant 0 : index
      %swap3A_683 = tpu.vector_load %arg5[%swap3A, %swap3A_682] {strides = array<i32>} : memref<128x16xf32, #tpu.memory_space<vmem>>, vector<1x16xf32>,
      %swap3A_684 = vector.shape_cast %swap3A_683 : vector<1x16xf32> to vector<16xf32>
      %swap3A_685 = vector.shape_cast %scan3A_678 : vector<16xf32> to vector<1x16xf32>
      tpu.vector_store %arg5[%swap3A, %swap3A_682], %swap3A_685 {strides = array<i32>} : memref<128x16xf32, #tpu.memory_space<vmem>>, vector<1x16xf32>,
    }
    %scan3A_185 = arith.constant 8 : i32
    %add3A_186 = arith.constant 40 : i32
    %add3A_187 = arith.addi %mul3A_2, %add3A_186 : i32
    %dma_start3A_188 = arith.constant 0 : i32
    %dma_start3A_189 = arith.constant 1 : i32
    %dma_start3A_190 = arith.constant 0 : i32
    %dma_start3A_191 = arith.constant 0 : i32
    %dma_start3A_192 = tpu.memref_slice %arg4[%dma_start3A_189, %dma_start3A_190, %dma_start3A_191] : memref<2x8x4096xf32, #tpu.memory_space<vmem>> -> memref<1x8x4096xf32, #tpu.memory_space<vmem>>
    %dma_start3A_193 = tpu.memref_squeeze %dma_start3A_192 : memref<1x8x4096xf32, #tpu.memory_space<vmem>> -> memref<8x4096xf32, #tpu.memory_space<vmem>>
    %dma_start3A_194 = arith.constant 0 : i32
    %dma_start3A_195 = tpu.memref_slice %arg2[%dma_start3A_188, %add3A_187, %dma_start3A_194] : memref<2x4096x4096xf32, #tpu.memory_space<hbm>> -> memref<1x8x4096xf32, #tpu.memory_space<hbm>>
    %dma_start3A_196 = tpu.memref_squeeze %dma_start3A_195 : memref<1x8x4096xf32, #tpu.memory_space<hbm>> -> memref<8x4096xf32, #tpu.memory_space<hbm>>
    %dma_start3A_197 = arith.constant 0 : i32
    %dma_start3A_198 = arith.constant 0 : i32
    %dma_start3A_199 = tpu.memref_slice %arg4[%dma_start3A_189, %dma_start3A_197, %dma_start3A_198] : memref<2x8x4096xf32, #tpu.memory_space<vmem>> -> memref<1x8x4096xf32, #tpu.memory_space<vmem>>
    %dma_start3A_200 = tpu.memref_squeeze %dma_start3A_199 : memref<1x8x4096xf32, #tpu.memory_space<vmem>> -> memref<8x4096xf32, #tpu.memory_space<vmem>>
    %dma_start3A_201 = arith.constant 0 : i32
    %dma_start3A_202 = tpu.memref_slice %arg2[%dma_start3A_188, %add3A_187, %dma_start3A_201] : memref<2x4096x4096xf32, #tpu.memory_space<hbm>> -> memref<1x8x4096xf32, #tpu.memory_space<hbm>>
    %dma_start3A_203 = tpu.memref_squeeze %dma_start3A_202 : memref<1x8x4096xf32, #tpu.memory_space<hbm>> -> memref<8x4096xf32, #tpu.memory_space<hbm>>
    tpu.enqueue_dma source(%dma_start3A_203 : memref<8x4096xf32, #tpu.memory_space<hbm>>) target(%dma_start3A_200 : memref<8x4096xf32, #tpu.memory_space<vmem>>) target_semaphore(%arg7 : memref<!tpu.dma_semaphore, #tpu.memory_space<semaphore_mem>>)
    %add3A_204 = arith.constant 32 : i32
    %add3A_205 = arith.addi %mul3A_2, %add3A_204 : i32
    %dma_wait3A_206 = arith.constant 0 : i32
    %dma_wait3A_207 = arith.constant 0 : i32
    %dma_wait3A_208 = arith.constant 0 : i32
    %dma_wait3A_209 = arith.constant 0 : i32
    %dma_wait3A_210 = tpu.memref_slice %arg4[%dma_wait3A_207, %dma_wait3A_208, %dma_wait3A_209] : memref<2x8x4096xf32, #tpu.memory_space<vmem>> -> memref<1x8x4096xf32, #tpu.memory_space<vmem>>
    %dma_wait3A_211 = tpu.memref_squeeze %dma_wait3A_210 : memref<1x8x4096xf32, #tpu.memory_space<vmem>> -> memref<8x4096xf32, #tpu.memory_space<vmem>>
    %dma_wait3A_212 = arith.constant 0 : i32
    %dma_wait3A_213 = tpu.memref_slice %arg2[%dma_wait3A_206, %add3A_205, %dma_wait3A_212] : memref<2x4096x4096xf32, #tpu.memory_space<hbm>> -> memref<1x8x4096xf32, #tpu.memory_space<hbm>>
    %dma_wait3A_214 = tpu.memref_squeeze %dma_wait3A_213 : memref<1x8x4096xf32, #tpu.memory_space<hbm>> -> memref<8x4096xf32, #tpu.memory_space<hbm>>
    %dma_wait3A_215 = arith.constant 0 : i32
    %dma_wait3A_216 = arith.constant 0 : i32
    %dma_wait3A_217 = tpu.memref_slice %arg4[%dma_wait3A_207, %dma_wait3A_215, %dma_wait3A_216] : memref<2x8x4096xf32, #tpu.memory_space<vmem>> -> memref<1x8x4096xf32, #tpu.memory_space<vmem>>
    %dma_wait3A_218 = tpu.memref_squeeze %dma_wait3A_217 : memref<1x8x4096xf32, #tpu.memory_space<vmem>> -> memref<8x4096xf32, #tpu.memory_space<vmem>>
    %dma_wait3A_219 = arith.constant 0 : i32
    %dma_wait3A_220 = tpu.memref_slice %arg2[%dma_wait3A_206, %add3A_205, %dma_wait3A_219] : memref<2x4096x4096xf32, #tpu.memory_space<hbm>> -> memref<1x8x4096xf32, #tpu.memory_space<hbm>>
    %dma_wait3A_221 = tpu.memref_squeeze %dma_wait3A_220 : memref<1x8x4096xf32, #tpu.memory_space<hbm>> -> memref<8x4096xf32, #tpu.memory_space<hbm>>
    tpu.wait_dma2 semaphore(%arg6 : memref<!tpu.dma_semaphore, #tpu.memory_space<semaphore_mem>>) src(%dma_wait3A_221 : memref<8x4096xf32, #tpu.memory_space<hbm>>) dst(%dma_wait3A_218 : memref<8x4096xf32, #tpu.memory_space<vmem>>)
    %scan3A_222 = arith.constant 0 : i32
    %scan3A_223 = arith.constant 0 : i32
    %scan3A_224 = arith.constant 8 : i32
    %scan3A_225 = arith.addi %scan3A_223, %scan3A_224 : i32
    %scan3A_226 = arith.constant 1 : i32
    scf.for %scan3A_672 = %scan3A_223 to %scan3A_225 step %scan3A_226  : i32 {
      %broadcast_in_dim3A = arith.constant 0.000000e+00 : f32
      %broadcast_in_dim3A_673 = vector.broadcast %broadcast_in_dim3A : f32 to vector<16xf32>
      %scan3A_674 = arith.constant 0 : i32
      %scan3A_675 = arith.constant 16 : i32
      %scan3A_676 = arith.addi %scan3A_674, %scan3A_675 : i32
      %scan3A_677 = arith.constant 1 : i32
      %scan3A_678 = scf.for %scan3A_686 = %scan3A_674 to %scan3A_676 step %scan3A_677 iter_args(%scan3A_687 = %broadcast_in_dim3A_673) -> (vector<16xf32>)  : i32 {
        %mul3A_688 = arith.constant 256 : i32
        %mul3A_689 = arith.muli %scan3A_686, %mul3A_688 : i32
        %add3A_690 = arith.constant 0 : i32
        %add3A_691 = arith.addi %mul3A_689, %add3A_690 : i32
        %get3A = arith.constant 0 : i32
        %get3A_692 = arith.index_cast %get3A : i32 to index
        %get3A_693 = arith.index_cast %scan3A_672 : i32 to index
        %get3A_694 = arith.index_cast %add3A_691 : i32 to index
        %get3A_695 = tpu.vector_load %arg4[%get3A_692, %get3A_693, %get3A_694] {strides = array<i32>} : memref<2x8x4096xf32, #tpu.memory_space<vmem>>, vector<1x1x16xf32>,
        %get3A_696 = vector.shape_cast %get3A_695 : vector<1x1x16xf32> to vector<16xf32>
        %add3A_697 = arith.addf %scan3A_687, %get3A_696 : vector<16xf32>
        %mul3A_698 = arith.constant 256 : i32
        %mul3A_699 = arith.muli %scan3A_686, %mul3A_698 : i32
        %add3A_700 = arith.constant 16 : i32
        %add3A_701 = arith.addi %mul3A_699, %add3A_700 : i32
        %get3A_702 = arith.constant 0 : i32
        %get3A_703 = arith.index_cast %get3A_702 : i32 to index
        %get3A_704 = arith.index_cast %scan3A_672 : i32 to index
        %get3A_705 = arith.index_cast %add3A_701 : i32 to index
        %get3A_706 = tpu.vector_load %arg4[%get3A_703, %get3A_704, %get3A_705] {strides = array<i32>} : memref<2x8x4096xf32, #tpu.memory_space<vmem>>, vector<1x1x16xf32>,
        %get3A_707 = vector.shape_cast %get3A_706 : vector<1x1x16xf32> to vector<16xf32>
        %add3A_708 = arith.addf %add3A_697, %get3A_707 : vector<16xf32>
        %mul3A_709 = arith.constant 256 : i32
        %mul3A_710 = arith.muli %scan3A_686, %mul3A_709 : i32
        %add3A_711 = arith.constant 32 : i32
        %add3A_712 = arith.addi %mul3A_710, %add3A_711 : i32
        %get3A_713 = arith.constant 0 : i32
        %get3A_714 = arith.index_cast %get3A_713 : i32 to index
        %get3A_715 = arith.index_cast %scan3A_672 : i32 to index
        %get3A_716 = arith.index_cast %add3A_712 : i32 to index
        %get3A_717 = tpu.vector_load %arg4[%get3A_714, %get3A_715, %get3A_716] {strides = array<i32>} : memref<2x8x4096xf32, #tpu.memory_space<vmem>>, vector<1x1x16xf32>,
        %get3A_718 = vector.shape_cast %get3A_717 : vector<1x1x16xf32> to vector<16xf32>
        %add3A_719 = arith.addf %add3A_708, %get3A_718 : vector<16xf32>
        %mul3A_720 = arith.constant 256 : i32
        %mul3A_721 = arith.muli %scan3A_686, %mul3A_720 : i32
        %add3A_722 = arith.constant 48 : i32
        %add3A_723 = arith.addi %mul3A_721, %add3A_722 : i32
        %get3A_724 = arith.constant 0 : i32
        %get3A_725 = arith.index_cast %get3A_724 : i32 to index
        %get3A_726 = arith.index_cast %scan3A_672 : i32 to index
        %get3A_727 = arith.index_cast %add3A_723 : i32 to index
        %get3A_728 = tpu.vector_load %arg4[%get3A_725, %get3A_726, %get3A_727] {strides = array<i32>} : memref<2x8x4096xf32, #tpu.memory_space<vmem>>, vector<1x1x16xf32>,
        %get3A_729 = vector.shape_cast %get3A_728 : vector<1x1x16xf32> to vector<16xf32>
        %add3A_730 = arith.addf %add3A_719, %get3A_729 : vector<16xf32>
        %mul3A_731 = arith.constant 256 : i32
        %mul3A_732 = arith.muli %scan3A_686, %mul3A_731 : i32
        %add3A_733 = arith.constant 64 : i32
        %add3A_734 = arith.addi %mul3A_732, %add3A_733 : i32
        %get3A_735 = arith.constant 0 : i32
        %get3A_736 = arith.index_cast %get3A_735 : i32 to index
        %get3A_737 = arith.index_cast %scan3A_672 : i32 to index
        %get3A_738 = arith.index_cast %add3A_734 : i32 to index
        %get3A_739 = tpu.vector_load %arg4[%get3A_736, %get3A_737, %get3A_738] {strides = array<i32>} : memref<2x8x4096xf32, #tpu.memory_space<vmem>>, vector<1x1x16xf32>,
        %get3A_740 = vector.shape_cast %get3A_739 : vector<1x1x16xf32> to vector<16xf32>
        %add3A_741 = arith.addf %add3A_730, %get3A_740 : vector<16xf32>
        %mul3A_742 = arith.constant 256 : i32
        %mul3A_743 = arith.muli %scan3A_686, %mul3A_742 : i32
        %add3A_744 = arith.constant 80 : i32
        %add3A_745 = arith.addi %mul3A_743, %add3A_744 : i32
        %get3A_746 = arith.constant 0 : i32
        %get3A_747 = arith.index_cast %get3A_746 : i32 to index
        %get3A_748 = arith.index_cast %scan3A_672 : i32 to index
        %get3A_749 = arith.index_cast %add3A_745 : i32 to index
        %get3A_750 = tpu.vector_load %arg4[%get3A_747, %get3A_748, %get3A_749] {strides = array<i32>} : memref<2x8x4096xf32, #tpu.memory_space<vmem>>, vector<1x1x16xf32>,
        %get3A_751 = vector.shape_cast %get3A_750 : vector<1x1x16xf32> to vector<16xf32>
        %add3A_752 = arith.addf %add3A_741, %get3A_751 : vector<16xf32>
        %mul3A_753 = arith.constant 256 : i32
        %mul3A_754 = arith.muli %scan3A_686, %mul3A_753 : i32
        %add3A_755 = arith.constant 96 : i32
        %add3A_756 = arith.addi %mul3A_754, %add3A_755 : i32
        %get3A_757 = arith.constant 0 : i32
        %get3A_758 = arith.index_cast %get3A_757 : i32 to index
        %get3A_759 = arith.index_cast %scan3A_672 : i32 to index
        %get3A_760 = arith.index_cast %add3A_756 : i32 to index
        %get3A_761 = tpu.vector_load %arg4[%get3A_758, %get3A_759, %get3A_760] {strides = array<i32>} : memref<2x8x4096xf32, #tpu.memory_space<vmem>>, vector<1x1x16xf32>,
        %get3A_762 = vector.shape_cast %get3A_761 : vector<1x1x16xf32> to vector<16xf32>
        %add3A_763 = arith.addf %add3A_752, %get3A_762 : vector<16xf32>
        %mul3A_764 = arith.constant 256 : i32
        %mul3A_765 = arith.muli %scan3A_686, %mul3A_764 : i32
        %add3A_766 = arith.constant 112 : i32
        %add3A_767 = arith.addi %mul3A_765, %add3A_766 : i32
        %get3A_768 = arith.constant 0 : i32
        %get3A_769 = arith.index_cast %get3A_768 : i32 to index
        %get3A_770 = arith.index_cast %scan3A_672 : i32 to index
        %get3A_771 = arith.index_cast %add3A_767 : i32 to index
        %get3A_772 = tpu.vector_load %arg4[%get3A_769, %get3A_770, %get3A_771] {strides = array<i32>} : memref<2x8x4096xf32, #tpu.memory_space<vmem>>, vector<1x1x16xf32>,
        %get3A_773 = vector.shape_cast %get3A_772 : vector<1x1x16xf32> to vector<16xf32>
        %add3A_774 = arith.addf %add3A_763, %get3A_773 : vector<16xf32>
        %mul3A_775 = arith.constant 256 : i32
        %mul3A_776 = arith.muli %scan3A_686, %mul3A_775 : i32
        %add3A_777 = arith.constant 128 : i32
        %add3A_778 = arith.addi %mul3A_776, %add3A_777 : i32
        %get3A_779 = arith.constant 0 : i32
        %get3A_780 = arith.index_cast %get3A_779 : i32 to index
        %get3A_781 = arith.index_cast %scan3A_672 : i32 to index
        %get3A_782 = arith.index_cast %add3A_778 : i32 to index
        %get3A_783 = tpu.vector_load %arg4[%get3A_780, %get3A_781, %get3A_782] {strides = array<i32>} : memref<2x8x4096xf32, #tpu.memory_space<vmem>>, vector<1x1x16xf32>,
        %get3A_784 = vector.shape_cast %get3A_783 : vector<1x1x16xf32> to vector<16xf32>
        %add3A_785 = arith.addf %add3A_774, %get3A_784 : vector<16xf32>
        %mul3A_786 = arith.constant 256 : i32
        %mul3A_787 = arith.muli %scan3A_686, %mul3A_786 : i32
        %add3A_788 = arith.constant 144 : i32
        %add3A_789 = arith.addi %mul3A_787, %add3A_788 : i32
        %get3A_790 = arith.constant 0 : i32
        %get3A_791 = arith.index_cast %get3A_790 : i32 to index
        %get3A_792 = arith.index_cast %scan3A_672 : i32 to index
        %get3A_793 = arith.index_cast %add3A_789 : i32 to index
        %get3A_794 = tpu.vector_load %arg4[%get3A_791, %get3A_792, %get3A_793] {strides = array<i32>} : memref<2x8x4096xf32, #tpu.memory_space<vmem>>, vector<1x1x16xf32>,
        %get3A_795 = vector.shape_cast %get3A_794 : vector<1x1x16xf32> to vector<16xf32>
        %add3A_796 = arith.addf %add3A_785, %get3A_795 : vector<16xf32>
        %mul3A_797 = arith.constant 256 : i32
        %mul3A_798 = arith.muli %scan3A_686, %mul3A_797 : i32
        %add3A_799 = arith.constant 160 : i32
        %add3A_800 = arith.addi %mul3A_798, %add3A_799 : i32
        %get3A_801 = arith.constant 0 : i32
        %get3A_802 = arith.index_cast %get3A_801 : i32 to index
        %get3A_803 = arith.index_cast %scan3A_672 : i32 to index
        %get3A_804 = arith.index_cast %add3A_800 : i32 to index
        %get3A_805 = tpu.vector_load %arg4[%get3A_802, %get3A_803, %get3A_804] {strides = array<i32>} : memref<2x8x4096xf32, #tpu.memory_space<vmem>>, vector<1x1x16xf32>,
        %get3A_806 = vector.shape_cast %get3A_805 : vector<1x1x16xf32> to vector<16xf32>
        %add3A_807 = arith.addf %add3A_796, %get3A_806 : vector<16xf32>
        %mul3A_808 = arith.constant 256 : i32
        %mul3A_809 = arith.muli %scan3A_686, %mul3A_808 : i32
        %add3A_810 = arith.constant 176 : i32
        %add3A_811 = arith.addi %mul3A_809, %add3A_810 : i32
        %get3A_812 = arith.constant 0 : i32
        %get3A_813 = arith.index_cast %get3A_812 : i32 to index
        %get3A_814 = arith.index_cast %scan3A_672 : i32 to index
        %get3A_815 = arith.index_cast %add3A_811 : i32 to index
        %get3A_816 = tpu.vector_load %arg4[%get3A_813, %get3A_814, %get3A_815] {strides = array<i32>} : memref<2x8x4096xf32, #tpu.memory_space<vmem>>, vector<1x1x16xf32>,
        %get3A_817 = vector.shape_cast %get3A_816 : vector<1x1x16xf32> to vector<16xf32>
        %add3A_818 = arith.addf %add3A_807, %get3A_817 : vector<16xf32>
        %mul3A_819 = arith.constant 256 : i32
        %mul3A_820 = arith.muli %scan3A_686, %mul3A_819 : i32
        %add3A_821 = arith.constant 192 : i32
        %add3A_822 = arith.addi %mul3A_820, %add3A_821 : i32
        %get3A_823 = arith.constant 0 : i32
        %get3A_824 = arith.index_cast %get3A_823 : i32 to index
        %get3A_825 = arith.index_cast %scan3A_672 : i32 to index
        %get3A_826 = arith.index_cast %add3A_822 : i32 to index
        %get3A_827 = tpu.vector_load %arg4[%get3A_824, %get3A_825, %get3A_826] {strides = array<i32>} : memref<2x8x4096xf32, #tpu.memory_space<vmem>>, vector<1x1x16xf32>,
        %get3A_828 = vector.shape_cast %get3A_827 : vector<1x1x16xf32> to vector<16xf32>
        %add3A_829 = arith.addf %add3A_818, %get3A_828 : vector<16xf32>
        %mul3A_830 = arith.constant 256 : i32
        %mul3A_831 = arith.muli %scan3A_686, %mul3A_830 : i32
        %add3A_832 = arith.constant 208 : i32
        %add3A_833 = arith.addi %mul3A_831, %add3A_832 : i32
        %get3A_834 = arith.constant 0 : i32
        %get3A_835 = arith.index_cast %get3A_834 : i32 to index
        %get3A_836 = arith.index_cast %scan3A_672 : i32 to index
        %get3A_837 = arith.index_cast %add3A_833 : i32 to index
        %get3A_838 = tpu.vector_load %arg4[%get3A_835, %get3A_836, %get3A_837] {strides = array<i32>} : memref<2x8x4096xf32, #tpu.memory_space<vmem>>, vector<1x1x16xf32>,
        %get3A_839 = vector.shape_cast %get3A_838 : vector<1x1x16xf32> to vector<16xf32>
        %add3A_840 = arith.addf %add3A_829, %get3A_839 : vector<16xf32>
        %mul3A_841 = arith.constant 256 : i32
        %mul3A_842 = arith.muli %scan3A_686, %mul3A_841 : i32
        %add3A_843 = arith.constant 224 : i32
        %add3A_844 = arith.addi %mul3A_842, %add3A_843 : i32
        %get3A_845 = arith.constant 0 : i32
        %get3A_846 = arith.index_cast %get3A_845 : i32 to index
        %get3A_847 = arith.index_cast %scan3A_672 : i32 to index
        %get3A_848 = arith.index_cast %add3A_844 : i32 to index
        %get3A_849 = tpu.vector_load %arg4[%get3A_846, %get3A_847, %get3A_848] {strides = array<i32>} : memref<2x8x4096xf32, #tpu.memory_space<vmem>>, vector<1x1x16xf32>,
        %get3A_850 = vector.shape_cast %get3A_849 : vector<1x1x16xf32> to vector<16xf32>
        %add3A_851 = arith.addf %add3A_840, %get3A_850 : vector<16xf32>
        %mul3A_852 = arith.constant 256 : i32
        %mul3A_853 = arith.muli %scan3A_686, %mul3A_852 : i32
        %add3A_854 = arith.constant 240 : i32
        %add3A_855 = arith.addi %mul3A_853, %add3A_854 : i32
        %get3A_856 = arith.constant 0 : i32
        %get3A_857 = arith.index_cast %get3A_856 : i32 to index
        %get3A_858 = arith.index_cast %scan3A_672 : i32 to index
        %get3A_859 = arith.index_cast %add3A_855 : i32 to index
        %get3A_860 = tpu.vector_load %arg4[%get3A_857, %get3A_858, %get3A_859] {strides = array<i32>} : memref<2x8x4096xf32, #tpu.memory_space<vmem>>, vector<1x1x16xf32>,
        %get3A_861 = vector.shape_cast %get3A_860 : vector<1x1x16xf32> to vector<16xf32>
        %add3A_862 = arith.addf %add3A_851, %get3A_861 : vector<16xf32>
        scf.yield %add3A_862 : vector<16xf32>
      }
      %scan3A_679 = arith.constant 16 : i32
      %add3A_680 = arith.constant 32 : i32
      %add3A_681 = arith.addi %add3A_680, %scan3A_672 : i32
      %swap3A = arith.index_cast %add3A_681 : i32 to index
      %swap3A_682 = arith.constant 0 : index
      %swap3A_683 = tpu.vector_load %arg5[%swap3A, %swap3A_682] {strides = array<i32>} : memref<128x16xf32, #tpu.memory_space<vmem>>, vector<1x16xf32>,
      %swap3A_684 = vector.shape_cast %swap3A_683 : vector<1x16xf32> to vector<16xf32>
      %swap3A_685 = vector.shape_cast %scan3A_678 : vector<16xf32> to vector<1x16xf32>
      tpu.vector_store %arg5[%swap3A, %swap3A_682], %swap3A_685 {strides = array<i32>} : memref<128x16xf32, #tpu.memory_space<vmem>>, vector<1x16xf32>,
    }
    %scan3A_227 = arith.constant 8 : i32
    %add3A_228 = arith.constant 48 : i32
    %add3A_229 = arith.addi %mul3A_2, %add3A_228 : i32
    %dma_start3A_230 = arith.constant 0 : i32
    %dma_start3A_231 = arith.constant 0 : i32
    %dma_start3A_232 = arith.constant 0 : i32
    %dma_start3A_233 = arith.constant 0 : i32
    %dma_start3A_234 = tpu.memref_slice %arg4[%dma_start3A_231, %dma_start3A_232, %dma_start3A_233] : memref<2x8x4096xf32, #tpu.memory_space<vmem>> -> memref<1x8x4096xf32, #tpu.memory_space<vmem>>
    %dma_start3A_235 = tpu.memref_squeeze %dma_start3A_234 : memref<1x8x4096xf32, #tpu.memory_space<vmem>> -> memref<8x4096xf32, #tpu.memory_space<vmem>>
    %dma_start3A_236 = arith.constant 0 : i32
    %dma_start3A_237 = tpu.memref_slice %arg2[%dma_start3A_230, %add3A_229, %dma_start3A_236] : memref<2x4096x4096xf32, #tpu.memory_space<hbm>> -> memref<1x8x4096xf32, #tpu.memory_space<hbm>>
    %dma_start3A_238 = tpu.memref_squeeze %dma_start3A_237 : memref<1x8x4096xf32, #tpu.memory_space<hbm>> -> memref<8x4096xf32, #tpu.memory_space<hbm>>
    %dma_start3A_239 = arith.constant 0 : i32
    %dma_start3A_240 = arith.constant 0 : i32
    %dma_start3A_241 = tpu.memref_slice %arg4[%dma_start3A_231, %dma_start3A_239, %dma_start3A_240] : memref<2x8x4096xf32, #tpu.memory_space<vmem>> -> memref<1x8x4096xf32, #tpu.memory_space<vmem>>
    %dma_start3A_242 = tpu.memref_squeeze %dma_start3A_241 : memref<1x8x4096xf32, #tpu.memory_space<vmem>> -> memref<8x4096xf32, #tpu.memory_space<vmem>>
    %dma_start3A_243 = arith.constant 0 : i32
    %dma_start3A_244 = tpu.memref_slice %arg2[%dma_start3A_230, %add3A_229, %dma_start3A_243] : memref<2x4096x4096xf32, #tpu.memory_space<hbm>> -> memref<1x8x4096xf32, #tpu.memory_space<hbm>>
    %dma_start3A_245 = tpu.memref_squeeze %dma_start3A_244 : memref<1x8x4096xf32, #tpu.memory_space<hbm>> -> memref<8x4096xf32, #tpu.memory_space<hbm>>
    tpu.enqueue_dma source(%dma_start3A_245 : memref<8x4096xf32, #tpu.memory_space<hbm>>) target(%dma_start3A_242 : memref<8x4096xf32, #tpu.memory_space<vmem>>) target_semaphore(%arg6 : memref<!tpu.dma_semaphore, #tpu.memory_space<semaphore_mem>>)
    %add3A_246 = arith.constant 40 : i32
    %add3A_247 = arith.addi %mul3A_2, %add3A_246 : i32
    %dma_wait3A_248 = arith.constant 0 : i32
    %dma_wait3A_249 = arith.constant 1 : i32
    %dma_wait3A_250 = arith.constant 0 : i32
    %dma_wait3A_251 = arith.constant 0 : i32
    %dma_wait3A_252 = tpu.memref_slice %arg4[%dma_wait3A_249, %dma_wait3A_250, %dma_wait3A_251] : memref<2x8x4096xf32, #tpu.memory_space<vmem>> -> memref<1x8x4096xf32, #tpu.memory_space<vmem>>
    %dma_wait3A_253 = tpu.memref_squeeze %dma_wait3A_252 : memref<1x8x4096xf32, #tpu.memory_space<vmem>> -> memref<8x4096xf32, #tpu.memory_space<vmem>>
    %dma_wait3A_254 = arith.constant 0 : i32
    %dma_wait3A_255 = tpu.memref_slice %arg2[%dma_wait3A_248, %add3A_247, %dma_wait3A_254] : memref<2x4096x4096xf32, #tpu.memory_space<hbm>> -> memref<1x8x4096xf32, #tpu.memory_space<hbm>>
    %dma_wait3A_256 = tpu.memref_squeeze %dma_wait3A_255 : memref<1x8x4096xf32, #tpu.memory_space<hbm>> -> memref<8x4096xf32, #tpu.memory_space<hbm>>
    %dma_wait3A_257 = arith.constant 0 : i32
    %dma_wait3A_258 = arith.constant 0 : i32
    %dma_wait3A_259 = tpu.memref_slice %arg4[%dma_wait3A_249, %dma_wait3A_257, %dma_wait3A_258] : memref<2x8x4096xf32, #tpu.memory_space<vmem>> -> memref<1x8x4096xf32, #tpu.memory_space<vmem>>
    %dma_wait3A_260 = tpu.memref_squeeze %dma_wait3A_259 : memref<1x8x4096xf32, #tpu.memory_space<vmem>> -> memref<8x4096xf32, #tpu.memory_space<vmem>>
    %dma_wait3A_261 = arith.constant 0 : i32
    %dma_wait3A_262 = tpu.memref_slice %arg2[%dma_wait3A_248, %add3A_247, %dma_wait3A_261] : memref<2x4096x4096xf32, #tpu.memory_space<hbm>> -> memref<1x8x4096xf32, #tpu.memory_space<hbm>>
    %dma_wait3A_263 = tpu.memref_squeeze %dma_wait3A_262 : memref<1x8x4096xf32, #tpu.memory_space<hbm>> -> memref<8x4096xf32, #tpu.memory_space<hbm>>
    tpu.wait_dma2 semaphore(%arg7 : memref<!tpu.dma_semaphore, #tpu.memory_space<semaphore_mem>>) src(%dma_wait3A_263 : memref<8x4096xf32, #tpu.memory_space<hbm>>) dst(%dma_wait3A_260 : memref<8x4096xf32, #tpu.memory_space<vmem>>)
    %scan3A_264 = arith.constant 0 : i32
    %scan3A_265 = arith.constant 0 : i32
    %scan3A_266 = arith.constant 8 : i32
    %scan3A_267 = arith.addi %scan3A_265, %scan3A_266 : i32
    %scan3A_268 = arith.constant 1 : i32
    scf.for %scan3A_672 = %scan3A_265 to %scan3A_267 step %scan3A_268  : i32 {
      %broadcast_in_dim3A = arith.constant 0.000000e+00 : f32
      %broadcast_in_dim3A_673 = vector.broadcast %broadcast_in_dim3A : f32 to vector<16xf32>
      %scan3A_674 = arith.constant 0 : i32
      %scan3A_675 = arith.constant 16 : i32
      %scan3A_676 = arith.addi %scan3A_674, %scan3A_675 : i32
      %scan3A_677 = arith.constant 1 : i32
      %scan3A_678 = scf.for %scan3A_686 = %scan3A_674 to %scan3A_676 step %scan3A_677 iter_args(%scan3A_687 = %broadcast_in_dim3A_673) -> (vector<16xf32>)  : i32 {
        %mul3A_688 = arith.constant 256 : i32
        %mul3A_689 = arith.muli %scan3A_686, %mul3A_688 : i32
        %add3A_690 = arith.constant 0 : i32
        %add3A_691 = arith.addi %mul3A_689, %add3A_690 : i32
        %get3A = arith.constant 1 : i32
        %get3A_692 = arith.index_cast %get3A : i32 to index
        %get3A_693 = arith.index_cast %scan3A_672 : i32 to index
        %get3A_694 = arith.index_cast %add3A_691 : i32 to index
        %get3A_695 = tpu.vector_load %arg4[%get3A_692, %get3A_693, %get3A_694] {strides = array<i32>} : memref<2x8x4096xf32, #tpu.memory_space<vmem>>, vector<1x1x16xf32>,
        %get3A_696 = vector.shape_cast %get3A_695 : vector<1x1x16xf32> to vector<16xf32>
        %add3A_697 = arith.addf %scan3A_687, %get3A_696 : vector<16xf32>
        %mul3A_698 = arith.constant 256 : i32
        %mul3A_699 = arith.muli %scan3A_686, %mul3A_698 : i32
        %add3A_700 = arith.constant 16 : i32
        %add3A_701 = arith.addi %mul3A_699, %add3A_700 : i32
        %get3A_702 = arith.constant 1 : i32
        %get3A_703 = arith.index_cast %get3A_702 : i32 to index
        %get3A_704 = arith.index_cast %scan3A_672 : i32 to index
        %get3A_705 = arith.index_cast %add3A_701 : i32 to index
        %get3A_706 = tpu.vector_load %arg4[%get3A_703, %get3A_704, %get3A_705] {strides = array<i32>} : memref<2x8x4096xf32, #tpu.memory_space<vmem>>, vector<1x1x16xf32>,
        %get3A_707 = vector.shape_cast %get3A_706 : vector<1x1x16xf32> to vector<16xf32>
        %add3A_708 = arith.addf %add3A_697, %get3A_707 : vector<16xf32>
        %mul3A_709 = arith.constant 256 : i32
        %mul3A_710 = arith.muli %scan3A_686, %mul3A_709 : i32
        %add3A_711 = arith.constant 32 : i32
        %add3A_712 = arith.addi %mul3A_710, %add3A_711 : i32
        %get3A_713 = arith.constant 1 : i32
        %get3A_714 = arith.index_cast %get3A_713 : i32 to index
        %get3A_715 = arith.index_cast %scan3A_672 : i32 to index
        %get3A_716 = arith.index_cast %add3A_712 : i32 to index
        %get3A_717 = tpu.vector_load %arg4[%get3A_714, %get3A_715, %get3A_716] {strides = array<i32>} : memref<2x8x4096xf32, #tpu.memory_space<vmem>>, vector<1x1x16xf32>,
        %get3A_718 = vector.shape_cast %get3A_717 : vector<1x1x16xf32> to vector<16xf32>
        %add3A_719 = arith.addf %add3A_708, %get3A_718 : vector<16xf32>
        %mul3A_720 = arith.constant 256 : i32
        %mul3A_721 = arith.muli %scan3A_686, %mul3A_720 : i32
        %add3A_722 = arith.constant 48 : i32
        %add3A_723 = arith.addi %mul3A_721, %add3A_722 : i32
        %get3A_724 = arith.constant 1 : i32
        %get3A_725 = arith.index_cast %get3A_724 : i32 to index
        %get3A_726 = arith.index_cast %scan3A_672 : i32 to index
        %get3A_727 = arith.index_cast %add3A_723 : i32 to index
        %get3A_728 = tpu.vector_load %arg4[%get3A_725, %get3A_726, %get3A_727] {strides = array<i32>} : memref<2x8x4096xf32, #tpu.memory_space<vmem>>, vector<1x1x16xf32>,
        %get3A_729 = vector.shape_cast %get3A_728 : vector<1x1x16xf32> to vector<16xf32>
        %add3A_730 = arith.addf %add3A_719, %get3A_729 : vector<16xf32>
        %mul3A_731 = arith.constant 256 : i32
        %mul3A_732 = arith.muli %scan3A_686, %mul3A_731 : i32
        %add3A_733 = arith.constant 64 : i32
        %add3A_734 = arith.addi %mul3A_732, %add3A_733 : i32
        %get3A_735 = arith.constant 1 : i32
        %get3A_736 = arith.index_cast %get3A_735 : i32 to index
        %get3A_737 = arith.index_cast %scan3A_672 : i32 to index
        %get3A_738 = arith.index_cast %add3A_734 : i32 to index
        %get3A_739 = tpu.vector_load %arg4[%get3A_736, %get3A_737, %get3A_738] {strides = array<i32>} : memref<2x8x4096xf32, #tpu.memory_space<vmem>>, vector<1x1x16xf32>,
        %get3A_740 = vector.shape_cast %get3A_739 : vector<1x1x16xf32> to vector<16xf32>
        %add3A_741 = arith.addf %add3A_730, %get3A_740 : vector<16xf32>
        %mul3A_742 = arith.constant 256 : i32
        %mul3A_743 = arith.muli %scan3A_686, %mul3A_742 : i32
        %add3A_744 = arith.constant 80 : i32
        %add3A_745 = arith.addi %mul3A_743, %add3A_744 : i32
        %get3A_746 = arith.constant 1 : i32
        %get3A_747 = arith.index_cast %get3A_746 : i32 to index
        %get3A_748 = arith.index_cast %scan3A_672 : i32 to index
        %get3A_749 = arith.index_cast %add3A_745 : i32 to index
        %get3A_750 = tpu.vector_load %arg4[%get3A_747, %get3A_748, %get3A_749] {strides = array<i32>} : memref<2x8x4096xf32, #tpu.memory_space<vmem>>, vector<1x1x16xf32>,
        %get3A_751 = vector.shape_cast %get3A_750 : vector<1x1x16xf32> to vector<16xf32>
        %add3A_752 = arith.addf %add3A_741, %get3A_751 : vector<16xf32>
        %mul3A_753 = arith.constant 256 : i32
        %mul3A_754 = arith.muli %scan3A_686, %mul3A_753 : i32
        %add3A_755 = arith.constant 96 : i32
        %add3A_756 = arith.addi %mul3A_754, %add3A_755 : i32
        %get3A_757 = arith.constant 1 : i32
        %get3A_758 = arith.index_cast %get3A_757 : i32 to index
        %get3A_759 = arith.index_cast %scan3A_672 : i32 to index
        %get3A_760 = arith.index_cast %add3A_756 : i32 to index
        %get3A_761 = tpu.vector_load %arg4[%get3A_758, %get3A_759, %get3A_760] {strides = array<i32>} : memref<2x8x4096xf32, #tpu.memory_space<vmem>>, vector<1x1x16xf32>,
        %get3A_762 = vector.shape_cast %get3A_761 : vector<1x1x16xf32> to vector<16xf32>
        %add3A_763 = arith.addf %add3A_752, %get3A_762 : vector<16xf32>
        %mul3A_764 = arith.constant 256 : i32
        %mul3A_765 = arith.muli %scan3A_686, %mul3A_764 : i32
        %add3A_766 = arith.constant 112 : i32
        %add3A_767 = arith.addi %mul3A_765, %add3A_766 : i32
        %get3A_768 = arith.constant 1 : i32
        %get3A_769 = arith.index_cast %get3A_768 : i32 to index
        %get3A_770 = arith.index_cast %scan3A_672 : i32 to index
        %get3A_771 = arith.index_cast %add3A_767 : i32 to index
        %get3A_772 = tpu.vector_load %arg4[%get3A_769, %get3A_770, %get3A_771] {strides = array<i32>} : memref<2x8x4096xf32, #tpu.memory_space<vmem>>, vector<1x1x16xf32>,
        %get3A_773 = vector.shape_cast %get3A_772 : vector<1x1x16xf32> to vector<16xf32>
        %add3A_774 = arith.addf %add3A_763, %get3A_773 : vector<16xf32>
        %mul3A_775 = arith.constant 256 : i32
        %mul3A_776 = arith.muli %scan3A_686, %mul3A_775 : i32
        %add3A_777 = arith.constant 128 : i32
        %add3A_778 = arith.addi %mul3A_776, %add3A_777 : i32
        %get3A_779 = arith.constant 1 : i32
        %get3A_780 = arith.index_cast %get3A_779 : i32 to index
        %get3A_781 = arith.index_cast %scan3A_672 : i32 to index
        %get3A_782 = arith.index_cast %add3A_778 : i32 to index
        %get3A_783 = tpu.vector_load %arg4[%get3A_780, %get3A_781, %get3A_782] {strides = array<i32>} : memref<2x8x4096xf32, #tpu.memory_space<vmem>>, vector<1x1x16xf32>,
        %get3A_784 = vector.shape_cast %get3A_783 : vector<1x1x16xf32> to vector<16xf32>
        %add3A_785 = arith.addf %add3A_774, %get3A_784 : vector<16xf32>
        %mul3A_786 = arith.constant 256 : i32
        %mul3A_787 = arith.muli %scan3A_686, %mul3A_786 : i32
        %add3A_788 = arith.constant 144 : i32
        %add3A_789 = arith.addi %mul3A_787, %add3A_788 : i32
        %get3A_790 = arith.constant 1 : i32
        %get3A_791 = arith.index_cast %get3A_790 : i32 to index
        %get3A_792 = arith.index_cast %scan3A_672 : i32 to index
        %get3A_793 = arith.index_cast %add3A_789 : i32 to index
        %get3A_794 = tpu.vector_load %arg4[%get3A_791, %get3A_792, %get3A_793] {strides = array<i32>} : memref<2x8x4096xf32, #tpu.memory_space<vmem>>, vector<1x1x16xf32>,
        %get3A_795 = vector.shape_cast %get3A_794 : vector<1x1x16xf32> to vector<16xf32>
        %add3A_796 = arith.addf %add3A_785, %get3A_795 : vector<16xf32>
        %mul3A_797 = arith.constant 256 : i32
        %mul3A_798 = arith.muli %scan3A_686, %mul3A_797 : i32
        %add3A_799 = arith.constant 160 : i32
        %add3A_800 = arith.addi %mul3A_798, %add3A_799 : i32
        %get3A_801 = arith.constant 1 : i32
        %get3A_802 = arith.index_cast %get3A_801 : i32 to index
        %get3A_803 = arith.index_cast %scan3A_672 : i32 to index
        %get3A_804 = arith.index_cast %add3A_800 : i32 to index
        %get3A_805 = tpu.vector_load %arg4[%get3A_802, %get3A_803, %get3A_804] {strides = array<i32>} : memref<2x8x4096xf32, #tpu.memory_space<vmem>>, vector<1x1x16xf32>,
        %get3A_806 = vector.shape_cast %get3A_805 : vector<1x1x16xf32> to vector<16xf32>
        %add3A_807 = arith.addf %add3A_796, %get3A_806 : vector<16xf32>
        %mul3A_808 = arith.constant 256 : i32
        %mul3A_809 = arith.muli %scan3A_686, %mul3A_808 : i32
        %add3A_810 = arith.constant 176 : i32
        %add3A_811 = arith.addi %mul3A_809, %add3A_810 : i32
        %get3A_812 = arith.constant 1 : i32
        %get3A_813 = arith.index_cast %get3A_812 : i32 to index
        %get3A_814 = arith.index_cast %scan3A_672 : i32 to index
        %get3A_815 = arith.index_cast %add3A_811 : i32 to index
        %get3A_816 = tpu.vector_load %arg4[%get3A_813, %get3A_814, %get3A_815] {strides = array<i32>} : memref<2x8x4096xf32, #tpu.memory_space<vmem>>, vector<1x1x16xf32>,
        %get3A_817 = vector.shape_cast %get3A_816 : vector<1x1x16xf32> to vector<16xf32>
        %add3A_818 = arith.addf %add3A_807, %get3A_817 : vector<16xf32>
        %mul3A_819 = arith.constant 256 : i32
        %mul3A_820 = arith.muli %scan3A_686, %mul3A_819 : i32
        %add3A_821 = arith.constant 192 : i32
        %add3A_822 = arith.addi %mul3A_820, %add3A_821 : i32
        %get3A_823 = arith.constant 1 : i32
        %get3A_824 = arith.index_cast %get3A_823 : i32 to index
        %get3A_825 = arith.index_cast %scan3A_672 : i32 to index
        %get3A_826 = arith.index_cast %add3A_822 : i32 to index
        %get3A_827 = tpu.vector_load %arg4[%get3A_824, %get3A_825, %get3A_826] {strides = array<i32>} : memref<2x8x4096xf32, #tpu.memory_space<vmem>>, vector<1x1x16xf32>,
        %get3A_828 = vector.shape_cast %get3A_827 : vector<1x1x16xf32> to vector<16xf32>
        %add3A_829 = arith.addf %add3A_818, %get3A_828 : vector<16xf32>
        %mul3A_830 = arith.constant 256 : i32
        %mul3A_831 = arith.muli %scan3A_686, %mul3A_830 : i32
        %add3A_832 = arith.constant 208 : i32
        %add3A_833 = arith.addi %mul3A_831, %add3A_832 : i32
        %get3A_834 = arith.constant 1 : i32
        %get3A_835 = arith.index_cast %get3A_834 : i32 to index
        %get3A_836 = arith.index_cast %scan3A_672 : i32 to index
        %get3A_837 = arith.index_cast %add3A_833 : i32 to index
        %get3A_838 = tpu.vector_load %arg4[%get3A_835, %get3A_836, %get3A_837] {strides = array<i32>} : memref<2x8x4096xf32, #tpu.memory_space<vmem>>, vector<1x1x16xf32>,
        %get3A_839 = vector.shape_cast %get3A_838 : vector<1x1x16xf32> to vector<16xf32>
        %add3A_840 = arith.addf %add3A_829, %get3A_839 : vector<16xf32>
        %mul3A_841 = arith.constant 256 : i32
        %mul3A_842 = arith.muli %scan3A_686, %mul3A_841 : i32
        %add3A_843 = arith.constant 224 : i32
        %add3A_844 = arith.addi %mul3A_842, %add3A_843 : i32
        %get3A_845 = arith.constant 1 : i32
        %get3A_846 = arith.index_cast %get3A_845 : i32 to index
        %get3A_847 = arith.index_cast %scan3A_672 : i32 to index
        %get3A_848 = arith.index_cast %add3A_844 : i32 to index
        %get3A_849 = tpu.vector_load %arg4[%get3A_846, %get3A_847, %get3A_848] {strides = array<i32>} : memref<2x8x4096xf32, #tpu.memory_space<vmem>>, vector<1x1x16xf32>,
        %get3A_850 = vector.shape_cast %get3A_849 : vector<1x1x16xf32> to vector<16xf32>
        %add3A_851 = arith.addf %add3A_840, %get3A_850 : vector<16xf32>
        %mul3A_852 = arith.constant 256 : i32
        %mul3A_853 = arith.muli %scan3A_686, %mul3A_852 : i32
        %add3A_854 = arith.constant 240 : i32
        %add3A_855 = arith.addi %mul3A_853, %add3A_854 : i32
        %get3A_856 = arith.constant 1 : i32
        %get3A_857 = arith.index_cast %get3A_856 : i32 to index
        %get3A_858 = arith.index_cast %scan3A_672 : i32 to index
        %get3A_859 = arith.index_cast %add3A_855 : i32 to index
        %get3A_860 = tpu.vector_load %arg4[%get3A_857, %get3A_858, %get3A_859] {strides = array<i32>} : memref<2x8x4096xf32, #tpu.memory_space<vmem>>, vector<1x1x16xf32>,
        %get3A_861 = vector.shape_cast %get3A_860 : vector<1x1x16xf32> to vector<16xf32>
        %add3A_862 = arith.addf %add3A_851, %get3A_861 : vector<16xf32>
        scf.yield %add3A_862 : vector<16xf32>
      }
      %scan3A_679 = arith.constant 16 : i32
      %add3A_680 = arith.constant 40 : i32
      %add3A_681 = arith.addi %add3A_680, %scan3A_672 : i32
      %swap3A = arith.index_cast %add3A_681 : i32 to index
      %swap3A_682 = arith.constant 0 : index
      %swap3A_683 = tpu.vector_load %arg5[%swap3A, %swap3A_682] {strides = array<i32>} : memref<128x16xf32, #tpu.memory_space<vmem>>, vector<1x16xf32>,
      %swap3A_684 = vector.shape_cast %swap3A_683 : vector<1x16xf32> to vector<16xf32>
      %swap3A_685 = vector.shape_cast %scan3A_678 : vector<16xf32> to vector<1x16xf32>
      tpu.vector_store %arg5[%swap3A, %swap3A_682], %swap3A_685 {strides = array<i32>} : memref<128x16xf32, #tpu.memory_space<vmem>>, vector<1x16xf32>,
    }
    %scan3A_269 = arith.constant 8 : i32
    %add3A_270 = arith.constant 56 : i32
    %add3A_271 = arith.addi %mul3A_2, %add3A_270 : i32
    %dma_start3A_272 = arith.constant 0 : i32
    %dma_start3A_273 = arith.constant 1 : i32
    %dma_start3A_274 = arith.constant 0 : i32
    %dma_start3A_275 = arith.constant 0 : i32
    %dma_start3A_276 = tpu.memref_slice %arg4[%dma_start3A_273, %dma_start3A_274, %dma_start3A_275] : memref<2x8x4096xf32, #tpu.memory_space<vmem>> -> memref<1x8x4096xf32, #tpu.memory_space<vmem>>
    %dma_start3A_277 = tpu.memref_squeeze %dma_start3A_276 : memref<1x8x4096xf32, #tpu.memory_space<vmem>> -> memref<8x4096xf32, #tpu.memory_space<vmem>>
    %dma_start3A_278 = arith.constant 0 : i32
    %dma_start3A_279 = tpu.memref_slice %arg2[%dma_start3A_272, %add3A_271, %dma_start3A_278] : memref<2x4096x4096xf32, #tpu.memory_space<hbm>> -> memref<1x8x4096xf32, #tpu.memory_space<hbm>>
    %dma_start3A_280 = tpu.memref_squeeze %dma_start3A_279 : memref<1x8x4096xf32, #tpu.memory_space<hbm>> -> memref<8x4096xf32, #tpu.memory_space<hbm>>
    %dma_start3A_281 = arith.constant 0 : i32
    %dma_start3A_282 = arith.constant 0 : i32
    %dma_start3A_283 = tpu.memref_slice %arg4[%dma_start3A_273, %dma_start3A_281, %dma_start3A_282] : memref<2x8x4096xf32, #tpu.memory_space<vmem>> -> memref<1x8x4096xf32, #tpu.memory_space<vmem>>
    %dma_start3A_284 = tpu.memref_squeeze %dma_start3A_283 : memref<1x8x4096xf32, #tpu.memory_space<vmem>> -> memref<8x4096xf32, #tpu.memory_space<vmem>>
    %dma_start3A_285 = arith.constant 0 : i32
    %dma_start3A_286 = tpu.memref_slice %arg2[%dma_start3A_272, %add3A_271, %dma_start3A_285] : memref<2x4096x4096xf32, #tpu.memory_space<hbm>> -> memref<1x8x4096xf32, #tpu.memory_space<hbm>>
    %dma_start3A_287 = tpu.memref_squeeze %dma_start3A_286 : memref<1x8x4096xf32, #tpu.memory_space<hbm>> -> memref<8x4096xf32, #tpu.memory_space<hbm>>
    tpu.enqueue_dma source(%dma_start3A_287 : memref<8x4096xf32, #tpu.memory_space<hbm>>) target(%dma_start3A_284 : memref<8x4096xf32, #tpu.memory_space<vmem>>) target_semaphore(%arg7 : memref<!tpu.dma_semaphore, #tpu.memory_space<semaphore_mem>>)
    %add3A_288 = arith.constant 48 : i32
    %add3A_289 = arith.addi %mul3A_2, %add3A_288 : i32
    %dma_wait3A_290 = arith.constant 0 : i32
    %dma_wait3A_291 = arith.constant 0 : i32
    %dma_wait3A_292 = arith.constant 0 : i32
    %dma_wait3A_293 = arith.constant 0 : i32
    %dma_wait3A_294 = tpu.memref_slice %arg4[%dma_wait3A_291, %dma_wait3A_292, %dma_wait3A_293] : memref<2x8x4096xf32, #tpu.memory_space<vmem>> -> memref<1x8x4096xf32, #tpu.memory_space<vmem>>
    %dma_wait3A_295 = tpu.memref_squeeze %dma_wait3A_294 : memref<1x8x4096xf32, #tpu.memory_space<vmem>> -> memref<8x4096xf32, #tpu.memory_space<vmem>>
    %dma_wait3A_296 = arith.constant 0 : i32
    %dma_wait3A_297 = tpu.memref_slice %arg2[%dma_wait3A_290, %add3A_289, %dma_wait3A_296] : memref<2x4096x4096xf32, #tpu.memory_space<hbm>> -> memref<1x8x4096xf32, #tpu.memory_space<hbm>>
    %dma_wait3A_298 = tpu.memref_squeeze %dma_wait3A_297 : memref<1x8x4096xf32, #tpu.memory_space<hbm>> -> memref<8x4096xf32, #tpu.memory_space<hbm>>
    %dma_wait3A_299 = arith.constant 0 : i32
    %dma_wait3A_300 = arith.constant 0 : i32
    %dma_wait3A_301 = tpu.memref_slice %arg4[%dma_wait3A_291, %dma_wait3A_299, %dma_wait3A_300] : memref<2x8x4096xf32, #tpu.memory_space<vmem>> -> memref<1x8x4096xf32, #tpu.memory_space<vmem>>
    %dma_wait3A_302 = tpu.memref_squeeze %dma_wait3A_301 : memref<1x8x4096xf32, #tpu.memory_space<vmem>> -> memref<8x4096xf32, #tpu.memory_space<vmem>>
    %dma_wait3A_303 = arith.constant 0 : i32
    %dma_wait3A_304 = tpu.memref_slice %arg2[%dma_wait3A_290, %add3A_289, %dma_wait3A_303] : memref<2x4096x4096xf32, #tpu.memory_space<hbm>> -> memref<1x8x4096xf32, #tpu.memory_space<hbm>>
    %dma_wait3A_305 = tpu.memref_squeeze %dma_wait3A_304 : memref<1x8x4096xf32, #tpu.memory_space<hbm>> -> memref<8x4096xf32, #tpu.memory_space<hbm>>
    tpu.wait_dma2 semaphore(%arg6 : memref<!tpu.dma_semaphore, #tpu.memory_space<semaphore_mem>>) src(%dma_wait3A_305 : memref<8x4096xf32, #tpu.memory_space<hbm>>) dst(%dma_wait3A_302 : memref<8x4096xf32, #tpu.memory_space<vmem>>)
    %scan3A_306 = arith.constant 0 : i32
    %scan3A_307 = arith.constant 0 : i32
    %scan3A_308 = arith.constant 8 : i32
    %scan3A_309 = arith.addi %scan3A_307, %scan3A_308 : i32
    %scan3A_310 = arith.constant 1 : i32
    scf.for %scan3A_672 = %scan3A_307 to %scan3A_309 step %scan3A_310  : i32 {
      %broadcast_in_dim3A = arith.constant 0.000000e+00 : f32
      %broadcast_in_dim3A_673 = vector.broadcast %broadcast_in_dim3A : f32 to vector<16xf32>
      %scan3A_674 = arith.constant 0 : i32
      %scan3A_675 = arith.constant 16 : i32
      %scan3A_676 = arith.addi %scan3A_674, %scan3A_675 : i32
      %scan3A_677 = arith.constant 1 : i32
      %scan3A_678 = scf.for %scan3A_686 = %scan3A_674 to %scan3A_676 step %scan3A_677 iter_args(%scan3A_687 = %broadcast_in_dim3A_673) -> (vector<16xf32>)  : i32 {
        %mul3A_688 = arith.constant 256 : i32
        %mul3A_689 = arith.muli %scan3A_686, %mul3A_688 : i32
        %add3A_690 = arith.constant 0 : i32
        %add3A_691 = arith.addi %mul3A_689, %add3A_690 : i32
        %get3A = arith.constant 0 : i32
        %get3A_692 = arith.index_cast %get3A : i32 to index
        %get3A_693 = arith.index_cast %scan3A_672 : i32 to index
        %get3A_694 = arith.index_cast %add3A_691 : i32 to index
        %get3A_695 = tpu.vector_load %arg4[%get3A_692, %get3A_693, %get3A_694] {strides = array<i32>} : memref<2x8x4096xf32, #tpu.memory_space<vmem>>, vector<1x1x16xf32>,
        %get3A_696 = vector.shape_cast %get3A_695 : vector<1x1x16xf32> to vector<16xf32>
        %add3A_697 = arith.addf %scan3A_687, %get3A_696 : vector<16xf32>
        %mul3A_698 = arith.constant 256 : i32
        %mul3A_699 = arith.muli %scan3A_686, %mul3A_698 : i32
        %add3A_700 = arith.constant 16 : i32
        %add3A_701 = arith.addi %mul3A_699, %add3A_700 : i32
        %get3A_702 = arith.constant 0 : i32
        %get3A_703 = arith.index_cast %get3A_702 : i32 to index
        %get3A_704 = arith.index_cast %scan3A_672 : i32 to index
        %get3A_705 = arith.index_cast %add3A_701 : i32 to index
        %get3A_706 = tpu.vector_load %arg4[%get3A_703, %get3A_704, %get3A_705] {strides = array<i32>} : memref<2x8x4096xf32, #tpu.memory_space<vmem>>, vector<1x1x16xf32>,
        %get3A_707 = vector.shape_cast %get3A_706 : vector<1x1x16xf32> to vector<16xf32>
        %add3A_708 = arith.addf %add3A_697, %get3A_707 : vector<16xf32>
        %mul3A_709 = arith.constant 256 : i32
        %mul3A_710 = arith.muli %scan3A_686, %mul3A_709 : i32
        %add3A_711 = arith.constant 32 : i32
        %add3A_712 = arith.addi %mul3A_710, %add3A_711 : i32
        %get3A_713 = arith.constant 0 : i32
        %get3A_714 = arith.index_cast %get3A_713 : i32 to index
        %get3A_715 = arith.index_cast %scan3A_672 : i32 to index
        %get3A_716 = arith.index_cast %add3A_712 : i32 to index
        %get3A_717 = tpu.vector_load %arg4[%get3A_714, %get3A_715, %get3A_716] {strides = array<i32>} : memref<2x8x4096xf32, #tpu.memory_space<vmem>>, vector<1x1x16xf32>,
        %get3A_718 = vector.shape_cast %get3A_717 : vector<1x1x16xf32> to vector<16xf32>
        %add3A_719 = arith.addf %add3A_708, %get3A_718 : vector<16xf32>
        %mul3A_720 = arith.constant 256 : i32
        %mul3A_721 = arith.muli %scan3A_686, %mul3A_720 : i32
        %add3A_722 = arith.constant 48 : i32
        %add3A_723 = arith.addi %mul3A_721, %add3A_722 : i32
        %get3A_724 = arith.constant 0 : i32
        %get3A_725 = arith.index_cast %get3A_724 : i32 to index
        %get3A_726 = arith.index_cast %scan3A_672 : i32 to index
        %get3A_727 = arith.index_cast %add3A_723 : i32 to index
        %get3A_728 = tpu.vector_load %arg4[%get3A_725, %get3A_726, %get3A_727] {strides = array<i32>} : memref<2x8x4096xf32, #tpu.memory_space<vmem>>, vector<1x1x16xf32>,
        %get3A_729 = vector.shape_cast %get3A_728 : vector<1x1x16xf32> to vector<16xf32>
        %add3A_730 = arith.addf %add3A_719, %get3A_729 : vector<16xf32>
        %mul3A_731 = arith.constant 256 : i32
        %mul3A_732 = arith.muli %scan3A_686, %mul3A_731 : i32
        %add3A_733 = arith.constant 64 : i32
        %add3A_734 = arith.addi %mul3A_732, %add3A_733 : i32
        %get3A_735 = arith.constant 0 : i32
        %get3A_736 = arith.index_cast %get3A_735 : i32 to index
        %get3A_737 = arith.index_cast %scan3A_672 : i32 to index
        %get3A_738 = arith.index_cast %add3A_734 : i32 to index
        %get3A_739 = tpu.vector_load %arg4[%get3A_736, %get3A_737, %get3A_738] {strides = array<i32>} : memref<2x8x4096xf32, #tpu.memory_space<vmem>>, vector<1x1x16xf32>,
        %get3A_740 = vector.shape_cast %get3A_739 : vector<1x1x16xf32> to vector<16xf32>
        %add3A_741 = arith.addf %add3A_730, %get3A_740 : vector<16xf32>
        %mul3A_742 = arith.constant 256 : i32
        %mul3A_743 = arith.muli %scan3A_686, %mul3A_742 : i32
        %add3A_744 = arith.constant 80 : i32
        %add3A_745 = arith.addi %mul3A_743, %add3A_744 : i32
        %get3A_746 = arith.constant 0 : i32
        %get3A_747 = arith.index_cast %get3A_746 : i32 to index
        %get3A_748 = arith.index_cast %scan3A_672 : i32 to index
        %get3A_749 = arith.index_cast %add3A_745 : i32 to index
        %get3A_750 = tpu.vector_load %arg4[%get3A_747, %get3A_748, %get3A_749] {strides = array<i32>} : memref<2x8x4096xf32, #tpu.memory_space<vmem>>, vector<1x1x16xf32>,
        %get3A_751 = vector.shape_cast %get3A_750 : vector<1x1x16xf32> to vector<16xf32>
        %add3A_752 = arith.addf %add3A_741, %get3A_751 : vector<16xf32>
        %mul3A_753 = arith.constant 256 : i32
        %mul3A_754 = arith.muli %scan3A_686, %mul3A_753 : i32
        %add3A_755 = arith.constant 96 : i32
        %add3A_756 = arith.addi %mul3A_754, %add3A_755 : i32
        %get3A_757 = arith.constant 0 : i32
        %get3A_758 = arith.index_cast %get3A_757 : i32 to index
        %get3A_759 = arith.index_cast %scan3A_672 : i32 to index
        %get3A_760 = arith.index_cast %add3A_756 : i32 to index
        %get3A_761 = tpu.vector_load %arg4[%get3A_758, %get3A_759, %get3A_760] {strides = array<i32>} : memref<2x8x4096xf32, #tpu.memory_space<vmem>>, vector<1x1x16xf32>,
        %get3A_762 = vector.shape_cast %get3A_761 : vector<1x1x16xf32> to vector<16xf32>
        %add3A_763 = arith.addf %add3A_752, %get3A_762 : vector<16xf32>
        %mul3A_764 = arith.constant 256 : i32
        %mul3A_765 = arith.muli %scan3A_686, %mul3A_764 : i32
        %add3A_766 = arith.constant 112 : i32
        %add3A_767 = arith.addi %mul3A_765, %add3A_766 : i32
        %get3A_768 = arith.constant 0 : i32
        %get3A_769 = arith.index_cast %get3A_768 : i32 to index
        %get3A_770 = arith.index_cast %scan3A_672 : i32 to index
        %get3A_771 = arith.index_cast %add3A_767 : i32 to index
        %get3A_772 = tpu.vector_load %arg4[%get3A_769, %get3A_770, %get3A_771] {strides = array<i32>} : memref<2x8x4096xf32, #tpu.memory_space<vmem>>, vector<1x1x16xf32>,
        %get3A_773 = vector.shape_cast %get3A_772 : vector<1x1x16xf32> to vector<16xf32>
        %add3A_774 = arith.addf %add3A_763, %get3A_773 : vector<16xf32>
        %mul3A_775 = arith.constant 256 : i32
        %mul3A_776 = arith.muli %scan3A_686, %mul3A_775 : i32
        %add3A_777 = arith.constant 128 : i32
        %add3A_778 = arith.addi %mul3A_776, %add3A_777 : i32
        %get3A_779 = arith.constant 0 : i32
        %get3A_780 = arith.index_cast %get3A_779 : i32 to index
        %get3A_781 = arith.index_cast %scan3A_672 : i32 to index
        %get3A_782 = arith.index_cast %add3A_778 : i32 to index
        %get3A_783 = tpu.vector_load %arg4[%get3A_780, %get3A_781, %get3A_782] {strides = array<i32>} : memref<2x8x4096xf32, #tpu.memory_space<vmem>>, vector<1x1x16xf32>,
        %get3A_784 = vector.shape_cast %get3A_783 : vector<1x1x16xf32> to vector<16xf32>
        %add3A_785 = arith.addf %add3A_774, %get3A_784 : vector<16xf32>
        %mul3A_786 = arith.constant 256 : i32
        %mul3A_787 = arith.muli %scan3A_686, %mul3A_786 : i32
        %add3A_788 = arith.constant 144 : i32
        %add3A_789 = arith.addi %mul3A_787, %add3A_788 : i32
        %get3A_790 = arith.constant 0 : i32
        %get3A_791 = arith.index_cast %get3A_790 : i32 to index
        %get3A_792 = arith.index_cast %scan3A_672 : i32 to index
        %get3A_793 = arith.index_cast %add3A_789 : i32 to index
        %get3A_794 = tpu.vector_load %arg4[%get3A_791, %get3A_792, %get3A_793] {strides = array<i32>} : memref<2x8x4096xf32, #tpu.memory_space<vmem>>, vector<1x1x16xf32>,
        %get3A_795 = vector.shape_cast %get3A_794 : vector<1x1x16xf32> to vector<16xf32>
        %add3A_796 = arith.addf %add3A_785, %get3A_795 : vector<16xf32>
        %mul3A_797 = arith.constant 256 : i32
        %mul3A_798 = arith.muli %scan3A_686, %mul3A_797 : i32
        %add3A_799 = arith.constant 160 : i32
        %add3A_800 = arith.addi %mul3A_798, %add3A_799 : i32
        %get3A_801 = arith.constant 0 : i32
        %get3A_802 = arith.index_cast %get3A_801 : i32 to index
        %get3A_803 = arith.index_cast %scan3A_672 : i32 to index
        %get3A_804 = arith.index_cast %add3A_800 : i32 to index
        %get3A_805 = tpu.vector_load %arg4[%get3A_802, %get3A_803, %get3A_804] {strides = array<i32>} : memref<2x8x4096xf32, #tpu.memory_space<vmem>>, vector<1x1x16xf32>,
        %get3A_806 = vector.shape_cast %get3A_805 : vector<1x1x16xf32> to vector<16xf32>
        %add3A_807 = arith.addf %add3A_796, %get3A_806 : vector<16xf32>
        %mul3A_808 = arith.constant 256 : i32
        %mul3A_809 = arith.muli %scan3A_686, %mul3A_808 : i32
        %add3A_810 = arith.constant 176 : i32
        %add3A_811 = arith.addi %mul3A_809, %add3A_810 : i32
        %get3A_812 = arith.constant 0 : i32
        %get3A_813 = arith.index_cast %get3A_812 : i32 to index
        %get3A_814 = arith.index_cast %scan3A_672 : i32 to index
        %get3A_815 = arith.index_cast %add3A_811 : i32 to index
        %get3A_816 = tpu.vector_load %arg4[%get3A_813, %get3A_814, %get3A_815] {strides = array<i32>} : memref<2x8x4096xf32, #tpu.memory_space<vmem>>, vector<1x1x16xf32>,
        %get3A_817 = vector.shape_cast %get3A_816 : vector<1x1x16xf32> to vector<16xf32>
        %add3A_818 = arith.addf %add3A_807, %get3A_817 : vector<16xf32>
        %mul3A_819 = arith.constant 256 : i32
        %mul3A_820 = arith.muli %scan3A_686, %mul3A_819 : i32
        %add3A_821 = arith.constant 192 : i32
        %add3A_822 = arith.addi %mul3A_820, %add3A_821 : i32
        %get3A_823 = arith.constant 0 : i32
        %get3A_824 = arith.index_cast %get3A_823 : i32 to index
        %get3A_825 = arith.index_cast %scan3A_672 : i32 to index
        %get3A_826 = arith.index_cast %add3A_822 : i32 to index
        %get3A_827 = tpu.vector_load %arg4[%get3A_824, %get3A_825, %get3A_826] {strides = array<i32>} : memref<2x8x4096xf32, #tpu.memory_space<vmem>>, vector<1x1x16xf32>,
        %get3A_828 = vector.shape_cast %get3A_827 : vector<1x1x16xf32> to vector<16xf32>
        %add3A_829 = arith.addf %add3A_818, %get3A_828 : vector<16xf32>
        %mul3A_830 = arith.constant 256 : i32
        %mul3A_831 = arith.muli %scan3A_686, %mul3A_830 : i32
        %add3A_832 = arith.constant 208 : i32
        %add3A_833 = arith.addi %mul3A_831, %add3A_832 : i32
        %get3A_834 = arith.constant 0 : i32
        %get3A_835 = arith.index_cast %get3A_834 : i32 to index
        %get3A_836 = arith.index_cast %scan3A_672 : i32 to index
        %get3A_837 = arith.index_cast %add3A_833 : i32 to index
        %get3A_838 = tpu.vector_load %arg4[%get3A_835, %get3A_836, %get3A_837] {strides = array<i32>} : memref<2x8x4096xf32, #tpu.memory_space<vmem>>, vector<1x1x16xf32>,
        %get3A_839 = vector.shape_cast %get3A_838 : vector<1x1x16xf32> to vector<16xf32>
        %add3A_840 = arith.addf %add3A_829, %get3A_839 : vector<16xf32>
        %mul3A_841 = arith.constant 256 : i32
        %mul3A_842 = arith.muli %scan3A_686, %mul3A_841 : i32
        %add3A_843 = arith.constant 224 : i32
        %add3A_844 = arith.addi %mul3A_842, %add3A_843 : i32
        %get3A_845 = arith.constant 0 : i32
        %get3A_846 = arith.index_cast %get3A_845 : i32 to index
        %get3A_847 = arith.index_cast %scan3A_672 : i32 to index
        %get3A_848 = arith.index_cast %add3A_844 : i32 to index
        %get3A_849 = tpu.vector_load %arg4[%get3A_846, %get3A_847, %get3A_848] {strides = array<i32>} : memref<2x8x4096xf32, #tpu.memory_space<vmem>>, vector<1x1x16xf32>,
        %get3A_850 = vector.shape_cast %get3A_849 : vector<1x1x16xf32> to vector<16xf32>
        %add3A_851 = arith.addf %add3A_840, %get3A_850 : vector<16xf32>
        %mul3A_852 = arith.constant 256 : i32
        %mul3A_853 = arith.muli %scan3A_686, %mul3A_852 : i32
        %add3A_854 = arith.constant 240 : i32
        %add3A_855 = arith.addi %mul3A_853, %add3A_854 : i32
        %get3A_856 = arith.constant 0 : i32
        %get3A_857 = arith.index_cast %get3A_856 : i32 to index
        %get3A_858 = arith.index_cast %scan3A_672 : i32 to index
        %get3A_859 = arith.index_cast %add3A_855 : i32 to index
        %get3A_860 = tpu.vector_load %arg4[%get3A_857, %get3A_858, %get3A_859] {strides = array<i32>} : memref<2x8x4096xf32, #tpu.memory_space<vmem>>, vector<1x1x16xf32>,
        %get3A_861 = vector.shape_cast %get3A_860 : vector<1x1x16xf32> to vector<16xf32>
        %add3A_862 = arith.addf %add3A_851, %get3A_861 : vector<16xf32>
        scf.yield %add3A_862 : vector<16xf32>
      }
      %scan3A_679 = arith.constant 16 : i32
      %add3A_680 = arith.constant 48 : i32
      %add3A_681 = arith.addi %add3A_680, %scan3A_672 : i32
      %swap3A = arith.index_cast %add3A_681 : i32 to index
      %swap3A_682 = arith.constant 0 : index
      %swap3A_683 = tpu.vector_load %arg5[%swap3A, %swap3A_682] {strides = array<i32>} : memref<128x16xf32, #tpu.memory_space<vmem>>, vector<1x16xf32>,
      %swap3A_684 = vector.shape_cast %swap3A_683 : vector<1x16xf32> to vector<16xf32>
      %swap3A_685 = vector.shape_cast %scan3A_678 : vector<16xf32> to vector<1x16xf32>
      tpu.vector_store %arg5[%swap3A, %swap3A_682], %swap3A_685 {strides = array<i32>} : memref<128x16xf32, #tpu.memory_space<vmem>>, vector<1x16xf32>,
    }
    %scan3A_311 = arith.constant 8 : i32
    %add3A_312 = arith.constant 64 : i32
    %add3A_313 = arith.addi %mul3A_2, %add3A_312 : i32
    %dma_start3A_314 = arith.constant 0 : i32
    %dma_start3A_315 = arith.constant 0 : i32
    %dma_start3A_316 = arith.constant 0 : i32
    %dma_start3A_317 = arith.constant 0 : i32
    %dma_start3A_318 = tpu.memref_slice %arg4[%dma_start3A_315, %dma_start3A_316, %dma_start3A_317] : memref<2x8x4096xf32, #tpu.memory_space<vmem>> -> memref<1x8x4096xf32, #tpu.memory_space<vmem>>
    %dma_start3A_319 = tpu.memref_squeeze %dma_start3A_318 : memref<1x8x4096xf32, #tpu.memory_space<vmem>> -> memref<8x4096xf32, #tpu.memory_space<vmem>>
    %dma_start3A_320 = arith.constant 0 : i32
    %dma_start3A_321 = tpu.memref_slice %arg2[%dma_start3A_314, %add3A_313, %dma_start3A_320] : memref<2x4096x4096xf32, #tpu.memory_space<hbm>> -> memref<1x8x4096xf32, #tpu.memory_space<hbm>>
    %dma_start3A_322 = tpu.memref_squeeze %dma_start3A_321 : memref<1x8x4096xf32, #tpu.memory_space<hbm>> -> memref<8x4096xf32, #tpu.memory_space<hbm>>
    %dma_start3A_323 = arith.constant 0 : i32
    %dma_start3A_324 = arith.constant 0 : i32
    %dma_start3A_325 = tpu.memref_slice %arg4[%dma_start3A_315, %dma_start3A_323, %dma_start3A_324] : memref<2x8x4096xf32, #tpu.memory_space<vmem>> -> memref<1x8x4096xf32, #tpu.memory_space<vmem>>
    %dma_start3A_326 = tpu.memref_squeeze %dma_start3A_325 : memref<1x8x4096xf32, #tpu.memory_space<vmem>> -> memref<8x4096xf32, #tpu.memory_space<vmem>>
    %dma_start3A_327 = arith.constant 0 : i32
    %dma_start3A_328 = tpu.memref_slice %arg2[%dma_start3A_314, %add3A_313, %dma_start3A_327] : memref<2x4096x4096xf32, #tpu.memory_space<hbm>> -> memref<1x8x4096xf32, #tpu.memory_space<hbm>>
    %dma_start3A_329 = tpu.memref_squeeze %dma_start3A_328 : memref<1x8x4096xf32, #tpu.memory_space<hbm>> -> memref<8x4096xf32, #tpu.memory_space<hbm>>
    tpu.enqueue_dma source(%dma_start3A_329 : memref<8x4096xf32, #tpu.memory_space<hbm>>) target(%dma_start3A_326 : memref<8x4096xf32, #tpu.memory_space<vmem>>) target_semaphore(%arg6 : memref<!tpu.dma_semaphore, #tpu.memory_space<semaphore_mem>>)
    %add3A_330 = arith.constant 56 : i32
    %add3A_331 = arith.addi %mul3A_2, %add3A_330 : i32
    %dma_wait3A_332 = arith.constant 0 : i32
    %dma_wait3A_333 = arith.constant 1 : i32
    %dma_wait3A_334 = arith.constant 0 : i32
    %dma_wait3A_335 = arith.constant 0 : i32
    %dma_wait3A_336 = tpu.memref_slice %arg4[%dma_wait3A_333, %dma_wait3A_334, %dma_wait3A_335] : memref<2x8x4096xf32, #tpu.memory_space<vmem>> -> memref<1x8x4096xf32, #tpu.memory_space<vmem>>
    %dma_wait3A_337 = tpu.memref_squeeze %dma_wait3A_336 : memref<1x8x4096xf32, #tpu.memory_space<vmem>> -> memref<8x4096xf32, #tpu.memory_space<vmem>>
    %dma_wait3A_338 = arith.constant 0 : i32
    %dma_wait3A_339 = tpu.memref_slice %arg2[%dma_wait3A_332, %add3A_331, %dma_wait3A_338] : memref<2x4096x4096xf32, #tpu.memory_space<hbm>> -> memref<1x8x4096xf32, #tpu.memory_space<hbm>>
    %dma_wait3A_340 = tpu.memref_squeeze %dma_wait3A_339 : memref<1x8x4096xf32, #tpu.memory_space<hbm>> -> memref<8x4096xf32, #tpu.memory_space<hbm>>
    %dma_wait3A_341 = arith.constant 0 : i32
    %dma_wait3A_342 = arith.constant 0 : i32
    %dma_wait3A_343 = tpu.memref_slice %arg4[%dma_wait3A_333, %dma_wait3A_341, %dma_wait3A_342] : memref<2x8x4096xf32, #tpu.memory_space<vmem>> -> memref<1x8x4096xf32, #tpu.memory_space<vmem>>
    %dma_wait3A_344 = tpu.memref_squeeze %dma_wait3A_343 : memref<1x8x4096xf32, #tpu.memory_space<vmem>> -> memref<8x4096xf32, #tpu.memory_space<vmem>>
    %dma_wait3A_345 = arith.constant 0 : i32
    %dma_wait3A_346 = tpu.memref_slice %arg2[%dma_wait3A_332, %add3A_331, %dma_wait3A_345] : memref<2x4096x4096xf32, #tpu.memory_space<hbm>> -> memref<1x8x4096xf32, #tpu.memory_space<hbm>>
    %dma_wait3A_347 = tpu.memref_squeeze %dma_wait3A_346 : memref<1x8x4096xf32, #tpu.memory_space<hbm>> -> memref<8x4096xf32, #tpu.memory_space<hbm>>
    tpu.wait_dma2 semaphore(%arg7 : memref<!tpu.dma_semaphore, #tpu.memory_space<semaphore_mem>>) src(%dma_wait3A_347 : memref<8x4096xf32, #tpu.memory_space<hbm>>) dst(%dma_wait3A_344 : memref<8x4096xf32, #tpu.memory_space<vmem>>)
    %scan3A_348 = arith.constant 0 : i32
    %scan3A_349 = arith.constant 0 : i32
    %scan3A_350 = arith.constant 8 : i32
    %scan3A_351 = arith.addi %scan3A_349, %scan3A_350 : i32
    %scan3A_352 = arith.constant 1 : i32
    scf.for %scan3A_672 = %scan3A_349 to %scan3A_351 step %scan3A_352  : i32 {
      %broadcast_in_dim3A = arith.constant 0.000000e+00 : f32
      %broadcast_in_dim3A_673 = vector.broadcast %broadcast_in_dim3A : f32 to vector<16xf32>
      %scan3A_674 = arith.constant 0 : i32
      %scan3A_675 = arith.constant 16 : i32
      %scan3A_676 = arith.addi %scan3A_674, %scan3A_675 : i32
      %scan3A_677 = arith.constant 1 : i32
      %scan3A_678 = scf.for %scan3A_686 = %scan3A_674 to %scan3A_676 step %scan3A_677 iter_args(%scan3A_687 = %broadcast_in_dim3A_673) -> (vector<16xf32>)  : i32 {
        %mul3A_688 = arith.constant 256 : i32
        %mul3A_689 = arith.muli %scan3A_686, %mul3A_688 : i32
        %add3A_690 = arith.constant 0 : i32
        %add3A_691 = arith.addi %mul3A_689, %add3A_690 : i32
        %get3A = arith.constant 1 : i32
        %get3A_692 = arith.index_cast %get3A : i32 to index
        %get3A_693 = arith.index_cast %scan3A_672 : i32 to index
        %get3A_694 = arith.index_cast %add3A_691 : i32 to index
        %get3A_695 = tpu.vector_load %arg4[%get3A_692, %get3A_693, %get3A_694] {strides = array<i32>} : memref<2x8x4096xf32, #tpu.memory_space<vmem>>, vector<1x1x16xf32>,
        %get3A_696 = vector.shape_cast %get3A_695 : vector<1x1x16xf32> to vector<16xf32>
        %add3A_697 = arith.addf %scan3A_687, %get3A_696 : vector<16xf32>
        %mul3A_698 = arith.constant 256 : i32
        %mul3A_699 = arith.muli %scan3A_686, %mul3A_698 : i32
        %add3A_700 = arith.constant 16 : i32
        %add3A_701 = arith.addi %mul3A_699, %add3A_700 : i32
        %get3A_702 = arith.constant 1 : i32
        %get3A_703 = arith.index_cast %get3A_702 : i32 to index
        %get3A_704 = arith.index_cast %scan3A_672 : i32 to index
        %get3A_705 = arith.index_cast %add3A_701 : i32 to index
        %get3A_706 = tpu.vector_load %arg4[%get3A_703, %get3A_704, %get3A_705] {strides = array<i32>} : memref<2x8x4096xf32, #tpu.memory_space<vmem>>, vector<1x1x16xf32>,
        %get3A_707 = vector.shape_cast %get3A_706 : vector<1x1x16xf32> to vector<16xf32>
        %add3A_708 = arith.addf %add3A_697, %get3A_707 : vector<16xf32>
        %mul3A_709 = arith.constant 256 : i32
        %mul3A_710 = arith.muli %scan3A_686, %mul3A_709 : i32
        %add3A_711 = arith.constant 32 : i32
        %add3A_712 = arith.addi %mul3A_710, %add3A_711 : i32
        %get3A_713 = arith.constant 1 : i32
        %get3A_714 = arith.index_cast %get3A_713 : i32 to index
        %get3A_715 = arith.index_cast %scan3A_672 : i32 to index
        %get3A_716 = arith.index_cast %add3A_712 : i32 to index
        %get3A_717 = tpu.vector_load %arg4[%get3A_714, %get3A_715, %get3A_716] {strides = array<i32>} : memref<2x8x4096xf32, #tpu.memory_space<vmem>>, vector<1x1x16xf32>,
        %get3A_718 = vector.shape_cast %get3A_717 : vector<1x1x16xf32> to vector<16xf32>
        %add3A_719 = arith.addf %add3A_708, %get3A_718 : vector<16xf32>
        %mul3A_720 = arith.constant 256 : i32
        %mul3A_721 = arith.muli %scan3A_686, %mul3A_720 : i32
        %add3A_722 = arith.constant 48 : i32
        %add3A_723 = arith.addi %mul3A_721, %add3A_722 : i32
        %get3A_724 = arith.constant 1 : i32
        %get3A_725 = arith.index_cast %get3A_724 : i32 to index
        %get3A_726 = arith.index_cast %scan3A_672 : i32 to index
        %get3A_727 = arith.index_cast %add3A_723 : i32 to index
        %get3A_728 = tpu.vector_load %arg4[%get3A_725, %get3A_726, %get3A_727] {strides = array<i32>} : memref<2x8x4096xf32, #tpu.memory_space<vmem>>, vector<1x1x16xf32>,
        %get3A_729 = vector.shape_cast %get3A_728 : vector<1x1x16xf32> to vector<16xf32>
        %add3A_730 = arith.addf %add3A_719, %get3A_729 : vector<16xf32>
        %mul3A_731 = arith.constant 256 : i32
        %mul3A_732 = arith.muli %scan3A_686, %mul3A_731 : i32
        %add3A_733 = arith.constant 64 : i32
        %add3A_734 = arith.addi %mul3A_732, %add3A_733 : i32
        %get3A_735 = arith.constant 1 : i32
        %get3A_736 = arith.index_cast %get3A_735 : i32 to index
        %get3A_737 = arith.index_cast %scan3A_672 : i32 to index
        %get3A_738 = arith.index_cast %add3A_734 : i32 to index
        %get3A_739 = tpu.vector_load %arg4[%get3A_736, %get3A_737, %get3A_738] {strides = array<i32>} : memref<2x8x4096xf32, #tpu.memory_space<vmem>>, vector<1x1x16xf32>,
        %get3A_740 = vector.shape_cast %get3A_739 : vector<1x1x16xf32> to vector<16xf32>
        %add3A_741 = arith.addf %add3A_730, %get3A_740 : vector<16xf32>
        %mul3A_742 = arith.constant 256 : i32
        %mul3A_743 = arith.muli %scan3A_686, %mul3A_742 : i32
        %add3A_744 = arith.constant 80 : i32
        %add3A_745 = arith.addi %mul3A_743, %add3A_744 : i32
        %get3A_746 = arith.constant 1 : i32
        %get3A_747 = arith.index_cast %get3A_746 : i32 to index
        %get3A_748 = arith.index_cast %scan3A_672 : i32 to index
        %get3A_749 = arith.index_cast %add3A_745 : i32 to index
        %get3A_750 = tpu.vector_load %arg4[%get3A_747, %get3A_748, %get3A_749] {strides = array<i32>} : memref<2x8x4096xf32, #tpu.memory_space<vmem>>, vector<1x1x16xf32>,
        %get3A_751 = vector.shape_cast %get3A_750 : vector<1x1x16xf32> to vector<16xf32>
        %add3A_752 = arith.addf %add3A_741, %get3A_751 : vector<16xf32>
        %mul3A_753 = arith.constant 256 : i32
        %mul3A_754 = arith.muli %scan3A_686, %mul3A_753 : i32
        %add3A_755 = arith.constant 96 : i32
        %add3A_756 = arith.addi %mul3A_754, %add3A_755 : i32
        %get3A_757 = arith.constant 1 : i32
        %get3A_758 = arith.index_cast %get3A_757 : i32 to index
        %get3A_759 = arith.index_cast %scan3A_672 : i32 to index
        %get3A_760 = arith.index_cast %add3A_756 : i32 to index
        %get3A_761 = tpu.vector_load %arg4[%get3A_758, %get3A_759, %get3A_760] {strides = array<i32>} : memref<2x8x4096xf32, #tpu.memory_space<vmem>>, vector<1x1x16xf32>,
        %get3A_762 = vector.shape_cast %get3A_761 : vector<1x1x16xf32> to vector<16xf32>
        %add3A_763 = arith.addf %add3A_752, %get3A_762 : vector<16xf32>
        %mul3A_764 = arith.constant 256 : i32
        %mul3A_765 = arith.muli %scan3A_686, %mul3A_764 : i32
        %add3A_766 = arith.constant 112 : i32
        %add3A_767 = arith.addi %mul3A_765, %add3A_766 : i32
        %get3A_768 = arith.constant 1 : i32
        %get3A_769 = arith.index_cast %get3A_768 : i32 to index
        %get3A_770 = arith.index_cast %scan3A_672 : i32 to index
        %get3A_771 = arith.index_cast %add3A_767 : i32 to index
        %get3A_772 = tpu.vector_load %arg4[%get3A_769, %get3A_770, %get3A_771] {strides = array<i32>} : memref<2x8x4096xf32, #tpu.memory_space<vmem>>, vector<1x1x16xf32>,
        %get3A_773 = vector.shape_cast %get3A_772 : vector<1x1x16xf32> to vector<16xf32>
        %add3A_774 = arith.addf %add3A_763, %get3A_773 : vector<16xf32>
        %mul3A_775 = arith.constant 256 : i32
        %mul3A_776 = arith.muli %scan3A_686, %mul3A_775 : i32
        %add3A_777 = arith.constant 128 : i32
        %add3A_778 = arith.addi %mul3A_776, %add3A_777 : i32
        %get3A_779 = arith.constant 1 : i32
        %get3A_780 = arith.index_cast %get3A_779 : i32 to index
        %get3A_781 = arith.index_cast %scan3A_672 : i32 to index
        %get3A_782 = arith.index_cast %add3A_778 : i32 to index
        %get3A_783 = tpu.vector_load %arg4[%get3A_780, %get3A_781, %get3A_782] {strides = array<i32>} : memref<2x8x4096xf32, #tpu.memory_space<vmem>>, vector<1x1x16xf32>,
        %get3A_784 = vector.shape_cast %get3A_783 : vector<1x1x16xf32> to vector<16xf32>
        %add3A_785 = arith.addf %add3A_774, %get3A_784 : vector<16xf32>
        %mul3A_786 = arith.constant 256 : i32
        %mul3A_787 = arith.muli %scan3A_686, %mul3A_786 : i32
        %add3A_788 = arith.constant 144 : i32
        %add3A_789 = arith.addi %mul3A_787, %add3A_788 : i32
        %get3A_790 = arith.constant 1 : i32
        %get3A_791 = arith.index_cast %get3A_790 : i32 to index
        %get3A_792 = arith.index_cast %scan3A_672 : i32 to index
        %get3A_793 = arith.index_cast %add3A_789 : i32 to index
        %get3A_794 = tpu.vector_load %arg4[%get3A_791, %get3A_792, %get3A_793] {strides = array<i32>} : memref<2x8x4096xf32, #tpu.memory_space<vmem>>, vector<1x1x16xf32>,
        %get3A_795 = vector.shape_cast %get3A_794 : vector<1x1x16xf32> to vector<16xf32>
        %add3A_796 = arith.addf %add3A_785, %get3A_795 : vector<16xf32>
        %mul3A_797 = arith.constant 256 : i32
        %mul3A_798 = arith.muli %scan3A_686, %mul3A_797 : i32
        %add3A_799 = arith.constant 160 : i32
        %add3A_800 = arith.addi %mul3A_798, %add3A_799 : i32
        %get3A_801 = arith.constant 1 : i32
        %get3A_802 = arith.index_cast %get3A_801 : i32 to index
        %get3A_803 = arith.index_cast %scan3A_672 : i32 to index
        %get3A_804 = arith.index_cast %add3A_800 : i32 to index
        %get3A_805 = tpu.vector_load %arg4[%get3A_802, %get3A_803, %get3A_804] {strides = array<i32>} : memref<2x8x4096xf32, #tpu.memory_space<vmem>>, vector<1x1x16xf32>,
        %get3A_806 = vector.shape_cast %get3A_805 : vector<1x1x16xf32> to vector<16xf32>
        %add3A_807 = arith.addf %add3A_796, %get3A_806 : vector<16xf32>
        %mul3A_808 = arith.constant 256 : i32
        %mul3A_809 = arith.muli %scan3A_686, %mul3A_808 : i32
        %add3A_810 = arith.constant 176 : i32
        %add3A_811 = arith.addi %mul3A_809, %add3A_810 : i32
        %get3A_812 = arith.constant 1 : i32
        %get3A_813 = arith.index_cast %get3A_812 : i32 to index
        %get3A_814 = arith.index_cast %scan3A_672 : i32 to index
        %get3A_815 = arith.index_cast %add3A_811 : i32 to index
        %get3A_816 = tpu.vector_load %arg4[%get3A_813, %get3A_814, %get3A_815] {strides = array<i32>} : memref<2x8x4096xf32, #tpu.memory_space<vmem>>, vector<1x1x16xf32>,
        %get3A_817 = vector.shape_cast %get3A_816 : vector<1x1x16xf32> to vector<16xf32>
        %add3A_818 = arith.addf %add3A_807, %get3A_817 : vector<16xf32>
        %mul3A_819 = arith.constant 256 : i32
        %mul3A_820 = arith.muli %scan3A_686, %mul3A_819 : i32
        %add3A_821 = arith.constant 192 : i32
        %add3A_822 = arith.addi %mul3A_820, %add3A_821 : i32
        %get3A_823 = arith.constant 1 : i32
        %get3A_824 = arith.index_cast %get3A_823 : i32 to index
        %get3A_825 = arith.index_cast %scan3A_672 : i32 to index
        %get3A_826 = arith.index_cast %add3A_822 : i32 to index
        %get3A_827 = tpu.vector_load %arg4[%get3A_824, %get3A_825, %get3A_826] {strides = array<i32>} : memref<2x8x4096xf32, #tpu.memory_space<vmem>>, vector<1x1x16xf32>,
        %get3A_828 = vector.shape_cast %get3A_827 : vector<1x1x16xf32> to vector<16xf32>
        %add3A_829 = arith.addf %add3A_818, %get3A_828 : vector<16xf32>
        %mul3A_830 = arith.constant 256 : i32
        %mul3A_831 = arith.muli %scan3A_686, %mul3A_830 : i32
        %add3A_832 = arith.constant 208 : i32
        %add3A_833 = arith.addi %mul3A_831, %add3A_832 : i32
        %get3A_834 = arith.constant 1 : i32
        %get3A_835 = arith.index_cast %get3A_834 : i32 to index
        %get3A_836 = arith.index_cast %scan3A_672 : i32 to index
        %get3A_837 = arith.index_cast %add3A_833 : i32 to index
        %get3A_838 = tpu.vector_load %arg4[%get3A_835, %get3A_836, %get3A_837] {strides = array<i32>} : memref<2x8x4096xf32, #tpu.memory_space<vmem>>, vector<1x1x16xf32>,
        %get3A_839 = vector.shape_cast %get3A_838 : vector<1x1x16xf32> to vector<16xf32>
        %add3A_840 = arith.addf %add3A_829, %get3A_839 : vector<16xf32>
        %mul3A_841 = arith.constant 256 : i32
        %mul3A_842 = arith.muli %scan3A_686, %mul3A_841 : i32
        %add3A_843 = arith.constant 224 : i32
        %add3A_844 = arith.addi %mul3A_842, %add3A_843 : i32
        %get3A_845 = arith.constant 1 : i32
        %get3A_846 = arith.index_cast %get3A_845 : i32 to index
        %get3A_847 = arith.index_cast %scan3A_672 : i32 to index
        %get3A_848 = arith.index_cast %add3A_844 : i32 to index
        %get3A_849 = tpu.vector_load %arg4[%get3A_846, %get3A_847, %get3A_848] {strides = array<i32>} : memref<2x8x4096xf32, #tpu.memory_space<vmem>>, vector<1x1x16xf32>,
        %get3A_850 = vector.shape_cast %get3A_849 : vector<1x1x16xf32> to vector<16xf32>
        %add3A_851 = arith.addf %add3A_840, %get3A_850 : vector<16xf32>
        %mul3A_852 = arith.constant 256 : i32
        %mul3A_853 = arith.muli %scan3A_686, %mul3A_852 : i32
        %add3A_854 = arith.constant 240 : i32
        %add3A_855 = arith.addi %mul3A_853, %add3A_854 : i32
        %get3A_856 = arith.constant 1 : i32
        %get3A_857 = arith.index_cast %get3A_856 : i32 to index
        %get3A_858 = arith.index_cast %scan3A_672 : i32 to index
        %get3A_859 = arith.index_cast %add3A_855 : i32 to index
        %get3A_860 = tpu.vector_load %arg4[%get3A_857, %get3A_858, %get3A_859] {strides = array<i32>} : memref<2x8x4096xf32, #tpu.memory_space<vmem>>, vector<1x1x16xf32>,
        %get3A_861 = vector.shape_cast %get3A_860 : vector<1x1x16xf32> to vector<16xf32>
        %add3A_862 = arith.addf %add3A_851, %get3A_861 : vector<16xf32>
        scf.yield %add3A_862 : vector<16xf32>
      }
      %scan3A_679 = arith.constant 16 : i32
      %add3A_680 = arith.constant 56 : i32
      %add3A_681 = arith.addi %add3A_680, %scan3A_672 : i32
      %swap3A = arith.index_cast %add3A_681 : i32 to index
      %swap3A_682 = arith.constant 0 : index
      %swap3A_683 = tpu.vector_load %arg5[%swap3A, %swap3A_682] {strides = array<i32>} : memref<128x16xf32, #tpu.memory_space<vmem>>, vector<1x16xf32>,
      %swap3A_684 = vector.shape_cast %swap3A_683 : vector<1x16xf32> to vector<16xf32>
      %swap3A_685 = vector.shape_cast %scan3A_678 : vector<16xf32> to vector<1x16xf32>
      tpu.vector_store %arg5[%swap3A, %swap3A_682], %swap3A_685 {strides = array<i32>} : memref<128x16xf32, #tpu.memory_space<vmem>>, vector<1x16xf32>,
    }
    %scan3A_353 = arith.constant 8 : i32
    %add3A_354 = arith.constant 72 : i32
    %add3A_355 = arith.addi %mul3A_2, %add3A_354 : i32
    %dma_start3A_356 = arith.constant 0 : i32
    %dma_start3A_357 = arith.constant 1 : i32
    %dma_start3A_358 = arith.constant 0 : i32
    %dma_start3A_359 = arith.constant 0 : i32
    %dma_start3A_360 = tpu.memref_slice %arg4[%dma_start3A_357, %dma_start3A_358, %dma_start3A_359] : memref<2x8x4096xf32, #tpu.memory_space<vmem>> -> memref<1x8x4096xf32, #tpu.memory_space<vmem>>
    %dma_start3A_361 = tpu.memref_squeeze %dma_start3A_360 : memref<1x8x4096xf32, #tpu.memory_space<vmem>> -> memref<8x4096xf32, #tpu.memory_space<vmem>>
    %dma_start3A_362 = arith.constant 0 : i32
    %dma_start3A_363 = tpu.memref_slice %arg2[%dma_start3A_356, %add3A_355, %dma_start3A_362] : memref<2x4096x4096xf32, #tpu.memory_space<hbm>> -> memref<1x8x4096xf32, #tpu.memory_space<hbm>>
    %dma_start3A_364 = tpu.memref_squeeze %dma_start3A_363 : memref<1x8x4096xf32, #tpu.memory_space<hbm>> -> memref<8x4096xf32, #tpu.memory_space<hbm>>
    %dma_start3A_365 = arith.constant 0 : i32
    %dma_start3A_366 = arith.constant 0 : i32
    %dma_start3A_367 = tpu.memref_slice %arg4[%dma_start3A_357, %dma_start3A_365, %dma_start3A_366] : memref<2x8x4096xf32, #tpu.memory_space<vmem>> -> memref<1x8x4096xf32, #tpu.memory_space<vmem>>
    %dma_start3A_368 = tpu.memref_squeeze %dma_start3A_367 : memref<1x8x4096xf32, #tpu.memory_space<vmem>> -> memref<8x4096xf32, #tpu.memory_space<vmem>>
    %dma_start3A_369 = arith.constant 0 : i32
    %dma_start3A_370 = tpu.memref_slice %arg2[%dma_start3A_356, %add3A_355, %dma_start3A_369] : memref<2x4096x4096xf32, #tpu.memory_space<hbm>> -> memref<1x8x4096xf32, #tpu.memory_space<hbm>>
    %dma_start3A_371 = tpu.memref_squeeze %dma_start3A_370 : memref<1x8x4096xf32, #tpu.memory_space<hbm>> -> memref<8x4096xf32, #tpu.memory_space<hbm>>
    tpu.enqueue_dma source(%dma_start3A_371 : memref<8x4096xf32, #tpu.memory_space<hbm>>) target(%dma_start3A_368 : memref<8x4096xf32, #tpu.memory_space<vmem>>) target_semaphore(%arg7 : memref<!tpu.dma_semaphore, #tpu.memory_space<semaphore_mem>>)
    %add3A_372 = arith.constant 64 : i32
    %add3A_373 = arith.addi %mul3A_2, %add3A_372 : i32
    %dma_wait3A_374 = arith.constant 0 : i32
    %dma_wait3A_375 = arith.constant 0 : i32
    %dma_wait3A_376 = arith.constant 0 : i32
    %dma_wait3A_377 = arith.constant 0 : i32
    %dma_wait3A_378 = tpu.memref_slice %arg4[%dma_wait3A_375, %dma_wait3A_376, %dma_wait3A_377] : memref<2x8x4096xf32, #tpu.memory_space<vmem>> -> memref<1x8x4096xf32, #tpu.memory_space<vmem>>
    %dma_wait3A_379 = tpu.memref_squeeze %dma_wait3A_378 : memref<1x8x4096xf32, #tpu.memory_space<vmem>> -> memref<8x4096xf32, #tpu.memory_space<vmem>>
    %dma_wait3A_380 = arith.constant 0 : i32
    %dma_wait3A_381 = tpu.memref_slice %arg2[%dma_wait3A_374, %add3A_373, %dma_wait3A_380] : memref<2x4096x4096xf32, #tpu.memory_space<hbm>> -> memref<1x8x4096xf32, #tpu.memory_space<hbm>>
    %dma_wait3A_382 = tpu.memref_squeeze %dma_wait3A_381 : memref<1x8x4096xf32, #tpu.memory_space<hbm>> -> memref<8x4096xf32, #tpu.memory_space<hbm>>
    %dma_wait3A_383 = arith.constant 0 : i32
    %dma_wait3A_384 = arith.constant 0 : i32
    %dma_wait3A_385 = tpu.memref_slice %arg4[%dma_wait3A_375, %dma_wait3A_383, %dma_wait3A_384] : memref<2x8x4096xf32, #tpu.memory_space<vmem>> -> memref<1x8x4096xf32, #tpu.memory_space<vmem>>
    %dma_wait3A_386 = tpu.memref_squeeze %dma_wait3A_385 : memref<1x8x4096xf32, #tpu.memory_space<vmem>> -> memref<8x4096xf32, #tpu.memory_space<vmem>>
    %dma_wait3A_387 = arith.constant 0 : i32
    %dma_wait3A_388 = tpu.memref_slice %arg2[%dma_wait3A_374, %add3A_373, %dma_wait3A_387] : memref<2x4096x4096xf32, #tpu.memory_space<hbm>> -> memref<1x8x4096xf32, #tpu.memory_space<hbm>>
    %dma_wait3A_389 = tpu.memref_squeeze %dma_wait3A_388 : memref<1x8x4096xf32, #tpu.memory_space<hbm>> -> memref<8x4096xf32, #tpu.memory_space<hbm>>
    tpu.wait_dma2 semaphore(%arg6 : memref<!tpu.dma_semaphore, #tpu.memory_space<semaphore_mem>>) src(%dma_wait3A_389 : memref<8x4096xf32, #tpu.memory_space<hbm>>) dst(%dma_wait3A_386 : memref<8x4096xf32, #tpu.memory_space<vmem>>)
    %scan3A_390 = arith.constant 0 : i32
    %scan3A_391 = arith.constant 0 : i32
    %scan3A_392 = arith.constant 8 : i32
    %scan3A_393 = arith.addi %scan3A_391, %scan3A_392 : i32
    %scan3A_394 = arith.constant 1 : i32
    scf.for %scan3A_672 = %scan3A_391 to %scan3A_393 step %scan3A_394  : i32 {
      %broadcast_in_dim3A = arith.constant 0.000000e+00 : f32
      %broadcast_in_dim3A_673 = vector.broadcast %broadcast_in_dim3A : f32 to vector<16xf32>
      %scan3A_674 = arith.constant 0 : i32
      %scan3A_675 = arith.constant 16 : i32
      %scan3A_676 = arith.addi %scan3A_674, %scan3A_675 : i32
      %scan3A_677 = arith.constant 1 : i32
      %scan3A_678 = scf.for %scan3A_686 = %scan3A_674 to %scan3A_676 step %scan3A_677 iter_args(%scan3A_687 = %broadcast_in_dim3A_673) -> (vector<16xf32>)  : i32 {
        %mul3A_688 = arith.constant 256 : i32
        %mul3A_689 = arith.muli %scan3A_686, %mul3A_688 : i32
        %add3A_690 = arith.constant 0 : i32
        %add3A_691 = arith.addi %mul3A_689, %add3A_690 : i32
        %get3A = arith.constant 0 : i32
        %get3A_692 = arith.index_cast %get3A : i32 to index
        %get3A_693 = arith.index_cast %scan3A_672 : i32 to index
        %get3A_694 = arith.index_cast %add3A_691 : i32 to index
        %get3A_695 = tpu.vector_load %arg4[%get3A_692, %get3A_693, %get3A_694] {strides = array<i32>} : memref<2x8x4096xf32, #tpu.memory_space<vmem>>, vector<1x1x16xf32>,
        %get3A_696 = vector.shape_cast %get3A_695 : vector<1x1x16xf32> to vector<16xf32>
        %add3A_697 = arith.addf %scan3A_687, %get3A_696 : vector<16xf32>
        %mul3A_698 = arith.constant 256 : i32
        %mul3A_699 = arith.muli %scan3A_686, %mul3A_698 : i32
        %add3A_700 = arith.constant 16 : i32
        %add3A_701 = arith.addi %mul3A_699, %add3A_700 : i32
        %get3A_702 = arith.constant 0 : i32
        %get3A_703 = arith.index_cast %get3A_702 : i32 to index
        %get3A_704 = arith.index_cast %scan3A_672 : i32 to index
        %get3A_705 = arith.index_cast %add3A_701 : i32 to index
        %get3A_706 = tpu.vector_load %arg4[%get3A_703, %get3A_704, %get3A_705] {strides = array<i32>} : memref<2x8x4096xf32, #tpu.memory_space<vmem>>, vector<1x1x16xf32>,
        %get3A_707 = vector.shape_cast %get3A_706 : vector<1x1x16xf32> to vector<16xf32>
        %add3A_708 = arith.addf %add3A_697, %get3A_707 : vector<16xf32>
        %mul3A_709 = arith.constant 256 : i32
        %mul3A_710 = arith.muli %scan3A_686, %mul3A_709 : i32
        %add3A_711 = arith.constant 32 : i32
        %add3A_712 = arith.addi %mul3A_710, %add3A_711 : i32
        %get3A_713 = arith.constant 0 : i32
        %get3A_714 = arith.index_cast %get3A_713 : i32 to index
        %get3A_715 = arith.index_cast %scan3A_672 : i32 to index
        %get3A_716 = arith.index_cast %add3A_712 : i32 to index
        %get3A_717 = tpu.vector_load %arg4[%get3A_714, %get3A_715, %get3A_716] {strides = array<i32>} : memref<2x8x4096xf32, #tpu.memory_space<vmem>>, vector<1x1x16xf32>,
        %get3A_718 = vector.shape_cast %get3A_717 : vector<1x1x16xf32> to vector<16xf32>
        %add3A_719 = arith.addf %add3A_708, %get3A_718 : vector<16xf32>
        %mul3A_720 = arith.constant 256 : i32
        %mul3A_721 = arith.muli %scan3A_686, %mul3A_720 : i32
        %add3A_722 = arith.constant 48 : i32
        %add3A_723 = arith.addi %mul3A_721, %add3A_722 : i32
        %get3A_724 = arith.constant 0 : i32
        %get3A_725 = arith.index_cast %get3A_724 : i32 to index
        %get3A_726 = arith.index_cast %scan3A_672 : i32 to index
        %get3A_727 = arith.index_cast %add3A_723 : i32 to index
        %get3A_728 = tpu.vector_load %arg4[%get3A_725, %get3A_726, %get3A_727] {strides = array<i32>} : memref<2x8x4096xf32, #tpu.memory_space<vmem>>, vector<1x1x16xf32>,
        %get3A_729 = vector.shape_cast %get3A_728 : vector<1x1x16xf32> to vector<16xf32>
        %add3A_730 = arith.addf %add3A_719, %get3A_729 : vector<16xf32>
        %mul3A_731 = arith.constant 256 : i32
        %mul3A_732 = arith.muli %scan3A_686, %mul3A_731 : i32
        %add3A_733 = arith.constant 64 : i32
        %add3A_734 = arith.addi %mul3A_732, %add3A_733 : i32
        %get3A_735 = arith.constant 0 : i32
        %get3A_736 = arith.index_cast %get3A_735 : i32 to index
        %get3A_737 = arith.index_cast %scan3A_672 : i32 to index
        %get3A_738 = arith.index_cast %add3A_734 : i32 to index
        %get3A_739 = tpu.vector_load %arg4[%get3A_736, %get3A_737, %get3A_738] {strides = array<i32>} : memref<2x8x4096xf32, #tpu.memory_space<vmem>>, vector<1x1x16xf32>,
        %get3A_740 = vector.shape_cast %get3A_739 : vector<1x1x16xf32> to vector<16xf32>
        %add3A_741 = arith.addf %add3A_730, %get3A_740 : vector<16xf32>
        %mul3A_742 = arith.constant 256 : i32
        %mul3A_743 = arith.muli %scan3A_686, %mul3A_742 : i32
        %add3A_744 = arith.constant 80 : i32
        %add3A_745 = arith.addi %mul3A_743, %add3A_744 : i32
        %get3A_746 = arith.constant 0 : i32
        %get3A_747 = arith.index_cast %get3A_746 : i32 to index
        %get3A_748 = arith.index_cast %scan3A_672 : i32 to index
        %get3A_749 = arith.index_cast %add3A_745 : i32 to index
        %get3A_750 = tpu.vector_load %arg4[%get3A_747, %get3A_748, %get3A_749] {strides = array<i32>} : memref<2x8x4096xf32, #tpu.memory_space<vmem>>, vector<1x1x16xf32>,
        %get3A_751 = vector.shape_cast %get3A_750 : vector<1x1x16xf32> to vector<16xf32>
        %add3A_752 = arith.addf %add3A_741, %get3A_751 : vector<16xf32>
        %mul3A_753 = arith.constant 256 : i32
        %mul3A_754 = arith.muli %scan3A_686, %mul3A_753 : i32
        %add3A_755 = arith.constant 96 : i32
        %add3A_756 = arith.addi %mul3A_754, %add3A_755 : i32
        %get3A_757 = arith.constant 0 : i32
        %get3A_758 = arith.index_cast %get3A_757 : i32 to index
        %get3A_759 = arith.index_cast %scan3A_672 : i32 to index
        %get3A_760 = arith.index_cast %add3A_756 : i32 to index
        %get3A_761 = tpu.vector_load %arg4[%get3A_758, %get3A_759, %get3A_760] {strides = array<i32>} : memref<2x8x4096xf32, #tpu.memory_space<vmem>>, vector<1x1x16xf32>,
        %get3A_762 = vector.shape_cast %get3A_761 : vector<1x1x16xf32> to vector<16xf32>
        %add3A_763 = arith.addf %add3A_752, %get3A_762 : vector<16xf32>
        %mul3A_764 = arith.constant 256 : i32
        %mul3A_765 = arith.muli %scan3A_686, %mul3A_764 : i32
        %add3A_766 = arith.constant 112 : i32
        %add3A_767 = arith.addi %mul3A_765, %add3A_766 : i32
        %get3A_768 = arith.constant 0 : i32
        %get3A_769 = arith.index_cast %get3A_768 : i32 to index
        %get3A_770 = arith.index_cast %scan3A_672 : i32 to index
        %get3A_771 = arith.index_cast %add3A_767 : i32 to index
        %get3A_772 = tpu.vector_load %arg4[%get3A_769, %get3A_770, %get3A_771] {strides = array<i32>} : memref<2x8x4096xf32, #tpu.memory_space<vmem>>, vector<1x1x16xf32>,
        %get3A_773 = vector.shape_cast %get3A_772 : vector<1x1x16xf32> to vector<16xf32>
        %add3A_774 = arith.addf %add3A_763, %get3A_773 : vector<16xf32>
        %mul3A_775 = arith.constant 256 : i32
        %mul3A_776 = arith.muli %scan3A_686, %mul3A_775 : i32
        %add3A_777 = arith.constant 128 : i32
        %add3A_778 = arith.addi %mul3A_776, %add3A_777 : i32
        %get3A_779 = arith.constant 0 : i32
        %get3A_780 = arith.index_cast %get3A_779 : i32 to index
        %get3A_781 = arith.index_cast %scan3A_672 : i32 to index
        %get3A_782 = arith.index_cast %add3A_778 : i32 to index
        %get3A_783 = tpu.vector_load %arg4[%get3A_780, %get3A_781, %get3A_782] {strides = array<i32>} : memref<2x8x4096xf32, #tpu.memory_space<vmem>>, vector<1x1x16xf32>,
        %get3A_784 = vector.shape_cast %get3A_783 : vector<1x1x16xf32> to vector<16xf32>
        %add3A_785 = arith.addf %add3A_774, %get3A_784 : vector<16xf32>
        %mul3A_786 = arith.constant 256 : i32
        %mul3A_787 = arith.muli %scan3A_686, %mul3A_786 : i32
        %add3A_788 = arith.constant 144 : i32
        %add3A_789 = arith.addi %mul3A_787, %add3A_788 : i32
        %get3A_790 = arith.constant 0 : i32
        %get3A_791 = arith.index_cast %get3A_790 : i32 to index
        %get3A_792 = arith.index_cast %scan3A_672 : i32 to index
        %get3A_793 = arith.index_cast %add3A_789 : i32 to index
        %get3A_794 = tpu.vector_load %arg4[%get3A_791, %get3A_792, %get3A_793] {strides = array<i32>} : memref<2x8x4096xf32, #tpu.memory_space<vmem>>, vector<1x1x16xf32>,
        %get3A_795 = vector.shape_cast %get3A_794 : vector<1x1x16xf32> to vector<16xf32>
        %add3A_796 = arith.addf %add3A_785, %get3A_795 : vector<16xf32>
        %mul3A_797 = arith.constant 256 : i32
        %mul3A_798 = arith.muli %scan3A_686, %mul3A_797 : i32
        %add3A_799 = arith.constant 160 : i32
        %add3A_800 = arith.addi %mul3A_798, %add3A_799 : i32
        %get3A_801 = arith.constant 0 : i32
        %get3A_802 = arith.index_cast %get3A_801 : i32 to index
        %get3A_803 = arith.index_cast %scan3A_672 : i32 to index
        %get3A_804 = arith.index_cast %add3A_800 : i32 to index
        %get3A_805 = tpu.vector_load %arg4[%get3A_802, %get3A_803, %get3A_804] {strides = array<i32>} : memref<2x8x4096xf32, #tpu.memory_space<vmem>>, vector<1x1x16xf32>,
        %get3A_806 = vector.shape_cast %get3A_805 : vector<1x1x16xf32> to vector<16xf32>
        %add3A_807 = arith.addf %add3A_796, %get3A_806 : vector<16xf32>
        %mul3A_808 = arith.constant 256 : i32
        %mul3A_809 = arith.muli %scan3A_686, %mul3A_808 : i32
        %add3A_810 = arith.constant 176 : i32
        %add3A_811 = arith.addi %mul3A_809, %add3A_810 : i32
        %get3A_812 = arith.constant 0 : i32
        %get3A_813 = arith.index_cast %get3A_812 : i32 to index
        %get3A_814 = arith.index_cast %scan3A_672 : i32 to index
        %get3A_815 = arith.index_cast %add3A_811 : i32 to index
        %get3A_816 = tpu.vector_load %arg4[%get3A_813, %get3A_814, %get3A_815] {strides = array<i32>} : memref<2x8x4096xf32, #tpu.memory_space<vmem>>, vector<1x1x16xf32>,
        %get3A_817 = vector.shape_cast %get3A_816 : vector<1x1x16xf32> to vector<16xf32>
        %add3A_818 = arith.addf %add3A_807, %get3A_817 : vector<16xf32>
        %mul3A_819 = arith.constant 256 : i32
        %mul3A_820 = arith.muli %scan3A_686, %mul3A_819 : i32
        %add3A_821 = arith.constant 192 : i32
        %add3A_822 = arith.addi %mul3A_820, %add3A_821 : i32
        %get3A_823 = arith.constant 0 : i32
        %get3A_824 = arith.index_cast %get3A_823 : i32 to index
        %get3A_825 = arith.index_cast %scan3A_672 : i32 to index
        %get3A_826 = arith.index_cast %add3A_822 : i32 to index
        %get3A_827 = tpu.vector_load %arg4[%get3A_824, %get3A_825, %get3A_826] {strides = array<i32>} : memref<2x8x4096xf32, #tpu.memory_space<vmem>>, vector<1x1x16xf32>,
        %get3A_828 = vector.shape_cast %get3A_827 : vector<1x1x16xf32> to vector<16xf32>
        %add3A_829 = arith.addf %add3A_818, %get3A_828 : vector<16xf32>
        %mul3A_830 = arith.constant 256 : i32
        %mul3A_831 = arith.muli %scan3A_686, %mul3A_830 : i32
        %add3A_832 = arith.constant 208 : i32
        %add3A_833 = arith.addi %mul3A_831, %add3A_832 : i32
        %get3A_834 = arith.constant 0 : i32
        %get3A_835 = arith.index_cast %get3A_834 : i32 to index
        %get3A_836 = arith.index_cast %scan3A_672 : i32 to index
        %get3A_837 = arith.index_cast %add3A_833 : i32 to index
        %get3A_838 = tpu.vector_load %arg4[%get3A_835, %get3A_836, %get3A_837] {strides = array<i32>} : memref<2x8x4096xf32, #tpu.memory_space<vmem>>, vector<1x1x16xf32>,
        %get3A_839 = vector.shape_cast %get3A_838 : vector<1x1x16xf32> to vector<16xf32>
        %add3A_840 = arith.addf %add3A_829, %get3A_839 : vector<16xf32>
        %mul3A_841 = arith.constant 256 : i32
        %mul3A_842 = arith.muli %scan3A_686, %mul3A_841 : i32
        %add3A_843 = arith.constant 224 : i32
        %add3A_844 = arith.addi %mul3A_842, %add3A_843 : i32
        %get3A_845 = arith.constant 0 : i32
        %get3A_846 = arith.index_cast %get3A_845 : i32 to index
        %get3A_847 = arith.index_cast %scan3A_672 : i32 to index
        %get3A_848 = arith.index_cast %add3A_844 : i32 to index
        %get3A_849 = tpu.vector_load %arg4[%get3A_846, %get3A_847, %get3A_848] {strides = array<i32>} : memref<2x8x4096xf32, #tpu.memory_space<vmem>>, vector<1x1x16xf32>,
        %get3A_850 = vector.shape_cast %get3A_849 : vector<1x1x16xf32> to vector<16xf32>
        %add3A_851 = arith.addf %add3A_840, %get3A_850 : vector<16xf32>
        %mul3A_852 = arith.constant 256 : i32
        %mul3A_853 = arith.muli %scan3A_686, %mul3A_852 : i32
        %add3A_854 = arith.constant 240 : i32
        %add3A_855 = arith.addi %mul3A_853, %add3A_854 : i32
        %get3A_856 = arith.constant 0 : i32
        %get3A_857 = arith.index_cast %get3A_856 : i32 to index
        %get3A_858 = arith.index_cast %scan3A_672 : i32 to index
        %get3A_859 = arith.index_cast %add3A_855 : i32 to index
        %get3A_860 = tpu.vector_load %arg4[%get3A_857, %get3A_858, %get3A_859] {strides = array<i32>} : memref<2x8x4096xf32, #tpu.memory_space<vmem>>, vector<1x1x16xf32>,
        %get3A_861 = vector.shape_cast %get3A_860 : vector<1x1x16xf32> to vector<16xf32>
        %add3A_862 = arith.addf %add3A_851, %get3A_861 : vector<16xf32>
        scf.yield %add3A_862 : vector<16xf32>
      }
      %scan3A_679 = arith.constant 16 : i32
      %add3A_680 = arith.constant 64 : i32
      %add3A_681 = arith.addi %add3A_680, %scan3A_672 : i32
      %swap3A = arith.index_cast %add3A_681 : i32 to index
      %swap3A_682 = arith.constant 0 : index
      %swap3A_683 = tpu.vector_load %arg5[%swap3A, %swap3A_682] {strides = array<i32>} : memref<128x16xf32, #tpu.memory_space<vmem>>, vector<1x16xf32>,
      %swap3A_684 = vector.shape_cast %swap3A_683 : vector<1x16xf32> to vector<16xf32>
      %swap3A_685 = vector.shape_cast %scan3A_678 : vector<16xf32> to vector<1x16xf32>
      tpu.vector_store %arg5[%swap3A, %swap3A_682], %swap3A_685 {strides = array<i32>} : memref<128x16xf32, #tpu.memory_space<vmem>>, vector<1x16xf32>,
    }
    %scan3A_395 = arith.constant 8 : i32
    %add3A_396 = arith.constant 80 : i32
    %add3A_397 = arith.addi %mul3A_2, %add3A_396 : i32
    %dma_start3A_398 = arith.constant 0 : i32
    %dma_start3A_399 = arith.constant 0 : i32
    %dma_start3A_400 = arith.constant 0 : i32
    %dma_start3A_401 = arith.constant 0 : i32
    %dma_start3A_402 = tpu.memref_slice %arg4[%dma_start3A_399, %dma_start3A_400, %dma_start3A_401] : memref<2x8x4096xf32, #tpu.memory_space<vmem>> -> memref<1x8x4096xf32, #tpu.memory_space<vmem>>
    %dma_start3A_403 = tpu.memref_squeeze %dma_start3A_402 : memref<1x8x4096xf32, #tpu.memory_space<vmem>> -> memref<8x4096xf32, #tpu.memory_space<vmem>>
    %dma_start3A_404 = arith.constant 0 : i32
    %dma_start3A_405 = tpu.memref_slice %arg2[%dma_start3A_398, %add3A_397, %dma_start3A_404] : memref<2x4096x4096xf32, #tpu.memory_space<hbm>> -> memref<1x8x4096xf32, #tpu.memory_space<hbm>>
    %dma_start3A_406 = tpu.memref_squeeze %dma_start3A_405 : memref<1x8x4096xf32, #tpu.memory_space<hbm>> -> memref<8x4096xf32, #tpu.memory_space<hbm>>
    %dma_start3A_407 = arith.constant 0 : i32
    %dma_start3A_408 = arith.constant 0 : i32
    %dma_start3A_409 = tpu.memref_slice %arg4[%dma_start3A_399, %dma_start3A_407, %dma_start3A_408] : memref<2x8x4096xf32, #tpu.memory_space<vmem>> -> memref<1x8x4096xf32, #tpu.memory_space<vmem>>
    %dma_start3A_410 = tpu.memref_squeeze %dma_start3A_409 : memref<1x8x4096xf32, #tpu.memory_space<vmem>> -> memref<8x4096xf32, #tpu.memory_space<vmem>>
    %dma_start3A_411 = arith.constant 0 : i32
    %dma_start3A_412 = tpu.memref_slice %arg2[%dma_start3A_398, %add3A_397, %dma_start3A_411] : memref<2x4096x4096xf32, #tpu.memory_space<hbm>> -> memref<1x8x4096xf32, #tpu.memory_space<hbm>>
    %dma_start3A_413 = tpu.memref_squeeze %dma_start3A_412 : memref<1x8x4096xf32, #tpu.memory_space<hbm>> -> memref<8x4096xf32, #tpu.memory_space<hbm>>
    tpu.enqueue_dma source(%dma_start3A_413 : memref<8x4096xf32, #tpu.memory_space<hbm>>) target(%dma_start3A_410 : memref<8x4096xf32, #tpu.memory_space<vmem>>) target_semaphore(%arg6 : memref<!tpu.dma_semaphore, #tpu.memory_space<semaphore_mem>>)
    %add3A_414 = arith.constant 72 : i32
    %add3A_415 = arith.addi %mul3A_2, %add3A_414 : i32
    %dma_wait3A_416 = arith.constant 0 : i32
    %dma_wait3A_417 = arith.constant 1 : i32
    %dma_wait3A_418 = arith.constant 0 : i32
    %dma_wait3A_419 = arith.constant 0 : i32
    %dma_wait3A_420 = tpu.memref_slice %arg4[%dma_wait3A_417, %dma_wait3A_418, %dma_wait3A_419] : memref<2x8x4096xf32, #tpu.memory_space<vmem>> -> memref<1x8x4096xf32, #tpu.memory_space<vmem>>
    %dma_wait3A_421 = tpu.memref_squeeze %dma_wait3A_420 : memref<1x8x4096xf32, #tpu.memory_space<vmem>> -> memref<8x4096xf32, #tpu.memory_space<vmem>>
    %dma_wait3A_422 = arith.constant 0 : i32
    %dma_wait3A_423 = tpu.memref_slice %arg2[%dma_wait3A_416, %add3A_415, %dma_wait3A_422] : memref<2x4096x4096xf32, #tpu.memory_space<hbm>> -> memref<1x8x4096xf32, #tpu.memory_space<hbm>>
    %dma_wait3A_424 = tpu.memref_squeeze %dma_wait3A_423 : memref<1x8x4096xf32, #tpu.memory_space<hbm>> -> memref<8x4096xf32, #tpu.memory_space<hbm>>
    %dma_wait3A_425 = arith.constant 0 : i32
    %dma_wait3A_426 = arith.constant 0 : i32
    %dma_wait3A_427 = tpu.memref_slice %arg4[%dma_wait3A_417, %dma_wait3A_425, %dma_wait3A_426] : memref<2x8x4096xf32, #tpu.memory_space<vmem>> -> memref<1x8x4096xf32, #tpu.memory_space<vmem>>
    %dma_wait3A_428 = tpu.memref_squeeze %dma_wait3A_427 : memref<1x8x4096xf32, #tpu.memory_space<vmem>> -> memref<8x4096xf32, #tpu.memory_space<vmem>>
    %dma_wait3A_429 = arith.constant 0 : i32
    %dma_wait3A_430 = tpu.memref_slice %arg2[%dma_wait3A_416, %add3A_415, %dma_wait3A_429] : memref<2x4096x4096xf32, #tpu.memory_space<hbm>> -> memref<1x8x4096xf32, #tpu.memory_space<hbm>>
    %dma_wait3A_431 = tpu.memref_squeeze %dma_wait3A_430 : memref<1x8x4096xf32, #tpu.memory_space<hbm>> -> memref<8x4096xf32, #tpu.memory_space<hbm>>
    tpu.wait_dma2 semaphore(%arg7 : memref<!tpu.dma_semaphore, #tpu.memory_space<semaphore_mem>>) src(%dma_wait3A_431 : memref<8x4096xf32, #tpu.memory_space<hbm>>) dst(%dma_wait3A_428 : memref<8x4096xf32, #tpu.memory_space<vmem>>)
    %scan3A_432 = arith.constant 0 : i32
    %scan3A_433 = arith.constant 0 : i32
    %scan3A_434 = arith.constant 8 : i32
    %scan3A_435 = arith.addi %scan3A_433, %scan3A_434 : i32
    %scan3A_436 = arith.constant 1 : i32
    scf.for %scan3A_672 = %scan3A_433 to %scan3A_435 step %scan3A_436  : i32 {
      %broadcast_in_dim3A = arith.constant 0.000000e+00 : f32
      %broadcast_in_dim3A_673 = vector.broadcast %broadcast_in_dim3A : f32 to vector<16xf32>
      %scan3A_674 = arith.constant 0 : i32
      %scan3A_675 = arith.constant 16 : i32
      %scan3A_676 = arith.addi %scan3A_674, %scan3A_675 : i32
      %scan3A_677 = arith.constant 1 : i32
      %scan3A_678 = scf.for %scan3A_686 = %scan3A_674 to %scan3A_676 step %scan3A_677 iter_args(%scan3A_687 = %broadcast_in_dim3A_673) -> (vector<16xf32>)  : i32 {
        %mul3A_688 = arith.constant 256 : i32
        %mul3A_689 = arith.muli %scan3A_686, %mul3A_688 : i32
        %add3A_690 = arith.constant 0 : i32
        %add3A_691 = arith.addi %mul3A_689, %add3A_690 : i32
        %get3A = arith.constant 1 : i32
        %get3A_692 = arith.index_cast %get3A : i32 to index
        %get3A_693 = arith.index_cast %scan3A_672 : i32 to index
        %get3A_694 = arith.index_cast %add3A_691 : i32 to index
        %get3A_695 = tpu.vector_load %arg4[%get3A_692, %get3A_693, %get3A_694] {strides = array<i32>} : memref<2x8x4096xf32, #tpu.memory_space<vmem>>, vector<1x1x16xf32>,
        %get3A_696 = vector.shape_cast %get3A_695 : vector<1x1x16xf32> to vector<16xf32>
        %add3A_697 = arith.addf %scan3A_687, %get3A_696 : vector<16xf32>
        %mul3A_698 = arith.constant 256 : i32
        %mul3A_699 = arith.muli %scan3A_686, %mul3A_698 : i32
        %add3A_700 = arith.constant 16 : i32
        %add3A_701 = arith.addi %mul3A_699, %add3A_700 : i32
        %get3A_702 = arith.constant 1 : i32
        %get3A_703 = arith.index_cast %get3A_702 : i32 to index
        %get3A_704 = arith.index_cast %scan3A_672 : i32 to index
        %get3A_705 = arith.index_cast %add3A_701 : i32 to index
        %get3A_706 = tpu.vector_load %arg4[%get3A_703, %get3A_704, %get3A_705] {strides = array<i32>} : memref<2x8x4096xf32, #tpu.memory_space<vmem>>, vector<1x1x16xf32>,
        %get3A_707 = vector.shape_cast %get3A_706 : vector<1x1x16xf32> to vector<16xf32>
        %add3A_708 = arith.addf %add3A_697, %get3A_707 : vector<16xf32>
        %mul3A_709 = arith.constant 256 : i32
        %mul3A_710 = arith.muli %scan3A_686, %mul3A_709 : i32
        %add3A_711 = arith.constant 32 : i32
        %add3A_712 = arith.addi %mul3A_710, %add3A_711 : i32
        %get3A_713 = arith.constant 1 : i32
        %get3A_714 = arith.index_cast %get3A_713 : i32 to index
        %get3A_715 = arith.index_cast %scan3A_672 : i32 to index
        %get3A_716 = arith.index_cast %add3A_712 : i32 to index
        %get3A_717 = tpu.vector_load %arg4[%get3A_714, %get3A_715, %get3A_716] {strides = array<i32>} : memref<2x8x4096xf32, #tpu.memory_space<vmem>>, vector<1x1x16xf32>,
        %get3A_718 = vector.shape_cast %get3A_717 : vector<1x1x16xf32> to vector<16xf32>
        %add3A_719 = arith.addf %add3A_708, %get3A_718 : vector<16xf32>
        %mul3A_720 = arith.constant 256 : i32
        %mul3A_721 = arith.muli %scan3A_686, %mul3A_720 : i32
        %add3A_722 = arith.constant 48 : i32
        %add3A_723 = arith.addi %mul3A_721, %add3A_722 : i32
        %get3A_724 = arith.constant 1 : i32
        %get3A_725 = arith.index_cast %get3A_724 : i32 to index
        %get3A_726 = arith.index_cast %scan3A_672 : i32 to index
        %get3A_727 = arith.index_cast %add3A_723 : i32 to index
        %get3A_728 = tpu.vector_load %arg4[%get3A_725, %get3A_726, %get3A_727] {strides = array<i32>} : memref<2x8x4096xf32, #tpu.memory_space<vmem>>, vector<1x1x16xf32>,
        %get3A_729 = vector.shape_cast %get3A_728 : vector<1x1x16xf32> to vector<16xf32>
        %add3A_730 = arith.addf %add3A_719, %get3A_729 : vector<16xf32>
        %mul3A_731 = arith.constant 256 : i32
        %mul3A_732 = arith.muli %scan3A_686, %mul3A_731 : i32
        %add3A_733 = arith.constant 64 : i32
        %add3A_734 = arith.addi %mul3A_732, %add3A_733 : i32
        %get3A_735 = arith.constant 1 : i32
        %get3A_736 = arith.index_cast %get3A_735 : i32 to index
        %get3A_737 = arith.index_cast %scan3A_672 : i32 to index
        %get3A_738 = arith.index_cast %add3A_734 : i32 to index
        %get3A_739 = tpu.vector_load %arg4[%get3A_736, %get3A_737, %get3A_738] {strides = array<i32>} : memref<2x8x4096xf32, #tpu.memory_space<vmem>>, vector<1x1x16xf32>,
        %get3A_740 = vector.shape_cast %get3A_739 : vector<1x1x16xf32> to vector<16xf32>
        %add3A_741 = arith.addf %add3A_730, %get3A_740 : vector<16xf32>
        %mul3A_742 = arith.constant 256 : i32
        %mul3A_743 = arith.muli %scan3A_686, %mul3A_742 : i32
        %add3A_744 = arith.constant 80 : i32
        %add3A_745 = arith.addi %mul3A_743, %add3A_744 : i32
        %get3A_746 = arith.constant 1 : i32
        %get3A_747 = arith.index_cast %get3A_746 : i32 to index
        %get3A_748 = arith.index_cast %scan3A_672 : i32 to index
        %get3A_749 = arith.index_cast %add3A_745 : i32 to index
        %get3A_750 = tpu.vector_load %arg4[%get3A_747, %get3A_748, %get3A_749] {strides = array<i32>} : memref<2x8x4096xf32, #tpu.memory_space<vmem>>, vector<1x1x16xf32>,
        %get3A_751 = vector.shape_cast %get3A_750 : vector<1x1x16xf32> to vector<16xf32>
        %add3A_752 = arith.addf %add3A_741, %get3A_751 : vector<16xf32>
        %mul3A_753 = arith.constant 256 : i32
        %mul3A_754 = arith.muli %scan3A_686, %mul3A_753 : i32
        %add3A_755 = arith.constant 96 : i32
        %add3A_756 = arith.addi %mul3A_754, %add3A_755 : i32
        %get3A_757 = arith.constant 1 : i32
        %get3A_758 = arith.index_cast %get3A_757 : i32 to index
        %get3A_759 = arith.index_cast %scan3A_672 : i32 to index
        %get3A_760 = arith.index_cast %add3A_756 : i32 to index
        %get3A_761 = tpu.vector_load %arg4[%get3A_758, %get3A_759, %get3A_760] {strides = array<i32>} : memref<2x8x4096xf32, #tpu.memory_space<vmem>>, vector<1x1x16xf32>,
        %get3A_762 = vector.shape_cast %get3A_761 : vector<1x1x16xf32> to vector<16xf32>
        %add3A_763 = arith.addf %add3A_752, %get3A_762 : vector<16xf32>
        %mul3A_764 = arith.constant 256 : i32
        %mul3A_765 = arith.muli %scan3A_686, %mul3A_764 : i32
        %add3A_766 = arith.constant 112 : i32
        %add3A_767 = arith.addi %mul3A_765, %add3A_766 : i32
        %get3A_768 = arith.constant 1 : i32
        %get3A_769 = arith.index_cast %get3A_768 : i32 to index
        %get3A_770 = arith.index_cast %scan3A_672 : i32 to index
        %get3A_771 = arith.index_cast %add3A_767 : i32 to index
        %get3A_772 = tpu.vector_load %arg4[%get3A_769, %get3A_770, %get3A_771] {strides = array<i32>} : memref<2x8x4096xf32, #tpu.memory_space<vmem>>, vector<1x1x16xf32>,
        %get3A_773 = vector.shape_cast %get3A_772 : vector<1x1x16xf32> to vector<16xf32>
        %add3A_774 = arith.addf %add3A_763, %get3A_773 : vector<16xf32>
        %mul3A_775 = arith.constant 256 : i32
        %mul3A_776 = arith.muli %scan3A_686, %mul3A_775 : i32
        %add3A_777 = arith.constant 128 : i32
        %add3A_778 = arith.addi %mul3A_776, %add3A_777 : i32
        %get3A_779 = arith.constant 1 : i32
        %get3A_780 = arith.index_cast %get3A_779 : i32 to index
        %get3A_781 = arith.index_cast %scan3A_672 : i32 to index
        %get3A_782 = arith.index_cast %add3A_778 : i32 to index
        %get3A_783 = tpu.vector_load %arg4[%get3A_780, %get3A_781, %get3A_782] {strides = array<i32>} : memref<2x8x4096xf32, #tpu.memory_space<vmem>>, vector<1x1x16xf32>,
        %get3A_784 = vector.shape_cast %get3A_783 : vector<1x1x16xf32> to vector<16xf32>
        %add3A_785 = arith.addf %add3A_774, %get3A_784 : vector<16xf32>
        %mul3A_786 = arith.constant 256 : i32
        %mul3A_787 = arith.muli %scan3A_686, %mul3A_786 : i32
        %add3A_788 = arith.constant 144 : i32
        %add3A_789 = arith.addi %mul3A_787, %add3A_788 : i32
        %get3A_790 = arith.constant 1 : i32
        %get3A_791 = arith.index_cast %get3A_790 : i32 to index
        %get3A_792 = arith.index_cast %scan3A_672 : i32 to index
        %get3A_793 = arith.index_cast %add3A_789 : i32 to index
        %get3A_794 = tpu.vector_load %arg4[%get3A_791, %get3A_792, %get3A_793] {strides = array<i32>} : memref<2x8x4096xf32, #tpu.memory_space<vmem>>, vector<1x1x16xf32>,
        %get3A_795 = vector.shape_cast %get3A_794 : vector<1x1x16xf32> to vector<16xf32>
        %add3A_796 = arith.addf %add3A_785, %get3A_795 : vector<16xf32>
        %mul3A_797 = arith.constant 256 : i32
        %mul3A_798 = arith.muli %scan3A_686, %mul3A_797 : i32
        %add3A_799 = arith.constant 160 : i32
        %add3A_800 = arith.addi %mul3A_798, %add3A_799 : i32
        %get3A_801 = arith.constant 1 : i32
        %get3A_802 = arith.index_cast %get3A_801 : i32 to index
        %get3A_803 = arith.index_cast %scan3A_672 : i32 to index
        %get3A_804 = arith.index_cast %add3A_800 : i32 to index
        %get3A_805 = tpu.vector_load %arg4[%get3A_802, %get3A_803, %get3A_804] {strides = array<i32>} : memref<2x8x4096xf32, #tpu.memory_space<vmem>>, vector<1x1x16xf32>,
        %get3A_806 = vector.shape_cast %get3A_805 : vector<1x1x16xf32> to vector<16xf32>
        %add3A_807 = arith.addf %add3A_796, %get3A_806 : vector<16xf32>
        %mul3A_808 = arith.constant 256 : i32
        %mul3A_809 = arith.muli %scan3A_686, %mul3A_808 : i32
        %add3A_810 = arith.constant 176 : i32
        %add3A_811 = arith.addi %mul3A_809, %add3A_810 : i32
        %get3A_812 = arith.constant 1 : i32
        %get3A_813 = arith.index_cast %get3A_812 : i32 to index
        %get3A_814 = arith.index_cast %scan3A_672 : i32 to index
        %get3A_815 = arith.index_cast %add3A_811 : i32 to index
        %get3A_816 = tpu.vector_load %arg4[%get3A_813, %get3A_814, %get3A_815] {strides = array<i32>} : memref<2x8x4096xf32, #tpu.memory_space<vmem>>, vector<1x1x16xf32>,
        %get3A_817 = vector.shape_cast %get3A_816 : vector<1x1x16xf32> to vector<16xf32>
        %add3A_818 = arith.addf %add3A_807, %get3A_817 : vector<16xf32>
        %mul3A_819 = arith.constant 256 : i32
        %mul3A_820 = arith.muli %scan3A_686, %mul3A_819 : i32
        %add3A_821 = arith.constant 192 : i32
        %add3A_822 = arith.addi %mul3A_820, %add3A_821 : i32
        %get3A_823 = arith.constant 1 : i32
        %get3A_824 = arith.index_cast %get3A_823 : i32 to index
        %get3A_825 = arith.index_cast %scan3A_672 : i32 to index
        %get3A_826 = arith.index_cast %add3A_822 : i32 to index
        %get3A_827 = tpu.vector_load %arg4[%get3A_824, %get3A_825, %get3A_826] {strides = array<i32>} : memref<2x8x4096xf32, #tpu.memory_space<vmem>>, vector<1x1x16xf32>,
        %get3A_828 = vector.shape_cast %get3A_827 : vector<1x1x16xf32> to vector<16xf32>
        %add3A_829 = arith.addf %add3A_818, %get3A_828 : vector<16xf32>
        %mul3A_830 = arith.constant 256 : i32
        %mul3A_831 = arith.muli %scan3A_686, %mul3A_830 : i32
        %add3A_832 = arith.constant 208 : i32
        %add3A_833 = arith.addi %mul3A_831, %add3A_832 : i32
        %get3A_834 = arith.constant 1 : i32
        %get3A_835 = arith.index_cast %get3A_834 : i32 to index
        %get3A_836 = arith.index_cast %scan3A_672 : i32 to index
        %get3A_837 = arith.index_cast %add3A_833 : i32 to index
        %get3A_838 = tpu.vector_load %arg4[%get3A_835, %get3A_836, %get3A_837] {strides = array<i32>} : memref<2x8x4096xf32, #tpu.memory_space<vmem>>, vector<1x1x16xf32>,
        %get3A_839 = vector.shape_cast %get3A_838 : vector<1x1x16xf32> to vector<16xf32>
        %add3A_840 = arith.addf %add3A_829, %get3A_839 : vector<16xf32>
        %mul3A_841 = arith.constant 256 : i32
        %mul3A_842 = arith.muli %scan3A_686, %mul3A_841 : i32
        %add3A_843 = arith.constant 224 : i32
        %add3A_844 = arith.addi %mul3A_842, %add3A_843 : i32
        %get3A_845 = arith.constant 1 : i32
        %get3A_846 = arith.index_cast %get3A_845 : i32 to index
        %get3A_847 = arith.index_cast %scan3A_672 : i32 to index
        %get3A_848 = arith.index_cast %add3A_844 : i32 to index
        %get3A_849 = tpu.vector_load %arg4[%get3A_846, %get3A_847, %get3A_848] {strides = array<i32>} : memref<2x8x4096xf32, #tpu.memory_space<vmem>>, vector<1x1x16xf32>,
        %get3A_850 = vector.shape_cast %get3A_849 : vector<1x1x16xf32> to vector<16xf32>
        %add3A_851 = arith.addf %add3A_840, %get3A_850 : vector<16xf32>
        %mul3A_852 = arith.constant 256 : i32
        %mul3A_853 = arith.muli %scan3A_686, %mul3A_852 : i32
        %add3A_854 = arith.constant 240 : i32
        %add3A_855 = arith.addi %mul3A_853, %add3A_854 : i32
        %get3A_856 = arith.constant 1 : i32
        %get3A_857 = arith.index_cast %get3A_856 : i32 to index
        %get3A_858 = arith.index_cast %scan3A_672 : i32 to index
        %get3A_859 = arith.index_cast %add3A_855 : i32 to index
        %get3A_860 = tpu.vector_load %arg4[%get3A_857, %get3A_858, %get3A_859] {strides = array<i32>} : memref<2x8x4096xf32, #tpu.memory_space<vmem>>, vector<1x1x16xf32>,
        %get3A_861 = vector.shape_cast %get3A_860 : vector<1x1x16xf32> to vector<16xf32>
        %add3A_862 = arith.addf %add3A_851, %get3A_861 : vector<16xf32>
        scf.yield %add3A_862 : vector<16xf32>
      }
      %scan3A_679 = arith.constant 16 : i32
      %add3A_680 = arith.constant 72 : i32
      %add3A_681 = arith.addi %add3A_680, %scan3A_672 : i32
      %swap3A = arith.index_cast %add3A_681 : i32 to index
      %swap3A_682 = arith.constant 0 : index
      %swap3A_683 = tpu.vector_load %arg5[%swap3A, %swap3A_682] {strides = array<i32>} : memref<128x16xf32, #tpu.memory_space<vmem>>, vector<1x16xf32>,
      %swap3A_684 = vector.shape_cast %swap3A_683 : vector<1x16xf32> to vector<16xf32>
      %swap3A_685 = vector.shape_cast %scan3A_678 : vector<16xf32> to vector<1x16xf32>
      tpu.vector_store %arg5[%swap3A, %swap3A_682], %swap3A_685 {strides = array<i32>} : memref<128x16xf32, #tpu.memory_space<vmem>>, vector<1x16xf32>,
    }
    %scan3A_437 = arith.constant 8 : i32
    %add3A_438 = arith.constant 88 : i32
    %add3A_439 = arith.addi %mul3A_2, %add3A_438 : i32
    %dma_start3A_440 = arith.constant 0 : i32
    %dma_start3A_441 = arith.constant 1 : i32
    %dma_start3A_442 = arith.constant 0 : i32
    %dma_start3A_443 = arith.constant 0 : i32
    %dma_start3A_444 = tpu.memref_slice %arg4[%dma_start3A_441, %dma_start3A_442, %dma_start3A_443] : memref<2x8x4096xf32, #tpu.memory_space<vmem>> -> memref<1x8x4096xf32, #tpu.memory_space<vmem>>
    %dma_start3A_445 = tpu.memref_squeeze %dma_start3A_444 : memref<1x8x4096xf32, #tpu.memory_space<vmem>> -> memref<8x4096xf32, #tpu.memory_space<vmem>>
    %dma_start3A_446 = arith.constant 0 : i32
    %dma_start3A_447 = tpu.memref_slice %arg2[%dma_start3A_440, %add3A_439, %dma_start3A_446] : memref<2x4096x4096xf32, #tpu.memory_space<hbm>> -> memref<1x8x4096xf32, #tpu.memory_space<hbm>>
    %dma_start3A_448 = tpu.memref_squeeze %dma_start3A_447 : memref<1x8x4096xf32, #tpu.memory_space<hbm>> -> memref<8x4096xf32, #tpu.memory_space<hbm>>
    %dma_start3A_449 = arith.constant 0 : i32
    %dma_start3A_450 = arith.constant 0 : i32
    %dma_start3A_451 = tpu.memref_slice %arg4[%dma_start3A_441, %dma_start3A_449, %dma_start3A_450] : memref<2x8x4096xf32, #tpu.memory_space<vmem>> -> memref<1x8x4096xf32, #tpu.memory_space<vmem>>
    %dma_start3A_452 = tpu.memref_squeeze %dma_start3A_451 : memref<1x8x4096xf32, #tpu.memory_space<vmem>> -> memref<8x4096xf32, #tpu.memory_space<vmem>>
    %dma_start3A_453 = arith.constant 0 : i32
    %dma_start3A_454 = tpu.memref_slice %arg2[%dma_start3A_440, %add3A_439, %dma_start3A_453] : memref<2x4096x4096xf32, #tpu.memory_space<hbm>> -> memref<1x8x4096xf32, #tpu.memory_space<hbm>>
    %dma_start3A_455 = tpu.memref_squeeze %dma_start3A_454 : memref<1x8x4096xf32, #tpu.memory_space<hbm>> -> memref<8x4096xf32, #tpu.memory_space<hbm>>
    tpu.enqueue_dma source(%dma_start3A_455 : memref<8x4096xf32, #tpu.memory_space<hbm>>) target(%dma_start3A_452 : memref<8x4096xf32, #tpu.memory_space<vmem>>) target_semaphore(%arg7 : memref<!tpu.dma_semaphore, #tpu.memory_space<semaphore_mem>>)
    %add3A_456 = arith.constant 80 : i32
    %add3A_457 = arith.addi %mul3A_2, %add3A_456 : i32
    %dma_wait3A_458 = arith.constant 0 : i32
    %dma_wait3A_459 = arith.constant 0 : i32
    %dma_wait3A_460 = arith.constant 0 : i32
    %dma_wait3A_461 = arith.constant 0 : i32
    %dma_wait3A_462 = tpu.memref_slice %arg4[%dma_wait3A_459, %dma_wait3A_460, %dma_wait3A_461] : memref<2x8x4096xf32, #tpu.memory_space<vmem>> -> memref<1x8x4096xf32, #tpu.memory_space<vmem>>
    %dma_wait3A_463 = tpu.memref_squeeze %dma_wait3A_462 : memref<1x8x4096xf32, #tpu.memory_space<vmem>> -> memref<8x4096xf32, #tpu.memory_space<vmem>>
    %dma_wait3A_464 = arith.constant 0 : i32
    %dma_wait3A_465 = tpu.memref_slice %arg2[%dma_wait3A_458, %add3A_457, %dma_wait3A_464] : memref<2x4096x4096xf32, #tpu.memory_space<hbm>> -> memref<1x8x4096xf32, #tpu.memory_space<hbm>>
    %dma_wait3A_466 = tpu.memref_squeeze %dma_wait3A_465 : memref<1x8x4096xf32, #tpu.memory_space<hbm>> -> memref<8x4096xf32, #tpu.memory_space<hbm>>
    %dma_wait3A_467 = arith.constant 0 : i32
    %dma_wait3A_468 = arith.constant 0 : i32
    %dma_wait3A_469 = tpu.memref_slice %arg4[%dma_wait3A_459, %dma_wait3A_467, %dma_wait3A_468] : memref<2x8x4096xf32, #tpu.memory_space<vmem>> -> memref<1x8x4096xf32, #tpu.memory_space<vmem>>
    %dma_wait3A_470 = tpu.memref_squeeze %dma_wait3A_469 : memref<1x8x4096xf32, #tpu.memory_space<vmem>> -> memref<8x4096xf32, #tpu.memory_space<vmem>>
    %dma_wait3A_471 = arith.constant 0 : i32
    %dma_wait3A_472 = tpu.memref_slice %arg2[%dma_wait3A_458, %add3A_457, %dma_wait3A_471] : memref<2x4096x4096xf32, #tpu.memory_space<hbm>> -> memref<1x8x4096xf32, #tpu.memory_space<hbm>>
    %dma_wait3A_473 = tpu.memref_squeeze %dma_wait3A_472 : memref<1x8x4096xf32, #tpu.memory_space<hbm>> -> memref<8x4096xf32, #tpu.memory_space<hbm>>
    tpu.wait_dma2 semaphore(%arg6 : memref<!tpu.dma_semaphore, #tpu.memory_space<semaphore_mem>>) src(%dma_wait3A_473 : memref<8x4096xf32, #tpu.memory_space<hbm>>) dst(%dma_wait3A_470 : memref<8x4096xf32, #tpu.memory_space<vmem>>)
    %scan3A_474 = arith.constant 0 : i32
    %scan3A_475 = arith.constant 0 : i32
    %scan3A_476 = arith.constant 8 : i32
    %scan3A_477 = arith.addi %scan3A_475, %scan3A_476 : i32
    %scan3A_478 = arith.constant 1 : i32
    scf.for %scan3A_672 = %scan3A_475 to %scan3A_477 step %scan3A_478  : i32 {
      %broadcast_in_dim3A = arith.constant 0.000000e+00 : f32
      %broadcast_in_dim3A_673 = vector.broadcast %broadcast_in_dim3A : f32 to vector<16xf32>
      %scan3A_674 = arith.constant 0 : i32
      %scan3A_675 = arith.constant 16 : i32
      %scan3A_676 = arith.addi %scan3A_674, %scan3A_675 : i32
      %scan3A_677 = arith.constant 1 : i32
      %scan3A_678 = scf.for %scan3A_686 = %scan3A_674 to %scan3A_676 step %scan3A_677 iter_args(%scan3A_687 = %broadcast_in_dim3A_673) -> (vector<16xf32>)  : i32 {
        %mul3A_688 = arith.constant 256 : i32
        %mul3A_689 = arith.muli %scan3A_686, %mul3A_688 : i32
        %add3A_690 = arith.constant 0 : i32
        %add3A_691 = arith.addi %mul3A_689, %add3A_690 : i32
        %get3A = arith.constant 0 : i32
        %get3A_692 = arith.index_cast %get3A : i32 to index
        %get3A_693 = arith.index_cast %scan3A_672 : i32 to index
        %get3A_694 = arith.index_cast %add3A_691 : i32 to index
        %get3A_695 = tpu.vector_load %arg4[%get3A_692, %get3A_693, %get3A_694] {strides = array<i32>} : memref<2x8x4096xf32, #tpu.memory_space<vmem>>, vector<1x1x16xf32>,
        %get3A_696 = vector.shape_cast %get3A_695 : vector<1x1x16xf32> to vector<16xf32>
        %add3A_697 = arith.addf %scan3A_687, %get3A_696 : vector<16xf32>
        %mul3A_698 = arith.constant 256 : i32
        %mul3A_699 = arith.muli %scan3A_686, %mul3A_698 : i32
        %add3A_700 = arith.constant 16 : i32
        %add3A_701 = arith.addi %mul3A_699, %add3A_700 : i32
        %get3A_702 = arith.constant 0 : i32
        %get3A_703 = arith.index_cast %get3A_702 : i32 to index
        %get3A_704 = arith.index_cast %scan3A_672 : i32 to index
        %get3A_705 = arith.index_cast %add3A_701 : i32 to index
        %get3A_706 = tpu.vector_load %arg4[%get3A_703, %get3A_704, %get3A_705] {strides = array<i32>} : memref<2x8x4096xf32, #tpu.memory_space<vmem>>, vector<1x1x16xf32>,
        %get3A_707 = vector.shape_cast %get3A_706 : vector<1x1x16xf32> to vector<16xf32>
        %add3A_708 = arith.addf %add3A_697, %get3A_707 : vector<16xf32>
        %mul3A_709 = arith.constant 256 : i32
        %mul3A_710 = arith.muli %scan3A_686, %mul3A_709 : i32
        %add3A_711 = arith.constant 32 : i32
        %add3A_712 = arith.addi %mul3A_710, %add3A_711 : i32
        %get3A_713 = arith.constant 0 : i32
        %get3A_714 = arith.index_cast %get3A_713 : i32 to index
        %get3A_715 = arith.index_cast %scan3A_672 : i32 to index
        %get3A_716 = arith.index_cast %add3A_712 : i32 to index
        %get3A_717 = tpu.vector_load %arg4[%get3A_714, %get3A_715, %get3A_716] {strides = array<i32>} : memref<2x8x4096xf32, #tpu.memory_space<vmem>>, vector<1x1x16xf32>,
        %get3A_718 = vector.shape_cast %get3A_717 : vector<1x1x16xf32> to vector<16xf32>
        %add3A_719 = arith.addf %add3A_708, %get3A_718 : vector<16xf32>
        %mul3A_720 = arith.constant 256 : i32
        %mul3A_721 = arith.muli %scan3A_686, %mul3A_720 : i32
        %add3A_722 = arith.constant 48 : i32
        %add3A_723 = arith.addi %mul3A_721, %add3A_722 : i32
        %get3A_724 = arith.constant 0 : i32
        %get3A_725 = arith.index_cast %get3A_724 : i32 to index
        %get3A_726 = arith.index_cast %scan3A_672 : i32 to index
        %get3A_727 = arith.index_cast %add3A_723 : i32 to index
        %get3A_728 = tpu.vector_load %arg4[%get3A_725, %get3A_726, %get3A_727] {strides = array<i32>} : memref<2x8x4096xf32, #tpu.memory_space<vmem>>, vector<1x1x16xf32>,
        %get3A_729 = vector.shape_cast %get3A_728 : vector<1x1x16xf32> to vector<16xf32>
        %add3A_730 = arith.addf %add3A_719, %get3A_729 : vector<16xf32>
        %mul3A_731 = arith.constant 256 : i32
        %mul3A_732 = arith.muli %scan3A_686, %mul3A_731 : i32
        %add3A_733 = arith.constant 64 : i32
        %add3A_734 = arith.addi %mul3A_732, %add3A_733 : i32
        %get3A_735 = arith.constant 0 : i32
        %get3A_736 = arith.index_cast %get3A_735 : i32 to index
        %get3A_737 = arith.index_cast %scan3A_672 : i32 to index
        %get3A_738 = arith.index_cast %add3A_734 : i32 to index
        %get3A_739 = tpu.vector_load %arg4[%get3A_736, %get3A_737, %get3A_738] {strides = array<i32>} : memref<2x8x4096xf32, #tpu.memory_space<vmem>>, vector<1x1x16xf32>,
        %get3A_740 = vector.shape_cast %get3A_739 : vector<1x1x16xf32> to vector<16xf32>
        %add3A_741 = arith.addf %add3A_730, %get3A_740 : vector<16xf32>
        %mul3A_742 = arith.constant 256 : i32
        %mul3A_743 = arith.muli %scan3A_686, %mul3A_742 : i32
        %add3A_744 = arith.constant 80 : i32
        %add3A_745 = arith.addi %mul3A_743, %add3A_744 : i32
        %get3A_746 = arith.constant 0 : i32
        %get3A_747 = arith.index_cast %get3A_746 : i32 to index
        %get3A_748 = arith.index_cast %scan3A_672 : i32 to index
        %get3A_749 = arith.index_cast %add3A_745 : i32 to index
        %get3A_750 = tpu.vector_load %arg4[%get3A_747, %get3A_748, %get3A_749] {strides = array<i32>} : memref<2x8x4096xf32, #tpu.memory_space<vmem>>, vector<1x1x16xf32>,
        %get3A_751 = vector.shape_cast %get3A_750 : vector<1x1x16xf32> to vector<16xf32>
        %add3A_752 = arith.addf %add3A_741, %get3A_751 : vector<16xf32>
        %mul3A_753 = arith.constant 256 : i32
        %mul3A_754 = arith.muli %scan3A_686, %mul3A_753 : i32
        %add3A_755 = arith.constant 96 : i32
        %add3A_756 = arith.addi %mul3A_754, %add3A_755 : i32
        %get3A_757 = arith.constant 0 : i32
        %get3A_758 = arith.index_cast %get3A_757 : i32 to index
        %get3A_759 = arith.index_cast %scan3A_672 : i32 to index
        %get3A_760 = arith.index_cast %add3A_756 : i32 to index
        %get3A_761 = tpu.vector_load %arg4[%get3A_758, %get3A_759, %get3A_760] {strides = array<i32>} : memref<2x8x4096xf32, #tpu.memory_space<vmem>>, vector<1x1x16xf32>,
        %get3A_762 = vector.shape_cast %get3A_761 : vector<1x1x16xf32> to vector<16xf32>
        %add3A_763 = arith.addf %add3A_752, %get3A_762 : vector<16xf32>
        %mul3A_764 = arith.constant 256 : i32
        %mul3A_765 = arith.muli %scan3A_686, %mul3A_764 : i32
        %add3A_766 = arith.constant 112 : i32
        %add3A_767 = arith.addi %mul3A_765, %add3A_766 : i32
        %get3A_768 = arith.constant 0 : i32
        %get3A_769 = arith.index_cast %get3A_768 : i32 to index
        %get3A_770 = arith.index_cast %scan3A_672 : i32 to index
        %get3A_771 = arith.index_cast %add3A_767 : i32 to index
        %get3A_772 = tpu.vector_load %arg4[%get3A_769, %get3A_770, %get3A_771] {strides = array<i32>} : memref<2x8x4096xf32, #tpu.memory_space<vmem>>, vector<1x1x16xf32>,
        %get3A_773 = vector.shape_cast %get3A_772 : vector<1x1x16xf32> to vector<16xf32>
        %add3A_774 = arith.addf %add3A_763, %get3A_773 : vector<16xf32>
        %mul3A_775 = arith.constant 256 : i32
        %mul3A_776 = arith.muli %scan3A_686, %mul3A_775 : i32
        %add3A_777 = arith.constant 128 : i32
        %add3A_778 = arith.addi %mul3A_776, %add3A_777 : i32
        %get3A_779 = arith.constant 0 : i32
        %get3A_780 = arith.index_cast %get3A_779 : i32 to index
        %get3A_781 = arith.index_cast %scan3A_672 : i32 to index
        %get3A_782 = arith.index_cast %add3A_778 : i32 to index
        %get3A_783 = tpu.vector_load %arg4[%get3A_780, %get3A_781, %get3A_782] {strides = array<i32>} : memref<2x8x4096xf32, #tpu.memory_space<vmem>>, vector<1x1x16xf32>,
        %get3A_784 = vector.shape_cast %get3A_783 : vector<1x1x16xf32> to vector<16xf32>
        %add3A_785 = arith.addf %add3A_774, %get3A_784 : vector<16xf32>
        %mul3A_786 = arith.constant 256 : i32
        %mul3A_787 = arith.muli %scan3A_686, %mul3A_786 : i32
        %add3A_788 = arith.constant 144 : i32
        %add3A_789 = arith.addi %mul3A_787, %add3A_788 : i32
        %get3A_790 = arith.constant 0 : i32
        %get3A_791 = arith.index_cast %get3A_790 : i32 to index
        %get3A_792 = arith.index_cast %scan3A_672 : i32 to index
        %get3A_793 = arith.index_cast %add3A_789 : i32 to index
        %get3A_794 = tpu.vector_load %arg4[%get3A_791, %get3A_792, %get3A_793] {strides = array<i32>} : memref<2x8x4096xf32, #tpu.memory_space<vmem>>, vector<1x1x16xf32>,
        %get3A_795 = vector.shape_cast %get3A_794 : vector<1x1x16xf32> to vector<16xf32>
        %add3A_796 = arith.addf %add3A_785, %get3A_795 : vector<16xf32>
        %mul3A_797 = arith.constant 256 : i32
        %mul3A_798 = arith.muli %scan3A_686, %mul3A_797 : i32
        %add3A_799 = arith.constant 160 : i32
        %add3A_800 = arith.addi %mul3A_798, %add3A_799 : i32
        %get3A_801 = arith.constant 0 : i32
        %get3A_802 = arith.index_cast %get3A_801 : i32 to index
        %get3A_803 = arith.index_cast %scan3A_672 : i32 to index
        %get3A_804 = arith.index_cast %add3A_800 : i32 to index
        %get3A_805 = tpu.vector_load %arg4[%get3A_802, %get3A_803, %get3A_804] {strides = array<i32>} : memref<2x8x4096xf32, #tpu.memory_space<vmem>>, vector<1x1x16xf32>,
        %get3A_806 = vector.shape_cast %get3A_805 : vector<1x1x16xf32> to vector<16xf32>
        %add3A_807 = arith.addf %add3A_796, %get3A_806 : vector<16xf32>
        %mul3A_808 = arith.constant 256 : i32
        %mul3A_809 = arith.muli %scan3A_686, %mul3A_808 : i32
        %add3A_810 = arith.constant 176 : i32
        %add3A_811 = arith.addi %mul3A_809, %add3A_810 : i32
        %get3A_812 = arith.constant 0 : i32
        %get3A_813 = arith.index_cast %get3A_812 : i32 to index
        %get3A_814 = arith.index_cast %scan3A_672 : i32 to index
        %get3A_815 = arith.index_cast %add3A_811 : i32 to index
        %get3A_816 = tpu.vector_load %arg4[%get3A_813, %get3A_814, %get3A_815] {strides = array<i32>} : memref<2x8x4096xf32, #tpu.memory_space<vmem>>, vector<1x1x16xf32>,
        %get3A_817 = vector.shape_cast %get3A_816 : vector<1x1x16xf32> to vector<16xf32>
        %add3A_818 = arith.addf %add3A_807, %get3A_817 : vector<16xf32>
        %mul3A_819 = arith.constant 256 : i32
        %mul3A_820 = arith.muli %scan3A_686, %mul3A_819 : i32
        %add3A_821 = arith.constant 192 : i32
        %add3A_822 = arith.addi %mul3A_820, %add3A_821 : i32
        %get3A_823 = arith.constant 0 : i32
        %get3A_824 = arith.index_cast %get3A_823 : i32 to index
        %get3A_825 = arith.index_cast %scan3A_672 : i32 to index
        %get3A_826 = arith.index_cast %add3A_822 : i32 to index
        %get3A_827 = tpu.vector_load %arg4[%get3A_824, %get3A_825, %get3A_826] {strides = array<i32>} : memref<2x8x4096xf32, #tpu.memory_space<vmem>>, vector<1x1x16xf32>,
        %get3A_828 = vector.shape_cast %get3A_827 : vector<1x1x16xf32> to vector<16xf32>
        %add3A_829 = arith.addf %add3A_818, %get3A_828 : vector<16xf32>
        %mul3A_830 = arith.constant 256 : i32
        %mul3A_831 = arith.muli %scan3A_686, %mul3A_830 : i32
        %add3A_832 = arith.constant 208 : i32
        %add3A_833 = arith.addi %mul3A_831, %add3A_832 : i32
        %get3A_834 = arith.constant 0 : i32
        %get3A_835 = arith.index_cast %get3A_834 : i32 to index
        %get3A_836 = arith.index_cast %scan3A_672 : i32 to index
        %get3A_837 = arith.index_cast %add3A_833 : i32 to index
        %get3A_838 = tpu.vector_load %arg4[%get3A_835, %get3A_836, %get3A_837] {strides = array<i32>} : memref<2x8x4096xf32, #tpu.memory_space<vmem>>, vector<1x1x16xf32>,
        %get3A_839 = vector.shape_cast %get3A_838 : vector<1x1x16xf32> to vector<16xf32>
        %add3A_840 = arith.addf %add3A_829, %get3A_839 : vector<16xf32>
        %mul3A_841 = arith.constant 256 : i32
        %mul3A_842 = arith.muli %scan3A_686, %mul3A_841 : i32
        %add3A_843 = arith.constant 224 : i32
        %add3A_844 = arith.addi %mul3A_842, %add3A_843 : i32
        %get3A_845 = arith.constant 0 : i32
        %get3A_846 = arith.index_cast %get3A_845 : i32 to index
        %get3A_847 = arith.index_cast %scan3A_672 : i32 to index
        %get3A_848 = arith.index_cast %add3A_844 : i32 to index
        %get3A_849 = tpu.vector_load %arg4[%get3A_846, %get3A_847, %get3A_848] {strides = array<i32>} : memref<2x8x4096xf32, #tpu.memory_space<vmem>>, vector<1x1x16xf32>,
        %get3A_850 = vector.shape_cast %get3A_849 : vector<1x1x16xf32> to vector<16xf32>
        %add3A_851 = arith.addf %add3A_840, %get3A_850 : vector<16xf32>
        %mul3A_852 = arith.constant 256 : i32
        %mul3A_853 = arith.muli %scan3A_686, %mul3A_852 : i32
        %add3A_854 = arith.constant 240 : i32
        %add3A_855 = arith.addi %mul3A_853, %add3A_854 : i32
        %get3A_856 = arith.constant 0 : i32
        %get3A_857 = arith.index_cast %get3A_856 : i32 to index
        %get3A_858 = arith.index_cast %scan3A_672 : i32 to index
        %get3A_859 = arith.index_cast %add3A_855 : i32 to index
        %get3A_860 = tpu.vector_load %arg4[%get3A_857, %get3A_858, %get3A_859] {strides = array<i32>} : memref<2x8x4096xf32, #tpu.memory_space<vmem>>, vector<1x1x16xf32>,
        %get3A_861 = vector.shape_cast %get3A_860 : vector<1x1x16xf32> to vector<16xf32>
        %add3A_862 = arith.addf %add3A_851, %get3A_861 : vector<16xf32>
        scf.yield %add3A_862 : vector<16xf32>
      }
      %scan3A_679 = arith.constant 16 : i32
      %add3A_680 = arith.constant 80 : i32
      %add3A_681 = arith.addi %add3A_680, %scan3A_672 : i32
      %swap3A = arith.index_cast %add3A_681 : i32 to index
      %swap3A_682 = arith.constant 0 : index
      %swap3A_683 = tpu.vector_load %arg5[%swap3A, %swap3A_682] {strides = array<i32>} : memref<128x16xf32, #tpu.memory_space<vmem>>, vector<1x16xf32>,
      %swap3A_684 = vector.shape_cast %swap3A_683 : vector<1x16xf32> to vector<16xf32>
      %swap3A_685 = vector.shape_cast %scan3A_678 : vector<16xf32> to vector<1x16xf32>
      tpu.vector_store %arg5[%swap3A, %swap3A_682], %swap3A_685 {strides = array<i32>} : memref<128x16xf32, #tpu.memory_space<vmem>>, vector<1x16xf32>,
    }
    %scan3A_479 = arith.constant 8 : i32
    %add3A_480 = arith.constant 96 : i32
    %add3A_481 = arith.addi %mul3A_2, %add3A_480 : i32
    %dma_start3A_482 = arith.constant 0 : i32
    %dma_start3A_483 = arith.constant 0 : i32
    %dma_start3A_484 = arith.constant 0 : i32
    %dma_start3A_485 = arith.constant 0 : i32
    %dma_start3A_486 = tpu.memref_slice %arg4[%dma_start3A_483, %dma_start3A_484, %dma_start3A_485] : memref<2x8x4096xf32, #tpu.memory_space<vmem>> -> memref<1x8x4096xf32, #tpu.memory_space<vmem>>
    %dma_start3A_487 = tpu.memref_squeeze %dma_start3A_486 : memref<1x8x4096xf32, #tpu.memory_space<vmem>> -> memref<8x4096xf32, #tpu.memory_space<vmem>>
    %dma_start3A_488 = arith.constant 0 : i32
    %dma_start3A_489 = tpu.memref_slice %arg2[%dma_start3A_482, %add3A_481, %dma_start3A_488] : memref<2x4096x4096xf32, #tpu.memory_space<hbm>> -> memref<1x8x4096xf32, #tpu.memory_space<hbm>>
    %dma_start3A_490 = tpu.memref_squeeze %dma_start3A_489 : memref<1x8x4096xf32, #tpu.memory_space<hbm>> -> memref<8x4096xf32, #tpu.memory_space<hbm>>
    %dma_start3A_491 = arith.constant 0 : i32
    %dma_start3A_492 = arith.constant 0 : i32
    %dma_start3A_493 = tpu.memref_slice %arg4[%dma_start3A_483, %dma_start3A_491, %dma_start3A_492] : memref<2x8x4096xf32, #tpu.memory_space<vmem>> -> memref<1x8x4096xf32, #tpu.memory_space<vmem>>
    %dma_start3A_494 = tpu.memref_squeeze %dma_start3A_493 : memref<1x8x4096xf32, #tpu.memory_space<vmem>> -> memref<8x4096xf32, #tpu.memory_space<vmem>>
    %dma_start3A_495 = arith.constant 0 : i32
    %dma_start3A_496 = tpu.memref_slice %arg2[%dma_start3A_482, %add3A_481, %dma_start3A_495] : memref<2x4096x4096xf32, #tpu.memory_space<hbm>> -> memref<1x8x4096xf32, #tpu.memory_space<hbm>>
    %dma_start3A_497 = tpu.memref_squeeze %dma_start3A_496 : memref<1x8x4096xf32, #tpu.memory_space<hbm>> -> memref<8x4096xf32, #tpu.memory_space<hbm>>
    tpu.enqueue_dma source(%dma_start3A_497 : memref<8x4096xf32, #tpu.memory_space<hbm>>) target(%dma_start3A_494 : memref<8x4096xf32, #tpu.memory_space<vmem>>) target_semaphore(%arg6 : memref<!tpu.dma_semaphore, #tpu.memory_space<semaphore_mem>>)
    %add3A_498 = arith.constant 88 : i32
    %add3A_499 = arith.addi %mul3A_2, %add3A_498 : i32
    %dma_wait3A_500 = arith.constant 0 : i32
    %dma_wait3A_501 = arith.constant 1 : i32
    %dma_wait3A_502 = arith.constant 0 : i32
    %dma_wait3A_503 = arith.constant 0 : i32
    %dma_wait3A_504 = tpu.memref_slice %arg4[%dma_wait3A_501, %dma_wait3A_502, %dma_wait3A_503] : memref<2x8x4096xf32, #tpu.memory_space<vmem>> -> memref<1x8x4096xf32, #tpu.memory_space<vmem>>
    %dma_wait3A_505 = tpu.memref_squeeze %dma_wait3A_504 : memref<1x8x4096xf32, #tpu.memory_space<vmem>> -> memref<8x4096xf32, #tpu.memory_space<vmem>>
    %dma_wait3A_506 = arith.constant 0 : i32
    %dma_wait3A_507 = tpu.memref_slice %arg2[%dma_wait3A_500, %add3A_499, %dma_wait3A_506] : memref<2x4096x4096xf32, #tpu.memory_space<hbm>> -> memref<1x8x4096xf32, #tpu.memory_space<hbm>>
    %dma_wait3A_508 = tpu.memref_squeeze %dma_wait3A_507 : memref<1x8x4096xf32, #tpu.memory_space<hbm>> -> memref<8x4096xf32, #tpu.memory_space<hbm>>
    %dma_wait3A_509 = arith.constant 0 : i32
    %dma_wait3A_510 = arith.constant 0 : i32
    %dma_wait3A_511 = tpu.memref_slice %arg4[%dma_wait3A_501, %dma_wait3A_509, %dma_wait3A_510] : memref<2x8x4096xf32, #tpu.memory_space<vmem>> -> memref<1x8x4096xf32, #tpu.memory_space<vmem>>
    %dma_wait3A_512 = tpu.memref_squeeze %dma_wait3A_511 : memref<1x8x4096xf32, #tpu.memory_space<vmem>> -> memref<8x4096xf32, #tpu.memory_space<vmem>>
    %dma_wait3A_513 = arith.constant 0 : i32
    %dma_wait3A_514 = tpu.memref_slice %arg2[%dma_wait3A_500, %add3A_499, %dma_wait3A_513] : memref<2x4096x4096xf32, #tpu.memory_space<hbm>> -> memref<1x8x4096xf32, #tpu.memory_space<hbm>>
    %dma_wait3A_515 = tpu.memref_squeeze %dma_wait3A_514 : memref<1x8x4096xf32, #tpu.memory_space<hbm>> -> memref<8x4096xf32, #tpu.memory_space<hbm>>
    tpu.wait_dma2 semaphore(%arg7 : memref<!tpu.dma_semaphore, #tpu.memory_space<semaphore_mem>>) src(%dma_wait3A_515 : memref<8x4096xf32, #tpu.memory_space<hbm>>) dst(%dma_wait3A_512 : memref<8x4096xf32, #tpu.memory_space<vmem>>)
    %scan3A_516 = arith.constant 0 : i32
    %scan3A_517 = arith.constant 0 : i32
    %scan3A_518 = arith.constant 8 : i32
    %scan3A_519 = arith.addi %scan3A_517, %scan3A_518 : i32
    %scan3A_520 = arith.constant 1 : i32
    scf.for %scan3A_672 = %scan3A_517 to %scan3A_519 step %scan3A_520  : i32 {
      %broadcast_in_dim3A = arith.constant 0.000000e+00 : f32
      %broadcast_in_dim3A_673 = vector.broadcast %broadcast_in_dim3A : f32 to vector<16xf32>
      %scan3A_674 = arith.constant 0 : i32
      %scan3A_675 = arith.constant 16 : i32
      %scan3A_676 = arith.addi %scan3A_674, %scan3A_675 : i32
      %scan3A_677 = arith.constant 1 : i32
      %scan3A_678 = scf.for %scan3A_686 = %scan3A_674 to %scan3A_676 step %scan3A_677 iter_args(%scan3A_687 = %broadcast_in_dim3A_673) -> (vector<16xf32>)  : i32 {
        %mul3A_688 = arith.constant 256 : i32
        %mul3A_689 = arith.muli %scan3A_686, %mul3A_688 : i32
        %add3A_690 = arith.constant 0 : i32
        %add3A_691 = arith.addi %mul3A_689, %add3A_690 : i32
        %get3A = arith.constant 1 : i32
        %get3A_692 = arith.index_cast %get3A : i32 to index
        %get3A_693 = arith.index_cast %scan3A_672 : i32 to index
        %get3A_694 = arith.index_cast %add3A_691 : i32 to index
        %get3A_695 = tpu.vector_load %arg4[%get3A_692, %get3A_693, %get3A_694] {strides = array<i32>} : memref<2x8x4096xf32, #tpu.memory_space<vmem>>, vector<1x1x16xf32>,
        %get3A_696 = vector.shape_cast %get3A_695 : vector<1x1x16xf32> to vector<16xf32>
        %add3A_697 = arith.addf %scan3A_687, %get3A_696 : vector<16xf32>
        %mul3A_698 = arith.constant 256 : i32
        %mul3A_699 = arith.muli %scan3A_686, %mul3A_698 : i32
        %add3A_700 = arith.constant 16 : i32
        %add3A_701 = arith.addi %mul3A_699, %add3A_700 : i32
        %get3A_702 = arith.constant 1 : i32
        %get3A_703 = arith.index_cast %get3A_702 : i32 to index
        %get3A_704 = arith.index_cast %scan3A_672 : i32 to index
        %get3A_705 = arith.index_cast %add3A_701 : i32 to index
        %get3A_706 = tpu.vector_load %arg4[%get3A_703, %get3A_704, %get3A_705] {strides = array<i32>} : memref<2x8x4096xf32, #tpu.memory_space<vmem>>, vector<1x1x16xf32>,
        %get3A_707 = vector.shape_cast %get3A_706 : vector<1x1x16xf32> to vector<16xf32>
        %add3A_708 = arith.addf %add3A_697, %get3A_707 : vector<16xf32>
        %mul3A_709 = arith.constant 256 : i32
        %mul3A_710 = arith.muli %scan3A_686, %mul3A_709 : i32
        %add3A_711 = arith.constant 32 : i32
        %add3A_712 = arith.addi %mul3A_710, %add3A_711 : i32
        %get3A_713 = arith.constant 1 : i32
        %get3A_714 = arith.index_cast %get3A_713 : i32 to index
        %get3A_715 = arith.index_cast %scan3A_672 : i32 to index
        %get3A_716 = arith.index_cast %add3A_712 : i32 to index
        %get3A_717 = tpu.vector_load %arg4[%get3A_714, %get3A_715, %get3A_716] {strides = array<i32>} : memref<2x8x4096xf32, #tpu.memory_space<vmem>>, vector<1x1x16xf32>,
        %get3A_718 = vector.shape_cast %get3A_717 : vector<1x1x16xf32> to vector<16xf32>
        %add3A_719 = arith.addf %add3A_708, %get3A_718 : vector<16xf32>
        %mul3A_720 = arith.constant 256 : i32
        %mul3A_721 = arith.muli %scan3A_686, %mul3A_720 : i32
        %add3A_722 = arith.constant 48 : i32
        %add3A_723 = arith.addi %mul3A_721, %add3A_722 : i32
        %get3A_724 = arith.constant 1 : i32
        %get3A_725 = arith.index_cast %get3A_724 : i32 to index
        %get3A_726 = arith.index_cast %scan3A_672 : i32 to index
        %get3A_727 = arith.index_cast %add3A_723 : i32 to index
        %get3A_728 = tpu.vector_load %arg4[%get3A_725, %get3A_726, %get3A_727] {strides = array<i32>} : memref<2x8x4096xf32, #tpu.memory_space<vmem>>, vector<1x1x16xf32>,
        %get3A_729 = vector.shape_cast %get3A_728 : vector<1x1x16xf32> to vector<16xf32>
        %add3A_730 = arith.addf %add3A_719, %get3A_729 : vector<16xf32>
        %mul3A_731 = arith.constant 256 : i32
        %mul3A_732 = arith.muli %scan3A_686, %mul3A_731 : i32
        %add3A_733 = arith.constant 64 : i32
        %add3A_734 = arith.addi %mul3A_732, %add3A_733 : i32
        %get3A_735 = arith.constant 1 : i32
        %get3A_736 = arith.index_cast %get3A_735 : i32 to index
        %get3A_737 = arith.index_cast %scan3A_672 : i32 to index
        %get3A_738 = arith.index_cast %add3A_734 : i32 to index
        %get3A_739 = tpu.vector_load %arg4[%get3A_736, %get3A_737, %get3A_738] {strides = array<i32>} : memref<2x8x4096xf32, #tpu.memory_space<vmem>>, vector<1x1x16xf32>,
        %get3A_740 = vector.shape_cast %get3A_739 : vector<1x1x16xf32> to vector<16xf32>
        %add3A_741 = arith.addf %add3A_730, %get3A_740 : vector<16xf32>
        %mul3A_742 = arith.constant 256 : i32
        %mul3A_743 = arith.muli %scan3A_686, %mul3A_742 : i32
        %add3A_744 = arith.constant 80 : i32
        %add3A_745 = arith.addi %mul3A_743, %add3A_744 : i32
        %get3A_746 = arith.constant 1 : i32
        %get3A_747 = arith.index_cast %get3A_746 : i32 to index
        %get3A_748 = arith.index_cast %scan3A_672 : i32 to index
        %get3A_749 = arith.index_cast %add3A_745 : i32 to index
        %get3A_750 = tpu.vector_load %arg4[%get3A_747, %get3A_748, %get3A_749] {strides = array<i32>} : memref<2x8x4096xf32, #tpu.memory_space<vmem>>, vector<1x1x16xf32>,
        %get3A_751 = vector.shape_cast %get3A_750 : vector<1x1x16xf32> to vector<16xf32>
        %add3A_752 = arith.addf %add3A_741, %get3A_751 : vector<16xf32>
        %mul3A_753 = arith.constant 256 : i32
        %mul3A_754 = arith.muli %scan3A_686, %mul3A_753 : i32
        %add3A_755 = arith.constant 96 : i32
        %add3A_756 = arith.addi %mul3A_754, %add3A_755 : i32
        %get3A_757 = arith.constant 1 : i32
        %get3A_758 = arith.index_cast %get3A_757 : i32 to index
        %get3A_759 = arith.index_cast %scan3A_672 : i32 to index
        %get3A_760 = arith.index_cast %add3A_756 : i32 to index
        %get3A_761 = tpu.vector_load %arg4[%get3A_758, %get3A_759, %get3A_760] {strides = array<i32>} : memref<2x8x4096xf32, #tpu.memory_space<vmem>>, vector<1x1x16xf32>,
        %get3A_762 = vector.shape_cast %get3A_761 : vector<1x1x16xf32> to vector<16xf32>
        %add3A_763 = arith.addf %add3A_752, %get3A_762 : vector<16xf32>
        %mul3A_764 = arith.constant 256 : i32
        %mul3A_765 = arith.muli %scan3A_686, %mul3A_764 : i32
        %add3A_766 = arith.constant 112 : i32
        %add3A_767 = arith.addi %mul3A_765, %add3A_766 : i32
        %get3A_768 = arith.constant 1 : i32
        %get3A_769 = arith.index_cast %get3A_768 : i32 to index
        %get3A_770 = arith.index_cast %scan3A_672 : i32 to index
        %get3A_771 = arith.index_cast %add3A_767 : i32 to index
        %get3A_772 = tpu.vector_load %arg4[%get3A_769, %get3A_770, %get3A_771] {strides = array<i32>} : memref<2x8x4096xf32, #tpu.memory_space<vmem>>, vector<1x1x16xf32>,
        %get3A_773 = vector.shape_cast %get3A_772 : vector<1x1x16xf32> to vector<16xf32>
        %add3A_774 = arith.addf %add3A_763, %get3A_773 : vector<16xf32>
        %mul3A_775 = arith.constant 256 : i32
        %mul3A_776 = arith.muli %scan3A_686, %mul3A_775 : i32
        %add3A_777 = arith.constant 128 : i32
        %add3A_778 = arith.addi %mul3A_776, %add3A_777 : i32
        %get3A_779 = arith.constant 1 : i32
        %get3A_780 = arith.index_cast %get3A_779 : i32 to index
        %get3A_781 = arith.index_cast %scan3A_672 : i32 to index
        %get3A_782 = arith.index_cast %add3A_778 : i32 to index
        %get3A_783 = tpu.vector_load %arg4[%get3A_780, %get3A_781, %get3A_782] {strides = array<i32>} : memref<2x8x4096xf32, #tpu.memory_space<vmem>>, vector<1x1x16xf32>,
        %get3A_784 = vector.shape_cast %get3A_783 : vector<1x1x16xf32> to vector<16xf32>
        %add3A_785 = arith.addf %add3A_774, %get3A_784 : vector<16xf32>
        %mul3A_786 = arith.constant 256 : i32
        %mul3A_787 = arith.muli %scan3A_686, %mul3A_786 : i32
        %add3A_788 = arith.constant 144 : i32
        %add3A_789 = arith.addi %mul3A_787, %add3A_788 : i32
        %get3A_790 = arith.constant 1 : i32
        %get3A_791 = arith.index_cast %get3A_790 : i32 to index
        %get3A_792 = arith.index_cast %scan3A_672 : i32 to index
        %get3A_793 = arith.index_cast %add3A_789 : i32 to index
        %get3A_794 = tpu.vector_load %arg4[%get3A_791, %get3A_792, %get3A_793] {strides = array<i32>} : memref<2x8x4096xf32, #tpu.memory_space<vmem>>, vector<1x1x16xf32>,
        %get3A_795 = vector.shape_cast %get3A_794 : vector<1x1x16xf32> to vector<16xf32>
        %add3A_796 = arith.addf %add3A_785, %get3A_795 : vector<16xf32>
        %mul3A_797 = arith.constant 256 : i32
        %mul3A_798 = arith.muli %scan3A_686, %mul3A_797 : i32
        %add3A_799 = arith.constant 160 : i32
        %add3A_800 = arith.addi %mul3A_798, %add3A_799 : i32
        %get3A_801 = arith.constant 1 : i32
        %get3A_802 = arith.index_cast %get3A_801 : i32 to index
        %get3A_803 = arith.index_cast %scan3A_672 : i32 to index
        %get3A_804 = arith.index_cast %add3A_800 : i32 to index
        %get3A_805 = tpu.vector_load %arg4[%get3A_802, %get3A_803, %get3A_804] {strides = array<i32>} : memref<2x8x4096xf32, #tpu.memory_space<vmem>>, vector<1x1x16xf32>,
        %get3A_806 = vector.shape_cast %get3A_805 : vector<1x1x16xf32> to vector<16xf32>
        %add3A_807 = arith.addf %add3A_796, %get3A_806 : vector<16xf32>
        %mul3A_808 = arith.constant 256 : i32
        %mul3A_809 = arith.muli %scan3A_686, %mul3A_808 : i32
        %add3A_810 = arith.constant 176 : i32
        %add3A_811 = arith.addi %mul3A_809, %add3A_810 : i32
        %get3A_812 = arith.constant 1 : i32
        %get3A_813 = arith.index_cast %get3A_812 : i32 to index
        %get3A_814 = arith.index_cast %scan3A_672 : i32 to index
        %get3A_815 = arith.index_cast %add3A_811 : i32 to index
        %get3A_816 = tpu.vector_load %arg4[%get3A_813, %get3A_814, %get3A_815] {strides = array<i32>} : memref<2x8x4096xf32, #tpu.memory_space<vmem>>, vector<1x1x16xf32>,
        %get3A_817 = vector.shape_cast %get3A_816 : vector<1x1x16xf32> to vector<16xf32>
        %add3A_818 = arith.addf %add3A_807, %get3A_817 : vector<16xf32>
        %mul3A_819 = arith.constant 256 : i32
        %mul3A_820 = arith.muli %scan3A_686, %mul3A_819 : i32
        %add3A_821 = arith.constant 192 : i32
        %add3A_822 = arith.addi %mul3A_820, %add3A_821 : i32
        %get3A_823 = arith.constant 1 : i32
        %get3A_824 = arith.index_cast %get3A_823 : i32 to index
        %get3A_825 = arith.index_cast %scan3A_672 : i32 to index
        %get3A_826 = arith.index_cast %add3A_822 : i32 to index
        %get3A_827 = tpu.vector_load %arg4[%get3A_824, %get3A_825, %get3A_826] {strides = array<i32>} : memref<2x8x4096xf32, #tpu.memory_space<vmem>>, vector<1x1x16xf32>,
        %get3A_828 = vector.shape_cast %get3A_827 : vector<1x1x16xf32> to vector<16xf32>
        %add3A_829 = arith.addf %add3A_818, %get3A_828 : vector<16xf32>
        %mul3A_830 = arith.constant 256 : i32
        %mul3A_831 = arith.muli %scan3A_686, %mul3A_830 : i32
        %add3A_832 = arith.constant 208 : i32
        %add3A_833 = arith.addi %mul3A_831, %add3A_832 : i32
        %get3A_834 = arith.constant 1 : i32
        %get3A_835 = arith.index_cast %get3A_834 : i32 to index
        %get3A_836 = arith.index_cast %scan3A_672 : i32 to index
        %get3A_837 = arith.index_cast %add3A_833 : i32 to index
        %get3A_838 = tpu.vector_load %arg4[%get3A_835, %get3A_836, %get3A_837] {strides = array<i32>} : memref<2x8x4096xf32, #tpu.memory_space<vmem>>, vector<1x1x16xf32>,
        %get3A_839 = vector.shape_cast %get3A_838 : vector<1x1x16xf32> to vector<16xf32>
        %add3A_840 = arith.addf %add3A_829, %get3A_839 : vector<16xf32>
        %mul3A_841 = arith.constant 256 : i32
        %mul3A_842 = arith.muli %scan3A_686, %mul3A_841 : i32
        %add3A_843 = arith.constant 224 : i32
        %add3A_844 = arith.addi %mul3A_842, %add3A_843 : i32
        %get3A_845 = arith.constant 1 : i32
        %get3A_846 = arith.index_cast %get3A_845 : i32 to index
        %get3A_847 = arith.index_cast %scan3A_672 : i32 to index
        %get3A_848 = arith.index_cast %add3A_844 : i32 to index
        %get3A_849 = tpu.vector_load %arg4[%get3A_846, %get3A_847, %get3A_848] {strides = array<i32>} : memref<2x8x4096xf32, #tpu.memory_space<vmem>>, vector<1x1x16xf32>,
        %get3A_850 = vector.shape_cast %get3A_849 : vector<1x1x16xf32> to vector<16xf32>
        %add3A_851 = arith.addf %add3A_840, %get3A_850 : vector<16xf32>
        %mul3A_852 = arith.constant 256 : i32
        %mul3A_853 = arith.muli %scan3A_686, %mul3A_852 : i32
        %add3A_854 = arith.constant 240 : i32
        %add3A_855 = arith.addi %mul3A_853, %add3A_854 : i32
        %get3A_856 = arith.constant 1 : i32
        %get3A_857 = arith.index_cast %get3A_856 : i32 to index
        %get3A_858 = arith.index_cast %scan3A_672 : i32 to index
        %get3A_859 = arith.index_cast %add3A_855 : i32 to index
        %get3A_860 = tpu.vector_load %arg4[%get3A_857, %get3A_858, %get3A_859] {strides = array<i32>} : memref<2x8x4096xf32, #tpu.memory_space<vmem>>, vector<1x1x16xf32>,
        %get3A_861 = vector.shape_cast %get3A_860 : vector<1x1x16xf32> to vector<16xf32>
        %add3A_862 = arith.addf %add3A_851, %get3A_861 : vector<16xf32>
        scf.yield %add3A_862 : vector<16xf32>
      }
      %scan3A_679 = arith.constant 16 : i32
      %add3A_680 = arith.constant 88 : i32
      %add3A_681 = arith.addi %add3A_680, %scan3A_672 : i32
      %swap3A = arith.index_cast %add3A_681 : i32 to index
      %swap3A_682 = arith.constant 0 : index
      %swap3A_683 = tpu.vector_load %arg5[%swap3A, %swap3A_682] {strides = array<i32>} : memref<128x16xf32, #tpu.memory_space<vmem>>, vector<1x16xf32>,
      %swap3A_684 = vector.shape_cast %swap3A_683 : vector<1x16xf32> to vector<16xf32>
      %swap3A_685 = vector.shape_cast %scan3A_678 : vector<16xf32> to vector<1x16xf32>
      tpu.vector_store %arg5[%swap3A, %swap3A_682], %swap3A_685 {strides = array<i32>} : memref<128x16xf32, #tpu.memory_space<vmem>>, vector<1x16xf32>,
    }
    %scan3A_521 = arith.constant 8 : i32
    %add3A_522 = arith.constant 104 : i32
    %add3A_523 = arith.addi %mul3A_2, %add3A_522 : i32
    %dma_start3A_524 = arith.constant 0 : i32
    %dma_start3A_525 = arith.constant 1 : i32
    %dma_start3A_526 = arith.constant 0 : i32
    %dma_start3A_527 = arith.constant 0 : i32
    %dma_start3A_528 = tpu.memref_slice %arg4[%dma_start3A_525, %dma_start3A_526, %dma_start3A_527] : memref<2x8x4096xf32, #tpu.memory_space<vmem>> -> memref<1x8x4096xf32, #tpu.memory_space<vmem>>
    %dma_start3A_529 = tpu.memref_squeeze %dma_start3A_528 : memref<1x8x4096xf32, #tpu.memory_space<vmem>> -> memref<8x4096xf32, #tpu.memory_space<vmem>>
    %dma_start3A_530 = arith.constant 0 : i32
    %dma_start3A_531 = tpu.memref_slice %arg2[%dma_start3A_524, %add3A_523, %dma_start3A_530] : memref<2x4096x4096xf32, #tpu.memory_space<hbm>> -> memref<1x8x4096xf32, #tpu.memory_space<hbm>>
    %dma_start3A_532 = tpu.memref_squeeze %dma_start3A_531 : memref<1x8x4096xf32, #tpu.memory_space<hbm>> -> memref<8x4096xf32, #tpu.memory_space<hbm>>
    %dma_start3A_533 = arith.constant 0 : i32
    %dma_start3A_534 = arith.constant 0 : i32
    %dma_start3A_535 = tpu.memref_slice %arg4[%dma_start3A_525, %dma_start3A_533, %dma_start3A_534] : memref<2x8x4096xf32, #tpu.memory_space<vmem>> -> memref<1x8x4096xf32, #tpu.memory_space<vmem>>
    %dma_start3A_536 = tpu.memref_squeeze %dma_start3A_535 : memref<1x8x4096xf32, #tpu.memory_space<vmem>> -> memref<8x4096xf32, #tpu.memory_space<vmem>>
    %dma_start3A_537 = arith.constant 0 : i32
    %dma_start3A_538 = tpu.memref_slice %arg2[%dma_start3A_524, %add3A_523, %dma_start3A_537] : memref<2x4096x4096xf32, #tpu.memory_space<hbm>> -> memref<1x8x4096xf32, #tpu.memory_space<hbm>>
    %dma_start3A_539 = tpu.memref_squeeze %dma_start3A_538 : memref<1x8x4096xf32, #tpu.memory_space<hbm>> -> memref<8x4096xf32, #tpu.memory_space<hbm>>
    tpu.enqueue_dma source(%dma_start3A_539 : memref<8x4096xf32, #tpu.memory_space<hbm>>) target(%dma_start3A_536 : memref<8x4096xf32, #tpu.memory_space<vmem>>) target_semaphore(%arg7 : memref<!tpu.dma_semaphore, #tpu.memory_space<semaphore_mem>>)
    %add3A_540 = arith.constant 96 : i32
    %add3A_541 = arith.addi %mul3A_2, %add3A_540 : i32
    %dma_wait3A_542 = arith.constant 0 : i32
    %dma_wait3A_543 = arith.constant 0 : i32
    %dma_wait3A_544 = arith.constant 0 : i32
    %dma_wait3A_545 = arith.constant 0 : i32
    %dma_wait3A_546 = tpu.memref_slice %arg4[%dma_wait3A_543, %dma_wait3A_544, %dma_wait3A_545] : memref<2x8x4096xf32, #tpu.memory_space<vmem>> -> memref<1x8x4096xf32, #tpu.memory_space<vmem>>
    %dma_wait3A_547 = tpu.memref_squeeze %dma_wait3A_546 : memref<1x8x4096xf32, #tpu.memory_space<vmem>> -> memref<8x4096xf32, #tpu.memory_space<vmem>>
    %dma_wait3A_548 = arith.constant 0 : i32
    %dma_wait3A_549 = tpu.memref_slice %arg2[%dma_wait3A_542, %add3A_541, %dma_wait3A_548] : memref<2x4096x4096xf32, #tpu.memory_space<hbm>> -> memref<1x8x4096xf32, #tpu.memory_space<hbm>>
    %dma_wait3A_550 = tpu.memref_squeeze %dma_wait3A_549 : memref<1x8x4096xf32, #tpu.memory_space<hbm>> -> memref<8x4096xf32, #tpu.memory_space<hbm>>
    %dma_wait3A_551 = arith.constant 0 : i32
    %dma_wait3A_552 = arith.constant 0 : i32
    %dma_wait3A_553 = tpu.memref_slice %arg4[%dma_wait3A_543, %dma_wait3A_551, %dma_wait3A_552] : memref<2x8x4096xf32, #tpu.memory_space<vmem>> -> memref<1x8x4096xf32, #tpu.memory_space<vmem>>
    %dma_wait3A_554 = tpu.memref_squeeze %dma_wait3A_553 : memref<1x8x4096xf32, #tpu.memory_space<vmem>> -> memref<8x4096xf32, #tpu.memory_space<vmem>>
    %dma_wait3A_555 = arith.constant 0 : i32
    %dma_wait3A_556 = tpu.memref_slice %arg2[%dma_wait3A_542, %add3A_541, %dma_wait3A_555] : memref<2x4096x4096xf32, #tpu.memory_space<hbm>> -> memref<1x8x4096xf32, #tpu.memory_space<hbm>>
    %dma_wait3A_557 = tpu.memref_squeeze %dma_wait3A_556 : memref<1x8x4096xf32, #tpu.memory_space<hbm>> -> memref<8x4096xf32, #tpu.memory_space<hbm>>
    tpu.wait_dma2 semaphore(%arg6 : memref<!tpu.dma_semaphore, #tpu.memory_space<semaphore_mem>>) src(%dma_wait3A_557 : memref<8x4096xf32, #tpu.memory_space<hbm>>) dst(%dma_wait3A_554 : memref<8x4096xf32, #tpu.memory_space<vmem>>)
    %scan3A_558 = arith.constant 0 : i32
    %scan3A_559 = arith.constant 0 : i32
    %scan3A_560 = arith.constant 8 : i32
    %scan3A_561 = arith.addi %scan3A_559, %scan3A_560 : i32
    %scan3A_562 = arith.constant 1 : i32
    scf.for %scan3A_672 = %scan3A_559 to %scan3A_561 step %scan3A_562  : i32 {
      %broadcast_in_dim3A = arith.constant 0.000000e+00 : f32
      %broadcast_in_dim3A_673 = vector.broadcast %broadcast_in_dim3A : f32 to vector<16xf32>
      %scan3A_674 = arith.constant 0 : i32
      %scan3A_675 = arith.constant 16 : i32
      %scan3A_676 = arith.addi %scan3A_674, %scan3A_675 : i32
      %scan3A_677 = arith.constant 1 : i32
      %scan3A_678 = scf.for %scan3A_686 = %scan3A_674 to %scan3A_676 step %scan3A_677 iter_args(%scan3A_687 = %broadcast_in_dim3A_673) -> (vector<16xf32>)  : i32 {
        %mul3A_688 = arith.constant 256 : i32
        %mul3A_689 = arith.muli %scan3A_686, %mul3A_688 : i32
        %add3A_690 = arith.constant 0 : i32
        %add3A_691 = arith.addi %mul3A_689, %add3A_690 : i32
        %get3A = arith.constant 0 : i32
        %get3A_692 = arith.index_cast %get3A : i32 to index
        %get3A_693 = arith.index_cast %scan3A_672 : i32 to index
        %get3A_694 = arith.index_cast %add3A_691 : i32 to index
        %get3A_695 = tpu.vector_load %arg4[%get3A_692, %get3A_693, %get3A_694] {strides = array<i32>} : memref<2x8x4096xf32, #tpu.memory_space<vmem>>, vector<1x1x16xf32>,
        %get3A_696 = vector.shape_cast %get3A_695 : vector<1x1x16xf32> to vector<16xf32>
        %add3A_697 = arith.addf %scan3A_687, %get3A_696 : vector<16xf32>
        %mul3A_698 = arith.constant 256 : i32
        %mul3A_699 = arith.muli %scan3A_686, %mul3A_698 : i32
        %add3A_700 = arith.constant 16 : i32
        %add3A_701 = arith.addi %mul3A_699, %add3A_700 : i32
        %get3A_702 = arith.constant 0 : i32
        %get3A_703 = arith.index_cast %get3A_702 : i32 to index
        %get3A_704 = arith.index_cast %scan3A_672 : i32 to index
        %get3A_705 = arith.index_cast %add3A_701 : i32 to index
        %get3A_706 = tpu.vector_load %arg4[%get3A_703, %get3A_704, %get3A_705] {strides = array<i32>} : memref<2x8x4096xf32, #tpu.memory_space<vmem>>, vector<1x1x16xf32>,
        %get3A_707 = vector.shape_cast %get3A_706 : vector<1x1x16xf32> to vector<16xf32>
        %add3A_708 = arith.addf %add3A_697, %get3A_707 : vector<16xf32>
        %mul3A_709 = arith.constant 256 : i32
        %mul3A_710 = arith.muli %scan3A_686, %mul3A_709 : i32
        %add3A_711 = arith.constant 32 : i32
        %add3A_712 = arith.addi %mul3A_710, %add3A_711 : i32
        %get3A_713 = arith.constant 0 : i32
        %get3A_714 = arith.index_cast %get3A_713 : i32 to index
        %get3A_715 = arith.index_cast %scan3A_672 : i32 to index
        %get3A_716 = arith.index_cast %add3A_712 : i32 to index
        %get3A_717 = tpu.vector_load %arg4[%get3A_714, %get3A_715, %get3A_716] {strides = array<i32>} : memref<2x8x4096xf32, #tpu.memory_space<vmem>>, vector<1x1x16xf32>,
        %get3A_718 = vector.shape_cast %get3A_717 : vector<1x1x16xf32> to vector<16xf32>
        %add3A_719 = arith.addf %add3A_708, %get3A_718 : vector<16xf32>
        %mul3A_720 = arith.constant 256 : i32
        %mul3A_721 = arith.muli %scan3A_686, %mul3A_720 : i32
        %add3A_722 = arith.constant 48 : i32
        %add3A_723 = arith.addi %mul3A_721, %add3A_722 : i32
        %get3A_724 = arith.constant 0 : i32
        %get3A_725 = arith.index_cast %get3A_724 : i32 to index
        %get3A_726 = arith.index_cast %scan3A_672 : i32 to index
        %get3A_727 = arith.index_cast %add3A_723 : i32 to index
        %get3A_728 = tpu.vector_load %arg4[%get3A_725, %get3A_726, %get3A_727] {strides = array<i32>} : memref<2x8x4096xf32, #tpu.memory_space<vmem>>, vector<1x1x16xf32>,
        %get3A_729 = vector.shape_cast %get3A_728 : vector<1x1x16xf32> to vector<16xf32>
        %add3A_730 = arith.addf %add3A_719, %get3A_729 : vector<16xf32>
        %mul3A_731 = arith.constant 256 : i32
        %mul3A_732 = arith.muli %scan3A_686, %mul3A_731 : i32
        %add3A_733 = arith.constant 64 : i32
        %add3A_734 = arith.addi %mul3A_732, %add3A_733 : i32
        %get3A_735 = arith.constant 0 : i32
        %get3A_736 = arith.index_cast %get3A_735 : i32 to index
        %get3A_737 = arith.index_cast %scan3A_672 : i32 to index
        %get3A_738 = arith.index_cast %add3A_734 : i32 to index
        %get3A_739 = tpu.vector_load %arg4[%get3A_736, %get3A_737, %get3A_738] {strides = array<i32>} : memref<2x8x4096xf32, #tpu.memory_space<vmem>>, vector<1x1x16xf32>,
        %get3A_740 = vector.shape_cast %get3A_739 : vector<1x1x16xf32> to vector<16xf32>
        %add3A_741 = arith.addf %add3A_730, %get3A_740 : vector<16xf32>
        %mul3A_742 = arith.constant 256 : i32
        %mul3A_743 = arith.muli %scan3A_686, %mul3A_742 : i32
        %add3A_744 = arith.constant 80 : i32
        %add3A_745 = arith.addi %mul3A_743, %add3A_744 : i32
        %get3A_746 = arith.constant 0 : i32
        %get3A_747 = arith.index_cast %get3A_746 : i32 to index
        %get3A_748 = arith.index_cast %scan3A_672 : i32 to index
        %get3A_749 = arith.index_cast %add3A_745 : i32 to index
        %get3A_750 = tpu.vector_load %arg4[%get3A_747, %get3A_748, %get3A_749] {strides = array<i32>} : memref<2x8x4096xf32, #tpu.memory_space<vmem>>, vector<1x1x16xf32>,
        %get3A_751 = vector.shape_cast %get3A_750 : vector<1x1x16xf32> to vector<16xf32>
        %add3A_752 = arith.addf %add3A_741, %get3A_751 : vector<16xf32>
        %mul3A_753 = arith.constant 256 : i32
        %mul3A_754 = arith.muli %scan3A_686, %mul3A_753 : i32
        %add3A_755 = arith.constant 96 : i32
        %add3A_756 = arith.addi %mul3A_754, %add3A_755 : i32
        %get3A_757 = arith.constant 0 : i32
        %get3A_758 = arith.index_cast %get3A_757 : i32 to index
        %get3A_759 = arith.index_cast %scan3A_672 : i32 to index
        %get3A_760 = arith.index_cast %add3A_756 : i32 to index
        %get3A_761 = tpu.vector_load %arg4[%get3A_758, %get3A_759, %get3A_760] {strides = array<i32>} : memref<2x8x4096xf32, #tpu.memory_space<vmem>>, vector<1x1x16xf32>,
        %get3A_762 = vector.shape_cast %get3A_761 : vector<1x1x16xf32> to vector<16xf32>
        %add3A_763 = arith.addf %add3A_752, %get3A_762 : vector<16xf32>
        %mul3A_764 = arith.constant 256 : i32
        %mul3A_765 = arith.muli %scan3A_686, %mul3A_764 : i32
        %add3A_766 = arith.constant 112 : i32
        %add3A_767 = arith.addi %mul3A_765, %add3A_766 : i32
        %get3A_768 = arith.constant 0 : i32
        %get3A_769 = arith.index_cast %get3A_768 : i32 to index
        %get3A_770 = arith.index_cast %scan3A_672 : i32 to index
        %get3A_771 = arith.index_cast %add3A_767 : i32 to index
        %get3A_772 = tpu.vector_load %arg4[%get3A_769, %get3A_770, %get3A_771] {strides = array<i32>} : memref<2x8x4096xf32, #tpu.memory_space<vmem>>, vector<1x1x16xf32>,
        %get3A_773 = vector.shape_cast %get3A_772 : vector<1x1x16xf32> to vector<16xf32>
        %add3A_774 = arith.addf %add3A_763, %get3A_773 : vector<16xf32>
        %mul3A_775 = arith.constant 256 : i32
        %mul3A_776 = arith.muli %scan3A_686, %mul3A_775 : i32
        %add3A_777 = arith.constant 128 : i32
        %add3A_778 = arith.addi %mul3A_776, %add3A_777 : i32
        %get3A_779 = arith.constant 0 : i32
        %get3A_780 = arith.index_cast %get3A_779 : i32 to index
        %get3A_781 = arith.index_cast %scan3A_672 : i32 to index
        %get3A_782 = arith.index_cast %add3A_778 : i32 to index
        %get3A_783 = tpu.vector_load %arg4[%get3A_780, %get3A_781, %get3A_782] {strides = array<i32>} : memref<2x8x4096xf32, #tpu.memory_space<vmem>>, vector<1x1x16xf32>,
        %get3A_784 = vector.shape_cast %get3A_783 : vector<1x1x16xf32> to vector<16xf32>
        %add3A_785 = arith.addf %add3A_774, %get3A_784 : vector<16xf32>
        %mul3A_786 = arith.constant 256 : i32
        %mul3A_787 = arith.muli %scan3A_686, %mul3A_786 : i32
        %add3A_788 = arith.constant 144 : i32
        %add3A_789 = arith.addi %mul3A_787, %add3A_788 : i32
        %get3A_790 = arith.constant 0 : i32
        %get3A_791 = arith.index_cast %get3A_790 : i32 to index
        %get3A_792 = arith.index_cast %scan3A_672 : i32 to index
        %get3A_793 = arith.index_cast %add3A_789 : i32 to index
        %get3A_794 = tpu.vector_load %arg4[%get3A_791, %get3A_792, %get3A_793] {strides = array<i32>} : memref<2x8x4096xf32, #tpu.memory_space<vmem>>, vector<1x1x16xf32>,
        %get3A_795 = vector.shape_cast %get3A_794 : vector<1x1x16xf32> to vector<16xf32>
        %add3A_796 = arith.addf %add3A_785, %get3A_795 : vector<16xf32>
        %mul3A_797 = arith.constant 256 : i32
        %mul3A_798 = arith.muli %scan3A_686, %mul3A_797 : i32
        %add3A_799 = arith.constant 160 : i32
        %add3A_800 = arith.addi %mul3A_798, %add3A_799 : i32
        %get3A_801 = arith.constant 0 : i32
        %get3A_802 = arith.index_cast %get3A_801 : i32 to index
        %get3A_803 = arith.index_cast %scan3A_672 : i32 to index
        %get3A_804 = arith.index_cast %add3A_800 : i32 to index
        %get3A_805 = tpu.vector_load %arg4[%get3A_802, %get3A_803, %get3A_804] {strides = array<i32>} : memref<2x8x4096xf32, #tpu.memory_space<vmem>>, vector<1x1x16xf32>,
        %get3A_806 = vector.shape_cast %get3A_805 : vector<1x1x16xf32> to vector<16xf32>
        %add3A_807 = arith.addf %add3A_796, %get3A_806 : vector<16xf32>
        %mul3A_808 = arith.constant 256 : i32
        %mul3A_809 = arith.muli %scan3A_686, %mul3A_808 : i32
        %add3A_810 = arith.constant 176 : i32
        %add3A_811 = arith.addi %mul3A_809, %add3A_810 : i32
        %get3A_812 = arith.constant 0 : i32
        %get3A_813 = arith.index_cast %get3A_812 : i32 to index
        %get3A_814 = arith.index_cast %scan3A_672 : i32 to index
        %get3A_815 = arith.index_cast %add3A_811 : i32 to index
        %get3A_816 = tpu.vector_load %arg4[%get3A_813, %get3A_814, %get3A_815] {strides = array<i32>} : memref<2x8x4096xf32, #tpu.memory_space<vmem>>, vector<1x1x16xf32>,
        %get3A_817 = vector.shape_cast %get3A_816 : vector<1x1x16xf32> to vector<16xf32>
        %add3A_818 = arith.addf %add3A_807, %get3A_817 : vector<16xf32>
        %mul3A_819 = arith.constant 256 : i32
        %mul3A_820 = arith.muli %scan3A_686, %mul3A_819 : i32
        %add3A_821 = arith.constant 192 : i32
        %add3A_822 = arith.addi %mul3A_820, %add3A_821 : i32
        %get3A_823 = arith.constant 0 : i32
        %get3A_824 = arith.index_cast %get3A_823 : i32 to index
        %get3A_825 = arith.index_cast %scan3A_672 : i32 to index
        %get3A_826 = arith.index_cast %add3A_822 : i32 to index
        %get3A_827 = tpu.vector_load %arg4[%get3A_824, %get3A_825, %get3A_826] {strides = array<i32>} : memref<2x8x4096xf32, #tpu.memory_space<vmem>>, vector<1x1x16xf32>,
        %get3A_828 = vector.shape_cast %get3A_827 : vector<1x1x16xf32> to vector<16xf32>
        %add3A_829 = arith.addf %add3A_818, %get3A_828 : vector<16xf32>
        %mul3A_830 = arith.constant 256 : i32
        %mul3A_831 = arith.muli %scan3A_686, %mul3A_830 : i32
        %add3A_832 = arith.constant 208 : i32
        %add3A_833 = arith.addi %mul3A_831, %add3A_832 : i32
        %get3A_834 = arith.constant 0 : i32
        %get3A_835 = arith.index_cast %get3A_834 : i32 to index
        %get3A_836 = arith.index_cast %scan3A_672 : i32 to index
        %get3A_837 = arith.index_cast %add3A_833 : i32 to index
        %get3A_838 = tpu.vector_load %arg4[%get3A_835, %get3A_836, %get3A_837] {strides = array<i32>} : memref<2x8x4096xf32, #tpu.memory_space<vmem>>, vector<1x1x16xf32>,
        %get3A_839 = vector.shape_cast %get3A_838 : vector<1x1x16xf32> to vector<16xf32>
        %add3A_840 = arith.addf %add3A_829, %get3A_839 : vector<16xf32>
        %mul3A_841 = arith.constant 256 : i32
        %mul3A_842 = arith.muli %scan3A_686, %mul3A_841 : i32
        %add3A_843 = arith.constant 224 : i32
        %add3A_844 = arith.addi %mul3A_842, %add3A_843 : i32
        %get3A_845 = arith.constant 0 : i32
        %get3A_846 = arith.index_cast %get3A_845 : i32 to index
        %get3A_847 = arith.index_cast %scan3A_672 : i32 to index
        %get3A_848 = arith.index_cast %add3A_844 : i32 to index
        %get3A_849 = tpu.vector_load %arg4[%get3A_846, %get3A_847, %get3A_848] {strides = array<i32>} : memref<2x8x4096xf32, #tpu.memory_space<vmem>>, vector<1x1x16xf32>,
        %get3A_850 = vector.shape_cast %get3A_849 : vector<1x1x16xf32> to vector<16xf32>
        %add3A_851 = arith.addf %add3A_840, %get3A_850 : vector<16xf32>
        %mul3A_852 = arith.constant 256 : i32
        %mul3A_853 = arith.muli %scan3A_686, %mul3A_852 : i32
        %add3A_854 = arith.constant 240 : i32
        %add3A_855 = arith.addi %mul3A_853, %add3A_854 : i32
        %get3A_856 = arith.constant 0 : i32
        %get3A_857 = arith.index_cast %get3A_856 : i32 to index
        %get3A_858 = arith.index_cast %scan3A_672 : i32 to index
        %get3A_859 = arith.index_cast %add3A_855 : i32 to index
        %get3A_860 = tpu.vector_load %arg4[%get3A_857, %get3A_858, %get3A_859] {strides = array<i32>} : memref<2x8x4096xf32, #tpu.memory_space<vmem>>, vector<1x1x16xf32>,
        %get3A_861 = vector.shape_cast %get3A_860 : vector<1x1x16xf32> to vector<16xf32>
        %add3A_862 = arith.addf %add3A_851, %get3A_861 : vector<16xf32>
        scf.yield %add3A_862 : vector<16xf32>
      }
      %scan3A_679 = arith.constant 16 : i32
      %add3A_680 = arith.constant 96 : i32
      %add3A_681 = arith.addi %add3A_680, %scan3A_672 : i32
      %swap3A = arith.index_cast %add3A_681 : i32 to index
      %swap3A_682 = arith.constant 0 : index
      %swap3A_683 = tpu.vector_load %arg5[%swap3A, %swap3A_682] {strides = array<i32>} : memref<128x16xf32, #tpu.memory_space<vmem>>, vector<1x16xf32>,
      %swap3A_684 = vector.shape_cast %swap3A_683 : vector<1x16xf32> to vector<16xf32>
      %swap3A_685 = vector.shape_cast %scan3A_678 : vector<16xf32> to vector<1x16xf32>
      tpu.vector_store %arg5[%swap3A, %swap3A_682], %swap3A_685 {strides = array<i32>} : memref<128x16xf32, #tpu.memory_space<vmem>>, vector<1x16xf32>,
    }
    %scan3A_563 = arith.constant 8 : i32
    %add3A_564 = arith.constant 112 : i32
    %add3A_565 = arith.addi %mul3A_2, %add3A_564 : i32
    %dma_start3A_566 = arith.constant 0 : i32
    %dma_start3A_567 = arith.constant 0 : i32
    %dma_start3A_568 = arith.constant 0 : i32
    %dma_start3A_569 = arith.constant 0 : i32
    %dma_start3A_570 = tpu.memref_slice %arg4[%dma_start3A_567, %dma_start3A_568, %dma_start3A_569] : memref<2x8x4096xf32, #tpu.memory_space<vmem>> -> memref<1x8x4096xf32, #tpu.memory_space<vmem>>
    %dma_start3A_571 = tpu.memref_squeeze %dma_start3A_570 : memref<1x8x4096xf32, #tpu.memory_space<vmem>> -> memref<8x4096xf32, #tpu.memory_space<vmem>>
    %dma_start3A_572 = arith.constant 0 : i32
    %dma_start3A_573 = tpu.memref_slice %arg2[%dma_start3A_566, %add3A_565, %dma_start3A_572] : memref<2x4096x4096xf32, #tpu.memory_space<hbm>> -> memref<1x8x4096xf32, #tpu.memory_space<hbm>>
    %dma_start3A_574 = tpu.memref_squeeze %dma_start3A_573 : memref<1x8x4096xf32, #tpu.memory_space<hbm>> -> memref<8x4096xf32, #tpu.memory_space<hbm>>
    %dma_start3A_575 = arith.constant 0 : i32
    %dma_start3A_576 = arith.constant 0 : i32
    %dma_start3A_577 = tpu.memref_slice %arg4[%dma_start3A_567, %dma_start3A_575, %dma_start3A_576] : memref<2x8x4096xf32, #tpu.memory_space<vmem>> -> memref<1x8x4096xf32, #tpu.memory_space<vmem>>
    %dma_start3A_578 = tpu.memref_squeeze %dma_start3A_577 : memref<1x8x4096xf32, #tpu.memory_space<vmem>> -> memref<8x4096xf32, #tpu.memory_space<vmem>>
    %dma_start3A_579 = arith.constant 0 : i32
    %dma_start3A_580 = tpu.memref_slice %arg2[%dma_start3A_566, %add3A_565, %dma_start3A_579] : memref<2x4096x4096xf32, #tpu.memory_space<hbm>> -> memref<1x8x4096xf32, #tpu.memory_space<hbm>>
    %dma_start3A_581 = tpu.memref_squeeze %dma_start3A_580 : memref<1x8x4096xf32, #tpu.memory_space<hbm>> -> memref<8x4096xf32, #tpu.memory_space<hbm>>
    tpu.enqueue_dma source(%dma_start3A_581 : memref<8x4096xf32, #tpu.memory_space<hbm>>) target(%dma_start3A_578 : memref<8x4096xf32, #tpu.memory_space<vmem>>) target_semaphore(%arg6 : memref<!tpu.dma_semaphore, #tpu.memory_space<semaphore_mem>>)
    %add3A_582 = arith.constant 104 : i32
    %add3A_583 = arith.addi %mul3A_2, %add3A_582 : i32
    %dma_wait3A_584 = arith.constant 0 : i32
    %dma_wait3A_585 = arith.constant 1 : i32
    %dma_wait3A_586 = arith.constant 0 : i32
    %dma_wait3A_587 = arith.constant 0 : i32
    %dma_wait3A_588 = tpu.memref_slice %arg4[%dma_wait3A_585, %dma_wait3A_586, %dma_wait3A_587] : memref<2x8x4096xf32, #tpu.memory_space<vmem>> -> memref<1x8x4096xf32, #tpu.memory_space<vmem>>
    %dma_wait3A_589 = tpu.memref_squeeze %dma_wait3A_588 : memref<1x8x4096xf32, #tpu.memory_space<vmem>> -> memref<8x4096xf32, #tpu.memory_space<vmem>>
    %dma_wait3A_590 = arith.constant 0 : i32
    %dma_wait3A_591 = tpu.memref_slice %arg2[%dma_wait3A_584, %add3A_583, %dma_wait3A_590] : memref<2x4096x4096xf32, #tpu.memory_space<hbm>> -> memref<1x8x4096xf32, #tpu.memory_space<hbm>>
    %dma_wait3A_592 = tpu.memref_squeeze %dma_wait3A_591 : memref<1x8x4096xf32, #tpu.memory_space<hbm>> -> memref<8x4096xf32, #tpu.memory_space<hbm>>
    %dma_wait3A_593 = arith.constant 0 : i32
    %dma_wait3A_594 = arith.constant 0 : i32
    %dma_wait3A_595 = tpu.memref_slice %arg4[%dma_wait3A_585, %dma_wait3A_593, %dma_wait3A_594] : memref<2x8x4096xf32, #tpu.memory_space<vmem>> -> memref<1x8x4096xf32, #tpu.memory_space<vmem>>
    %dma_wait3A_596 = tpu.memref_squeeze %dma_wait3A_595 : memref<1x8x4096xf32, #tpu.memory_space<vmem>> -> memref<8x4096xf32, #tpu.memory_space<vmem>>
    %dma_wait3A_597 = arith.constant 0 : i32
    %dma_wait3A_598 = tpu.memref_slice %arg2[%dma_wait3A_584, %add3A_583, %dma_wait3A_597] : memref<2x4096x4096xf32, #tpu.memory_space<hbm>> -> memref<1x8x4096xf32, #tpu.memory_space<hbm>>
    %dma_wait3A_599 = tpu.memref_squeeze %dma_wait3A_598 : memref<1x8x4096xf32, #tpu.memory_space<hbm>> -> memref<8x4096xf32, #tpu.memory_space<hbm>>
    tpu.wait_dma2 semaphore(%arg7 : memref<!tpu.dma_semaphore, #tpu.memory_space<semaphore_mem>>) src(%dma_wait3A_599 : memref<8x4096xf32, #tpu.memory_space<hbm>>) dst(%dma_wait3A_596 : memref<8x4096xf32, #tpu.memory_space<vmem>>)
    %scan3A_600 = arith.constant 0 : i32
    %scan3A_601 = arith.constant 0 : i32
    %scan3A_602 = arith.constant 8 : i32
    %scan3A_603 = arith.addi %scan3A_601, %scan3A_602 : i32
    %scan3A_604 = arith.constant 1 : i32
    scf.for %scan3A_672 = %scan3A_601 to %scan3A_603 step %scan3A_604  : i32 {
      %broadcast_in_dim3A = arith.constant 0.000000e+00 : f32
      %broadcast_in_dim3A_673 = vector.broadcast %broadcast_in_dim3A : f32 to vector<16xf32>
      %scan3A_674 = arith.constant 0 : i32
      %scan3A_675 = arith.constant 16 : i32
      %scan3A_676 = arith.addi %scan3A_674, %scan3A_675 : i32
      %scan3A_677 = arith.constant 1 : i32
      %scan3A_678 = scf.for %scan3A_686 = %scan3A_674 to %scan3A_676 step %scan3A_677 iter_args(%scan3A_687 = %broadcast_in_dim3A_673) -> (vector<16xf32>)  : i32 {
        %mul3A_688 = arith.constant 256 : i32
        %mul3A_689 = arith.muli %scan3A_686, %mul3A_688 : i32
        %add3A_690 = arith.constant 0 : i32
        %add3A_691 = arith.addi %mul3A_689, %add3A_690 : i32
        %get3A = arith.constant 1 : i32
        %get3A_692 = arith.index_cast %get3A : i32 to index
        %get3A_693 = arith.index_cast %scan3A_672 : i32 to index
        %get3A_694 = arith.index_cast %add3A_691 : i32 to index
        %get3A_695 = tpu.vector_load %arg4[%get3A_692, %get3A_693, %get3A_694] {strides = array<i32>} : memref<2x8x4096xf32, #tpu.memory_space<vmem>>, vector<1x1x16xf32>,
        %get3A_696 = vector.shape_cast %get3A_695 : vector<1x1x16xf32> to vector<16xf32>
        %add3A_697 = arith.addf %scan3A_687, %get3A_696 : vector<16xf32>
        %mul3A_698 = arith.constant 256 : i32
        %mul3A_699 = arith.muli %scan3A_686, %mul3A_698 : i32
        %add3A_700 = arith.constant 16 : i32
        %add3A_701 = arith.addi %mul3A_699, %add3A_700 : i32
        %get3A_702 = arith.constant 1 : i32
        %get3A_703 = arith.index_cast %get3A_702 : i32 to index
        %get3A_704 = arith.index_cast %scan3A_672 : i32 to index
        %get3A_705 = arith.index_cast %add3A_701 : i32 to index
        %get3A_706 = tpu.vector_load %arg4[%get3A_703, %get3A_704, %get3A_705] {strides = array<i32>} : memref<2x8x4096xf32, #tpu.memory_space<vmem>>, vector<1x1x16xf32>,
        %get3A_707 = vector.shape_cast %get3A_706 : vector<1x1x16xf32> to vector<16xf32>
        %add3A_708 = arith.addf %add3A_697, %get3A_707 : vector<16xf32>
        %mul3A_709 = arith.constant 256 : i32
        %mul3A_710 = arith.muli %scan3A_686, %mul3A_709 : i32
        %add3A_711 = arith.constant 32 : i32
        %add3A_712 = arith.addi %mul3A_710, %add3A_711 : i32
        %get3A_713 = arith.constant 1 : i32
        %get3A_714 = arith.index_cast %get3A_713 : i32 to index
        %get3A_715 = arith.index_cast %scan3A_672 : i32 to index
        %get3A_716 = arith.index_cast %add3A_712 : i32 to index
        %get3A_717 = tpu.vector_load %arg4[%get3A_714, %get3A_715, %get3A_716] {strides = array<i32>} : memref<2x8x4096xf32, #tpu.memory_space<vmem>>, vector<1x1x16xf32>,
        %get3A_718 = vector.shape_cast %get3A_717 : vector<1x1x16xf32> to vector<16xf32>
        %add3A_719 = arith.addf %add3A_708, %get3A_718 : vector<16xf32>
        %mul3A_720 = arith.constant 256 : i32
        %mul3A_721 = arith.muli %scan3A_686, %mul3A_720 : i32
        %add3A_722 = arith.constant 48 : i32
        %add3A_723 = arith.addi %mul3A_721, %add3A_722 : i32
        %get3A_724 = arith.constant 1 : i32
        %get3A_725 = arith.index_cast %get3A_724 : i32 to index
        %get3A_726 = arith.index_cast %scan3A_672 : i32 to index
        %get3A_727 = arith.index_cast %add3A_723 : i32 to index
        %get3A_728 = tpu.vector_load %arg4[%get3A_725, %get3A_726, %get3A_727] {strides = array<i32>} : memref<2x8x4096xf32, #tpu.memory_space<vmem>>, vector<1x1x16xf32>,
        %get3A_729 = vector.shape_cast %get3A_728 : vector<1x1x16xf32> to vector<16xf32>
        %add3A_730 = arith.addf %add3A_719, %get3A_729 : vector<16xf32>
        %mul3A_731 = arith.constant 256 : i32
        %mul3A_732 = arith.muli %scan3A_686, %mul3A_731 : i32
        %add3A_733 = arith.constant 64 : i32
        %add3A_734 = arith.addi %mul3A_732, %add3A_733 : i32
        %get3A_735 = arith.constant 1 : i32
        %get3A_736 = arith.index_cast %get3A_735 : i32 to index
        %get3A_737 = arith.index_cast %scan3A_672 : i32 to index
        %get3A_738 = arith.index_cast %add3A_734 : i32 to index
        %get3A_739 = tpu.vector_load %arg4[%get3A_736, %get3A_737, %get3A_738] {strides = array<i32>} : memref<2x8x4096xf32, #tpu.memory_space<vmem>>, vector<1x1x16xf32>,
        %get3A_740 = vector.shape_cast %get3A_739 : vector<1x1x16xf32> to vector<16xf32>
        %add3A_741 = arith.addf %add3A_730, %get3A_740 : vector<16xf32>
        %mul3A_742 = arith.constant 256 : i32
        %mul3A_743 = arith.muli %scan3A_686, %mul3A_742 : i32
        %add3A_744 = arith.constant 80 : i32
        %add3A_745 = arith.addi %mul3A_743, %add3A_744 : i32
        %get3A_746 = arith.constant 1 : i32
        %get3A_747 = arith.index_cast %get3A_746 : i32 to index
        %get3A_748 = arith.index_cast %scan3A_672 : i32 to index
        %get3A_749 = arith.index_cast %add3A_745 : i32 to index
        %get3A_750 = tpu.vector_load %arg4[%get3A_747, %get3A_748, %get3A_749] {strides = array<i32>} : memref<2x8x4096xf32, #tpu.memory_space<vmem>>, vector<1x1x16xf32>,
        %get3A_751 = vector.shape_cast %get3A_750 : vector<1x1x16xf32> to vector<16xf32>
        %add3A_752 = arith.addf %add3A_741, %get3A_751 : vector<16xf32>
        %mul3A_753 = arith.constant 256 : i32
        %mul3A_754 = arith.muli %scan3A_686, %mul3A_753 : i32
        %add3A_755 = arith.constant 96 : i32
        %add3A_756 = arith.addi %mul3A_754, %add3A_755 : i32
        %get3A_757 = arith.constant 1 : i32
        %get3A_758 = arith.index_cast %get3A_757 : i32 to index
        %get3A_759 = arith.index_cast %scan3A_672 : i32 to index
        %get3A_760 = arith.index_cast %add3A_756 : i32 to index
        %get3A_761 = tpu.vector_load %arg4[%get3A_758, %get3A_759, %get3A_760] {strides = array<i32>} : memref<2x8x4096xf32, #tpu.memory_space<vmem>>, vector<1x1x16xf32>,
        %get3A_762 = vector.shape_cast %get3A_761 : vector<1x1x16xf32> to vector<16xf32>
        %add3A_763 = arith.addf %add3A_752, %get3A_762 : vector<16xf32>
        %mul3A_764 = arith.constant 256 : i32
        %mul3A_765 = arith.muli %scan3A_686, %mul3A_764 : i32
        %add3A_766 = arith.constant 112 : i32
        %add3A_767 = arith.addi %mul3A_765, %add3A_766 : i32
        %get3A_768 = arith.constant 1 : i32
        %get3A_769 = arith.index_cast %get3A_768 : i32 to index
        %get3A_770 = arith.index_cast %scan3A_672 : i32 to index
        %get3A_771 = arith.index_cast %add3A_767 : i32 to index
        %get3A_772 = tpu.vector_load %arg4[%get3A_769, %get3A_770, %get3A_771] {strides = array<i32>} : memref<2x8x4096xf32, #tpu.memory_space<vmem>>, vector<1x1x16xf32>,
        %get3A_773 = vector.shape_cast %get3A_772 : vector<1x1x16xf32> to vector<16xf32>
        %add3A_774 = arith.addf %add3A_763, %get3A_773 : vector<16xf32>
        %mul3A_775 = arith.constant 256 : i32
        %mul3A_776 = arith.muli %scan3A_686, %mul3A_775 : i32
        %add3A_777 = arith.constant 128 : i32
        %add3A_778 = arith.addi %mul3A_776, %add3A_777 : i32
        %get3A_779 = arith.constant 1 : i32
        %get3A_780 = arith.index_cast %get3A_779 : i32 to index
        %get3A_781 = arith.index_cast %scan3A_672 : i32 to index
        %get3A_782 = arith.index_cast %add3A_778 : i32 to index
        %get3A_783 = tpu.vector_load %arg4[%get3A_780, %get3A_781, %get3A_782] {strides = array<i32>} : memref<2x8x4096xf32, #tpu.memory_space<vmem>>, vector<1x1x16xf32>,
        %get3A_784 = vector.shape_cast %get3A_783 : vector<1x1x16xf32> to vector<16xf32>
        %add3A_785 = arith.addf %add3A_774, %get3A_784 : vector<16xf32>
        %mul3A_786 = arith.constant 256 : i32
        %mul3A_787 = arith.muli %scan3A_686, %mul3A_786 : i32
        %add3A_788 = arith.constant 144 : i32
        %add3A_789 = arith.addi %mul3A_787, %add3A_788 : i32
        %get3A_790 = arith.constant 1 : i32
        %get3A_791 = arith.index_cast %get3A_790 : i32 to index
        %get3A_792 = arith.index_cast %scan3A_672 : i32 to index
        %get3A_793 = arith.index_cast %add3A_789 : i32 to index
        %get3A_794 = tpu.vector_load %arg4[%get3A_791, %get3A_792, %get3A_793] {strides = array<i32>} : memref<2x8x4096xf32, #tpu.memory_space<vmem>>, vector<1x1x16xf32>,
        %get3A_795 = vector.shape_cast %get3A_794 : vector<1x1x16xf32> to vector<16xf32>
        %add3A_796 = arith.addf %add3A_785, %get3A_795 : vector<16xf32>
        %mul3A_797 = arith.constant 256 : i32
        %mul3A_798 = arith.muli %scan3A_686, %mul3A_797 : i32
        %add3A_799 = arith.constant 160 : i32
        %add3A_800 = arith.addi %mul3A_798, %add3A_799 : i32
        %get3A_801 = arith.constant 1 : i32
        %get3A_802 = arith.index_cast %get3A_801 : i32 to index
        %get3A_803 = arith.index_cast %scan3A_672 : i32 to index
        %get3A_804 = arith.index_cast %add3A_800 : i32 to index
        %get3A_805 = tpu.vector_load %arg4[%get3A_802, %get3A_803, %get3A_804] {strides = array<i32>} : memref<2x8x4096xf32, #tpu.memory_space<vmem>>, vector<1x1x16xf32>,
        %get3A_806 = vector.shape_cast %get3A_805 : vector<1x1x16xf32> to vector<16xf32>
        %add3A_807 = arith.addf %add3A_796, %get3A_806 : vector<16xf32>
        %mul3A_808 = arith.constant 256 : i32
        %mul3A_809 = arith.muli %scan3A_686, %mul3A_808 : i32
        %add3A_810 = arith.constant 176 : i32
        %add3A_811 = arith.addi %mul3A_809, %add3A_810 : i32
        %get3A_812 = arith.constant 1 : i32
        %get3A_813 = arith.index_cast %get3A_812 : i32 to index
        %get3A_814 = arith.index_cast %scan3A_672 : i32 to index
        %get3A_815 = arith.index_cast %add3A_811 : i32 to index
        %get3A_816 = tpu.vector_load %arg4[%get3A_813, %get3A_814, %get3A_815] {strides = array<i32>} : memref<2x8x4096xf32, #tpu.memory_space<vmem>>, vector<1x1x16xf32>,
        %get3A_817 = vector.shape_cast %get3A_816 : vector<1x1x16xf32> to vector<16xf32>
        %add3A_818 = arith.addf %add3A_807, %get3A_817 : vector<16xf32>
        %mul3A_819 = arith.constant 256 : i32
        %mul3A_820 = arith.muli %scan3A_686, %mul3A_819 : i32
        %add3A_821 = arith.constant 192 : i32
        %add3A_822 = arith.addi %mul3A_820, %add3A_821 : i32
        %get3A_823 = arith.constant 1 : i32
        %get3A_824 = arith.index_cast %get3A_823 : i32 to index
        %get3A_825 = arith.index_cast %scan3A_672 : i32 to index
        %get3A_826 = arith.index_cast %add3A_822 : i32 to index
        %get3A_827 = tpu.vector_load %arg4[%get3A_824, %get3A_825, %get3A_826] {strides = array<i32>} : memref<2x8x4096xf32, #tpu.memory_space<vmem>>, vector<1x1x16xf32>,
        %get3A_828 = vector.shape_cast %get3A_827 : vector<1x1x16xf32> to vector<16xf32>
        %add3A_829 = arith.addf %add3A_818, %get3A_828 : vector<16xf32>
        %mul3A_830 = arith.constant 256 : i32
        %mul3A_831 = arith.muli %scan3A_686, %mul3A_830 : i32
        %add3A_832 = arith.constant 208 : i32
        %add3A_833 = arith.addi %mul3A_831, %add3A_832 : i32
        %get3A_834 = arith.constant 1 : i32
        %get3A_835 = arith.index_cast %get3A_834 : i32 to index
        %get3A_836 = arith.index_cast %scan3A_672 : i32 to index
        %get3A_837 = arith.index_cast %add3A_833 : i32 to index
        %get3A_838 = tpu.vector_load %arg4[%get3A_835, %get3A_836, %get3A_837] {strides = array<i32>} : memref<2x8x4096xf32, #tpu.memory_space<vmem>>, vector<1x1x16xf32>,
        %get3A_839 = vector.shape_cast %get3A_838 : vector<1x1x16xf32> to vector<16xf32>
        %add3A_840 = arith.addf %add3A_829, %get3A_839 : vector<16xf32>
        %mul3A_841 = arith.constant 256 : i32
        %mul3A_842 = arith.muli %scan3A_686, %mul3A_841 : i32
        %add3A_843 = arith.constant 224 : i32
        %add3A_844 = arith.addi %mul3A_842, %add3A_843 : i32
        %get3A_845 = arith.constant 1 : i32
        %get3A_846 = arith.index_cast %get3A_845 : i32 to index
        %get3A_847 = arith.index_cast %scan3A_672 : i32 to index
        %get3A_848 = arith.index_cast %add3A_844 : i32 to index
        %get3A_849 = tpu.vector_load %arg4[%get3A_846, %get3A_847, %get3A_848] {strides = array<i32>} : memref<2x8x4096xf32, #tpu.memory_space<vmem>>, vector<1x1x16xf32>,
        %get3A_850 = vector.shape_cast %get3A_849 : vector<1x1x16xf32> to vector<16xf32>
        %add3A_851 = arith.addf %add3A_840, %get3A_850 : vector<16xf32>
        %mul3A_852 = arith.constant 256 : i32
        %mul3A_853 = arith.muli %scan3A_686, %mul3A_852 : i32
        %add3A_854 = arith.constant 240 : i32
        %add3A_855 = arith.addi %mul3A_853, %add3A_854 : i32
        %get3A_856 = arith.constant 1 : i32
        %get3A_857 = arith.index_cast %get3A_856 : i32 to index
        %get3A_858 = arith.index_cast %scan3A_672 : i32 to index
        %get3A_859 = arith.index_cast %add3A_855 : i32 to index
        %get3A_860 = tpu.vector_load %arg4[%get3A_857, %get3A_858, %get3A_859] {strides = array<i32>} : memref<2x8x4096xf32, #tpu.memory_space<vmem>>, vector<1x1x16xf32>,
        %get3A_861 = vector.shape_cast %get3A_860 : vector<1x1x16xf32> to vector<16xf32>
        %add3A_862 = arith.addf %add3A_851, %get3A_861 : vector<16xf32>
        scf.yield %add3A_862 : vector<16xf32>
      }
      %scan3A_679 = arith.constant 16 : i32
      %add3A_680 = arith.constant 104 : i32
      %add3A_681 = arith.addi %add3A_680, %scan3A_672 : i32
      %swap3A = arith.index_cast %add3A_681 : i32 to index
      %swap3A_682 = arith.constant 0 : index
      %swap3A_683 = tpu.vector_load %arg5[%swap3A, %swap3A_682] {strides = array<i32>} : memref<128x16xf32, #tpu.memory_space<vmem>>, vector<1x16xf32>,
      %swap3A_684 = vector.shape_cast %swap3A_683 : vector<1x16xf32> to vector<16xf32>
      %swap3A_685 = vector.shape_cast %scan3A_678 : vector<16xf32> to vector<1x16xf32>
      tpu.vector_store %arg5[%swap3A, %swap3A_682], %swap3A_685 {strides = array<i32>} : memref<128x16xf32, #tpu.memory_space<vmem>>, vector<1x16xf32>,
    }
    %scan3A_605 = arith.constant 8 : i32
    %add3A_606 = arith.constant 120 : i32
    %add3A_607 = arith.addi %mul3A_2, %add3A_606 : i32
    %dma_start3A_608 = arith.constant 0 : i32
    %dma_start3A_609 = arith.constant 1 : i32
    %dma_start3A_610 = arith.constant 0 : i32
    %dma_start3A_611 = arith.constant 0 : i32
    %dma_start3A_612 = tpu.memref_slice %arg4[%dma_start3A_609, %dma_start3A_610, %dma_start3A_611] : memref<2x8x4096xf32, #tpu.memory_space<vmem>> -> memref<1x8x4096xf32, #tpu.memory_space<vmem>>
    %dma_start3A_613 = tpu.memref_squeeze %dma_start3A_612 : memref<1x8x4096xf32, #tpu.memory_space<vmem>> -> memref<8x4096xf32, #tpu.memory_space<vmem>>
    %dma_start3A_614 = arith.constant 0 : i32
    %dma_start3A_615 = tpu.memref_slice %arg2[%dma_start3A_608, %add3A_607, %dma_start3A_614] : memref<2x4096x4096xf32, #tpu.memory_space<hbm>> -> memref<1x8x4096xf32, #tpu.memory_space<hbm>>
    %dma_start3A_616 = tpu.memref_squeeze %dma_start3A_615 : memref<1x8x4096xf32, #tpu.memory_space<hbm>> -> memref<8x4096xf32, #tpu.memory_space<hbm>>
    %dma_start3A_617 = arith.constant 0 : i32
    %dma_start3A_618 = arith.constant 0 : i32
    %dma_start3A_619 = tpu.memref_slice %arg4[%dma_start3A_609, %dma_start3A_617, %dma_start3A_618] : memref<2x8x4096xf32, #tpu.memory_space<vmem>> -> memref<1x8x4096xf32, #tpu.memory_space<vmem>>
    %dma_start3A_620 = tpu.memref_squeeze %dma_start3A_619 : memref<1x8x4096xf32, #tpu.memory_space<vmem>> -> memref<8x4096xf32, #tpu.memory_space<vmem>>
    %dma_start3A_621 = arith.constant 0 : i32
    %dma_start3A_622 = tpu.memref_slice %arg2[%dma_start3A_608, %add3A_607, %dma_start3A_621] : memref<2x4096x4096xf32, #tpu.memory_space<hbm>> -> memref<1x8x4096xf32, #tpu.memory_space<hbm>>
    %dma_start3A_623 = tpu.memref_squeeze %dma_start3A_622 : memref<1x8x4096xf32, #tpu.memory_space<hbm>> -> memref<8x4096xf32, #tpu.memory_space<hbm>>
    tpu.enqueue_dma source(%dma_start3A_623 : memref<8x4096xf32, #tpu.memory_space<hbm>>) target(%dma_start3A_620 : memref<8x4096xf32, #tpu.memory_space<vmem>>) target_semaphore(%arg7 : memref<!tpu.dma_semaphore, #tpu.memory_space<semaphore_mem>>)
    %add3A_624 = arith.constant 112 : i32
    %add3A_625 = arith.addi %mul3A_2, %add3A_624 : i32
    %dma_wait3A_626 = arith.constant 0 : i32
    %dma_wait3A_627 = arith.constant 0 : i32
    %dma_wait3A_628 = arith.constant 0 : i32
    %dma_wait3A_629 = arith.constant 0 : i32
    %dma_wait3A_630 = tpu.memref_slice %arg4[%dma_wait3A_627, %dma_wait3A_628, %dma_wait3A_629] : memref<2x8x4096xf32, #tpu.memory_space<vmem>> -> memref<1x8x4096xf32, #tpu.memory_space<vmem>>
    %dma_wait3A_631 = tpu.memref_squeeze %dma_wait3A_630 : memref<1x8x4096xf32, #tpu.memory_space<vmem>> -> memref<8x4096xf32, #tpu.memory_space<vmem>>
    %dma_wait3A_632 = arith.constant 0 : i32
    %dma_wait3A_633 = tpu.memref_slice %arg2[%dma_wait3A_626, %add3A_625, %dma_wait3A_632] : memref<2x4096x4096xf32, #tpu.memory_space<hbm>> -> memref<1x8x4096xf32, #tpu.memory_space<hbm>>
    %dma_wait3A_634 = tpu.memref_squeeze %dma_wait3A_633 : memref<1x8x4096xf32, #tpu.memory_space<hbm>> -> memref<8x4096xf32, #tpu.memory_space<hbm>>
    %dma_wait3A_635 = arith.constant 0 : i32
    %dma_wait3A_636 = arith.constant 0 : i32
    %dma_wait3A_637 = tpu.memref_slice %arg4[%dma_wait3A_627, %dma_wait3A_635, %dma_wait3A_636] : memref<2x8x4096xf32, #tpu.memory_space<vmem>> -> memref<1x8x4096xf32, #tpu.memory_space<vmem>>
    %dma_wait3A_638 = tpu.memref_squeeze %dma_wait3A_637 : memref<1x8x4096xf32, #tpu.memory_space<vmem>> -> memref<8x4096xf32, #tpu.memory_space<vmem>>
    %dma_wait3A_639 = arith.constant 0 : i32
    %dma_wait3A_640 = tpu.memref_slice %arg2[%dma_wait3A_626, %add3A_625, %dma_wait3A_639] : memref<2x4096x4096xf32, #tpu.memory_space<hbm>> -> memref<1x8x4096xf32, #tpu.memory_space<hbm>>
    %dma_wait3A_641 = tpu.memref_squeeze %dma_wait3A_640 : memref<1x8x4096xf32, #tpu.memory_space<hbm>> -> memref<8x4096xf32, #tpu.memory_space<hbm>>
    tpu.wait_dma2 semaphore(%arg6 : memref<!tpu.dma_semaphore, #tpu.memory_space<semaphore_mem>>) src(%dma_wait3A_641 : memref<8x4096xf32, #tpu.memory_space<hbm>>) dst(%dma_wait3A_638 : memref<8x4096xf32, #tpu.memory_space<vmem>>)
    %scan3A_642 = arith.constant 0 : i32
    %scan3A_643 = arith.constant 0 : i32
    %scan3A_644 = arith.constant 8 : i32
    %scan3A_645 = arith.addi %scan3A_643, %scan3A_644 : i32
    %scan3A_646 = arith.constant 1 : i32
    scf.for %scan3A_672 = %scan3A_643 to %scan3A_645 step %scan3A_646  : i32 {
      %broadcast_in_dim3A = arith.constant 0.000000e+00 : f32
      %broadcast_in_dim3A_673 = vector.broadcast %broadcast_in_dim3A : f32 to vector<16xf32>
      %scan3A_674 = arith.constant 0 : i32
      %scan3A_675 = arith.constant 16 : i32
      %scan3A_676 = arith.addi %scan3A_674, %scan3A_675 : i32
      %scan3A_677 = arith.constant 1 : i32
      %scan3A_678 = scf.for %scan3A_686 = %scan3A_674 to %scan3A_676 step %scan3A_677 iter_args(%scan3A_687 = %broadcast_in_dim3A_673) -> (vector<16xf32>)  : i32 {
        %mul3A_688 = arith.constant 256 : i32
        %mul3A_689 = arith.muli %scan3A_686, %mul3A_688 : i32
        %add3A_690 = arith.constant 0 : i32
        %add3A_691 = arith.addi %mul3A_689, %add3A_690 : i32
        %get3A = arith.constant 0 : i32
        %get3A_692 = arith.index_cast %get3A : i32 to index
        %get3A_693 = arith.index_cast %scan3A_672 : i32 to index
        %get3A_694 = arith.index_cast %add3A_691 : i32 to index
        %get3A_695 = tpu.vector_load %arg4[%get3A_692, %get3A_693, %get3A_694] {strides = array<i32>} : memref<2x8x4096xf32, #tpu.memory_space<vmem>>, vector<1x1x16xf32>,
        %get3A_696 = vector.shape_cast %get3A_695 : vector<1x1x16xf32> to vector<16xf32>
        %add3A_697 = arith.addf %scan3A_687, %get3A_696 : vector<16xf32>
        %mul3A_698 = arith.constant 256 : i32
        %mul3A_699 = arith.muli %scan3A_686, %mul3A_698 : i32
        %add3A_700 = arith.constant 16 : i32
        %add3A_701 = arith.addi %mul3A_699, %add3A_700 : i32
        %get3A_702 = arith.constant 0 : i32
        %get3A_703 = arith.index_cast %get3A_702 : i32 to index
        %get3A_704 = arith.index_cast %scan3A_672 : i32 to index
        %get3A_705 = arith.index_cast %add3A_701 : i32 to index
        %get3A_706 = tpu.vector_load %arg4[%get3A_703, %get3A_704, %get3A_705] {strides = array<i32>} : memref<2x8x4096xf32, #tpu.memory_space<vmem>>, vector<1x1x16xf32>,
        %get3A_707 = vector.shape_cast %get3A_706 : vector<1x1x16xf32> to vector<16xf32>
        %add3A_708 = arith.addf %add3A_697, %get3A_707 : vector<16xf32>
        %mul3A_709 = arith.constant 256 : i32
        %mul3A_710 = arith.muli %scan3A_686, %mul3A_709 : i32
        %add3A_711 = arith.constant 32 : i32
        %add3A_712 = arith.addi %mul3A_710, %add3A_711 : i32
        %get3A_713 = arith.constant 0 : i32
        %get3A_714 = arith.index_cast %get3A_713 : i32 to index
        %get3A_715 = arith.index_cast %scan3A_672 : i32 to index
        %get3A_716 = arith.index_cast %add3A_712 : i32 to index
        %get3A_717 = tpu.vector_load %arg4[%get3A_714, %get3A_715, %get3A_716] {strides = array<i32>} : memref<2x8x4096xf32, #tpu.memory_space<vmem>>, vector<1x1x16xf32>,
        %get3A_718 = vector.shape_cast %get3A_717 : vector<1x1x16xf32> to vector<16xf32>
        %add3A_719 = arith.addf %add3A_708, %get3A_718 : vector<16xf32>
        %mul3A_720 = arith.constant 256 : i32
        %mul3A_721 = arith.muli %scan3A_686, %mul3A_720 : i32
        %add3A_722 = arith.constant 48 : i32
        %add3A_723 = arith.addi %mul3A_721, %add3A_722 : i32
        %get3A_724 = arith.constant 0 : i32
        %get3A_725 = arith.index_cast %get3A_724 : i32 to index
        %get3A_726 = arith.index_cast %scan3A_672 : i32 to index
        %get3A_727 = arith.index_cast %add3A_723 : i32 to index
        %get3A_728 = tpu.vector_load %arg4[%get3A_725, %get3A_726, %get3A_727] {strides = array<i32>} : memref<2x8x4096xf32, #tpu.memory_space<vmem>>, vector<1x1x16xf32>,
        %get3A_729 = vector.shape_cast %get3A_728 : vector<1x1x16xf32> to vector<16xf32>
        %add3A_730 = arith.addf %add3A_719, %get3A_729 : vector<16xf32>
        %mul3A_731 = arith.constant 256 : i32
        %mul3A_732 = arith.muli %scan3A_686, %mul3A_731 : i32
        %add3A_733 = arith.constant 64 : i32
        %add3A_734 = arith.addi %mul3A_732, %add3A_733 : i32
        %get3A_735 = arith.constant 0 : i32
        %get3A_736 = arith.index_cast %get3A_735 : i32 to index
        %get3A_737 = arith.index_cast %scan3A_672 : i32 to index
        %get3A_738 = arith.index_cast %add3A_734 : i32 to index
        %get3A_739 = tpu.vector_load %arg4[%get3A_736, %get3A_737, %get3A_738] {strides = array<i32>} : memref<2x8x4096xf32, #tpu.memory_space<vmem>>, vector<1x1x16xf32>,
        %get3A_740 = vector.shape_cast %get3A_739 : vector<1x1x16xf32> to vector<16xf32>
        %add3A_741 = arith.addf %add3A_730, %get3A_740 : vector<16xf32>
        %mul3A_742 = arith.constant 256 : i32
        %mul3A_743 = arith.muli %scan3A_686, %mul3A_742 : i32
        %add3A_744 = arith.constant 80 : i32
        %add3A_745 = arith.addi %mul3A_743, %add3A_744 : i32
        %get3A_746 = arith.constant 0 : i32
        %get3A_747 = arith.index_cast %get3A_746 : i32 to index
        %get3A_748 = arith.index_cast %scan3A_672 : i32 to index
        %get3A_749 = arith.index_cast %add3A_745 : i32 to index
        %get3A_750 = tpu.vector_load %arg4[%get3A_747, %get3A_748, %get3A_749] {strides = array<i32>} : memref<2x8x4096xf32, #tpu.memory_space<vmem>>, vector<1x1x16xf32>,
        %get3A_751 = vector.shape_cast %get3A_750 : vector<1x1x16xf32> to vector<16xf32>
        %add3A_752 = arith.addf %add3A_741, %get3A_751 : vector<16xf32>
        %mul3A_753 = arith.constant 256 : i32
        %mul3A_754 = arith.muli %scan3A_686, %mul3A_753 : i32
        %add3A_755 = arith.constant 96 : i32
        %add3A_756 = arith.addi %mul3A_754, %add3A_755 : i32
        %get3A_757 = arith.constant 0 : i32
        %get3A_758 = arith.index_cast %get3A_757 : i32 to index
        %get3A_759 = arith.index_cast %scan3A_672 : i32 to index
        %get3A_760 = arith.index_cast %add3A_756 : i32 to index
        %get3A_761 = tpu.vector_load %arg4[%get3A_758, %get3A_759, %get3A_760] {strides = array<i32>} : memref<2x8x4096xf32, #tpu.memory_space<vmem>>, vector<1x1x16xf32>,
        %get3A_762 = vector.shape_cast %get3A_761 : vector<1x1x16xf32> to vector<16xf32>
        %add3A_763 = arith.addf %add3A_752, %get3A_762 : vector<16xf32>
        %mul3A_764 = arith.constant 256 : i32
        %mul3A_765 = arith.muli %scan3A_686, %mul3A_764 : i32
        %add3A_766 = arith.constant 112 : i32
        %add3A_767 = arith.addi %mul3A_765, %add3A_766 : i32
        %get3A_768 = arith.constant 0 : i32
        %get3A_769 = arith.index_cast %get3A_768 : i32 to index
        %get3A_770 = arith.index_cast %scan3A_672 : i32 to index
        %get3A_771 = arith.index_cast %add3A_767 : i32 to index
        %get3A_772 = tpu.vector_load %arg4[%get3A_769, %get3A_770, %get3A_771] {strides = array<i32>} : memref<2x8x4096xf32, #tpu.memory_space<vmem>>, vector<1x1x16xf32>,
        %get3A_773 = vector.shape_cast %get3A_772 : vector<1x1x16xf32> to vector<16xf32>
        %add3A_774 = arith.addf %add3A_763, %get3A_773 : vector<16xf32>
        %mul3A_775 = arith.constant 256 : i32
        %mul3A_776 = arith.muli %scan3A_686, %mul3A_775 : i32
        %add3A_777 = arith.constant 128 : i32
        %add3A_778 = arith.addi %mul3A_776, %add3A_777 : i32
        %get3A_779 = arith.constant 0 : i32
        %get3A_780 = arith.index_cast %get3A_779 : i32 to index
        %get3A_781 = arith.index_cast %scan3A_672 : i32 to index
        %get3A_782 = arith.index_cast %add3A_778 : i32 to index
        %get3A_783 = tpu.vector_load %arg4[%get3A_780, %get3A_781, %get3A_782] {strides = array<i32>} : memref<2x8x4096xf32, #tpu.memory_space<vmem>>, vector<1x1x16xf32>,
        %get3A_784 = vector.shape_cast %get3A_783 : vector<1x1x16xf32> to vector<16xf32>
        %add3A_785 = arith.addf %add3A_774, %get3A_784 : vector<16xf32>
        %mul3A_786 = arith.constant 256 : i32
        %mul3A_787 = arith.muli %scan3A_686, %mul3A_786 : i32
        %add3A_788 = arith.constant 144 : i32
        %add3A_789 = arith.addi %mul3A_787, %add3A_788 : i32
        %get3A_790 = arith.constant 0 : i32
        %get3A_791 = arith.index_cast %get3A_790 : i32 to index
        %get3A_792 = arith.index_cast %scan3A_672 : i32 to index
        %get3A_793 = arith.index_cast %add3A_789 : i32 to index
        %get3A_794 = tpu.vector_load %arg4[%get3A_791, %get3A_792, %get3A_793] {strides = array<i32>} : memref<2x8x4096xf32, #tpu.memory_space<vmem>>, vector<1x1x16xf32>,
        %get3A_795 = vector.shape_cast %get3A_794 : vector<1x1x16xf32> to vector<16xf32>
        %add3A_796 = arith.addf %add3A_785, %get3A_795 : vector<16xf32>
        %mul3A_797 = arith.constant 256 : i32
        %mul3A_798 = arith.muli %scan3A_686, %mul3A_797 : i32
        %add3A_799 = arith.constant 160 : i32
        %add3A_800 = arith.addi %mul3A_798, %add3A_799 : i32
        %get3A_801 = arith.constant 0 : i32
        %get3A_802 = arith.index_cast %get3A_801 : i32 to index
        %get3A_803 = arith.index_cast %scan3A_672 : i32 to index
        %get3A_804 = arith.index_cast %add3A_800 : i32 to index
        %get3A_805 = tpu.vector_load %arg4[%get3A_802, %get3A_803, %get3A_804] {strides = array<i32>} : memref<2x8x4096xf32, #tpu.memory_space<vmem>>, vector<1x1x16xf32>,
        %get3A_806 = vector.shape_cast %get3A_805 : vector<1x1x16xf32> to vector<16xf32>
        %add3A_807 = arith.addf %add3A_796, %get3A_806 : vector<16xf32>
        %mul3A_808 = arith.constant 256 : i32
        %mul3A_809 = arith.muli %scan3A_686, %mul3A_808 : i32
        %add3A_810 = arith.constant 176 : i32
        %add3A_811 = arith.addi %mul3A_809, %add3A_810 : i32
        %get3A_812 = arith.constant 0 : i32
        %get3A_813 = arith.index_cast %get3A_812 : i32 to index
        %get3A_814 = arith.index_cast %scan3A_672 : i32 to index
        %get3A_815 = arith.index_cast %add3A_811 : i32 to index
        %get3A_816 = tpu.vector_load %arg4[%get3A_813, %get3A_814, %get3A_815] {strides = array<i32>} : memref<2x8x4096xf32, #tpu.memory_space<vmem>>, vector<1x1x16xf32>,
        %get3A_817 = vector.shape_cast %get3A_816 : vector<1x1x16xf32> to vector<16xf32>
        %add3A_818 = arith.addf %add3A_807, %get3A_817 : vector<16xf32>
        %mul3A_819 = arith.constant 256 : i32
        %mul3A_820 = arith.muli %scan3A_686, %mul3A_819 : i32
        %add3A_821 = arith.constant 192 : i32
        %add3A_822 = arith.addi %mul3A_820, %add3A_821 : i32
        %get3A_823 = arith.constant 0 : i32
        %get3A_824 = arith.index_cast %get3A_823 : i32 to index
        %get3A_825 = arith.index_cast %scan3A_672 : i32 to index
        %get3A_826 = arith.index_cast %add3A_822 : i32 to index
        %get3A_827 = tpu.vector_load %arg4[%get3A_824, %get3A_825, %get3A_826] {strides = array<i32>} : memref<2x8x4096xf32, #tpu.memory_space<vmem>>, vector<1x1x16xf32>,
        %get3A_828 = vector.shape_cast %get3A_827 : vector<1x1x16xf32> to vector<16xf32>
        %add3A_829 = arith.addf %add3A_818, %get3A_828 : vector<16xf32>
        %mul3A_830 = arith.constant 256 : i32
        %mul3A_831 = arith.muli %scan3A_686, %mul3A_830 : i32
        %add3A_832 = arith.constant 208 : i32
        %add3A_833 = arith.addi %mul3A_831, %add3A_832 : i32
        %get3A_834 = arith.constant 0 : i32
        %get3A_835 = arith.index_cast %get3A_834 : i32 to index
        %get3A_836 = arith.index_cast %scan3A_672 : i32 to index
        %get3A_837 = arith.index_cast %add3A_833 : i32 to index
        %get3A_838 = tpu.vector_load %arg4[%get3A_835, %get3A_836, %get3A_837] {strides = array<i32>} : memref<2x8x4096xf32, #tpu.memory_space<vmem>>, vector<1x1x16xf32>,
        %get3A_839 = vector.shape_cast %get3A_838 : vector<1x1x16xf32> to vector<16xf32>
        %add3A_840 = arith.addf %add3A_829, %get3A_839 : vector<16xf32>
        %mul3A_841 = arith.constant 256 : i32
        %mul3A_842 = arith.muli %scan3A_686, %mul3A_841 : i32
        %add3A_843 = arith.constant 224 : i32
        %add3A_844 = arith.addi %mul3A_842, %add3A_843 : i32
        %get3A_845 = arith.constant 0 : i32
        %get3A_846 = arith.index_cast %get3A_845 : i32 to index
        %get3A_847 = arith.index_cast %scan3A_672 : i32 to index
        %get3A_848 = arith.index_cast %add3A_844 : i32 to index
        %get3A_849 = tpu.vector_load %arg4[%get3A_846, %get3A_847, %get3A_848] {strides = array<i32>} : memref<2x8x4096xf32, #tpu.memory_space<vmem>>, vector<1x1x16xf32>,
        %get3A_850 = vector.shape_cast %get3A_849 : vector<1x1x16xf32> to vector<16xf32>
        %add3A_851 = arith.addf %add3A_840, %get3A_850 : vector<16xf32>
        %mul3A_852 = arith.constant 256 : i32
        %mul3A_853 = arith.muli %scan3A_686, %mul3A_852 : i32
        %add3A_854 = arith.constant 240 : i32
        %add3A_855 = arith.addi %mul3A_853, %add3A_854 : i32
        %get3A_856 = arith.constant 0 : i32
        %get3A_857 = arith.index_cast %get3A_856 : i32 to index
        %get3A_858 = arith.index_cast %scan3A_672 : i32 to index
        %get3A_859 = arith.index_cast %add3A_855 : i32 to index
        %get3A_860 = tpu.vector_load %arg4[%get3A_857, %get3A_858, %get3A_859] {strides = array<i32>} : memref<2x8x4096xf32, #tpu.memory_space<vmem>>, vector<1x1x16xf32>,
        %get3A_861 = vector.shape_cast %get3A_860 : vector<1x1x16xf32> to vector<16xf32>
        %add3A_862 = arith.addf %add3A_851, %get3A_861 : vector<16xf32>
        scf.yield %add3A_862 : vector<16xf32>
      }
      %scan3A_679 = arith.constant 16 : i32
      %add3A_680 = arith.constant 112 : i32
      %add3A_681 = arith.addi %add3A_680, %scan3A_672 : i32
      %swap3A = arith.index_cast %add3A_681 : i32 to index
      %swap3A_682 = arith.constant 0 : index
      %swap3A_683 = tpu.vector_load %arg5[%swap3A, %swap3A_682] {strides = array<i32>} : memref<128x16xf32, #tpu.memory_space<vmem>>, vector<1x16xf32>,
      %swap3A_684 = vector.shape_cast %swap3A_683 : vector<1x16xf32> to vector<16xf32>
      %swap3A_685 = vector.shape_cast %scan3A_678 : vector<16xf32> to vector<1x16xf32>
      tpu.vector_store %arg5[%swap3A, %swap3A_682], %swap3A_685 {strides = array<i32>} : memref<128x16xf32, #tpu.memory_space<vmem>>, vector<1x16xf32>,
    }
    %scan3A_647 = arith.constant 8 : i32
    %add3A_648 = arith.constant 120 : i32
    %add3A_649 = arith.addi %mul3A_2, %add3A_648 : i32
    %dma_wait3A_650 = arith.constant 0 : i32
    %dma_wait3A_651 = arith.constant 1 : i32
    %dma_wait3A_652 = arith.constant 0 : i32
    %dma_wait3A_653 = arith.constant 0 : i32
    %dma_wait3A_654 = tpu.memref_slice %arg4[%dma_wait3A_651, %dma_wait3A_652, %dma_wait3A_653] : memref<2x8x4096xf32, #tpu.memory_space<vmem>> -> memref<1x8x4096xf32, #tpu.memory_space<vmem>>
    %dma_wait3A_655 = tpu.memref_squeeze %dma_wait3A_654 : memref<1x8x4096xf32, #tpu.memory_space<vmem>> -> memref<8x4096xf32, #tpu.memory_space<vmem>>
    %dma_wait3A_656 = arith.constant 0 : i32
    %dma_wait3A_657 = tpu.memref_slice %arg2[%dma_wait3A_650, %add3A_649, %dma_wait3A_656] : memref<2x4096x4096xf32, #tpu.memory_space<hbm>> -> memref<1x8x4096xf32, #tpu.memory_space<hbm>>
    %dma_wait3A_658 = tpu.memref_squeeze %dma_wait3A_657 : memref<1x8x4096xf32, #tpu.memory_space<hbm>> -> memref<8x4096xf32, #tpu.memory_space<hbm>>
    %dma_wait3A_659 = arith.constant 0 : i32
    %dma_wait3A_660 = arith.constant 0 : i32
    %dma_wait3A_661 = tpu.memref_slice %arg4[%dma_wait3A_651, %dma_wait3A_659, %dma_wait3A_660] : memref<2x8x4096xf32, #tpu.memory_space<vmem>> -> memref<1x8x4096xf32, #tpu.memory_space<vmem>>
    %dma_wait3A_662 = tpu.memref_squeeze %dma_wait3A_661 : memref<1x8x4096xf32, #tpu.memory_space<vmem>> -> memref<8x4096xf32, #tpu.memory_space<vmem>>
    %dma_wait3A_663 = arith.constant 0 : i32
    %dma_wait3A_664 = tpu.memref_slice %arg2[%dma_wait3A_650, %add3A_649, %dma_wait3A_663] : memref<2x4096x4096xf32, #tpu.memory_space<hbm>> -> memref<1x8x4096xf32, #tpu.memory_space<hbm>>
    %dma_wait3A_665 = tpu.memref_squeeze %dma_wait3A_664 : memref<1x8x4096xf32, #tpu.memory_space<hbm>> -> memref<8x4096xf32, #tpu.memory_space<hbm>>
    tpu.wait_dma2 semaphore(%arg7 : memref<!tpu.dma_semaphore, #tpu.memory_space<semaphore_mem>>) src(%dma_wait3A_665 : memref<8x4096xf32, #tpu.memory_space<hbm>>) dst(%dma_wait3A_662 : memref<8x4096xf32, #tpu.memory_space<vmem>>)
    %scan3A_666 = arith.constant 0 : i32
    %scan3A_667 = arith.constant 0 : i32
    %scan3A_668 = arith.constant 8 : i32
    %scan3A_669 = arith.addi %scan3A_667, %scan3A_668 : i32
    %scan3A_670 = arith.constant 1 : i32
    scf.for %scan3A_672 = %scan3A_667 to %scan3A_669 step %scan3A_670  : i32 {
      %broadcast_in_dim3A = arith.constant 0.000000e+00 : f32
      %broadcast_in_dim3A_673 = vector.broadcast %broadcast_in_dim3A : f32 to vector<16xf32>
      %scan3A_674 = arith.constant 0 : i32
      %scan3A_675 = arith.constant 16 : i32
      %scan3A_676 = arith.addi %scan3A_674, %scan3A_675 : i32
      %scan3A_677 = arith.constant 1 : i32
      %scan3A_678 = scf.for %scan3A_686 = %scan3A_674 to %scan3A_676 step %scan3A_677 iter_args(%scan3A_687 = %broadcast_in_dim3A_673) -> (vector<16xf32>)  : i32 {
        %mul3A_688 = arith.constant 256 : i32
        %mul3A_689 = arith.muli %scan3A_686, %mul3A_688 : i32
        %add3A_690 = arith.constant 0 : i32
        %add3A_691 = arith.addi %mul3A_689, %add3A_690 : i32
        %get3A = arith.constant 1 : i32
        %get3A_692 = arith.index_cast %get3A : i32 to index
        %get3A_693 = arith.index_cast %scan3A_672 : i32 to index
        %get3A_694 = arith.index_cast %add3A_691 : i32 to index
        %get3A_695 = tpu.vector_load %arg4[%get3A_692, %get3A_693, %get3A_694] {strides = array<i32>} : memref<2x8x4096xf32, #tpu.memory_space<vmem>>, vector<1x1x16xf32>,
        %get3A_696 = vector.shape_cast %get3A_695 : vector<1x1x16xf32> to vector<16xf32>
        %add3A_697 = arith.addf %scan3A_687, %get3A_696 : vector<16xf32>
        %mul3A_698 = arith.constant 256 : i32
        %mul3A_699 = arith.muli %scan3A_686, %mul3A_698 : i32
        %add3A_700 = arith.constant 16 : i32
        %add3A_701 = arith.addi %mul3A_699, %add3A_700 : i32
        %get3A_702 = arith.constant 1 : i32
        %get3A_703 = arith.index_cast %get3A_702 : i32 to index
        %get3A_704 = arith.index_cast %scan3A_672 : i32 to index
        %get3A_705 = arith.index_cast %add3A_701 : i32 to index
        %get3A_706 = tpu.vector_load %arg4[%get3A_703, %get3A_704, %get3A_705] {strides = array<i32>} : memref<2x8x4096xf32, #tpu.memory_space<vmem>>, vector<1x1x16xf32>,
        %get3A_707 = vector.shape_cast %get3A_706 : vector<1x1x16xf32> to vector<16xf32>
        %add3A_708 = arith.addf %add3A_697, %get3A_707 : vector<16xf32>
        %mul3A_709 = arith.constant 256 : i32
        %mul3A_710 = arith.muli %scan3A_686, %mul3A_709 : i32
        %add3A_711 = arith.constant 32 : i32
        %add3A_712 = arith.addi %mul3A_710, %add3A_711 : i32
        %get3A_713 = arith.constant 1 : i32
        %get3A_714 = arith.index_cast %get3A_713 : i32 to index
        %get3A_715 = arith.index_cast %scan3A_672 : i32 to index
        %get3A_716 = arith.index_cast %add3A_712 : i32 to index
        %get3A_717 = tpu.vector_load %arg4[%get3A_714, %get3A_715, %get3A_716] {strides = array<i32>} : memref<2x8x4096xf32, #tpu.memory_space<vmem>>, vector<1x1x16xf32>,
        %get3A_718 = vector.shape_cast %get3A_717 : vector<1x1x16xf32> to vector<16xf32>
        %add3A_719 = arith.addf %add3A_708, %get3A_718 : vector<16xf32>
        %mul3A_720 = arith.constant 256 : i32
        %mul3A_721 = arith.muli %scan3A_686, %mul3A_720 : i32
        %add3A_722 = arith.constant 48 : i32
        %add3A_723 = arith.addi %mul3A_721, %add3A_722 : i32
        %get3A_724 = arith.constant 1 : i32
        %get3A_725 = arith.index_cast %get3A_724 : i32 to index
        %get3A_726 = arith.index_cast %scan3A_672 : i32 to index
        %get3A_727 = arith.index_cast %add3A_723 : i32 to index
        %get3A_728 = tpu.vector_load %arg4[%get3A_725, %get3A_726, %get3A_727] {strides = array<i32>} : memref<2x8x4096xf32, #tpu.memory_space<vmem>>, vector<1x1x16xf32>,
        %get3A_729 = vector.shape_cast %get3A_728 : vector<1x1x16xf32> to vector<16xf32>
        %add3A_730 = arith.addf %add3A_719, %get3A_729 : vector<16xf32>
        %mul3A_731 = arith.constant 256 : i32
        %mul3A_732 = arith.muli %scan3A_686, %mul3A_731 : i32
        %add3A_733 = arith.constant 64 : i32
        %add3A_734 = arith.addi %mul3A_732, %add3A_733 : i32
        %get3A_735 = arith.constant 1 : i32
        %get3A_736 = arith.index_cast %get3A_735 : i32 to index
        %get3A_737 = arith.index_cast %scan3A_672 : i32 to index
        %get3A_738 = arith.index_cast %add3A_734 : i32 to index
        %get3A_739 = tpu.vector_load %arg4[%get3A_736, %get3A_737, %get3A_738] {strides = array<i32>} : memref<2x8x4096xf32, #tpu.memory_space<vmem>>, vector<1x1x16xf32>,
        %get3A_740 = vector.shape_cast %get3A_739 : vector<1x1x16xf32> to vector<16xf32>
        %add3A_741 = arith.addf %add3A_730, %get3A_740 : vector<16xf32>
        %mul3A_742 = arith.constant 256 : i32
        %mul3A_743 = arith.muli %scan3A_686, %mul3A_742 : i32
        %add3A_744 = arith.constant 80 : i32
        %add3A_745 = arith.addi %mul3A_743, %add3A_744 : i32
        %get3A_746 = arith.constant 1 : i32
        %get3A_747 = arith.index_cast %get3A_746 : i32 to index
        %get3A_748 = arith.index_cast %scan3A_672 : i32 to index
        %get3A_749 = arith.index_cast %add3A_745 : i32 to index
        %get3A_750 = tpu.vector_load %arg4[%get3A_747, %get3A_748, %get3A_749] {strides = array<i32>} : memref<2x8x4096xf32, #tpu.memory_space<vmem>>, vector<1x1x16xf32>,
        %get3A_751 = vector.shape_cast %get3A_750 : vector<1x1x16xf32> to vector<16xf32>
        %add3A_752 = arith.addf %add3A_741, %get3A_751 : vector<16xf32>
        %mul3A_753 = arith.constant 256 : i32
        %mul3A_754 = arith.muli %scan3A_686, %mul3A_753 : i32
        %add3A_755 = arith.constant 96 : i32
        %add3A_756 = arith.addi %mul3A_754, %add3A_755 : i32
        %get3A_757 = arith.constant 1 : i32
        %get3A_758 = arith.index_cast %get3A_757 : i32 to index
        %get3A_759 = arith.index_cast %scan3A_672 : i32 to index
        %get3A_760 = arith.index_cast %add3A_756 : i32 to index
        %get3A_761 = tpu.vector_load %arg4[%get3A_758, %get3A_759, %get3A_760] {strides = array<i32>} : memref<2x8x4096xf32, #tpu.memory_space<vmem>>, vector<1x1x16xf32>,
        %get3A_762 = vector.shape_cast %get3A_761 : vector<1x1x16xf32> to vector<16xf32>
        %add3A_763 = arith.addf %add3A_752, %get3A_762 : vector<16xf32>
        %mul3A_764 = arith.constant 256 : i32
        %mul3A_765 = arith.muli %scan3A_686, %mul3A_764 : i32
        %add3A_766 = arith.constant 112 : i32
        %add3A_767 = arith.addi %mul3A_765, %add3A_766 : i32
        %get3A_768 = arith.constant 1 : i32
        %get3A_769 = arith.index_cast %get3A_768 : i32 to index
        %get3A_770 = arith.index_cast %scan3A_672 : i32 to index
        %get3A_771 = arith.index_cast %add3A_767 : i32 to index
        %get3A_772 = tpu.vector_load %arg4[%get3A_769, %get3A_770, %get3A_771] {strides = array<i32>} : memref<2x8x4096xf32, #tpu.memory_space<vmem>>, vector<1x1x16xf32>,
        %get3A_773 = vector.shape_cast %get3A_772 : vector<1x1x16xf32> to vector<16xf32>
        %add3A_774 = arith.addf %add3A_763, %get3A_773 : vector<16xf32>
        %mul3A_775 = arith.constant 256 : i32
        %mul3A_776 = arith.muli %scan3A_686, %mul3A_775 : i32
        %add3A_777 = arith.constant 128 : i32
        %add3A_778 = arith.addi %mul3A_776, %add3A_777 : i32
        %get3A_779 = arith.constant 1 : i32
        %get3A_780 = arith.index_cast %get3A_779 : i32 to index
        %get3A_781 = arith.index_cast %scan3A_672 : i32 to index
        %get3A_782 = arith.index_cast %add3A_778 : i32 to index
        %get3A_783 = tpu.vector_load %arg4[%get3A_780, %get3A_781, %get3A_782] {strides = array<i32>} : memref<2x8x4096xf32, #tpu.memory_space<vmem>>, vector<1x1x16xf32>,
        %get3A_784 = vector.shape_cast %get3A_783 : vector<1x1x16xf32> to vector<16xf32>
        %add3A_785 = arith.addf %add3A_774, %get3A_784 : vector<16xf32>
        %mul3A_786 = arith.constant 256 : i32
        %mul3A_787 = arith.muli %scan3A_686, %mul3A_786 : i32
        %add3A_788 = arith.constant 144 : i32
        %add3A_789 = arith.addi %mul3A_787, %add3A_788 : i32
        %get3A_790 = arith.constant 1 : i32
        %get3A_791 = arith.index_cast %get3A_790 : i32 to index
        %get3A_792 = arith.index_cast %scan3A_672 : i32 to index
        %get3A_793 = arith.index_cast %add3A_789 : i32 to index
        %get3A_794 = tpu.vector_load %arg4[%get3A_791, %get3A_792, %get3A_793] {strides = array<i32>} : memref<2x8x4096xf32, #tpu.memory_space<vmem>>, vector<1x1x16xf32>,
        %get3A_795 = vector.shape_cast %get3A_794 : vector<1x1x16xf32> to vector<16xf32>
        %add3A_796 = arith.addf %add3A_785, %get3A_795 : vector<16xf32>
        %mul3A_797 = arith.constant 256 : i32
        %mul3A_798 = arith.muli %scan3A_686, %mul3A_797 : i32
        %add3A_799 = arith.constant 160 : i32
        %add3A_800 = arith.addi %mul3A_798, %add3A_799 : i32
        %get3A_801 = arith.constant 1 : i32
        %get3A_802 = arith.index_cast %get3A_801 : i32 to index
        %get3A_803 = arith.index_cast %scan3A_672 : i32 to index
        %get3A_804 = arith.index_cast %add3A_800 : i32 to index
        %get3A_805 = tpu.vector_load %arg4[%get3A_802, %get3A_803, %get3A_804] {strides = array<i32>} : memref<2x8x4096xf32, #tpu.memory_space<vmem>>, vector<1x1x16xf32>,
        %get3A_806 = vector.shape_cast %get3A_805 : vector<1x1x16xf32> to vector<16xf32>
        %add3A_807 = arith.addf %add3A_796, %get3A_806 : vector<16xf32>
        %mul3A_808 = arith.constant 256 : i32
        %mul3A_809 = arith.muli %scan3A_686, %mul3A_808 : i32
        %add3A_810 = arith.constant 176 : i32
        %add3A_811 = arith.addi %mul3A_809, %add3A_810 : i32
        %get3A_812 = arith.constant 1 : i32
        %get3A_813 = arith.index_cast %get3A_812 : i32 to index
        %get3A_814 = arith.index_cast %scan3A_672 : i32 to index
        %get3A_815 = arith.index_cast %add3A_811 : i32 to index
        %get3A_816 = tpu.vector_load %arg4[%get3A_813, %get3A_814, %get3A_815] {strides = array<i32>} : memref<2x8x4096xf32, #tpu.memory_space<vmem>>, vector<1x1x16xf32>,
        %get3A_817 = vector.shape_cast %get3A_816 : vector<1x1x16xf32> to vector<16xf32>
        %add3A_818 = arith.addf %add3A_807, %get3A_817 : vector<16xf32>
        %mul3A_819 = arith.constant 256 : i32
        %mul3A_820 = arith.muli %scan3A_686, %mul3A_819 : i32
        %add3A_821 = arith.constant 192 : i32
        %add3A_822 = arith.addi %mul3A_820, %add3A_821 : i32
        %get3A_823 = arith.constant 1 : i32
        %get3A_824 = arith.index_cast %get3A_823 : i32 to index
        %get3A_825 = arith.index_cast %scan3A_672 : i32 to index
        %get3A_826 = arith.index_cast %add3A_822 : i32 to index
        %get3A_827 = tpu.vector_load %arg4[%get3A_824, %get3A_825, %get3A_826] {strides = array<i32>} : memref<2x8x4096xf32, #tpu.memory_space<vmem>>, vector<1x1x16xf32>,
        %get3A_828 = vector.shape_cast %get3A_827 : vector<1x1x16xf32> to vector<16xf32>
        %add3A_829 = arith.addf %add3A_818, %get3A_828 : vector<16xf32>
        %mul3A_830 = arith.constant 256 : i32
        %mul3A_831 = arith.muli %scan3A_686, %mul3A_830 : i32
        %add3A_832 = arith.constant 208 : i32
        %add3A_833 = arith.addi %mul3A_831, %add3A_832 : i32
        %get3A_834 = arith.constant 1 : i32
        %get3A_835 = arith.index_cast %get3A_834 : i32 to index
        %get3A_836 = arith.index_cast %scan3A_672 : i32 to index
        %get3A_837 = arith.index_cast %add3A_833 : i32 to index
        %get3A_838 = tpu.vector_load %arg4[%get3A_835, %get3A_836, %get3A_837] {strides = array<i32>} : memref<2x8x4096xf32, #tpu.memory_space<vmem>>, vector<1x1x16xf32>,
        %get3A_839 = vector.shape_cast %get3A_838 : vector<1x1x16xf32> to vector<16xf32>
        %add3A_840 = arith.addf %add3A_829, %get3A_839 : vector<16xf32>
        %mul3A_841 = arith.constant 256 : i32
        %mul3A_842 = arith.muli %scan3A_686, %mul3A_841 : i32
        %add3A_843 = arith.constant 224 : i32
        %add3A_844 = arith.addi %mul3A_842, %add3A_843 : i32
        %get3A_845 = arith.constant 1 : i32
        %get3A_846 = arith.index_cast %get3A_845 : i32 to index
        %get3A_847 = arith.index_cast %scan3A_672 : i32 to index
        %get3A_848 = arith.index_cast %add3A_844 : i32 to index
        %get3A_849 = tpu.vector_load %arg4[%get3A_846, %get3A_847, %get3A_848] {strides = array<i32>} : memref<2x8x4096xf32, #tpu.memory_space<vmem>>, vector<1x1x16xf32>,
        %get3A_850 = vector.shape_cast %get3A_849 : vector<1x1x16xf32> to vector<16xf32>
        %add3A_851 = arith.addf %add3A_840, %get3A_850 : vector<16xf32>
        %mul3A_852 = arith.constant 256 : i32
        %mul3A_853 = arith.muli %scan3A_686, %mul3A_852 : i32
        %add3A_854 = arith.constant 240 : i32
        %add3A_855 = arith.addi %mul3A_853, %add3A_854 : i32
        %get3A_856 = arith.constant 1 : i32
        %get3A_857 = arith.index_cast %get3A_856 : i32 to index
        %get3A_858 = arith.index_cast %scan3A_672 : i32 to index
        %get3A_859 = arith.index_cast %add3A_855 : i32 to index
        %get3A_860 = tpu.vector_load %arg4[%get3A_857, %get3A_858, %get3A_859] {strides = array<i32>} : memref<2x8x4096xf32, #tpu.memory_space<vmem>>, vector<1x1x16xf32>,
        %get3A_861 = vector.shape_cast %get3A_860 : vector<1x1x16xf32> to vector<16xf32>
        %add3A_862 = arith.addf %add3A_851, %get3A_861 : vector<16xf32>
        scf.yield %add3A_862 : vector<16xf32>
      }
      %scan3A_679 = arith.constant 16 : i32
      %add3A_680 = arith.constant 120 : i32
      %add3A_681 = arith.addi %add3A_680, %scan3A_672 : i32
      %swap3A = arith.index_cast %add3A_681 : i32 to index
      %swap3A_682 = arith.constant 0 : index
      %swap3A_683 = tpu.vector_load %arg5[%swap3A, %swap3A_682] {strides = array<i32>} : memref<128x16xf32, #tpu.memory_space<vmem>>, vector<1x16xf32>,
      %swap3A_684 = vector.shape_cast %swap3A_683 : vector<1x16xf32> to vector<16xf32>
      %swap3A_685 = vector.shape_cast %scan3A_678 : vector<16xf32> to vector<1x16xf32>
      tpu.vector_store %arg5[%swap3A, %swap3A_682], %swap3A_685 {strides = array<i32>} : memref<128x16xf32, #tpu.memory_space<vmem>>, vector<1x16xf32>,
    }
    %scan3A_671 = arith.constant 8 : i32
    "tpu.region"() ({
      %run_scoped3A = tpu.sem_alloc : memref<!tpu.dma_semaphore, #tpu.memory_space<semaphore_mem>>
      %dma_start3A_672 = arith.constant 0 : i32
      %dma_start3A_673 = tpu.memref_slice %arg3[%mul3A_2, %dma_start3A_672] : memref<4096x16xf32, #tpu.memory_space<hbm>> -> memref<128x16xf32, #tpu.memory_space<hbm>>
      %dma_start3A_674 = arith.constant 0 : i32
      %dma_start3A_675 = tpu.memref_slice %arg3[%mul3A_2, %dma_start3A_674] : memref<4096x16xf32, #tpu.memory_space<hbm>> -> memref<128x16xf32, #tpu.memory_space<hbm>>
      tpu.enqueue_dma source(%arg5 : memref<128x16xf32, #tpu.memory_space<vmem>>) target(%dma_start3A_675 : memref<128x16xf32, #tpu.memory_space<hbm>>) target_semaphore(%run_scoped3A : memref<!tpu.dma_semaphore, #tpu.memory_space<semaphore_mem>>)
      %dma_wait3A_676 = arith.constant 0 : i32
      %dma_wait3A_677 = tpu.memref_slice %arg3[%mul3A_2, %dma_wait3A_676] : memref<4096x16xf32, #tpu.memory_space<hbm>> -> memref<128x16xf32, #tpu.memory_space<hbm>>
      %dma_wait3A_678 = arith.constant 0 : i32
      %dma_wait3A_679 = tpu.memref_slice %arg3[%mul3A_2, %dma_wait3A_678] : memref<4096x16xf32, #tpu.memory_space<hbm>> -> memref<128x16xf32, #tpu.memory_space<hbm>>
      tpu.wait_dma2 semaphore(%run_scoped3A : memref<!tpu.dma_semaphore, #tpu.memory_space<semaphore_mem>>) src(%arg5 : memref<128x16xf32, #tpu.memory_space<vmem>>) dst(%dma_wait3A_679 : memref<128x16xf32, #tpu.memory_space<hbm>>)
      tpu.yield
    }) : () -> ()
    return
  }
}

module attributes {stable_mosaic.version = 14 : i64} {
  func.func @_prep1_kernel(%arg0: memref<4096x32xf32, #tpu.memory_space<vmem>>, %arg1: memref<32x32xf32, #tpu.memory_space<vmem>>, %arg2: memref<4096x33xf32, #tpu.memory_space<vmem>>) attributes {dimension_semantics = [], scalar_prefetch = 0 : i64, scratch_operands = 0 : i64, tpu.core_type = #tpu.core_type<tc>} {
    %get3A = arith.constant 0 : index
    %get3A_0 = arith.constant 0 : index
    %get3A_1 = vector.load %arg0[%get3A, %get3A_0] : memref<4096x32xf32, #tpu.memory_space<vmem>>, vector<4096x32xf32>
    %get3A_2 = arith.constant 0 : index
    %get3A_3 = arith.constant 0 : index
    %get3A_4 = vector.load %arg1[%get3A_2, %get3A_3] : memref<32x32xf32, #tpu.memory_space<vmem>>, vector<32x32xf32>
    %dot_general3A = arith.constant dense<0.000000e+00> : vector<4096x32xf32>
    %dot_general3A_5 = tpu.matmul %get3A_1, %get3A_4, %dot_general3A {dimension_numbers = #tpu.dot_dimension_numbers<[1], [0], [0], [1], [0, 0, 1, 1], [], []>, transpose_lhs_hint = false} : vector<4096x32xf32>, vector<32x32xf32>, vector<4096x32xf32> -> vector<4096x32xf32>
    %broadcast_in_dim3A = arith.constant 1.000000e+00 : f32
    %broadcast_in_dim3A_6 = vector.broadcast %broadcast_in_dim3A : f32 to vector<4096x1xf32>
    %concatenate3A = tpu.concatenate %dot_general3A_5, %broadcast_in_dim3A_6 in 1 : vector<4096x32xf32>, vector<4096x1xf32> -> vector<4096x33xf32>
    %swap3A = arith.constant 0 : index
    %swap3A_7 = arith.constant 0 : index
    %swap3A_8 = vector.load %arg2[%swap3A, %swap3A_7] : memref<4096x33xf32, #tpu.memory_space<vmem>>, vector<4096x33xf32>
    tpu.vector_store %arg2[%swap3A, %swap3A_7], %concatenate3A {strides = array<i32>} : memref<4096x33xf32, #tpu.memory_space<vmem>>, vector<4096x33xf32>,
    return
  }
}

module attributes {stable_mosaic.version = 14 : i64} {
  func.func @_passA_kernel(%arg0: i32, %arg1: memref<1x256x4096xf32, #tpu.memory_space<vmem>>, %arg2: memref<1x256x4096xf32, #tpu.memory_space<vmem>>, %arg3: memref<4096x33xf32, #tpu.memory_space<vmem>>, %arg4: memref<1x32xf32, #tpu.memory_space<vmem>>, %arg5: memref<32x32xf32, #tpu.memory_space<vmem>>, %arg6: memref<2x256x32xf32, #tpu.memory_space<vmem>>) attributes {dimension_semantics = [#tpu.dimension_semantics<arbitrary>], iteration_bounds = array<i64: 8>, scalar_prefetch = 0 : i64, scratch_operands = 0 : i64, tpu.core_type = #tpu.core_type<tc>, window_params = [{transform_indices = @transform_0, window_bounds = array<i64: 1, 256, 4096>}, {transform_indices = @transform_1, window_bounds = array<i64: 1, 256, 4096>}, {pipeline_mode = #tpu.pipeline_mode<synchronous>, transform_indices = @transform_2, window_bounds = array<i64: 4096, 33>}, {pipeline_mode = #tpu.pipeline_mode<synchronous>, transform_indices = @transform_3, window_bounds = array<i64: 1, 32>}, {pipeline_mode = #tpu.pipeline_mode<synchronous>, transform_indices = @transform_4, window_bounds = array<i64: 32, 32>}, {transform_indices = @transform_5, window_bounds = array<i64: 2, 256, 32>}]} {
    %get3A = arith.constant 0 : index
    %get3A_0 = arith.constant 0 : index
    %get3A_1 = vector.load %arg3[%get3A, %get3A_0] : memref<4096x33xf32, #tpu.memory_space<vmem>>, vector<4096x33xf32>
    %mul3A = arith.constant 256 : i32
    %mul3A_2 = arith.muli %arg0, %mul3A : i32
    %get3A_3 = arith.constant 0 : index
    %get3A_4 = arith.constant 0 : index
    %get3A_5 = arith.constant 0 : index
    %get3A_6 = vector.load %arg1[%get3A_3, %get3A_4, %get3A_5] : memref<1x256x4096xf32, #tpu.memory_space<vmem>>, vector<1x256x4096xf32>
    %get3A_7 = vector.shape_cast %get3A_6 : vector<1x256x4096xf32> to vector<256x4096xf32>
    %dot_general3A = arith.constant dense<0.000000e+00> : vector<256x33xf32>
    %dot_general3A_8 = tpu.matmul %get3A_7, %get3A_1, %dot_general3A {dimension_numbers = #tpu.dot_dimension_numbers<[1], [0], [0], [1], [0, 0, 1, 1], [], []>, transpose_lhs_hint = false} : vector<256x4096xf32>, vector<4096x33xf32>, vector<256x33xf32> -> vector<256x33xf32>
    %get3A_9 = arith.index_cast %mul3A_2 : i32 to index
    %get3A_10 = arith.constant 0 : index
    %get3A_11 = vector.load %arg3[%get3A_9, %get3A_10] : memref<4096x33xf32, #tpu.memory_space<vmem>>, vector<256x33xf32>
    %slice3A = vector.extract_strided_slice %dot_general3A_8 {offsets = [0, 32], sizes = [256, 1], strides = [1, 1]} : vector<256x33xf32> to vector<256x1xf32>
    %slice3A_12 = vector.extract_strided_slice %get3A_11 {offsets = [0, 32], sizes = [256, 1], strides = [1, 1]} : vector<256x33xf32> to vector<256x1xf32>
    %add3A = arith.addf %slice3A, %slice3A_12 : vector<256x1xf32>
    %add3A_13 = arith.constant 1.000000e+00 : f32
    %add3A_14 = vector.broadcast %add3A_13 : f32 to vector<256x1xf32>
    %add3A_15 = arith.addf %add3A, %add3A_14 : vector<256x1xf32>
    %slice3A_16 = vector.extract_strided_slice %dot_general3A_8 {offsets = [0, 0], sizes = [256, 32], strides = [1, 1]} : vector<256x33xf32> to vector<256x32xf32>
    %slice3A_17 = vector.extract_strided_slice %get3A_11 {offsets = [0, 0], sizes = [256, 32], strides = [1, 1]} : vector<256x33xf32> to vector<256x32xf32>
    %add3A_18 = arith.addf %slice3A_16, %slice3A_17 : vector<256x32xf32>
    %max3A = arith.constant 9.99999996E-13 : f32
    %max3A_19 = vector.broadcast %max3A : f32 to vector<256x1xf32>
    %max3A_20 = arith.maximumf %add3A_15, %max3A_19 : vector<256x1xf32>
    %div3A = vector.broadcast %max3A_20 : vector<256x1xf32> to vector<256x32xf32>
    %div3A_21 = arith.divf %add3A_18, %div3A : vector<256x32xf32>
    %get3A_22 = arith.constant 0 : index
    %get3A_23 = arith.constant 0 : index
    %get3A_24 = vector.load %arg4[%get3A_22, %get3A_23] : memref<1x32xf32, #tpu.memory_space<vmem>>, vector<1x32xf32>
    %add3A_25 = vector.broadcast %get3A_24 : vector<1x32xf32> to vector<256x32xf32>
    %add3A_26 = arith.addf %div3A_21, %add3A_25 : vector<256x32xf32>
    %max3A_27 = arith.constant 0.000000e+00 : f32
    %max3A_28 = vector.broadcast %max3A_27 : f32 to vector<256x32xf32>
    %max3A_29 = arith.maximumf %add3A_26, %max3A_28 : vector<256x32xf32>
    %get3A_30 = arith.constant 0 : index
    %get3A_31 = arith.constant 0 : index
    %get3A_32 = vector.load %arg5[%get3A_30, %get3A_31] : memref<32x32xf32, #tpu.memory_space<vmem>>, vector<32x32xf32>
    %dot_general3A_33 = arith.constant dense<0.000000e+00> : vector<256x32xf32>
    %dot_general3A_34 = tpu.matmul %max3A_29, %get3A_32, %dot_general3A_33 {dimension_numbers = #tpu.dot_dimension_numbers<[1], [0], [0], [1], [0, 0, 1, 1], [], []>, transpose_lhs_hint = false} : vector<256x32xf32>, vector<32x32xf32>, vector<256x32xf32> -> vector<256x32xf32>
    %swap3A = arith.constant 0 : index
    %swap3A_35 = arith.constant 0 : index
    %swap3A_36 = arith.constant 0 : index
    %swap3A_37 = vector.load %arg6[%swap3A, %swap3A_35, %swap3A_36] : memref<2x256x32xf32, #tpu.memory_space<vmem>>, vector<1x256x32xf32>
    %swap3A_38 = vector.shape_cast %swap3A_37 : vector<1x256x32xf32> to vector<256x32xf32>
    %swap3A_39 = vector.shape_cast %dot_general3A_34 : vector<256x32xf32> to vector<1x256x32xf32>
    tpu.vector_store %arg6[%swap3A, %swap3A_35, %swap3A_36], %swap3A_39 {strides = array<i32>} : memref<2x256x32xf32, #tpu.memory_space<vmem>>, vector<1x256x32xf32>,
    %mul3A_40 = arith.constant 256 : i32
    %mul3A_41 = arith.muli %arg0, %mul3A_40 : i32
    %add3A_42 = arith.constant 2048 : i32
    %add3A_43 = arith.addi %add3A_42, %mul3A_41 : i32
    %get3A_44 = arith.constant 0 : index
    %get3A_45 = arith.constant 0 : index
    %get3A_46 = arith.constant 0 : index
    %get3A_47 = vector.load %arg2[%get3A_44, %get3A_45, %get3A_46] : memref<1x256x4096xf32, #tpu.memory_space<vmem>>, vector<1x256x4096xf32>
    %get3A_48 = vector.shape_cast %get3A_47 : vector<1x256x4096xf32> to vector<256x4096xf32>
    %dot_general3A_49 = arith.constant dense<0.000000e+00> : vector<256x33xf32>
    %dot_general3A_50 = tpu.matmul %get3A_48, %get3A_1, %dot_general3A_49 {dimension_numbers = #tpu.dot_dimension_numbers<[1], [0], [0], [1], [0, 0, 1, 1], [], []>, transpose_lhs_hint = false} : vector<256x4096xf32>, vector<4096x33xf32>, vector<256x33xf32> -> vector<256x33xf32>
    %get3A_51 = arith.index_cast %add3A_43 : i32 to index
    %get3A_52 = arith.constant 0 : index
    %get3A_53 = vector.load %arg3[%get3A_51, %get3A_52] : memref<4096x33xf32, #tpu.memory_space<vmem>>, vector<256x33xf32>
    %slice3A_54 = vector.extract_strided_slice %dot_general3A_50 {offsets = [0, 32], sizes = [256, 1], strides = [1, 1]} : vector<256x33xf32> to vector<256x1xf32>
    %slice3A_55 = vector.extract_strided_slice %get3A_53 {offsets = [0, 32], sizes = [256, 1], strides = [1, 1]} : vector<256x33xf32> to vector<256x1xf32>
    %add3A_56 = arith.addf %slice3A_54, %slice3A_55 : vector<256x1xf32>
    %add3A_57 = arith.constant 1.000000e+00 : f32
    %add3A_58 = vector.broadcast %add3A_57 : f32 to vector<256x1xf32>
    %add3A_59 = arith.addf %add3A_56, %add3A_58 : vector<256x1xf32>
    %slice3A_60 = vector.extract_strided_slice %dot_general3A_50 {offsets = [0, 0], sizes = [256, 32], strides = [1, 1]} : vector<256x33xf32> to vector<256x32xf32>
    %slice3A_61 = vector.extract_strided_slice %get3A_53 {offsets = [0, 0], sizes = [256, 32], strides = [1, 1]} : vector<256x33xf32> to vector<256x32xf32>
    %add3A_62 = arith.addf %slice3A_60, %slice3A_61 : vector<256x32xf32>
    %max3A_63 = arith.constant 9.99999996E-13 : f32
    %max3A_64 = vector.broadcast %max3A_63 : f32 to vector<256x1xf32>
    %max3A_65 = arith.maximumf %add3A_59, %max3A_64 : vector<256x1xf32>
    %div3A_66 = vector.broadcast %max3A_65 : vector<256x1xf32> to vector<256x32xf32>
    %div3A_67 = arith.divf %add3A_62, %div3A_66 : vector<256x32xf32>
    %get3A_68 = arith.constant 0 : index
    %get3A_69 = arith.constant 0 : index
    %get3A_70 = vector.load %arg4[%get3A_68, %get3A_69] : memref<1x32xf32, #tpu.memory_space<vmem>>, vector<1x32xf32>
    %add3A_71 = vector.broadcast %get3A_70 : vector<1x32xf32> to vector<256x32xf32>
    %add3A_72 = arith.addf %div3A_67, %add3A_71 : vector<256x32xf32>
    %max3A_73 = arith.constant 0.000000e+00 : f32
    %max3A_74 = vector.broadcast %max3A_73 : f32 to vector<256x32xf32>
    %max3A_75 = arith.maximumf %add3A_72, %max3A_74 : vector<256x32xf32>
    %get3A_76 = arith.constant 0 : index
    %get3A_77 = arith.constant 0 : index
    %get3A_78 = vector.load %arg5[%get3A_76, %get3A_77] : memref<32x32xf32, #tpu.memory_space<vmem>>, vector<32x32xf32>
    %dot_general3A_79 = arith.constant dense<0.000000e+00> : vector<256x32xf32>
    %dot_general3A_80 = tpu.matmul %max3A_75, %get3A_78, %dot_general3A_79 {dimension_numbers = #tpu.dot_dimension_numbers<[1], [0], [0], [1], [0, 0, 1, 1], [], []>, transpose_lhs_hint = false} : vector<256x32xf32>, vector<32x32xf32>, vector<256x32xf32> -> vector<256x32xf32>
    %swap3A_81 = arith.constant 1 : index
    %swap3A_82 = arith.constant 0 : index
    %swap3A_83 = arith.constant 0 : index
    %swap3A_84 = vector.load %arg6[%swap3A_81, %swap3A_82, %swap3A_83] : memref<2x256x32xf32, #tpu.memory_space<vmem>>, vector<1x256x32xf32>
    %swap3A_85 = vector.shape_cast %swap3A_84 : vector<1x256x32xf32> to vector<256x32xf32>
    %swap3A_86 = vector.shape_cast %dot_general3A_80 : vector<256x32xf32> to vector<1x256x32xf32>
    tpu.vector_store %arg6[%swap3A_81, %swap3A_82, %swap3A_83], %swap3A_86 {strides = array<i32>} : memref<2x256x32xf32, #tpu.memory_space<vmem>>, vector<1x256x32xf32>,
    return
  }
  func.func @transform_0(%arg0: i32) -> (i32, i32, i32) {
    %c1_i32 = arith.constant 1 : i32
    %c0_i32 = arith.constant 0 : i32
    %c0_i32_0 = arith.constant 0 : i32
    return %c1_i32, %arg0, %c0_i32 : i32, i32, i32
  }
  func.func @transform_1(%arg0: i32) -> (i32, i32, i32) {
    %add3A = arith.constant 8 : i32
    %add3A_0 = arith.addi %add3A, %arg0 : i32
    %c1_i32 = arith.constant 1 : i32
    %c0_i32 = arith.constant 0 : i32
    %c0_i32_1 = arith.constant 0 : i32
    return %c1_i32, %add3A_0, %c0_i32 : i32, i32, i32
  }
  func.func @transform_2(%arg0: i32) -> (i32, i32) {
    %c0_i32 = arith.constant 0 : i32
    %c0_i32_0 = arith.constant 0 : i32
    %c0_i32_1 = arith.constant 0 : i32
    return %c0_i32, %c0_i32_0 : i32, i32
  }
  func.func @transform_3(%arg0: i32) -> (i32, i32) {
    %c0_i32 = arith.constant 0 : i32
    %c0_i32_0 = arith.constant 0 : i32
    %c0_i32_1 = arith.constant 0 : i32
    return %c0_i32, %c0_i32_0 : i32, i32
  }
  func.func @transform_4(%arg0: i32) -> (i32, i32) {
    %c0_i32 = arith.constant 0 : i32
    %c0_i32_0 = arith.constant 0 : i32
    %c0_i32_1 = arith.constant 0 : i32
    return %c0_i32, %c0_i32_0 : i32, i32
  }
  func.func @transform_5(%arg0: i32) -> (i32, i32, i32) {
    %c0_i32 = arith.constant 0 : i32
    %c0_i32_0 = arith.constant 0 : i32
    %c0_i32_1 = arith.constant 0 : i32
    return %c0_i32, %arg0, %c0_i32_0 : i32, i32, i32
  }
}

module attributes {stable_mosaic.version = 14 : i64} {
  func.func @_prep0_kernel(%arg0: memref<4096x32xf32, #tpu.memory_space<vmem>>, %arg1: memref<32x32xf32, #tpu.memory_space<vmem>>, %arg2: memref<4096x16xf32, #tpu.memory_space<vmem>>, %arg3: memref<4096x32xf32, #tpu.memory_space<vmem>>, %arg4: memref<4096x1xf32, #tpu.memory_space<vmem>>) attributes {dimension_semantics = [], scalar_prefetch = 0 : i64, scratch_operands = 0 : i64, tpu.core_type = #tpu.core_type<tc>} {
    %get3A = arith.constant 0 : index
    %get3A_0 = arith.constant 0 : index
    %get3A_1 = vector.load %arg2[%get3A, %get3A_0] : memref<4096x16xf32, #tpu.memory_space<vmem>>, vector<4096x16xf32>
    %reduce_sum3A = arith.constant dense<0.000000e+00> : vector<4096xf32>
    %reduce_sum3A_2 = vector.multi_reduction <add>, %get3A_1, %reduce_sum3A [1] : vector<4096x16xf32> to vector<4096xf32>
    %broadcast_in_dim3A = vector.shape_cast %reduce_sum3A_2 : vector<4096xf32> to vector<4096x1xf32>
    %add3A = arith.constant 1.000000e+00 : f32
    %add3A_3 = vector.broadcast %add3A : f32 to vector<4096x1xf32>
    %add3A_4 = arith.addf %broadcast_in_dim3A, %add3A_3 : vector<4096x1xf32>
    %max3A = arith.constant 9.99999996E-13 : f32
    %max3A_5 = vector.broadcast %max3A : f32 to vector<4096x1xf32>
    %max3A_6 = arith.maximumf %add3A_4, %max3A_5 : vector<4096x1xf32>
    %rsqrt3A = math.rsqrt %max3A_6 : vector<4096x1xf32>
    %swap3A = arith.constant 0 : index
    %swap3A_7 = arith.constant 0 : index
    %swap3A_8 = vector.load %arg4[%swap3A, %swap3A_7] : memref<4096x1xf32, #tpu.memory_space<vmem>>, vector<4096x1xf32>
    tpu.vector_store %arg4[%swap3A, %swap3A_7], %rsqrt3A {strides = array<i32>} : memref<4096x1xf32, #tpu.memory_space<vmem>>, vector<4096x1xf32>,
    %get3A_9 = arith.constant 0 : index
    %get3A_10 = arith.constant 0 : index
    %get3A_11 = vector.load %arg0[%get3A_9, %get3A_10] : memref<4096x32xf32, #tpu.memory_space<vmem>>, vector<4096x32xf32>
    %get3A_12 = arith.constant 0 : index
    %get3A_13 = arith.constant 0 : index
    %get3A_14 = vector.load %arg1[%get3A_12, %get3A_13] : memref<32x32xf32, #tpu.memory_space<vmem>>, vector<32x32xf32>
    %dot_general3A = arith.constant dense<0.000000e+00> : vector<4096x32xf32>
    %dot_general3A_15 = tpu.matmul %get3A_11, %get3A_14, %dot_general3A {dimension_numbers = #tpu.dot_dimension_numbers<[1], [0], [0], [1], [0, 0, 1, 1], [], []>, transpose_lhs_hint = false} : vector<4096x32xf32>, vector<32x32xf32>, vector<4096x32xf32> -> vector<4096x32xf32>
    %mul3A = vector.broadcast %rsqrt3A : vector<4096x1xf32> to vector<4096x32xf32>
    %mul3A_16 = arith.mulf %mul3A, %dot_general3A_15 : vector<4096x32xf32>
    %swap3A_17 = arith.constant 0 : index
    %swap3A_18 = arith.constant 0 : index
    %swap3A_19 = vector.load %arg3[%swap3A_17, %swap3A_18] : memref<4096x32xf32, #tpu.memory_space<vmem>>, vector<4096x32xf32>
    tpu.vector_store %arg3[%swap3A_17, %swap3A_18], %mul3A_16 {strides = array<i32>} : memref<4096x32xf32, #tpu.memory_space<vmem>>, vector<4096x32xf32>,
    return
  }
}

module attributes {stable_mosaic.version = 14 : i64} {
  func.func @_passB_kernel(%arg0: i32, %arg1: memref<1x256x4096xf32, #tpu.memory_space<vmem>>, %arg2: memref<1x256x4096xf32, #tpu.memory_space<vmem>>, %arg3: memref<4096x32xf32, #tpu.memory_space<vmem>>, %arg4: memref<4096x1xf32, #tpu.memory_space<vmem>>, %arg5: memref<2x2048x32xf32, #tpu.memory_space<vmem>>, %arg6: memref<1x32xf32, #tpu.memory_space<vmem>>, %arg7: memref<32x32xf32, #tpu.memory_space<vmem>>, %arg8: memref<1x32xf32, #tpu.memory_space<vmem>>, %arg9: memref<2x256x32xf32, #tpu.memory_space<vmem>>) attributes {dimension_semantics = [#tpu.dimension_semantics<arbitrary>], iteration_bounds = array<i64: 8>, scalar_prefetch = 0 : i64, scratch_operands = 0 : i64, tpu.core_type = #tpu.core_type<tc>, window_params = [{transform_indices = @transform_0, window_bounds = array<i64: 1, 256, 4096>}, {transform_indices = @transform_1, window_bounds = array<i64: 1, 256, 4096>}, {pipeline_mode = #tpu.pipeline_mode<synchronous>, transform_indices = @transform_2, window_bounds = array<i64: 4096, 32>}, {pipeline_mode = #tpu.pipeline_mode<synchronous>, transform_indices = @transform_3, window_bounds = array<i64: 4096, 1>}, {pipeline_mode = #tpu.pipeline_mode<synchronous>, transform_indices = @transform_4, window_bounds = array<i64: 2, 2048, 32>}, {pipeline_mode = #tpu.pipeline_mode<synchronous>, transform_indices = @transform_5, window_bounds = array<i64: 1, 32>}, {pipeline_mode = #tpu.pipeline_mode<synchronous>, transform_indices = @transform_6, window_bounds = array<i64: 32, 32>}, {pipeline_mode = #tpu.pipeline_mode<synchronous>, transform_indices = @transform_7, window_bounds = array<i64: 1, 32>}, {transform_indices = @transform_8, window_bounds = array<i64: 2, 256, 32>}]} {
    %get3A = arith.constant 0 : index
    %get3A_0 = arith.constant 0 : index
    %get3A_1 = vector.load %arg3[%get3A, %get3A_0] : memref<4096x32xf32, #tpu.memory_space<vmem>>, vector<4096x32xf32>
    %mul3A = arith.constant 256 : i32
    %mul3A_2 = arith.muli %arg0, %mul3A : i32
    %get3A_3 = arith.constant 0 : index
    %get3A_4 = arith.constant 0 : index
    %get3A_5 = arith.constant 0 : index
    %get3A_6 = vector.load %arg1[%get3A_3, %get3A_4, %get3A_5] : memref<1x256x4096xf32, #tpu.memory_space<vmem>>, vector<1x256x4096xf32>
    %get3A_7 = vector.shape_cast %get3A_6 : vector<1x256x4096xf32> to vector<256x4096xf32>
    %dot_general3A = arith.constant dense<0.000000e+00> : vector<256x32xf32>
    %dot_general3A_8 = tpu.matmul %get3A_7, %get3A_1, %dot_general3A {dimension_numbers = #tpu.dot_dimension_numbers<[1], [0], [0], [1], [0, 0, 1, 1], [], []>, transpose_lhs_hint = false} : vector<256x4096xf32>, vector<4096x32xf32>, vector<256x32xf32> -> vector<256x32xf32>
    %get3A_9 = arith.index_cast %mul3A_2 : i32 to index
    %get3A_10 = arith.constant 0 : index
    %get3A_11 = vector.load %arg3[%get3A_9, %get3A_10] : memref<4096x32xf32, #tpu.memory_space<vmem>>, vector<256x32xf32>
    %get3A_12 = arith.index_cast %mul3A_2 : i32 to index
    %get3A_13 = arith.constant 0 : index
    %get3A_14 = vector.load %arg4[%get3A_12, %get3A_13] : memref<4096x1xf32, #tpu.memory_space<vmem>>, vector<256x1xf32>
    %add3A = arith.addf %dot_general3A_8, %get3A_11 : vector<256x32xf32>
    %mul3A_15 = vector.broadcast %get3A_14 : vector<256x1xf32> to vector<256x32xf32>
    %mul3A_16 = arith.mulf %mul3A_15, %add3A : vector<256x32xf32>
    %get3A_17 = arith.constant 0 : index
    %get3A_18 = arith.constant 0 : index
    %get3A_19 = vector.load %arg6[%get3A_17, %get3A_18] : memref<1x32xf32, #tpu.memory_space<vmem>>, vector<1x32xf32>
    %add3A_20 = vector.broadcast %get3A_19 : vector<1x32xf32> to vector<256x32xf32>
    %add3A_21 = arith.addf %mul3A_16, %add3A_20 : vector<256x32xf32>
    %max3A = arith.constant 0.000000e+00 : f32
    %max3A_22 = vector.broadcast %max3A : f32 to vector<256x32xf32>
    %max3A_23 = arith.maximumf %add3A_21, %max3A_22 : vector<256x32xf32>
    %get3A_24 = arith.constant 0 : index
    %get3A_25 = arith.constant 0 : index
    %get3A_26 = vector.load %arg7[%get3A_24, %get3A_25] : memref<32x32xf32, #tpu.memory_space<vmem>>, vector<32x32xf32>
    %dot_general3A_27 = arith.constant dense<0.000000e+00> : vector<256x32xf32>
    %dot_general3A_28 = tpu.matmul %max3A_23, %get3A_26, %dot_general3A_27 {dimension_numbers = #tpu.dot_dimension_numbers<[1], [0], [0], [1], [0, 0, 1, 1], [], []>, transpose_lhs_hint = false} : vector<256x32xf32>, vector<32x32xf32>, vector<256x32xf32> -> vector<256x32xf32>
    %sub3A = arith.constant 0 : i32
    %sub3A_29 = arith.subi %mul3A_2, %sub3A : i32
    %get3A_30 = arith.constant 0 : index
    %get3A_31 = arith.index_cast %sub3A_29 : i32 to index
    %get3A_32 = arith.constant 0 : index
    %get3A_33 = vector.load %arg5[%get3A_30, %get3A_31, %get3A_32] : memref<2x2048x32xf32, #tpu.memory_space<vmem>>, vector<1x256x32xf32>
    %get3A_34 = vector.shape_cast %get3A_33 : vector<1x256x32xf32> to vector<256x32xf32>
    %add3A_35 = arith.addf %dot_general3A_28, %get3A_34 : vector<256x32xf32>
    %get3A_36 = arith.constant 0 : index
    %get3A_37 = arith.constant 0 : index
    %get3A_38 = vector.load %arg8[%get3A_36, %get3A_37] : memref<1x32xf32, #tpu.memory_space<vmem>>, vector<1x32xf32>
    %add3A_39 = vector.broadcast %get3A_38 : vector<1x32xf32> to vector<256x32xf32>
    %add3A_40 = arith.addf %add3A_35, %add3A_39 : vector<256x32xf32>
    %max3A_41 = arith.constant 0.000000e+00 : f32
    %max3A_42 = vector.broadcast %max3A_41 : f32 to vector<256x32xf32>
    %max3A_43 = arith.maximumf %add3A_40, %max3A_42 : vector<256x32xf32>
    %swap3A = arith.constant 0 : index
    %swap3A_44 = arith.constant 0 : index
    %swap3A_45 = arith.constant 0 : index
    %swap3A_46 = vector.load %arg9[%swap3A, %swap3A_44, %swap3A_45] : memref<2x256x32xf32, #tpu.memory_space<vmem>>, vector<1x256x32xf32>
    %swap3A_47 = vector.shape_cast %swap3A_46 : vector<1x256x32xf32> to vector<256x32xf32>
    %swap3A_48 = vector.shape_cast %max3A_43 : vector<256x32xf32> to vector<1x256x32xf32>
    tpu.vector_store %arg9[%swap3A, %swap3A_44, %swap3A_45], %swap3A_48 {strides = array<i32>} : memref<2x256x32xf32, #tpu.memory_space<vmem>>, vector<1x256x32xf32>,
    %mul3A_49 = arith.constant 256 : i32
    %mul3A_50 = arith.muli %arg0, %mul3A_49 : i32
    %add3A_51 = arith.constant 2048 : i32
    %add3A_52 = arith.addi %add3A_51, %mul3A_50 : i32
    %get3A_53 = arith.constant 0 : index
    %get3A_54 = arith.constant 0 : index
    %get3A_55 = arith.constant 0 : index
    %get3A_56 = vector.load %arg2[%get3A_53, %get3A_54, %get3A_55] : memref<1x256x4096xf32, #tpu.memory_space<vmem>>, vector<1x256x4096xf32>
    %get3A_57 = vector.shape_cast %get3A_56 : vector<1x256x4096xf32> to vector<256x4096xf32>
    %dot_general3A_58 = arith.constant dense<0.000000e+00> : vector<256x32xf32>
    %dot_general3A_59 = tpu.matmul %get3A_57, %get3A_1, %dot_general3A_58 {dimension_numbers = #tpu.dot_dimension_numbers<[1], [0], [0], [1], [0, 0, 1, 1], [], []>, transpose_lhs_hint = false} : vector<256x4096xf32>, vector<4096x32xf32>, vector<256x32xf32> -> vector<256x32xf32>
    %get3A_60 = arith.index_cast %add3A_52 : i32 to index
    %get3A_61 = arith.constant 0 : index
    %get3A_62 = vector.load %arg3[%get3A_60, %get3A_61] : memref<4096x32xf32, #tpu.memory_space<vmem>>, vector<256x32xf32>
    %get3A_63 = arith.index_cast %add3A_52 : i32 to index
    %get3A_64 = arith.constant 0 : index
    %get3A_65 = vector.load %arg4[%get3A_63, %get3A_64] : memref<4096x1xf32, #tpu.memory_space<vmem>>, vector<256x1xf32>
    %add3A_66 = arith.addf %dot_general3A_59, %get3A_62 : vector<256x32xf32>
    %mul3A_67 = vector.broadcast %get3A_65 : vector<256x1xf32> to vector<256x32xf32>
    %mul3A_68 = arith.mulf %mul3A_67, %add3A_66 : vector<256x32xf32>
    %get3A_69 = arith.constant 0 : index
    %get3A_70 = arith.constant 0 : index
    %get3A_71 = vector.load %arg6[%get3A_69, %get3A_70] : memref<1x32xf32, #tpu.memory_space<vmem>>, vector<1x32xf32>
    %add3A_72 = vector.broadcast %get3A_71 : vector<1x32xf32> to vector<256x32xf32>
    %add3A_73 = arith.addf %mul3A_68, %add3A_72 : vector<256x32xf32>
    %max3A_74 = arith.constant 0.000000e+00 : f32
    %max3A_75 = vector.broadcast %max3A_74 : f32 to vector<256x32xf32>
    %max3A_76 = arith.maximumf %add3A_73, %max3A_75 : vector<256x32xf32>
    %get3A_77 = arith.constant 0 : index
    %get3A_78 = arith.constant 0 : index
    %get3A_79 = vector.load %arg7[%get3A_77, %get3A_78] : memref<32x32xf32, #tpu.memory_space<vmem>>, vector<32x32xf32>
    %dot_general3A_80 = arith.constant dense<0.000000e+00> : vector<256x32xf32>
    %dot_general3A_81 = tpu.matmul %max3A_76, %get3A_79, %dot_general3A_80 {dimension_numbers = #tpu.dot_dimension_numbers<[1], [0], [0], [1], [0, 0, 1, 1], [], []>, transpose_lhs_hint = false} : vector<256x32xf32>, vector<32x32xf32>, vector<256x32xf32> -> vector<256x32xf32>
    %sub3A_82 = arith.constant 2048 : i32
    %sub3A_83 = arith.subi %add3A_52, %sub3A_82 : i32
    %get3A_84 = arith.constant 1 : index
    %get3A_85 = arith.index_cast %sub3A_83 : i32 to index
    %get3A_86 = arith.constant 0 : index
    %get3A_87 = vector.load %arg5[%get3A_84, %get3A_85, %get3A_86] : memref<2x2048x32xf32, #tpu.memory_space<vmem>>, vector<1x256x32xf32>
    %get3A_88 = vector.shape_cast %get3A_87 : vector<1x256x32xf32> to vector<256x32xf32>
    %add3A_89 = arith.addf %dot_general3A_81, %get3A_88 : vector<256x32xf32>
    %get3A_90 = arith.constant 0 : index
    %get3A_91 = arith.constant 0 : index
    %get3A_92 = vector.load %arg8[%get3A_90, %get3A_91] : memref<1x32xf32, #tpu.memory_space<vmem>>, vector<1x32xf32>
    %add3A_93 = vector.broadcast %get3A_92 : vector<1x32xf32> to vector<256x32xf32>
    %add3A_94 = arith.addf %add3A_89, %add3A_93 : vector<256x32xf32>
    %max3A_95 = arith.constant 0.000000e+00 : f32
    %max3A_96 = vector.broadcast %max3A_95 : f32 to vector<256x32xf32>
    %max3A_97 = arith.maximumf %add3A_94, %max3A_96 : vector<256x32xf32>
    %swap3A_98 = arith.constant 1 : index
    %swap3A_99 = arith.constant 0 : index
    %swap3A_100 = arith.constant 0 : index
    %swap3A_101 = vector.load %arg9[%swap3A_98, %swap3A_99, %swap3A_100] : memref<2x256x32xf32, #tpu.memory_space<vmem>>, vector<1x256x32xf32>
    %swap3A_102 = vector.shape_cast %swap3A_101 : vector<1x256x32xf32> to vector<256x32xf32>
    %swap3A_103 = vector.shape_cast %max3A_97 : vector<256x32xf32> to vector<1x256x32xf32>
    tpu.vector_store %arg9[%swap3A_98, %swap3A_99, %swap3A_100], %swap3A_103 {strides = array<i32>} : memref<2x256x32xf32, #tpu.memory_space<vmem>>, vector<1x256x32xf32>,
    return
  }
  func.func @transform_0(%arg0: i32) -> (i32, i32, i32) {
    %c0_i32 = arith.constant 0 : i32
    %c0_i32_0 = arith.constant 0 : i32
    %c0_i32_1 = arith.constant 0 : i32
    return %c0_i32, %arg0, %c0_i32_0 : i32, i32, i32
  }
  func.func @transform_1(%arg0: i32) -> (i32, i32, i32) {
    %add3A = arith.constant 8 : i32
    %add3A_0 = arith.addi %add3A, %arg0 : i32
    %c0_i32 = arith.constant 0 : i32
    %c0_i32_1 = arith.constant 0 : i32
    %c0_i32_2 = arith.constant 0 : i32
    return %c0_i32, %add3A_0, %c0_i32_1 : i32, i32, i32
  }
  func.func @transform_2(%arg0: i32) -> (i32, i32) {
    %c0_i32 = arith.constant 0 : i32
    %c0_i32_0 = arith.constant 0 : i32
    %c0_i32_1 = arith.constant 0 : i32
    return %c0_i32, %c0_i32_0 : i32, i32
  }
  func.func @transform_3(%arg0: i32) -> (i32, i32) {
    %c0_i32 = arith.constant 0 : i32
    %c0_i32_0 = arith.constant 0 : i32
    %c0_i32_1 = arith.constant 0 : i32
    return %c0_i32, %c0_i32_0 : i32, i32
  }
  func.func @transform_4(%arg0: i32) -> (i32, i32, i32) {
    %c0_i32 = arith.constant 0 : i32
    %c0_i32_0 = arith.constant 0 : i32
    %c0_i32_1 = arith.constant 0 : i32
    %c0_i32_2 = arith.constant 0 : i32
    return %c0_i32, %c0_i32_0, %c0_i32_1 : i32, i32, i32
  }
  func.func @transform_5(%arg0: i32) -> (i32, i32) {
    %c0_i32 = arith.constant 0 : i32
    %c0_i32_0 = arith.constant 0 : i32
    %c0_i32_1 = arith.constant 0 : i32
    return %c0_i32, %c0_i32_0 : i32, i32
  }
  func.func @transform_6(%arg0: i32) -> (i32, i32) {
    %c0_i32 = arith.constant 0 : i32
    %c0_i32_0 = arith.constant 0 : i32
    %c0_i32_1 = arith.constant 0 : i32
    return %c0_i32, %c0_i32_0 : i32, i32
  }
  func.func @transform_7(%arg0: i32) -> (i32, i32) {
    %c0_i32 = arith.constant 0 : i32
    %c0_i32_0 = arith.constant 0 : i32
    %c0_i32_1 = arith.constant 0 : i32
    return %c0_i32, %c0_i32_0 : i32, i32
  }
  func.func @transform_8(%arg0: i32) -> (i32, i32, i32) {
    %c0_i32 = arith.constant 0 : i32
    %c0_i32_0 = arith.constant 0 : i32
    %c0_i32_1 = arith.constant 0 : i32
    return %c0_i32, %arg0, %c0_i32_0 : i32, i32, i32
  }
}

</mosaic_0001>

<sc_bundles>
// kernel: kernel.7.cloned.1.call-start
scs
__scs_entry_jumppad:
0x0: {  	(pc) =	sbr.rel $0x88, $3  }
0x1: {  	(tag) =	ssettag $0x0;
	lr =	simm.s32 $0x1  }
0x2: {  	[smem:$0x3F9B] =	sst lr;
	_ =	strace $0xD0000000  }
0x3: {  	_ = 	snop  }
0x4: {  	_ = 	snop  }
0x5: {  	_ = 	snop  }
0x6: {  	_ = 	snop  }
0x7: {  	_ = 	snop  }
__scs_overlays_trampoline_lowered:
0x8: {  	[smem:$0x3FAA] =	sst s0  }
0x9: {  	[smem:$0x3FAB] =	sst s1  }
0xa: {  	[smem:$0x3FAC] =	sst s2  }
0xb: {  	[smem:$0x3FAD] =	sst s3  }
0xc: {  	[smem:$0x3FAE] =	sst s4  }
0xd: {  	[smem:$0x3FAF] =	sst s5  }
0xe: {  	[smem:$0x3FB0] =	sst s6  }
0xf: {  	[smem:$0x3FB1] =	sst s7  }
0x10: {  	[smem:$0x3FB2] =	sst s8  }
0x11: {  	[smem:$0x3FB3] =	sst s9;
	s0 =	simm.s32 @!p0 $0x0  }
0x12: {  	s1 =	sld [smem:$0x3F99];
	s0 =	simm.s32 @p0 $0x1  }
0x13: {  	[smem:$0x3FB4] =	sst s0;
	s0 =	simm.s32 @!p1 $0x0  }
0x14: {  	s2 =	sld [smem:$0x3F98];
	s0 =	simm.s32 @p1 $0x1  }
0x15: {  	[smem:$0x3FB5] =	sst s0;
	s0 =	simm.s32 @!p2 $0x0  }
0x16: {  	s3 =	sld [smem:$0x3FDB];
	s0 =	simm.s32 @p2 $0x1  }
0x17: {  	s4 =	simm.s32 $0x1BF5;
	[smem:$0x3FB7] =	sst s0  }
0x18: {  	s0 =	sld [smem:$0x3F9A];
	_ =	swait.ge [sflag:s4], $0x0  }
0x19: {  	s7 =	sld [smem:$0x3F9B]  }
0x1a: {  	s8 =	sadd.s32 $0xFFFFE003, lr  }
0x1b: {  	s9 =	sadd.s32 $0xFFFFFEF7, lr;
	s5 =	simm.s32 $0xFFFFFFFF;
	p2 =	slt.u32 s8, $0xFFFFF086  }
0x1c: {  	p1 =	slt.u32 s9, $0xF7A;
	s5 =	simm.s32 @!p2 $0x0  }
0x1d: {  	s5 =	simm.s32 @p1 $0x1;
	p0 =	seq.s32 s7, s2  }
0x1e: {  	s7 =	smul.u32 @!p0 $0xF7A, s2;
	p2 =	seq.s32 @!p0 s5, $0x0  }
0x1f: {  	s9 =	smul.u32 $0xF7A, s1;
	s8 =	simm.s32 @!p0 $0x1BF5;
	p2 =	por !p2, p0  }
0x20: {  	[sflag:s8] =	ssyncset.s32 @!p0 $0xFFFFF086;
	s6 =	sadd.s32 @!p0 s3, s7;
	s7 =	simm.s32 @!p0 $0x108  }
0x21: {  	s3 =	sadd.s32 s3, s9;
	s6 =	sadd.s32 @!p0 $0x88, s6;
	s7 =	simm.s32 @p2 $0x1082  }
0x22: {  	[simem:s7], [sflag:s8] =	dma.local @!p0 [hbm:s6], $0xF7A  }
0x23: {  	s9 =	sor.u32 $0xD0000000, s2;
	s6 =	simm.s32 $0x108;
	_ =	swait.ge @!p0 [sflag:s8], $0x0  }
0x24: {  	s3 =	sadd.s32 $0x88, s3;
	s6 =	simm.s32 @!p1 $0x1082;
	[sflag:s4] =	ssyncset.s32 $0xFFFFF086  }
0x25: {  	[simem:s6], [sflag:s4] =	dma.local [hbm:s3], $0xF7A  }
0x26: {  	[smem:$0x3F9B] =	sst s1;
	(tag) =	ssettag s2;
	_ =	strace s9  }
0x27: {  	s1 =	sld [smem:$0x3FAB]  }
0x28: {  	s2 =	sld [smem:$0x3FAC]  }
0x29: {  	s4 =	sld [smem:$0x3FAE]  }
0x2a: {  	p0 =	seq.s32 s5, $0x0;
	s5 =	sld [smem:$0x3FAF]  }
0x2b: {  	s6 =	sld [smem:$0x3FB0]  }
0x2c: {  	s7 =	sld [smem:$0x3FB1]  }
0x2d: {  	s3 =	simm.s32 $0x108;
	s8 =	sld [smem:$0x3FB2]  }
0x2e: {  	s3 =	simm.s32 @!p0 $0x1082;
	s9 =	sld [smem:$0x3FB3]  }
0x2f: {  	lr =	sadd.s32 s0, s3;
	s0 =	sld [smem:$0x3FAA]  }
0x30: {  	s3 =	sld [smem:$0x3FAD]  }
0x31: {  	[smem:$0x3FB6] =	sst s10  }
0x32: {  	s10 =	sld [smem:$0x3FB4];
	_ =	sdelay $0x3  }
0x33: {  	p0 =	seq.s32 s10, $0x1;
	s10 =	sld [smem:$0x3FB6];
	_ =	sdelay $0x3  }
0x34: {  	[smem:$0x3FB6] =	sst s10  }
0x35: {  	s10 =	sld [smem:$0x3FB5];
	_ =	sdelay $0x3  }
0x36: {  	p1 =	seq.s32 s10, $0x1;
	s10 =	sld [smem:$0x3FB6];
	_ =	sdelay $0x3  }
0x37: {  	[smem:$0x3FB6] =	sst s10  }
0x38: {  	s10 =	sld [smem:$0x3FB7]  }
0x39: {  	_ = 	snop;
	(pc) =	sbr.ind lr, $3  }
0x3a: {  	_ = 	snop  }
0x3b: {  	_ = 	snop  }
0x3c: {  	p2 =	seq.s32 s10, $0x1;
	s10 =	sld [smem:$0x3FB6]  }
0x3d: {  	_ =	shalt  }
0x3e: {  	_ =	shalt  }
0x3f: {  	_ =	shalt  }
0x40: {  	_ =	shalt  }
0x41: {  	_ =	shalt  }
0x42: {  	_ =	shalt  }
0x43: {  	_ =	shalt  }
0x44: {  	_ =	shalt  }
0x45: {  	_ =	shalt  }
0x46: {  	_ =	shalt  }
0x47: {  	_ =	shalt  }
0x48: {  	_ =	shalt  }
0x49: {  	_ =	shalt  }
0x4a: {  	_ =	shalt  }
0x4b: {  	_ =	shalt  }
0x4c: {  	_ =	shalt  }
0x4d: {  	_ =	shalt  }
0x4e: {  	_ =	shalt  }
0x4f: {  	_ =	shalt  }
0x50: {  	_ =	shalt  }
0x51: {  	_ =	shalt  }
0x52: {  	_ =	shalt  }
0x53: {  	_ =	shalt  }
0x54: {  	_ =	shalt  }
0x55: {  	_ =	shalt  }
0x56: {  	_ =	shalt  }
0x57: {  	_ =	shalt  }
0x58: {  	_ =	shalt  }
0x59: {  	_ =	shalt  }
0x5a: {  	_ =	shalt  }
0x5b: {  	_ =	shalt  }
0x5c: {  	_ =	shalt  }
0x5d: {  	_ =	shalt  }
0x5e: {  	_ =	shalt  }
0x5f: {  	_ =	shalt  }
0x60: {  	_ =	shalt  }
0x61: {  	_ =	shalt  }
0x62: {  	_ =	shalt  }
0x63: {  	_ =	shalt  }
0x64: {  	_ =	shalt  }
0x65: {  	_ =	shalt  }
0x66: {  	_ =	shalt  }
0x67: {  	_ =	shalt  }
0x68: {  	_ =	shalt  }
0x69: {  	_ =	shalt  }
0x6a: {  	_ =	shalt  }
0x6b: {  	_ =	shalt  }
0x6c: {  	_ =	shalt  }
0x6d: {  	_ =	shalt  }
0x6e: {  	_ =	shalt  }
0x6f: {  	_ =	shalt  }
0x70: {  	_ =	shalt  }
0x71: {  	_ =	shalt  }
0x72: {  	_ =	shalt  }
0x73: {  	_ =	shalt  }
0x74: {  	_ =	shalt  }
0x75: {  	_ =	shalt  }
0x76: {  	_ =	shalt  }
0x77: {  	_ =	shalt  }
0x78: {  	_ =	shalt  }
0x79: {  	_ =	shalt  }
0x7a: {  	_ =	shalt  }
0x7b: {  	_ =	shalt  }
0x7c: {  	_ =	shalt  }
0x7d: {  	_ =	shalt  }
0x7e: {  	_ =	shalt  }
0x7f: {  	_ =	shalt  }
0x80: {  	_ =	shalt  }
0x81: {  	_ =	shalt  }
0x82: {  	_ =	shalt  }
0x83: {  	_ =	shalt  }
0x84: {  	_ =	shalt  }
0x85: {  	_ =	shalt  }
0x86: {  	_ =	shalt  }
0x87: {  	_ =	shalt  }
.Lfunc_end0:
.L_simem_size_0:
called_computation_lowered:
.L_overlay_start_0:
0x88: {  	s2 =	sld [smem:$0x3FD9]  }
0x89: {  	s3 =	sld [smem:$0x3FFE];
	_ =	sdelay $0x1  }
0x8a: {  	s1 =	srdreg.scid  }
0x8b: {  	s0 =	sand.u32 $0x1, s1  }
0x8c: {  	s17 =	sshll.u32 s0, $0xA;
	s2 =	sadd.s32 s3, s2  }
0x8d: {  	s2 =	sadd.s32 s2, s17  }
0x8e: {  	[smem:$0x3FC2] =	sst s2  }
0x8f: {  	_ = 	snop  }
0x90: {  	s2 =	sld [smem:$0x3FC8];
	(tm) =	ssettm $0x1  }
0x91: {  	s18 =	sld [smem:$0x3FFB];
	_ =	sdelay $0x3  }
0x92: {  	_ =	strace s18  }
0x93: {  	s3 =	sld [smem:$0x3FFC];
	_ =	sdelay $0x3  }
0x94: {  	_ =	strace s3  }
0x95: {  	s3 =	sld [smem:$0x3FFD];
	_ =	sdelay $0x3  }
0x96: {  	_ =	strace s3  }
0x97: {  	_ =	strace $0x8FFFFFFF  }
0x98: {  	s19 =	sld [smem:$0x3FDB];
	_ =	sdelay $0x1  }
0x99: {  	s4 =	simm.s32 $_scs_section_size  }
0x9a: {  	s5 =	simm.s32 $_size__tile_overlayer_lowered;
	s6 =	simm.s32 $_tile_overlayer_lowered  }
0x9b: {  	s22 =	simm.s32 $0x1BFF;
	s21 =	sshll.u32 s6, $0x1;
	s3 =	sadd.s32 s4, s19  }
0x9c: {  	s7 =	simm.s32 $0x0;
	s20 =	sshll.u32 s5, $0x1;
	s5 =	sadd.s32 s21, s3  }
0x9d: {  	[timem:s7], [sflag:s22] =	dma.local [hbm:s5], s20  }
0x9e: {  	_ =	swait.ge [sflag:s22], s20  }
0x9f: {  	s4 =	ssub.s32 $0x0, s20;
	[sflag:s22] =	ssyncset.done $0x0  }
0xa0: {  	[sflag:s22] =	ssyncadd.s32 s4;
	_ =	sdelay $0x1  }
0xa1: {  	s23 =	simm.s32 $0x1B8B  }
0xa2: {  	_ =	swait.ge [sflag:s23], $0x1  }
0xa3: {  	[sflag:s23] =	ssyncset.done $0x0  }
0xa4: {  	s25 =	simm.s32 $0x1B8E;
	s24 =	sld [smem:$0x3FFE];
	[sflag:s23] =	ssyncadd.s32 $0xFFFFFFFF  }
0xa5: {  	s26 =	simm.s32 $execute0_lowered;
	[smem:$0x3FD2] =	sst s25  }
0xa6: {  	s5 =	sshll.u32 s26, $0x1;
	_ =	strace $0x80000046;
	[dreg:$0x1] =	wrdreg $0xFFFFFFFF  }
0xa7: {  	s28 =	simm.s32 $_size_execute0_lowered;
	s3 =	sadd.s32 s3, s5;
	[dreg:$0x0] =	wrdreg $0x0  }
0xa8: {  	s5 =	sshll.u32 s28, $0x1;
	[dreg:$0x2] =	wrdreg s3  }
0xa9: {  	[dreg:$0x3] =	wrdreg s5  }
0xaa: {  	[dreg:$0x4] =	wrdreg $0xC0  }
0xab: {  	_ =	task [dreg:s7], $0x5FFFF  }
0xac: {  	[dreg:$0x1] =	wrdreg $0xFFFFFFFF  }
0xad: {  	[dreg:$0x0] =	wrdreg $0x60  }
0xae: {  	[dreg:$0x2] =	wrdreg s2  }
0xaf: {  	[dreg:$0x3] =	wrdreg s24  }
0xb0: {  	[dreg:$0x4] =	wrdreg $0x9  }
0xb1: {  	_ =	task.clear_ibuf [dreg:s7], $0x5FFFF;
	_ =	strace $0x90000046  }
0xb2: {  	s29 =	simm.s32 $0x9;
	_ =	strace $0x80000048  }
0xb3: {  	_ =	swait.ge [sflag:s29], $0x1  }
0xb4: {  	[sflag:s29] =	ssyncadd.s32 $0xFFFFFFFF  }
0xb5: {  	_ =	strace $0x90000048  }
0xb6: {  	_ =	sfence  }
0xb7: {  	s30 =	sld [smem:$0x0];
	_ =	sdelay $0x2  }
0xb8: {  	s31 =	sshll.u32 s1, $0xD;
	s1 =	sshrl.u32 s1, $0x2  }
0xb9: {  	s3 =	sand.u32 $0x4000, s31;
	s1 =	sadd.s32 s1, s30  }
0xba: {  	s0 =	sor.u32 s3, s0;
	s1 =	sshll.u32 s1, $0x11  }
0xbb: {  	s0 =	sor.u32 s1, s0  }
0xbc: {  	s0 =	sadd.s32 $0x8F2B, s0  }
0xbd: {  	[sflag:s0] =	ssyncadd.remote.s32 $0x1  }
0xbe: {  	_ =	sfence.sel $0xFFFF  }
0xbf: {  	[dreg:$0x0] =	wrdreg $0xFFFFFFFF;
	(pc) =	sbr.abs _section_cstart, $3  }
0xc0: {  	[dreg:$0x1] =	wrdreg $0xFFFFFFFF  }
0xc1: {  	_ =	task.clear_ibuf [dreg:s7], $0x2FFFF;
	_ =	strace $0x9FFFFFFF  }
0xc2: {  	(tm) =	ssettm $0x7FFFFFFF  }
0xc3: {  	_ =	shalt  }
tec
execute0_lowered:
.L_overlay_start_1:
0x0: {  	(tag) =	ssettag $0x1  }
0x1: {  	s3 =	rddreg [dreg:$0x0]  }
0x2: {  	s4 =	rddreg [dreg:$0x1]  }
0x3: {  	s0 =	rddreg [dreg:$0x2]  }
0x4: {  	s5 =	srdreg.scid;
	s2 =	simm.s32 $0x0;
	s1 =	stileid.u32  }
0x5: {  	s21 =	simm.s32 $0x8000;
	s22 =	simm.s32 $0x1;
	s23 =	simm.s32 $0x2  }
0x6: {  	s24 =	simm.s32 $0x10000;
	s25 =	simm.s32 $0x3;
	s5 =	sand.u32 $0x1, s5  }
0x7: {  	s26 =	simm.s32 $0x0;
	s6 =	sshll.u32 s1, $0x8;
	s7 =	sshll.u32 s5, $0x7  }
0x8: {  	[smem:$0x7FF] =	sst s2;
	s5 =	ssub.s32 $0x2, s5;
	s6 =	sor.u32 s7, s6  }
0x9: {  	s31 =	sshrl.u32 s5, $0x1;
	s7 =	sshll.u32 s6, $0x4;
	s6 =	sshll.u32 s6, $0x9  }
0xa: {  	_ =	strace $0x80000047;
	s20 =	ssub.s32 s5, s31;
	s3 =	sadd.s32 s3, s6  }
0xb: {  	s19 =	sadd.s32 s7, s4;
	s20 =	smax.u32 s20, $0x1;
	s4 =	sadd.s32 $0x1000, s3  }
0xc: {  	s5 =	sadd.s32 $0x2000, s3;
	s6 =	sadd.s32 $0x3000, s3;
	s7 =	sadd.s32 $0x4000, s3  }
0xd: {  	s8 =	sadd.s32 $0x5000, s3;
	s9 =	sadd.s32 $0x6000, s3;
	s10 =	sadd.s32 $0x7000, s3  }
0xe: {  	s11 =	sadd.s32 $0x8000, s3;
	s12 =	sadd.s32 $0x9000, s3;
	s13 =	sadd.s32 $0xA000, s3  }
0xf: {  	s14 =	sadd.s32 $0xB000, s3;
	s15 =	sadd.s32 $0xC000, s3;
	s16 =	sadd.s32 $0xD000, s3  }
0x10: {  	s17 =	sadd.s32 $0xE000, s3;
	s18 =	sadd.s32 $0xF000, s3;
	s19 =	sadd.s32 $0xC00, s19  }
.LBB2_1:
0x11: {  	[tilespmem:s2], [sflag:$0x1] =	stream.linear.gather [hbm4b:s3+s2], $0x8000, $0x38;
	[tilespmem:$0x14000] =	vst v63  }
0x12: {  	_ = 	snop  }
0x13: {  	[tilespmem:s21], [sflag:$0x2] =	stream.linear.gather [hbm4b:s4+s2], $0x8000, $0x38;
	[tilespmem:$0x14000] =	vst v63  }
0x14: {  	_ =	swait.ge [sflag:s22], $0x8000  }
0x15: {  	[sflag:s22] =	ssyncset.done $0x0  }
0x16: {  	s28 =	simm.s32 $0x470;
	s29 =	simm.s32 $0x0;
	[sflag:s22] =	ssyncadd.s32 $0xFFFF8000  }
.LBB2_2:
0x17: {  	v0 =	vmov s28;
	_ =	sdelay $0x3  }
0x18: {  	s30 =	simm.s32 $0x0  }
0x19: {  	v1 =	vld.idx.msk [tilespmem:v0+s30+$0xFFFFFB90 ss:$0x1], $0xffff;
	_ =	sdelay $0x1  }
0x1a: {  	v2 =	vld.idx.msk [tilespmem:v0+s30+$0xFFFFFBA0 ss:$0x1], $0xffff;
	_ =	sdelay $0x1  }
0x1b: {  	v3 =	vimm.f32 $0.0e+00;
	v4 =	vld.idx.msk [tilespmem:v0+s30+$0xFFFFFBB0 ss:$0x1], $0xffff  }
0x1c: {  	v1 =	vadd.f32 v1, v3  }
0x1d: {  	v3 =	vld.idx.msk [tilespmem:v0+s30+$0xFFFFFBC0 ss:$0x1], $0xffff  }
0x1e: {  	v1 =	vadd.f32 v2, v1  }
0x1f: {  	v2 =	vld.idx.msk [tilespmem:v0+s30+$0xFFFFFBD0 ss:$0x1], $0xffff  }
0x20: {  	v1 =	vadd.f32 v4, v1  }
0x21: {  	v4 =	vld.idx.msk [tilespmem:v0+s30+$0xFFFFFBE0 ss:$0x1], $0xffff  }
0x22: {  	v1 =	vadd.f32 v3, v1  }
0x23: {  	v3 =	vld.idx.msk [tilespmem:v0+s30+$0xFFFFFBF0 ss:$0x1], $0xffff  }
0x24: {  	v1 =	vadd.f32 v2, v1  }
0x25: {  	v2 =	vld.idx.msk [tilespmem:v0+s30+$0xFFFFFC00 ss:$0x1], $0xffff  }
0x26: {  	v1 =	vadd.f32 v4, v1  }
0x27: {  	v4 =	vld.idx.msk [tilespmem:v0+s30+$0xFFFFFF90 ss:$0x1], $0xffff  }
0x28: {  	v1 =	vadd.f32 v3, v1  }
0x29: {  	v3 =	vld.idx.msk [tilespmem:v0+s30+$0xFFFFFFA0 ss:$0x1], $0xffff  }
0x2a: {  	v1 =	vadd.f32 v2, v1  }
0x2b: {  	v2 =	vld.idx.msk [tilespmem:v0+s30+$0xFFFFFFB0 ss:$0x1], $0xffff  }
0x2c: {  	v1 =	vadd.f32 v4, v1  }
0x2d: {  	v4 =	vld.idx.msk [tilespmem:v0+s30+$0xFFFFFFC0 ss:$0x1], $0xffff  }
0x2e: {  	v1 =	vadd.f32 v3, v1  }
0x2f: {  	v3 =	vld.idx.msk [tilespmem:v0+s30+$0xFFFFFFD0 ss:$0x1], $0xffff  }
0x30: {  	v2 =	vadd.f32 v2, v1  }
0x31: {  	v1 =	vld.idx.msk [tilespmem:v0+s30+$0xFFFFFFE0 ss:$0x1], $0xffff  }
0x32: {  	v4 =	vadd.f32 v4, v2  }
0x33: {  	v2 =	vld.idx.msk [tilespmem:v0+s30+$0xFFFFFFF0 ss:$0x1], $0xffff  }
0x34: {  	v4 =	vadd.f32 v3, v4  }
0x35: {  	s31 =	simm.s32 $0x4000;
	v3 =	vld.idx.msk [tilespmem:v0+s30+$0x0 ss:$0x1], $0xffff;
	s30 =	simm.s32 $0x800  }
.LBB2_3:
0x36: {  	p0 =	sne.s32 s31, $0x1E000;
	v5 =	vld.idx.msk [tilespmem:v0+s30+$0xFFFFFB90 ss:$0x1], $0xffff;
	v1 =	vadd.f32 v1, v4;
	_ =	sdelay $0x1  }
0x37: {  	v4 =	vld.idx.msk [tilespmem:v0+s30+$0xFFFFFBA0 ss:$0x1], $0xffff;
	v1 =	vadd.f32 v2, v1;
	_ =	sdelay $0x1  }
0x38: {  	v2 =	vld.idx.msk [tilespmem:v0+s30+$0xFFFFFBB0 ss:$0x1], $0xffff;
	v1 =	vadd.f32 v3, v1;
	_ =	sdelay $0x1  }
0x39: {  	v1 =	vadd.f32 v5, v1;
	v3 =	vld.idx.msk [tilespmem:v0+s30+$0xFFFFFBC0 ss:$0x1], $0xffff;
	_ =	sdelay $0x1  }
0x3a: {  	v1 =	vadd.f32 v4, v1;
	v4 =	vld.idx.msk [tilespmem:v0+s30+$0xFFFFFBD0 ss:$0x1], $0xffff;
	_ =	sdelay $0x1  }
0x3b: {  	v1 =	vadd.f32 v2, v1;
	v2 =	vld.idx.msk [tilespmem:v0+s30+$0xFFFFFBE0 ss:$0x1], $0xffff;
	_ =	sdelay $0x1  }
0x3c: {  	v1 =	vadd.f32 v3, v1;
	v3 =	vld.idx.msk [tilespmem:v0+s30+$0xFFFFFBF0 ss:$0x1], $0xffff;
	_ =	sdelay $0x1  }
0x3d: {  	v1 =	vadd.f32 v4, v1;
	v4 =	vld.idx.msk [tilespmem:v0+s30+$0xFFFFFC00 ss:$0x1], $0xffff;
	_ =	sdelay $0x1  }
0x3e: {  	v1 =	vadd.f32 v2, v1;
	v2 =	vld.idx.msk [tilespmem:v0+s30+$0xFFFFFF90 ss:$0x1], $0xffff;
	_ =	sdelay $0x1  }
0x3f: {  	v1 =	vadd.f32 v3, v1;
	v3 =	vld.idx.msk [tilespmem:v0+s30+$0xFFFFFFA0 ss:$0x1], $0xffff;
	_ =	sdelay $0x1  }
0x40: {  	v1 =	vadd.f32 v4, v1;
	v4 =	vld.idx.msk [tilespmem:v0+s30+$0xFFFFFFB0 ss:$0x1], $0xffff;
	_ =	sdelay $0x1  }
0x41: {  	v1 =	vadd.f32 v2, v1;
	v2 =	vld.idx.msk [tilespmem:v0+s30+$0xFFFFFFC0 ss:$0x1], $0xffff;
	_ =	sdelay $0x1  }
0x42: {  	v1 =	vadd.f32 v3, v1;
	v3 =	vld.idx.msk [tilespmem:v0+s30+$0xFFFFFFD0 ss:$0x1], $0xffff;
	_ =	sdelay $0x1  }
0x43: {  	v4 =	vadd.f32 v4, v1;
	v1 =	vld.idx.msk [tilespmem:v0+s30+$0xFFFFFFE0 ss:$0x1], $0xffff  }
.Ltmp0:
0x44: {  	(pc) =	sbr.rel @p0 .LBB2_3-.Ltmp0, $3  }
0x45: {  	v4 =	vadd.f32 v2, v4;
	v2 =	vld.idx.msk [tilespmem:v0+s30+$0xFFFFFFF0 ss:$0x1], $0xffff;
	_ =	sdelay $0x1  }
0x46: {  	v4 =	vadd.f32 v3, v4;
	v3 =	vld.idx.msk [tilespmem:v0+s30+$0x0 ss:$0x1], $0xffff  }
0x47: {  	s30 =	sshra.s32 s31, $0x2;
	s31 =	sadd.s32 $0x2000, s31  }
0x48: {  	_ =	sdelay $0x2  }
0x49: {  	v1 =	vadd.f32 v1, v4  }
0x4a: {  	v48 =	vld.idx.msk [tilespmem:v0+s30+$0xFFFFFB90 ss:$0x1], $0xffff  }
0x4b: {  	v1 =	vadd.f32 v2, v1  }
0x4c: {  	v49 =	vld.idx.msk [tilespmem:v0+s30+$0xFFFFFBA0 ss:$0x1], $0xffff  }
0x4d: {  	v1 =	vadd.f32 v3, v1  }
0x4e: {  	v50 =	vld.idx.msk [tilespmem:v0+s30+$0xFFFFFBB0 ss:$0x1], $0xffff  }
0x4f: {  	v1 =	vadd.f32 v48, v1  }
0x50: {  	v51 =	vld.idx.msk [tilespmem:v0+s30+$0xFFFFFBC0 ss:$0x1], $0xffff  }
0x51: {  	v1 =	vadd.f32 v49, v1  }
0x52: {  	v52 =	vld.idx.msk [tilespmem:v0+s30+$0xFFFFFBD0 ss:$0x1], $0xffff  }
0x53: {  	v1 =	vadd.f32 v50, v1  }
0x54: {  	v53 =	vld.idx.msk [tilespmem:v0+s30+$0xFFFFFBE0 ss:$0x1], $0xffff  }
0x55: {  	v1 =	vadd.f32 v51, v1  }
0x56: {  	v54 =	vld.idx.msk [tilespmem:v0+s30+$0xFFFFFBF0 ss:$0x1], $0xffff  }
0x57: {  	v1 =	vadd.f32 v52, v1  }
0x58: {  	v55 =	vld.idx.msk [tilespmem:v0+s30+$0xFFFFFC00 ss:$0x1], $0xffff  }
0x59: {  	v1 =	vadd.f32 v53, v1  }
0x5a: {  	v56 =	vld.idx.msk [tilespmem:v0+s30+$0xFFFFFF90 ss:$0x1], $0xffff  }
0x5b: {  	v1 =	vadd.f32 v54, v1  }
0x5c: {  	v57 =	vld.idx.msk [tilespmem:v0+s30+$0xFFFFFFA0 ss:$0x1], $0xffff  }
0x5d: {  	v1 =	vadd.f32 v55, v1  }
0x5e: {  	v58 =	vld.idx.msk [tilespmem:v0+s30+$0xFFFFFFB0 ss:$0x1], $0xffff  }
0x5f: {  	v1 =	vadd.f32 v56, v1  }
0x60: {  	v59 =	vld.idx.msk [tilespmem:v0+s30+$0xFFFFFFC0 ss:$0x1], $0xffff  }
0x61: {  	v1 =	vadd.f32 v57, v1  }
0x62: {  	v60 =	vld.idx.msk [tilespmem:v0+s30+$0xFFFFFFD0 ss:$0x1], $0xffff  }
0x63: {  	v1 =	vadd.f32 v58, v1  }
0x64: {  	v61 =	vld.idx.msk [tilespmem:v0+s30+$0xFFFFFFE0 ss:$0x1], $0xffff  }
0x65: {  	v1 =	vadd.f32 v59, v1  }
0x66: {  	v62 =	vld.idx.msk [tilespmem:v0+s30+$0xFFFFFFF0 ss:$0x1], $0xffff  }
0x67: {  	v1 =	vadd.f32 v60, v1  }
0x68: {  	v63 =	vld.idx.msk [tilespmem:v0+s30+$0x0 ss:$0x1], $0xffff  }
0x69: {  	s31 =	sshll.u32 s29, $0x7;
	s29 =	sadd.s32 $0x1, s29;
	v1 =	vadd.f32 v61, v1  }
0x6a: {  	p0 =	sne.s32 s29, $0x8  }
.Ltmp1:
0x6b: {  	v1 =	vadd.f32 v62, v1;
	(pc) =	sbr.rel @p0 .LBB2_2-.Ltmp1, $4  }
0x6c: {  	_ = 	snop  }
0x6d: {  	v0 =	vadd.f32 v63, v1  }
0x6e: {  	s30 =	sand.u32 $0x3FFFFF80, s31  }
0x6f: {  	s28 =	sadd.s32 $0x80, s28;
	[tilespmem:s30+$0x10000] =	vst v0  }
0x70: {  	s28 =	simm.s32 $0x0  }
0x71: {  	[tilespmem:s28], [sflag:$0x1] =	stream.linear.gather [hbm4b:s5+s28], $0x8000, $0x38;
	[tilespmem:$0x14000] =	vst v63  }
0x72: {  	_ =	swait.ge [sflag:s23], $0x8000  }
0x73: {  	[sflag:s23] =	ssyncset.done $0x0  }
0x74: {  	s29 =	simm.s32 $0x0;
	[sflag:s23] =	ssyncadd.s32 $0xFFFF8000  }
.LBB2_6:
0x75: {  	v0 =	vmov s28;
	_ =	sdelay $0x3  }
0x76: {  	s30 =	simm.s32 $0x0  }
0x77: {  	v1 =	vld.idx.msk [tilespmem:v0+s30+$0x8000 ss:$0x1], $0xffff;
	_ =	sdelay $0x1  }
0x78: {  	v2 =	vld.idx.msk [tilespmem:v0+s30+$0x8010 ss:$0x1], $0xffff;
	_ =	sdelay $0x1  }
0x79: {  	v3 =	vimm.f32 $0.0e+00;
	v4 =	vld.idx.msk [tilespmem:v0+s30+$0x8020 ss:$0x1], $0xffff  }
0x7a: {  	v1 =	vadd.f32 v1, v3  }
0x7b: {  	v3 =	vld.idx.msk [tilespmem:v0+s30+$0x8030 ss:$0x1], $0xffff  }
0x7c: {  	v1 =	vadd.f32 v2, v1  }
0x7d: {  	v2 =	vld.idx.msk [tilespmem:v0+s30+$0x8040 ss:$0x1], $0xffff  }
0x7e: {  	v1 =	vadd.f32 v4, v1  }
0x7f: {  	v4 =	vld.idx.msk [tilespmem:v0+s30+$0x8050 ss:$0x1], $0xffff  }
0x80: {  	v1 =	vadd.f32 v3, v1  }
0x81: {  	v3 =	vld.idx.msk [tilespmem:v0+s30+$0x8060 ss:$0x1], $0xffff  }
0x82: {  	v1 =	vadd.f32 v2, v1  }
0x83: {  	v2 =	vld.idx.msk [tilespmem:v0+s30+$0x8070 ss:$0x1], $0xffff  }
0x84: {  	v1 =	vadd.f32 v4, v1  }
0x85: {  	v4 =	vld.idx.msk [tilespmem:v0+s30+$0x8400 ss:$0x1], $0xffff  }
0x86: {  	v1 =	vadd.f32 v3, v1  }
0x87: {  	v3 =	vld.idx.msk [tilespmem:v0+s30+$0x8410 ss:$0x1], $0xffff  }
0x88: {  	v1 =	vadd.f32 v2, v1  }
0x89: {  	v2 =	vld.idx.msk [tilespmem:v0+s30+$0x8420 ss:$0x1], $0xffff  }
0x8a: {  	v1 =	vadd.f32 v4, v1  }
0x8b: {  	v4 =	vld.idx.msk [tilespmem:v0+s30+$0x8430 ss:$0x1], $0xffff  }
0x8c: {  	v1 =	vadd.f32 v3, v1  }
0x8d: {  	v3 =	vld.idx.msk [tilespmem:v0+s30+$0x8440 ss:$0x1], $0xffff  }
0x8e: {  	v2 =	vadd.f32 v2, v1  }
0x8f: {  	v1 =	vld.idx.msk [tilespmem:v0+s30+$0x8450 ss:$0x1], $0xffff  }
0x90: {  	v4 =	vadd.f32 v4, v2  }
0x91: {  	v2 =	vld.idx.msk [tilespmem:v0+s30+$0x8460 ss:$0x1], $0xffff  }
0x92: {  	v4 =	vadd.f32 v3, v4  }
0x93: {  	s31 =	simm.s32 $0x4000;
	v3 =	vld.idx.msk [tilespmem:v0+s30+$0x8470 ss:$0x1], $0xffff;
	s30 =	simm.s32 $0x800  }
.LBB2_7:
0x94: {  	p0 =	sne.s32 s31, $0x1E000;
	v5 =	vld.idx.msk [tilespmem:v0+s30+$0x8000 ss:$0x1], $0xffff;
	v1 =	vadd.f32 v1, v4;
	_ =	sdelay $0x1  }
0x95: {  	v4 =	vld.idx.msk [tilespmem:v0+s30+$0x8010 ss:$0x1], $0xffff;
	v1 =	vadd.f32 v2, v1;
	_ =	sdelay $0x1  }
0x96: {  	v2 =	vld.idx.msk [tilespmem:v0+s30+$0x8020 ss:$0x1], $0xffff;
	v1 =	vadd.f32 v3, v1;
	_ =	sdelay $0x1  }
0x97: {  	v1 =	vadd.f32 v5, v1;
	v3 =	vld.idx.msk [tilespmem:v0+s30+$0x8030 ss:$0x1], $0xffff;
	_ =	sdelay $0x1  }
0x98: {  	v1 =	vadd.f32 v4, v1;
	v4 =	vld.idx.msk [tilespmem:v0+s30+$0x8040 ss:$0x1], $0xffff;
	_ =	sdelay $0x1  }
0x99: {  	v1 =	vadd.f32 v2, v1;
	v2 =	vld.idx.msk [tilespmem:v0+s30+$0x8050 ss:$0x1], $0xffff;
	_ =	sdelay $0x1  }
0x9a: {  	v1 =	vadd.f32 v3, v1;
	v3 =	vld.idx.msk [tilespmem:v0+s30+$0x8060 ss:$0x1], $0xffff;
	_ =	sdelay $0x1  }
0x9b: {  	v1 =	vadd.f32 v4, v1;
	v4 =	vld.idx.msk [tilespmem:v0+s30+$0x8070 ss:$0x1], $0xffff;
	_ =	sdelay $0x1  }
0x9c: {  	v1 =	vadd.f32 v2, v1;
	v2 =	vld.idx.msk [tilespmem:v0+s30+$0x8400 ss:$0x1], $0xffff;
	_ =	sdelay $0x1  }
0x9d: {  	v1 =	vadd.f32 v3, v1;
	v3 =	vld.idx.msk [tilespmem:v0+s30+$0x8410 ss:$0x1], $0xffff;
	_ =	sdelay $0x1  }
0x9e: {  	v1 =	vadd.f32 v4, v1;
	v4 =	vld.idx.msk [tilespmem:v0+s30+$0x8420 ss:$0x1], $0xffff;
	_ =	sdelay $0x1  }
0x9f: {  	v1 =	vadd.f32 v2, v1;
	v2 =	vld.idx.msk [tilespmem:v0+s30+$0x8430 ss:$0x1], $0xffff;
	_ =	sdelay $0x1  }
0xa0: {  	v1 =	vadd.f32 v3, v1;
	v3 =	vld.idx.msk [tilespmem:v0+s30+$0x8440 ss:$0x1], $0xffff;
	_ =	sdelay $0x1  }
0xa1: {  	v4 =	vadd.f32 v4, v1;
	v1 =	vld.idx.msk [tilespmem:v0+s30+$0x8450 ss:$0x1], $0xffff  }
.Ltmp2:
0xa2: {  	(pc) =	sbr.rel @p0 .LBB2_7-.Ltmp2, $3  }
0xa3: {  	v4 =	vadd.f32 v2, v4;
	v2 =	vld.idx.msk [tilespmem:v0+s30+$0x8460 ss:$0x1], $0xffff;
	_ =	sdelay $0x1  }
0xa4: {  	v4 =	vadd.f32 v3, v4;
	v3 =	vld.idx.msk [tilespmem:v0+s30+$0x8470 ss:$0x1], $0xffff  }
0xa5: {  	s30 =	sshra.s32 s31, $0x2;
	s31 =	sadd.s32 $0x2000, s31  }
0xa6: {  	_ =	sdelay $0x2  }
0xa7: {  	v1 =	vadd.f32 v1, v4  }
0xa8: {  	v48 =	vld.idx.msk [tilespmem:v0+s30+$0x8000 ss:$0x1], $0xffff  }
0xa9: {  	v1 =	vadd.f32 v2, v1  }
0xaa: {  	v49 =	vld.idx.msk [tilespmem:v0+s30+$0x8010 ss:$0x1], $0xffff  }
0xab: {  	v1 =	vadd.f32 v3, v1  }
0xac: {  	v50 =	vld.idx.msk [tilespmem:v0+s30+$0x8020 ss:$0x1], $0xffff  }
0xad: {  	v1 =	vadd.f32 v48, v1  }
0xae: {  	v51 =	vld.idx.msk [tilespmem:v0+s30+$0x8030 ss:$0x1], $0xffff  }
0xaf: {  	v1 =	vadd.f32 v49, v1  }
0xb0: {  	v52 =	vld.idx.msk [tilespmem:v0+s30+$0x8040 ss:$0x1], $0xffff  }
0xb1: {  	v1 =	vadd.f32 v50, v1  }
0xb2: {  	v53 =	vld.idx.msk [tilespmem:v0+s30+$0x8050 ss:$0x1], $0xffff  }
0xb3: {  	v1 =	vadd.f32 v51, v1  }
0xb4: {  	v54 =	vld.idx.msk [tilespmem:v0+s30+$0x8060 ss:$0x1], $0xffff  }
0xb5: {  	v1 =	vadd.f32 v52, v1  }
0xb6: {  	v55 =	vld.idx.msk [tilespmem:v0+s30+$0x8070 ss:$0x1], $0xffff  }
0xb7: {  	v1 =	vadd.f32 v53, v1  }
0xb8: {  	v56 =	vld.idx.msk [tilespmem:v0+s30+$0x8400 ss:$0x1], $0xffff  }
0xb9: {  	v1 =	vadd.f32 v54, v1  }
0xba: {  	v57 =	vld.idx.msk [tilespmem:v0+s30+$0x8410 ss:$0x1], $0xffff  }
0xbb: {  	v1 =	vadd.f32 v55, v1  }
0xbc: {  	v58 =	vld.idx.msk [tilespmem:v0+s30+$0x8420 ss:$0x1], $0xffff  }
0xbd: {  	v1 =	vadd.f32 v56, v1  }
0xbe: {  	v59 =	vld.idx.msk [tilespmem:v0+s30+$0x8430 ss:$0x1], $0xffff  }
0xbf: {  	v1 =	vadd.f32 v57, v1  }
0xc0: {  	v60 =	vld.idx.msk [tilespmem:v0+s30+$0x8440 ss:$0x1], $0xffff  }
0xc1: {  	v1 =	vadd.f32 v58, v1  }
0xc2: {  	v61 =	vld.idx.msk [tilespmem:v0+s30+$0x8450 ss:$0x1], $0xffff  }
0xc3: {  	v1 =	vadd.f32 v59, v1  }
0xc4: {  	v62 =	vld.idx.msk [tilespmem:v0+s30+$0x8460 ss:$0x1], $0xffff  }
0xc5: {  	v1 =	vadd.f32 v60, v1  }
0xc6: {  	v63 =	vld.idx.msk [tilespmem:v0+s30+$0x8470 ss:$0x1], $0xffff  }
0xc7: {  	s31 =	sshll.u32 s29, $0x7;
	s29 =	sadd.s32 $0x1, s29;
	v1 =	vadd.f32 v61, v1  }
0xc8: {  	p0 =	sne.s32 s29, $0x8  }
.Ltmp3:
0xc9: {  	v1 =	vadd.f32 v62, v1;
	(pc) =	sbr.rel @p0 .LBB2_6-.Ltmp3, $4  }
0xca: {  	_ = 	snop  }
0xcb: {  	v0 =	vadd.f32 v63, v1  }
0xcc: {  	s30 =	sand.u32 $0x3FFFFF80, s31  }
0xcd: {  	s28 =	sadd.s32 $0x80, s28;
	[tilespmem:s30+$0x10400] =	vst v0  }
0xce: {  	s28 =	simm.s32 $0x0  }
0xcf: {  	[tilespmem:s21], [sflag:$0x2] =	stream.linear.gather [hbm4b:s6+s28], $0x8000, $0x38;
	[tilespmem:$0x14000] =	vst v63  }
0xd0: {  	_ =	swait.ge [sflag:s22], $0x8000  }
0xd1: {  	[sflag:s22] =	ssyncset.done $0x0  }
0xd2: {  	s29 =	simm.s32 $0x470;
	[sflag:s22] =	ssyncadd.s32 $0xFFFF8000  }
.LBB2_10:
0xd3: {  	v0 =	vmov s29;
	_ =	sdelay $0x3  }
0xd4: {  	s30 =	simm.s32 $0x0  }
0xd5: {  	v1 =	vld.idx.msk [tilespmem:v0+s30+$0xFFFFFB90 ss:$0x1], $0xffff;
	_ =	sdelay $0x1  }
0xd6: {  	v2 =	vld.idx.msk [tilespmem:v0+s30+$0xFFFFFBA0 ss:$0x1], $0xffff;
	_ =	sdelay $0x1  }
0xd7: {  	v3 =	vimm.f32 $0.0e+00;
	v4 =	vld.idx.msk [tilespmem:v0+s30+$0xFFFFFBB0 ss:$0x1], $0xffff  }
0xd8: {  	v1 =	vadd.f32 v1, v3  }
0xd9: {  	v3 =	vld.idx.msk [tilespmem:v0+s30+$0xFFFFFBC0 ss:$0x1], $0xffff  }
0xda: {  	v1 =	vadd.f32 v2, v1  }
0xdb: {  	v2 =	vld.idx.msk [tilespmem:v0+s30+$0xFFFFFBD0 ss:$0x1], $0xffff  }
0xdc: {  	v1 =	vadd.f32 v4, v1  }
0xdd: {  	v4 =	vld.idx.msk [tilespmem:v0+s30+$0xFFFFFBE0 ss:$0x1], $0xffff  }
0xde: {  	v1 =	vadd.f32 v3, v1  }
0xdf: {  	v3 =	vld.idx.msk [tilespmem:v0+s30+$0xFFFFFBF0 ss:$0x1], $0xffff  }
0xe0: {  	v1 =	vadd.f32 v2, v1  }
0xe1: {  	v2 =	vld.idx.msk [tilespmem:v0+s30+$0xFFFFFC00 ss:$0x1], $0xffff  }
0xe2: {  	v1 =	vadd.f32 v4, v1  }
0xe3: {  	v4 =	vld.idx.msk [tilespmem:v0+s30+$0xFFFFFF90 ss:$0x1], $0xffff  }
0xe4: {  	v1 =	vadd.f32 v3, v1  }
0xe5: {  	v3 =	vld.idx.msk [tilespmem:v0+s30+$0xFFFFFFA0 ss:$0x1], $0xffff  }
0xe6: {  	v1 =	vadd.f32 v2, v1  }
0xe7: {  	v2 =	vld.idx.msk [tilespmem:v0+s30+$0xFFFFFFB0 ss:$0x1], $0xffff  }
0xe8: {  	v1 =	vadd.f32 v4, v1  }
0xe9: {  	v4 =	vld.idx.msk [tilespmem:v0+s30+$0xFFFFFFC0 ss:$0x1], $0xffff  }
0xea: {  	v1 =	vadd.f32 v3, v1  }
0xeb: {  	v3 =	vld.idx.msk [tilespmem:v0+s30+$0xFFFFFFD0 ss:$0x1], $0xffff  }
0xec: {  	v2 =	vadd.f32 v2, v1  }
0xed: {  	v1 =	vld.idx.msk [tilespmem:v0+s30+$0xFFFFFFE0 ss:$0x1], $0xffff  }
0xee: {  	v4 =	vadd.f32 v4, v2  }
0xef: {  	v2 =	vld.idx.msk [tilespmem:v0+s30+$0xFFFFFFF0 ss:$0x1], $0xffff  }
0xf0: {  	v4 =	vadd.f32 v3, v4  }
0xf1: {  	s31 =	simm.s32 $0x4000;
	v3 =	vld.idx.msk [tilespmem:v0+s30+$0x0 ss:$0x1], $0xffff;
	s30 =	simm.s32 $0x800  }
.LBB2_11:
0xf2: {  	p0 =	sne.s32 s31, $0x1E000;
	v5 =	vld.idx.msk [tilespmem:v0+s30+$0xFFFFFB90 ss:$0x1], $0xffff;
	v1 =	vadd.f32 v1, v4;
	_ =	sdelay $0x1  }
0xf3: {  	v4 =	vld.idx.msk [tilespmem:v0+s30+$0xFFFFFBA0 ss:$0x1], $0xffff;
	v1 =	vadd.f32 v2, v1;
	_ =	sdelay $0x1  }
0xf4: {  	v2 =	vld.idx.msk [tilespmem:v0+s30+$0xFFFFFBB0 ss:$0x1], $0xffff;
	v1 =	vadd.f32 v3, v1;
	_ =	sdelay $0x1  }
0xf5: {  	v1 =	vadd.f32 v5, v1;
	v3 =	vld.idx.msk [tilespmem:v0+s30+$0xFFFFFBC0 ss:$0x1], $0xffff;
	_ =	sdelay $0x1  }
0xf6: {  	v1 =	vadd.f32 v4, v1;
	v4 =	vld.idx.msk [tilespmem:v0+s30+$0xFFFFFBD0 ss:$0x1], $0xffff;
	_ =	sdelay $0x1  }
0xf7: {  	v1 =	vadd.f32 v2, v1;
	v2 =	vld.idx.msk [tilespmem:v0+s30+$0xFFFFFBE0 ss:$0x1], $0xffff;
	_ =	sdelay $0x1  }
0xf8: {  	v1 =	vadd.f32 v3, v1;
	v3 =	vld.idx.msk [tilespmem:v0+s30+$0xFFFFFBF0 ss:$0x1], $0xffff;
	_ =	sdelay $0x1  }
0xf9: {  	v1 =	vadd.f32 v4, v1;
	v4 =	vld.idx.msk [tilespmem:v0+s30+$0xFFFFFC00 ss:$0x1], $0xffff;
	_ =	sdelay $0x1  }
0xfa: {  	v1 =	vadd.f32 v2, v1;
	v2 =	vld.idx.msk [tilespmem:v0+s30+$0xFFFFFF90 ss:$0x1], $0xffff;
	_ =	sdelay $0x1  }
0xfb: {  	v1 =	vadd.f32 v3, v1;
	v3 =	vld.idx.msk [tilespmem:v0+s30+$0xFFFFFFA0 ss:$0x1], $0xffff;
	_ =	sdelay $0x1  }
0xfc: {  	v1 =	vadd.f32 v4, v1;
	v4 =	vld.idx.msk [tilespmem:v0+s30+$0xFFFFFFB0 ss:$0x1], $0xffff;
	_ =	sdelay $0x1  }
0xfd: {  	v1 =	vadd.f32 v2, v1;
	v2 =	vld.idx.msk [tilespmem:v0+s30+$0xFFFFFFC0 ss:$0x1], $0xffff;
	_ =	sdelay $0x1  }
0xfe: {  	v1 =	vadd.f32 v3, v1;
	v3 =	vld.idx.msk [tilespmem:v0+s30+$0xFFFFFFD0 ss:$0x1], $0xffff;
	_ =	sdelay $0x1  }
0xff: {  	v4 =	vadd.f32 v4, v1;
	v1 =	vld.idx.msk [tilespmem:v0+s30+$0xFFFFFFE0 ss:$0x1], $0xffff  }
.Ltmp4:
0x100: {  	(pc) =	sbr.rel @p0 .LBB2_11-.Ltmp4, $3  }
0x101: {  	v4 =	vadd.f32 v2, v4;
	v2 =	vld.idx.msk [tilespmem:v0+s30+$0xFFFFFFF0 ss:$0x1], $0xffff;
	_ =	sdelay $0x1  }
0x102: {  	v4 =	vadd.f32 v3, v4;
	v3 =	vld.idx.msk [tilespmem:v0+s30+$0x0 ss:$0x1], $0xffff  }
0x103: {  	s30 =	sshra.s32 s31, $0x2;
	s31 =	sadd.s32 $0x2000, s31  }
0x104: {  	_ =	sdelay $0x2  }
0x105: {  	v1 =	vadd.f32 v1, v4  }
0x106: {  	v48 =	vld.idx.msk [tilespmem:v0+s30+$0xFFFFFB90 ss:$0x1], $0xffff  }
0x107: {  	v1 =	vadd.f32 v2, v1  }
0x108: {  	v49 =	vld.idx.msk [tilespmem:v0+s30+$0xFFFFFBA0 ss:$0x1], $0xffff  }
0x109: {  	v1 =	vadd.f32 v3, v1  }
0x10a: {  	v50 =	vld.idx.msk [tilespmem:v0+s30+$0xFFFFFBB0 ss:$0x1], $0xffff  }
0x10b: {  	v1 =	vadd.f32 v48, v1  }
0x10c: {  	v51 =	vld.idx.msk [tilespmem:v0+s30+$0xFFFFFBC0 ss:$0x1], $0xffff  }
0x10d: {  	v1 =	vadd.f32 v49, v1  }
0x10e: {  	v52 =	vld.idx.msk [tilespmem:v0+s30+$0xFFFFFBD0 ss:$0x1], $0xffff  }
0x10f: {  	v1 =	vadd.f32 v50, v1  }
0x110: {  	v53 =	vld.idx.msk [tilespmem:v0+s30+$0xFFFFFBE0 ss:$0x1], $0xffff  }
0x111: {  	v1 =	vadd.f32 v51, v1  }
0x112: {  	v54 =	vld.idx.msk [tilespmem:v0+s30+$0xFFFFFBF0 ss:$0x1], $0xffff  }
0x113: {  	v1 =	vadd.f32 v52, v1  }
0x114: {  	v55 =	vld.idx.msk [tilespmem:v0+s30+$0xFFFFFC00 ss:$0x1], $0xffff  }
0x115: {  	v1 =	vadd.f32 v53, v1  }
0x116: {  	v56 =	vld.idx.msk [tilespmem:v0+s30+$0xFFFFFF90 ss:$0x1], $0xffff  }
0x117: {  	v1 =	vadd.f32 v54, v1  }
0x118: {  	v57 =	vld.idx.msk [tilespmem:v0+s30+$0xFFFFFFA0 ss:$0x1], $0xffff  }
0x119: {  	v1 =	vadd.f32 v55, v1  }
0x11a: {  	v58 =	vld.idx.msk [tilespmem:v0+s30+$0xFFFFFFB0 ss:$0x1], $0xffff  }
0x11b: {  	v1 =	vadd.f32 v56, v1  }
0x11c: {  	v59 =	vld.idx.msk [tilespmem:v0+s30+$0xFFFFFFC0 ss:$0x1], $0xffff  }
0x11d: {  	v1 =	vadd.f32 v57, v1  }
0x11e: {  	v60 =	vld.idx.msk [tilespmem:v0+s30+$0xFFFFFFD0 ss:$0x1], $0xffff  }
0x11f: {  	v1 =	vadd.f32 v58, v1  }
0x120: {  	v61 =	vld.idx.msk [tilespmem:v0+s30+$0xFFFFFFE0 ss:$0x1], $0xffff  }
0x121: {  	v1 =	vadd.f32 v59, v1  }
0x122: {  	v62 =	vld.idx.msk [tilespmem:v0+s30+$0xFFFFFFF0 ss:$0x1], $0xffff  }
0x123: {  	v1 =	vadd.f32 v60, v1  }
0x124: {  	v63 =	vld.idx.msk [tilespmem:v0+s30+$0x0 ss:$0x1], $0xffff  }
0x125: {  	s31 =	sshll.u32 s28, $0x7;
	s28 =	sadd.s32 $0x1, s28;
	v1 =	vadd.f32 v61, v1  }
0x126: {  	p0 =	sne.s32 s28, $0x8  }
.Ltmp5:
0x127: {  	v1 =	vadd.f32 v62, v1;
	(pc) =	sbr.rel @p0 .LBB2_10-.Ltmp5, $4  }
0x128: {  	_ = 	snop  }
0x129: {  	v0 =	vadd.f32 v63, v1  }
0x12a: {  	s30 =	sand.u32 $0x3FFFFF80, s31  }
0x12b: {  	s29 =	sadd.s32 $0x80, s29;
	[tilespmem:s30+$0x10800] =	vst v0  }
0x12c: {  	s28 =	simm.s32 $0x0  }
0x12d: {  	[tilespmem:s28], [sflag:$0x1] =	stream.linear.gather [hbm4b:s7+s28], $0x8000, $0x38;
	[tilespmem:$0x14000] =	vst v63  }
0x12e: {  	_ =	swait.ge [sflag:s23], $0x8000  }
0x12f: {  	[sflag:s23] =	ssyncset.done $0x0  }
0x130: {  	s29 =	simm.s32 $0x0;
	[sflag:s23] =	ssyncadd.s32 $0xFFFF8000  }
.LBB2_14:
0x131: {  	v0 =	vmov s28;
	_ =	sdelay $0x3  }
0x132: {  	s30 =	simm.s32 $0x0  }
0x133: {  	v1 =	vld.idx.msk [tilespmem:v0+s30+$0x8000 ss:$0x1], $0xffff;
	_ =	sdelay $0x1  }
0x134: {  	v2 =	vld.idx.msk [tilespmem:v0+s30+$0x8010 ss:$0x1], $0xffff;
	_ =	sdelay $0x1  }
0x135: {  	v3 =	vimm.f32 $0.0e+00;
	v4 =	vld.idx.msk [tilespmem:v0+s30+$0x8020 ss:$0x1], $0xffff  }
0x136: {  	v1 =	vadd.f32 v1, v3  }
0x137: {  	v3 =	vld.idx.msk [tilespmem:v0+s30+$0x8030 ss:$0x1], $0xffff  }
0x138: {  	v1 =	vadd.f32 v2, v1  }
0x139: {  	v2 =	vld.idx.msk [tilespmem:v0+s30+$0x8040 ss:$0x1], $0xffff  }
0x13a: {  	v1 =	vadd.f32 v4, v1  }
0x13b: {  	v4 =	vld.idx.msk [tilespmem:v0+s30+$0x8050 ss:$0x1], $0xffff  }
0x13c: {  	v1 =	vadd.f32 v3, v1  }
0x13d: {  	v3 =	vld.idx.msk [tilespmem:v0+s30+$0x8060 ss:$0x1], $0xffff  }
0x13e: {  	v1 =	vadd.f32 v2, v1  }
0x13f: {  	v2 =	vld.idx.msk [tilespmem:v0+s30+$0x8070 ss:$0x1], $0xffff  }
0x140: {  	v1 =	vadd.f32 v4, v1  }
0x141: {  	v4 =	vld.idx.msk [tilespmem:v0+s30+$0x8400 ss:$0x1], $0xffff  }
0x142: {  	v1 =	vadd.f32 v3, v1  }
0x143: {  	v3 =	vld.idx.msk [tilespmem:v0+s30+$0x8410 ss:$0x1], $0xffff  }
0x144: {  	v1 =	vadd.f32 v2, v1  }
0x145: {  	v2 =	vld.idx.msk [tilespmem:v0+s30+$0x8420 ss:$0x1], $0xffff  }
0x146: {  	v1 =	vadd.f32 v4, v1  }
0x147: {  	v4 =	vld.idx.msk [tilespmem:v0+s30+$0x8430 ss:$0x1], $0xffff  }
0x148: {  	v1 =	vadd.f32 v3, v1  }
0x149: {  	v3 =	vld.idx.msk [tilespmem:v0+s30+$0x8440 ss:$0x1], $0xffff  }
0x14a: {  	v2 =	vadd.f32 v2, v1  }
0x14b: {  	v1 =	vld.idx.msk [tilespmem:v0+s30+$0x8450 ss:$0x1], $0xffff  }
0x14c: {  	v4 =	vadd.f32 v4, v2  }
0x14d: {  	v2 =	vld.idx.msk [tilespmem:v0+s30+$0x8460 ss:$0x1], $0xffff  }
0x14e: {  	v4 =	vadd.f32 v3, v4  }
0x14f: {  	s31 =	simm.s32 $0x4000;
	v3 =	vld.idx.msk [tilespmem:v0+s30+$0x8470 ss:$0x1], $0xffff;
	s30 =	simm.s32 $0x800  }
.LBB2_15:
0x150: {  	p0 =	sne.s32 s31, $0x1E000;
	v5 =	vld.idx.msk [tilespmem:v0+s30+$0x8000 ss:$0x1], $0xffff;
	v1 =	vadd.f32 v1, v4;
	_ =	sdelay $0x1  }
0x151: {  	v4 =	vld.idx.msk [tilespmem:v0+s30+$0x8010 ss:$0x1], $0xffff;
	v1 =	vadd.f32 v2, v1;
	_ =	sdelay $0x1  }
0x152: {  	v2 =	vld.idx.msk [tilespmem:v0+s30+$0x8020 ss:$0x1], $0xffff;
	v1 =	vadd.f32 v3, v1;
	_ =	sdelay $0x1  }
0x153: {  	v1 =	vadd.f32 v5, v1;
	v3 =	vld.idx.msk [tilespmem:v0+s30+$0x8030 ss:$0x1], $0xffff;
	_ =	sdelay $0x1  }
0x154: {  	v1 =	vadd.f32 v4, v1;
	v4 =	vld.idx.msk [tilespmem:v0+s30+$0x8040 ss:$0x1], $0xffff;
	_ =	sdelay $0x1  }
0x155: {  	v1 =	vadd.f32 v2, v1;
	v2 =	vld.idx.msk [tilespmem:v0+s30+$0x8050 ss:$0x1], $0xffff;
	_ =	sdelay $0x1  }
0x156: {  	v1 =	vadd.f32 v3, v1;
	v3 =	vld.idx.msk [tilespmem:v0+s30+$0x8060 ss:$0x1], $0xffff;
	_ =	sdelay $0x1  }
0x157: {  	v1 =	vadd.f32 v4, v1;
	v4 =	vld.idx.msk [tilespmem:v0+s30+$0x8070 ss:$0x1], $0xffff;
	_ =	sdelay $0x1  }
0x158: {  	v1 =	vadd.f32 v2, v1;
	v2 =	vld.idx.msk [tilespmem:v0+s30+$0x8400 ss:$0x1], $0xffff;
	_ =	sdelay $0x1  }
0x159: {  	v1 =	vadd.f32 v3, v1;
	v3 =	vld.idx.msk [tilespmem:v0+s30+$0x8410 ss:$0x1], $0xffff;
	_ =	sdelay $0x1  }
0x15a: {  	v1 =	vadd.f32 v4, v1;
	v4 =	vld.idx.msk [tilespmem:v0+s30+$0x8420 ss:$0x1], $0xffff;
	_ =	sdelay $0x1  }
0x15b: {  	v1 =	vadd.f32 v2, v1;
	v2 =	vld.idx.msk [tilespmem:v0+s30+$0x8430 ss:$0x1], $0xffff;
	_ =	sdelay $0x1  }
0x15c: {  	v1 =	vadd.f32 v3, v1;
	v3 =	vld.idx.msk [tilespmem:v0+s30+$0x8440 ss:$0x1], $0xffff;
	_ =	sdelay $0x1  }
0x15d: {  	v4 =	vadd.f32 v4, v1;
	v1 =	vld.idx.msk [tilespmem:v0+s30+$0x8450 ss:$0x1], $0xffff  }
.Ltmp6:
0x15e: {  	(pc) =	sbr.rel @p0 .LBB2_15-.Ltmp6, $3  }
0x15f: {  	v4 =	vadd.f32 v2, v4;
	v2 =	vld.idx.msk [tilespmem:v0+s30+$0x8460 ss:$0x1], $0xffff;
	_ =	sdelay $0x1  }
0x160: {  	v4 =	vadd.f32 v3, v4;
	v3 =	vld.idx.msk [tilespmem:v0+s30+$0x8470 ss:$0x1], $0xffff  }
0x161: {  	s30 =	sshra.s32 s31, $0x2;
	s31 =	sadd.s32 $0x2000, s31  }
0x162: {  	_ =	sdelay $0x2  }
0x163: {  	v1 =	vadd.f32 v1, v4  }
0x164: {  	v48 =	vld.idx.msk [tilespmem:v0+s30+$0x8000 ss:$0x1], $0xffff  }
0x165: {  	v1 =	vadd.f32 v2, v1  }
0x166: {  	v49 =	vld.idx.msk [tilespmem:v0+s30+$0x8010 ss:$0x1], $0xffff  }
0x167: {  	v1 =	vadd.f32 v3, v1  }
0x168: {  	v50 =	vld.idx.msk [tilespmem:v0+s30+$0x8020 ss:$0x1], $0xffff  }
0x169: {  	v1 =	vadd.f32 v48, v1  }
0x16a: {  	v51 =	vld.idx.msk [tilespmem:v0+s30+$0x8030 ss:$0x1], $0xffff  }
0x16b: {  	v1 =	vadd.f32 v49, v1  }
0x16c: {  	v52 =	vld.idx.msk [tilespmem:v0+s30+$0x8040 ss:$0x1], $0xffff  }
0x16d: {  	v1 =	vadd.f32 v50, v1  }
0x16e: {  	v53 =	vld.idx.msk [tilespmem:v0+s30+$0x8050 ss:$0x1], $0xffff  }
0x16f: {  	v1 =	vadd.f32 v51, v1  }
0x170: {  	v54 =	vld.idx.msk [tilespmem:v0+s30+$0x8060 ss:$0x1], $0xffff  }
0x171: {  	v1 =	vadd.f32 v52, v1  }
0x172: {  	v55 =	vld.idx.msk [tilespmem:v0+s30+$0x8070 ss:$0x1], $0xffff  }
0x173: {  	v1 =	vadd.f32 v53, v1  }
0x174: {  	v56 =	vld.idx.msk [tilespmem:v0+s30+$0x8400 ss:$0x1], $0xffff  }
0x175: {  	v1 =	vadd.f32 v54, v1  }
0x176: {  	v57 =	vld.idx.msk [tilespmem:v0+s30+$0x8410 ss:$0x1], $0xffff  }
0x177: {  	v1 =	vadd.f32 v55, v1  }
0x178: {  	v58 =	vld.idx.msk [tilespmem:v0+s30+$0x8420 ss:$0x1], $0xffff  }
0x179: {  	v1 =	vadd.f32 v56, v1  }
0x17a: {  	v59 =	vld.idx.msk [tilespmem:v0+s30+$0x8430 ss:$0x1], $0xffff  }
0x17b: {  	v1 =	vadd.f32 v57, v1  }
0x17c: {  	v60 =	vld.idx.msk [tilespmem:v0+s30+$0x8440 ss:$0x1], $0xffff  }
0x17d: {  	v1 =	vadd.f32 v58, v1  }
0x17e: {  	v61 =	vld.idx.msk [tilespmem:v0+s30+$0x8450 ss:$0x1], $0xffff  }
0x17f: {  	v1 =	vadd.f32 v59, v1  }
0x180: {  	v62 =	vld.idx.msk [tilespmem:v0+s30+$0x8460 ss:$0x1], $0xffff  }
0x181: {  	v1 =	vadd.f32 v60, v1  }
0x182: {  	v63 =	vld.idx.msk [tilespmem:v0+s30+$0x8470 ss:$0x1], $0xffff  }
0x183: {  	s31 =	sshll.u32 s29, $0x7;
	s29 =	sadd.s32 $0x1, s29;
	v1 =	vadd.f32 v61, v1  }
0x184: {  	p0 =	sne.s32 s29, $0x8  }
.Ltmp7:
0x185: {  	v1 =	vadd.f32 v62, v1;
	(pc) =	sbr.rel @p0 .LBB2_14-.Ltmp7, $4  }
0x186: {  	_ = 	snop  }
0x187: {  	v0 =	vadd.f32 v63, v1  }
0x188: {  	s30 =	sand.u32 $0x3FFFFF80, s31  }
0x189: {  	s28 =	sadd.s32 $0x80, s28;
	[tilespmem:s30+$0x10C00] =	vst v0  }
0x18a: {  	s28 =	simm.s32 $0x0  }
0x18b: {  	[tilespmem:s21], [sflag:$0x2] =	stream.linear.gather [hbm4b:s8+s28], $0x8000, $0x38;
	[tilespmem:$0x14000] =	vst v63  }
0x18c: {  	_ =	swait.ge [sflag:s22], $0x8000  }
0x18d: {  	[sflag:s22] =	ssyncset.done $0x0  }
0x18e: {  	s29 =	simm.s32 $0x470;
	[sflag:s22] =	ssyncadd.s32 $0xFFFF8000  }
.LBB2_18:
0x18f: {  	v0 =	vmov s29;
	_ =	sdelay $0x3  }
0x190: {  	s30 =	simm.s32 $0x0  }
0x191: {  	v1 =	vld.idx.msk [tilespmem:v0+s30+$0xFFFFFB90 ss:$0x1], $0xffff;
	_ =	sdelay $0x1  }
0x192: {  	v2 =	vld.idx.msk [tilespmem:v0+s30+$0xFFFFFBA0 ss:$0x1], $0xffff;
	_ =	sdelay $0x1  }
0x193: {  	v3 =	vimm.f32 $0.0e+00;
	v4 =	vld.idx.msk [tilespmem:v0+s30+$0xFFFFFBB0 ss:$0x1], $0xffff  }
0x194: {  	v1 =	vadd.f32 v1, v3  }
0x195: {  	v3 =	vld.idx.msk [tilespmem:v0+s30+$0xFFFFFBC0 ss:$0x1], $0xffff  }
0x196: {  	v1 =	vadd.f32 v2, v1  }
0x197: {  	v2 =	vld.idx.msk [tilespmem:v0+s30+$0xFFFFFBD0 ss:$0x1], $0xffff  }
0x198: {  	v1 =	vadd.f32 v4, v1  }
0x199: {  	v4 =	vld.idx.msk [tilespmem:v0+s30+$0xFFFFFBE0 ss:$0x1], $0xffff  }
0x19a: {  	v1 =	vadd.f32 v3, v1  }
0x19b: {  	v3 =	vld.idx.msk [tilespmem:v0+s30+$0xFFFFFBF0 ss:$0x1], $0xffff  }
0x19c: {  	v1 =	vadd.f32 v2, v1  }
0x19d: {  	v2 =	vld.idx.msk [tilespmem:v0+s30+$0xFFFFFC00 ss:$0x1], $0xffff  }
0x19e: {  	v1 =	vadd.f32 v4, v1  }
0x19f: {  	v4 =	vld.idx.msk [tilespmem:v0+s30+$0xFFFFFF90 ss:$0x1], $0xffff  }
0x1a0: {  	v1 =	vadd.f32 v3, v1  }
0x1a1: {  	v3 =	vld.idx.msk [tilespmem:v0+s30+$0xFFFFFFA0 ss:$0x1], $0xffff  }
0x1a2: {  	v1 =	vadd.f32 v2, v1  }
0x1a3: {  	v2 =	vld.idx.msk [tilespmem:v0+s30+$0xFFFFFFB0 ss:$0x1], $0xffff  }
0x1a4: {  	v1 =	vadd.f32 v4, v1  }
0x1a5: {  	v4 =	vld.idx.msk [tilespmem:v0+s30+$0xFFFFFFC0 ss:$0x1], $0xffff  }
0x1a6: {  	v1 =	vadd.f32 v3, v1  }
0x1a7: {  	v3 =	vld.idx.msk [tilespmem:v0+s30+$0xFFFFFFD0 ss:$0x1], $0xffff  }
0x1a8: {  	v2 =	vadd.f32 v2, v1  }
0x1a9: {  	v1 =	vld.idx.msk [tilespmem:v0+s30+$0xFFFFFFE0 ss:$0x1], $0xffff  }
0x1aa: {  	v4 =	vadd.f32 v4, v2  }
0x1ab: {  	v2 =	vld.idx.msk [tilespmem:v0+s30+$0xFFFFFFF0 ss:$0x1], $0xffff  }
0x1ac: {  	v4 =	vadd.f32 v3, v4  }
0x1ad: {  	s31 =	simm.s32 $0x4000;
	v3 =	vld.idx.msk [tilespmem:v0+s30+$0x0 ss:$0x1], $0xffff;
	s30 =	simm.s32 $0x800  }
.LBB2_19:
0x1ae: {  	p0 =	sne.s32 s31, $0x1E000;
	v5 =	vld.idx.msk [tilespmem:v0+s30+$0xFFFFFB90 ss:$0x1], $0xffff;
	v1 =	vadd.f32 v1, v4;
	_ =	sdelay $0x1  }
0x1af: {  	v4 =	vld.idx.msk [tilespmem:v0+s30+$0xFFFFFBA0 ss:$0x1], $0xffff;
	v1 =	vadd.f32 v2, v1;
	_ =	sdelay $0x1  }
0x1b0: {  	v2 =	vld.idx.msk [tilespmem:v0+s30+$0xFFFFFBB0 ss:$0x1], $0xffff;
	v1 =	vadd.f32 v3, v1;
	_ =	sdelay $0x1  }
0x1b1: {  	v1 =	vadd.f32 v5, v1;
	v3 =	vld.idx.msk [tilespmem:v0+s30+$0xFFFFFBC0 ss:$0x1], $0xffff;
	_ =	sdelay $0x1  }
0x1b2: {  	v1 =	vadd.f32 v4, v1;
	v4 =	vld.idx.msk [tilespmem:v0+s30+$0xFFFFFBD0 ss:$0x1], $0xffff;
	_ =	sdelay $0x1  }
0x1b3: {  	v1 =	vadd.f32 v2, v1;
	v2 =	vld.idx.msk [tilespmem:v0+s30+$0xFFFFFBE0 ss:$0x1], $0xffff;
	_ =	sdelay $0x1  }
0x1b4: {  	v1 =	vadd.f32 v3, v1;
	v3 =	vld.idx.msk [tilespmem:v0+s30+$0xFFFFFBF0 ss:$0x1], $0xffff;
	_ =	sdelay $0x1  }
0x1b5: {  	v1 =	vadd.f32 v4, v1;
	v4 =	vld.idx.msk [tilespmem:v0+s30+$0xFFFFFC00 ss:$0x1], $0xffff;
	_ =	sdelay $0x1  }
0x1b6: {  	v1 =	vadd.f32 v2, v1;
	v2 =	vld.idx.msk [tilespmem:v0+s30+$0xFFFFFF90 ss:$0x1], $0xffff;
	_ =	sdelay $0x1  }
0x1b7: {  	v1 =	vadd.f32 v3, v1;
	v3 =	vld.idx.msk [tilespmem:v0+s30+$0xFFFFFFA0 ss:$0x1], $0xffff;
	_ =	sdelay $0x1  }
0x1b8: {  	v1 =	vadd.f32 v4, v1;
	v4 =	vld.idx.msk [tilespmem:v0+s30+$0xFFFFFFB0 ss:$0x1], $0xffff;
	_ =	sdelay $0x1  }
0x1b9: {  	v1 =	vadd.f32 v2, v1;
	v2 =	vld.idx.msk [tilespmem:v0+s30+$0xFFFFFFC0 ss:$0x1], $0xffff;
	_ =	sdelay $0x1  }
0x1ba: {  	v1 =	vadd.f32 v3, v1;
	v3 =	vld.idx.msk [tilespmem:v0+s30+$0xFFFFFFD0 ss:$0x1], $0xffff;
	_ =	sdelay $0x1  }
0x1bb: {  	v4 =	vadd.f32 v4, v1;
	v1 =	vld.idx.msk [tilespmem:v0+s30+$0xFFFFFFE0 ss:$0x1], $0xffff  }
.Ltmp8:
0x1bc: {  	(pc) =	sbr.rel @p0 .LBB2_19-.Ltmp8, $3  }
0x1bd: {  	v4 =	vadd.f32 v2, v4;
	v2 =	vld.idx.msk [tilespmem:v0+s30+$0xFFFFFFF0 ss:$0x1], $0xffff;
	_ =	sdelay $0x1  }
0x1be: {  	v4 =	vadd.f32 v3, v4;
	v3 =	vld.idx.msk [tilespmem:v0+s30+$0x0 ss:$0x1], $0xffff  }
0x1bf: {  	s30 =	sshra.s32 s31, $0x2;
	s31 =	sadd.s32 $0x2000, s31  }
0x1c0: {  	_ =	sdelay $0x2  }
0x1c1: {  	v1 =	vadd.f32 v1, v4  }
0x1c2: {  	v48 =	vld.idx.msk [tilespmem:v0+s30+$0xFFFFFB90 ss:$0x1], $0xffff  }
0x1c3: {  	v1 =	vadd.f32 v2, v1  }
0x1c4: {  	v49 =	vld.idx.msk [tilespmem:v0+s30+$0xFFFFFBA0 ss:$0x1], $0xffff  }
0x1c5: {  	v1 =	vadd.f32 v3, v1  }
0x1c6: {  	v50 =	vld.idx.msk [tilespmem:v0+s30+$0xFFFFFBB0 ss:$0x1], $0xffff  }
0x1c7: {  	v1 =	vadd.f32 v48, v1  }
0x1c8: {  	v51 =	vld.idx.msk [tilespmem:v0+s30+$0xFFFFFBC0 ss:$0x1], $0xffff  }
0x1c9: {  	v1 =	vadd.f32 v49, v1  }
0x1ca: {  	v52 =	vld.idx.msk [tilespmem:v0+s30+$0xFFFFFBD0 ss:$0x1], $0xffff  }
0x1cb: {  	v1 =	vadd.f32 v50, v1  }
0x1cc: {  	v53 =	vld.idx.msk [tilespmem:v0+s30+$0xFFFFFBE0 ss:$0x1], $0xffff  }
0x1cd: {  	v1 =	vadd.f32 v51, v1  }
0x1ce: {  	v54 =	vld.idx.msk [tilespmem:v0+s30+$0xFFFFFBF0 ss:$0x1], $0xffff  }
0x1cf: {  	v1 =	vadd.f32 v52, v1  }
0x1d0: {  	v55 =	vld.idx.msk [tilespmem:v0+s30+$0xFFFFFC00 ss:$0x1], $0xffff  }
0x1d1: {  	v1 =	vadd.f32 v53, v1  }
0x1d2: {  	v56 =	vld.idx.msk [tilespmem:v0+s30+$0xFFFFFF90 ss:$0x1], $0xffff  }
0x1d3: {  	v1 =	vadd.f32 v54, v1  }
0x1d4: {  	v57 =	vld.idx.msk [tilespmem:v0+s30+$0xFFFFFFA0 ss:$0x1], $0xffff  }
0x1d5: {  	v1 =	vadd.f32 v55, v1  }
0x1d6: {  	v58 =	vld.idx.msk [tilespmem:v0+s30+$0xFFFFFFB0 ss:$0x1], $0xffff  }
0x1d7: {  	v1 =	vadd.f32 v56, v1  }
0x1d8: {  	v59 =	vld.idx.msk [tilespmem:v0+s30+$0xFFFFFFC0 ss:$0x1], $0xffff  }
0x1d9: {  	v1 =	vadd.f32 v57, v1  }
0x1da: {  	v60 =	vld.idx.msk [tilespmem:v0+s30+$0xFFFFFFD0 ss:$0x1], $0xffff  }
0x1db: {  	v1 =	vadd.f32 v58, v1  }
0x1dc: {  	v61 =	vld.idx.msk [tilespmem:v0+s30+$0xFFFFFFE0 ss:$0x1], $0xffff  }
0x1dd: {  	v1 =	vadd.f32 v59, v1  }
0x1de: {  	v62 =	vld.idx.msk [tilespmem:v0+s30+$0xFFFFFFF0 ss:$0x1], $0xffff  }
0x1df: {  	v1 =	vadd.f32 v60, v1  }
0x1e0: {  	v63 =	vld.idx.msk [tilespmem:v0+s30+$0x0 ss:$0x1], $0xffff  }
0x1e1: {  	s31 =	sshll.u32 s28, $0x7;
	s28 =	sadd.s32 $0x1, s28;
	v1 =	vadd.f32 v61, v1  }
0x1e2: {  	p0 =	sne.s32 s28, $0x8  }
.Ltmp9:
0x1e3: {  	v1 =	vadd.f32 v62, v1;
	(pc) =	sbr.rel @p0 .LBB2_18-.Ltmp9, $4  }
0x1e4: {  	_ = 	snop  }
0x1e5: {  	v0 =	vadd.f32 v63, v1  }
0x1e6: {  	s30 =	sand.u32 $0x3FFFFF80, s31  }
0x1e7: {  	s29 =	sadd.s32 $0x80, s29;
	[tilespmem:s30+$0x11000] =	vst v0  }
0x1e8: {  	s28 =	simm.s32 $0x0  }
0x1e9: {  	[tilespmem:s28], [sflag:$0x1] =	stream.linear.gather [hbm4b:s9+s28], $0x8000, $0x38;
	[tilespmem:$0x14000] =	vst v63  }
0x1ea: {  	_ =	swait.ge [sflag:s23], $0x8000  }
0x1eb: {  	[sflag:s23] =	ssyncset.done $0x0  }
0x1ec: {  	s29 =	simm.s32 $0x0;
	[sflag:s23] =	ssyncadd.s32 $0xFFFF8000  }
.LBB2_22:
0x1ed: {  	v0 =	vmov s28;
	_ =	sdelay $0x3  }
0x1ee: {  	s30 =	simm.s32 $0x0  }
0x1ef: {  	v1 =	vld.idx.msk [tilespmem:v0+s30+$0x8000 ss:$0x1], $0xffff;
	_ =	sdelay $0x1  }
0x1f0: {  	v2 =	vld.idx.msk [tilespmem:v0+s30+$0x8010 ss:$0x1], $0xffff;
	_ =	sdelay $0x1  }
0x1f1: {  	v3 =	vimm.f32 $0.0e+00;
	v4 =	vld.idx.msk [tilespmem:v0+s30+$0x8020 ss:$0x1], $0xffff  }
0x1f2: {  	v1 =	vadd.f32 v1, v3  }
0x1f3: {  	v3 =	vld.idx.msk [tilespmem:v0+s30+$0x8030 ss:$0x1], $0xffff  }
0x1f4: {  	v1 =	vadd.f32 v2, v1  }
0x1f5: {  	v2 =	vld.idx.msk [tilespmem:v0+s30+$0x8040 ss:$0x1], $0xffff  }
0x1f6: {  	v1 =	vadd.f32 v4, v1  }
0x1f7: {  	v4 =	vld.idx.msk [tilespmem:v0+s30+$0x8050 ss:$0x1], $0xffff  }
0x1f8: {  	v1 =	vadd.f32 v3, v1  }
0x1f9: {  	v3 =	vld.idx.msk [tilespmem:v0+s30+$0x8060 ss:$0x1], $0xffff  }
0x1fa: {  	v1 =	vadd.f32 v2, v1  }
0x1fb: {  	v2 =	vld.idx.msk [tilespmem:v0+s30+$0x8070 ss:$0x1], $0xffff  }
0x1fc: {  	v1 =	vadd.f32 v4, v1  }
0x1fd: {  	v4 =	vld.idx.msk [tilespmem:v0+s30+$0x8400 ss:$0x1], $0xffff  }
0x1fe: {  	v1 =	vadd.f32 v3, v1  }
0x1ff: {  	v3 =	vld.idx.msk [tilespmem:v0+s30+$0x8410 ss:$0x1], $0xffff  }
0x200: {  	v1 =	vadd.f32 v2, v1  }
0x201: {  	v2 =	vld.idx.msk [tilespmem:v0+s30+$0x8420 ss:$0x1], $0xffff  }
0x202: {  	v1 =	vadd.f32 v4, v1  }
0x203: {  	v4 =	vld.idx.msk [tilespmem:v0+s30+$0x8430 ss:$0x1], $0xffff  }
0x204: {  	v1 =	vadd.f32 v3, v1  }
0x205: {  	v3 =	vld.idx.msk [tilespmem:v0+s30+$0x8440 ss:$0x1], $0xffff  }
0x206: {  	v2 =	vadd.f32 v2, v1  }
0x207: {  	v1 =	vld.idx.msk [tilespmem:v0+s30+$0x8450 ss:$0x1], $0xffff  }
0x208: {  	v4 =	vadd.f32 v4, v2  }
0x209: {  	v2 =	vld.idx.msk [tilespmem:v0+s30+$0x8460 ss:$0x1], $0xffff  }
0x20a: {  	v4 =	vadd.f32 v3, v4  }
0x20b: {  	s31 =	simm.s32 $0x4000;
	v3 =	vld.idx.msk [tilespmem:v0+s30+$0x8470 ss:$0x1], $0xffff;
	s30 =	simm.s32 $0x800  }
.LBB2_23:
0x20c: {  	p0 =	sne.s32 s31, $0x1E000;
	v5 =	vld.idx.msk [tilespmem:v0+s30+$0x8000 ss:$0x1], $0xffff;
	v1 =	vadd.f32 v1, v4;
	_ =	sdelay $0x1  }
0x20d: {  	v4 =	vld.idx.msk [tilespmem:v0+s30+$0x8010 ss:$0x1], $0xffff;
	v1 =	vadd.f32 v2, v1;
	_ =	sdelay $0x1  }
0x20e: {  	v2 =	vld.idx.msk [tilespmem:v0+s30+$0x8020 ss:$0x1], $0xffff;
	v1 =	vadd.f32 v3, v1;
	_ =	sdelay $0x1  }
0x20f: {  	v1 =	vadd.f32 v5, v1;
	v3 =	vld.idx.msk [tilespmem:v0+s30+$0x8030 ss:$0x1], $0xffff;
	_ =	sdelay $0x1  }
0x210: {  	v1 =	vadd.f32 v4, v1;
	v4 =	vld.idx.msk [tilespmem:v0+s30+$0x8040 ss:$0x1], $0xffff;
	_ =	sdelay $0x1  }
0x211: {  	v1 =	vadd.f32 v2, v1;
	v2 =	vld.idx.msk [tilespmem:v0+s30+$0x8050 ss:$0x1], $0xffff;
	_ =	sdelay $0x1  }
0x212: {  	v1 =	vadd.f32 v3, v1;
	v3 =	vld.idx.msk [tilespmem:v0+s30+$0x8060 ss:$0x1], $0xffff;
	_ =	sdelay $0x1  }
0x213: {  	v1 =	vadd.f32 v4, v1;
	v4 =	vld.idx.msk [tilespmem:v0+s30+$0x8070 ss:$0x1], $0xffff;
	_ =	sdelay $0x1  }
0x214: {  	v1 =	vadd.f32 v2, v1;
	v2 =	vld.idx.msk [tilespmem:v0+s30+$0x8400 ss:$0x1], $0xffff;
	_ =	sdelay $0x1  }
0x215: {  	v1 =	vadd.f32 v3, v1;
	v3 =	vld.idx.msk [tilespmem:v0+s30+$0x8410 ss:$0x1], $0xffff;
	_ =	sdelay $0x1  }
0x216: {  	v1 =	vadd.f32 v4, v1;
	v4 =	vld.idx.msk [tilespmem:v0+s30+$0x8420 ss:$0x1], $0xffff;
	_ =	sdelay $0x1  }
0x217: {  	v1 =	vadd.f32 v2, v1;
	v2 =	vld.idx.msk [tilespmem:v0+s30+$0x8430 ss:$0x1], $0xffff;
	_ =	sdelay $0x1  }
0x218: {  	v1 =	vadd.f32 v3, v1;
	v3 =	vld.idx.msk [tilespmem:v0+s30+$0x8440 ss:$0x1], $0xffff;
	_ =	sdelay $0x1  }
0x219: {  	v4 =	vadd.f32 v4, v1;
	v1 =	vld.idx.msk [tilespmem:v0+s30+$0x8450 ss:$0x1], $0xffff  }
.Ltmp10:
0x21a: {  	(pc) =	sbr.rel @p0 .LBB2_23-.Ltmp10, $3  }
0x21b: {  	v4 =	vadd.f32 v2, v4;
	v2 =	vld.idx.msk [tilespmem:v0+s30+$0x8460 ss:$0x1], $0xffff;
	_ =	sdelay $0x1  }
0x21c: {  	v4 =	vadd.f32 v3, v4;
	v3 =	vld.idx.msk [tilespmem:v0+s30+$0x8470 ss:$0x1], $0xffff  }
0x21d: {  	s30 =	sshra.s32 s31, $0x2;
	s31 =	sadd.s32 $0x2000, s31  }
0x21e: {  	_ =	sdelay $0x2  }
0x21f: {  	v1 =	vadd.f32 v1, v4  }
0x220: {  	v48 =	vld.idx.msk [tilespmem:v0+s30+$0x8000 ss:$0x1], $0xffff  }
0x221: {  	v1 =	vadd.f32 v2, v1  }
0x222: {  	v49 =	vld.idx.msk [tilespmem:v0+s30+$0x8010 ss:$0x1], $0xffff  }
0x223: {  	v1 =	vadd.f32 v3, v1  }
0x224: {  	v50 =	vld.idx.msk [tilespmem:v0+s30+$0x8020 ss:$0x1], $0xffff  }
0x225: {  	v1 =	vadd.f32 v48, v1  }
0x226: {  	v51 =	vld.idx.msk [tilespmem:v0+s30+$0x8030 ss:$0x1], $0xffff  }
0x227: {  	v1 =	vadd.f32 v49, v1  }
0x228: {  	v52 =	vld.idx.msk [tilespmem:v0+s30+$0x8040 ss:$0x1], $0xffff  }
0x229: {  	v1 =	vadd.f32 v50, v1  }
0x22a: {  	v53 =	vld.idx.msk [tilespmem:v0+s30+$0x8050 ss:$0x1], $0xffff  }
0x22b: {  	v1 =	vadd.f32 v51, v1  }
0x22c: {  	v54 =	vld.idx.msk [tilespmem:v0+s30+$0x8060 ss:$0x1], $0xffff  }
0x22d: {  	v1 =	vadd.f32 v52, v1  }
0x22e: {  	v55 =	vld.idx.msk [tilespmem:v0+s30+$0x8070 ss:$0x1], $0xffff  }
0x22f: {  	v1 =	vadd.f32 v53, v1  }
0x230: {  	v56 =	vld.idx.msk [tilespmem:v0+s30+$0x8400 ss:$0x1], $0xffff  }
0x231: {  	v1 =	vadd.f32 v54, v1  }
0x232: {  	v57 =	vld.idx.msk [tilespmem:v0+s30+$0x8410 ss:$0x1], $0xffff  }
0x233: {  	v1 =	vadd.f32 v55, v1  }
0x234: {  	v58 =	vld.idx.msk [tilespmem:v0+s30+$0x8420 ss:$0x1], $0xffff  }
0x235: {  	v1 =	vadd.f32 v56, v1  }
0x236: {  	v59 =	vld.idx.msk [tilespmem:v0+s30+$0x8430 ss:$0x1], $0xffff  }
0x237: {  	v1 =	vadd.f32 v57, v1  }
0x238: {  	v60 =	vld.idx.msk [tilespmem:v0+s30+$0x8440 ss:$0x1], $0xffff  }
0x239: {  	v1 =	vadd.f32 v58, v1  }
0x23a: {  	v61 =	vld.idx.msk [tilespmem:v0+s30+$0x8450 ss:$0x1], $0xffff  }
0x23b: {  	v1 =	vadd.f32 v59, v1  }
0x23c: {  	v62 =	vld.idx.msk [tilespmem:v0+s30+$0x8460 ss:$0x1], $0xffff  }
0x23d: {  	v1 =	vadd.f32 v60, v1  }
0x23e: {  	v63 =	vld.idx.msk [tilespmem:v0+s30+$0x8470 ss:$0x1], $0xffff  }
0x23f: {  	s31 =	sshll.u32 s29, $0x7;
	s29 =	sadd.s32 $0x1, s29;
	v1 =	vadd.f32 v61, v1  }
0x240: {  	p0 =	sne.s32 s29, $0x8  }
.Ltmp11:
0x241: {  	v1 =	vadd.f32 v62, v1;
	(pc) =	sbr.rel @p0 .LBB2_22-.Ltmp11, $4  }
0x242: {  	_ = 	snop  }
0x243: {  	v0 =	vadd.f32 v63, v1  }
0x244: {  	s30 =	sand.u32 $0x3FFFFF80, s31  }
0x245: {  	s28 =	sadd.s32 $0x80, s28;
	[tilespmem:s30+$0x11400] =	vst v0  }
0x246: {  	s28 =	simm.s32 $0x0  }
0x247: {  	[tilespmem:s21], [sflag:$0x2] =	stream.linear.gather [hbm4b:s10+s28], $0x8000, $0x38;
	[tilespmem:$0x14000] =	vst v63  }
0x248: {  	_ =	swait.ge [sflag:s22], $0x8000  }
0x249: {  	[sflag:s22] =	ssyncset.done $0x0  }
0x24a: {  	s29 =	simm.s32 $0x470;
	[sflag:s22] =	ssyncadd.s32 $0xFFFF8000  }
.LBB2_26:
0x24b: {  	v0 =	vmov s29;
	_ =	sdelay $0x3  }
0x24c: {  	s30 =	simm.s32 $0x0  }
0x24d: {  	v1 =	vld.idx.msk [tilespmem:v0+s30+$0xFFFFFB90 ss:$0x1], $0xffff;
	_ =	sdelay $0x1  }
0x24e: {  	v2 =	vld.idx.msk [tilespmem:v0+s30+$0xFFFFFBA0 ss:$0x1], $0xffff;
	_ =	sdelay $0x1  }
0x24f: {  	v3 =	vimm.f32 $0.0e+00;
	v4 =	vld.idx.msk [tilespmem:v0+s30+$0xFFFFFBB0 ss:$0x1], $0xffff  }
0x250: {  	v1 =	vadd.f32 v1, v3  }
0x251: {  	v3 =	vld.idx.msk [tilespmem:v0+s30+$0xFFFFFBC0 ss:$0x1], $0xffff  }
0x252: {  	v1 =	vadd.f32 v2, v1  }
0x253: {  	v2 =	vld.idx.msk [tilespmem:v0+s30+$0xFFFFFBD0 ss:$0x1], $0xffff  }
0x254: {  	v1 =	vadd.f32 v4, v1  }
0x255: {  	v4 =	vld.idx.msk [tilespmem:v0+s30+$0xFFFFFBE0 ss:$0x1], $0xffff  }
0x256: {  	v1 =	vadd.f32 v3, v1  }
0x257: {  	v3 =	vld.idx.msk [tilespmem:v0+s30+$0xFFFFFBF0 ss:$0x1], $0xffff  }
0x258: {  	v1 =	vadd.f32 v2, v1  }
0x259: {  	v2 =	vld.idx.msk [tilespmem:v0+s30+$0xFFFFFC00 ss:$0x1], $0xffff  }
0x25a: {  	v1 =	vadd.f32 v4, v1  }
0x25b: {  	v4 =	vld.idx.msk [tilespmem:v0+s30+$0xFFFFFF90 ss:$0x1], $0xffff  }
0x25c: {  	v1 =	vadd.f32 v3, v1  }
0x25d: {  	v3 =	vld.idx.msk [tilespmem:v0+s30+$0xFFFFFFA0 ss:$0x1], $0xffff  }
0x25e: {  	v1 =	vadd.f32 v2, v1  }
0x25f: {  	v2 =	vld.idx.msk [tilespmem:v0+s30+$0xFFFFFFB0 ss:$0x1], $0xffff  }
0x260: {  	v1 =	vadd.f32 v4, v1  }
0x261: {  	v4 =	vld.idx.msk [tilespmem:v0+s30+$0xFFFFFFC0 ss:$0x1], $0xffff  }
0x262: {  	v1 =	vadd.f32 v3, v1  }
0x263: {  	v3 =	vld.idx.msk [tilespmem:v0+s30+$0xFFFFFFD0 ss:$0x1], $0xffff  }
0x264: {  	v2 =	vadd.f32 v2, v1  }
0x265: {  	v1 =	vld.idx.msk [tilespmem:v0+s30+$0xFFFFFFE0 ss:$0x1], $0xffff  }
0x266: {  	v4 =	vadd.f32 v4, v2  }
0x267: {  	v2 =	vld.idx.msk [tilespmem:v0+s30+$0xFFFFFFF0 ss:$0x1], $0xffff  }
0x268: {  	v4 =	vadd.f32 v3, v4  }
0x269: {  	s31 =	simm.s32 $0x4000;
	v3 =	vld.idx.msk [tilespmem:v0+s30+$0x0 ss:$0x1], $0xffff;
	s30 =	simm.s32 $0x800  }
.LBB2_27:
0x26a: {  	p0 =	sne.s32 s31, $0x1E000;
	v5 =	vld.idx.msk [tilespmem:v0+s30+$0xFFFFFB90 ss:$0x1], $0xffff;
	v1 =	vadd.f32 v1, v4;
	_ =	sdelay $0x1  }
0x26b: {  	v4 =	vld.idx.msk [tilespmem:v0+s30+$0xFFFFFBA0 ss:$0x1], $0xffff;
	v1 =	vadd.f32 v2, v1;
	_ =	sdelay $0x1  }
0x26c: {  	v2 =	vld.idx.msk [tilespmem:v0+s30+$0xFFFFFBB0 ss:$0x1], $0xffff;
	v1 =	vadd.f32 v3, v1;
	_ =	sdelay $0x1  }
0x26d: {  	v1 =	vadd.f32 v5, v1;
	v3 =	vld.idx.msk [tilespmem:v0+s30+$0xFFFFFBC0 ss:$0x1], $0xffff;
	_ =	sdelay $0x1  }
0x26e: {  	v1 =	vadd.f32 v4, v1;
	v4 =	vld.idx.msk [tilespmem:v0+s30+$0xFFFFFBD0 ss:$0x1], $0xffff;
	_ =	sdelay $0x1  }
0x26f: {  	v1 =	vadd.f32 v2, v1;
	v2 =	vld.idx.msk [tilespmem:v0+s30+$0xFFFFFBE0 ss:$0x1], $0xffff;
	_ =	sdelay $0x1  }
0x270: {  	v1 =	vadd.f32 v3, v1;
	v3 =	vld.idx.msk [tilespmem:v0+s30+$0xFFFFFBF0 ss:$0x1], $0xffff;
	_ =	sdelay $0x1  }
0x271: {  	v1 =	vadd.f32 v4, v1;
	v4 =	vld.idx.msk [tilespmem:v0+s30+$0xFFFFFC00 ss:$0x1], $0xffff;
	_ =	sdelay $0x1  }
0x272: {  	v1 =	vadd.f32 v2, v1;
	v2 =	vld.idx.msk [tilespmem:v0+s30+$0xFFFFFF90 ss:$0x1], $0xffff;
	_ =	sdelay $0x1  }
0x273: {  	v1 =	vadd.f32 v3, v1;
	v3 =	vld.idx.msk [tilespmem:v0+s30+$0xFFFFFFA0 ss:$0x1], $0xffff;
	_ =	sdelay $0x1  }
0x274: {  	v1 =	vadd.f32 v4, v1;
	v4 =	vld.idx.msk [tilespmem:v0+s30+$0xFFFFFFB0 ss:$0x1], $0xffff;
	_ =	sdelay $0x1  }
0x275: {  	v1 =	vadd.f32 v2, v1;
	v2 =	vld.idx.msk [tilespmem:v0+s30+$0xFFFFFFC0 ss:$0x1], $0xffff;
	_ =	sdelay $0x1  }
0x276: {  	v1 =	vadd.f32 v3, v1;
	v3 =	vld.idx.msk [tilespmem:v0+s30+$0xFFFFFFD0 ss:$0x1], $0xffff;
	_ =	sdelay $0x1  }
0x277: {  	v4 =	vadd.f32 v4, v1;
	v1 =	vld.idx.msk [tilespmem:v0+s30+$0xFFFFFFE0 ss:$0x1], $0xffff  }
.Ltmp12:
0x278: {  	(pc) =	sbr.rel @p0 .LBB2_27-.Ltmp12, $3  }
0x279: {  	v4 =	vadd.f32 v2, v4;
	v2 =	vld.idx.msk [tilespmem:v0+s30+$0xFFFFFFF0 ss:$0x1], $0xffff;
	_ =	sdelay $0x1  }
0x27a: {  	v4 =	vadd.f32 v3, v4;
	v3 =	vld.idx.msk [tilespmem:v0+s30+$0x0 ss:$0x1], $0xffff  }
0x27b: {  	s30 =	sshra.s32 s31, $0x2;
	s31 =	sadd.s32 $0x2000, s31  }
0x27c: {  	_ =	sdelay $0x2  }
0x27d: {  	v1 =	vadd.f32 v1, v4  }
0x27e: {  	v48 =	vld.idx.msk [tilespmem:v0+s30+$0xFFFFFB90 ss:$0x1], $0xffff  }
0x27f: {  	v1 =	vadd.f32 v2, v1  }
0x280: {  	v49 =	vld.idx.msk [tilespmem:v0+s30+$0xFFFFFBA0 ss:$0x1], $0xffff  }
0x281: {  	v1 =	vadd.f32 v3, v1  }
0x282: {  	v50 =	vld.idx.msk [tilespmem:v0+s30+$0xFFFFFBB0 ss:$0x1], $0xffff  }
0x283: {  	v1 =	vadd.f32 v48, v1  }
0x284: {  	v51 =	vld.idx.msk [tilespmem:v0+s30+$0xFFFFFBC0 ss:$0x1], $0xffff  }
0x285: {  	v1 =	vadd.f32 v49, v1  }
0x286: {  	v52 =	vld.idx.msk [tilespmem:v0+s30+$0xFFFFFBD0 ss:$0x1], $0xffff  }
0x287: {  	v1 =	vadd.f32 v50, v1  }
0x288: {  	v53 =	vld.idx.msk [tilespmem:v0+s30+$0xFFFFFBE0 ss:$0x1], $0xffff  }
0x289: {  	v1 =	vadd.f32 v51, v1  }
0x28a: {  	v54 =	vld.idx.msk [tilespmem:v0+s30+$0xFFFFFBF0 ss:$0x1], $0xffff  }
0x28b: {  	v1 =	vadd.f32 v52, v1  }
0x28c: {  	v55 =	vld.idx.msk [tilespmem:v0+s30+$0xFFFFFC00 ss:$0x1], $0xffff  }
0x28d: {  	v1 =	vadd.f32 v53, v1  }
0x28e: {  	v56 =	vld.idx.msk [tilespmem:v0+s30+$0xFFFFFF90 ss:$0x1], $0xffff  }
0x28f: {  	v1 =	vadd.f32 v54, v1  }
0x290: {  	v57 =	vld.idx.msk [tilespmem:v0+s30+$0xFFFFFFA0 ss:$0x1], $0xffff  }
0x291: {  	v1 =	vadd.f32 v55, v1  }
0x292: {  	v58 =	vld.idx.msk [tilespmem:v0+s30+$0xFFFFFFB0 ss:$0x1], $0xffff  }
0x293: {  	v1 =	vadd.f32 v56, v1  }
0x294: {  	v59 =	vld.idx.msk [tilespmem:v0+s30+$0xFFFFFFC0 ss:$0x1], $0xffff  }
0x295: {  	v1 =	vadd.f32 v57, v1  }
0x296: {  	v60 =	vld.idx.msk [tilespmem:v0+s30+$0xFFFFFFD0 ss:$0x1], $0xffff  }
0x297: {  	v1 =	vadd.f32 v58, v1  }
0x298: {  	v61 =	vld.idx.msk [tilespmem:v0+s30+$0xFFFFFFE0 ss:$0x1], $0xffff  }
0x299: {  	v1 =	vadd.f32 v59, v1  }
0x29a: {  	v62 =	vld.idx.msk [tilespmem:v0+s30+$0xFFFFFFF0 ss:$0x1], $0xffff  }
0x29b: {  	v1 =	vadd.f32 v60, v1  }
0x29c: {  	v63 =	vld.idx.msk [tilespmem:v0+s30+$0x0 ss:$0x1], $0xffff  }
0x29d: {  	s31 =	sshll.u32 s28, $0x7;
	s28 =	sadd.s32 $0x1, s28;
	v1 =	vadd.f32 v61, v1  }
0x29e: {  	p0 =	sne.s32 s28, $0x8  }
.Ltmp13:
0x29f: {  	v1 =	vadd.f32 v62, v1;
	(pc) =	sbr.rel @p0 .LBB2_26-.Ltmp13, $4  }
0x2a0: {  	_ = 	snop  }
0x2a1: {  	v0 =	vadd.f32 v63, v1  }
0x2a2: {  	s30 =	sand.u32 $0x3FFFFF80, s31  }
0x2a3: {  	s29 =	sadd.s32 $0x80, s29;
	[tilespmem:s30+$0x11800] =	vst v0  }
0x2a4: {  	s28 =	simm.s32 $0x0  }
0x2a5: {  	[tilespmem:s28], [sflag:$0x1] =	stream.linear.gather [hbm4b:s11+s28], $0x8000, $0x38;
	[tilespmem:$0x14000] =	vst v63  }
0x2a6: {  	_ =	swait.ge [sflag:s23], $0x8000  }
0x2a7: {  	[sflag:s23] =	ssyncset.done $0x0  }
0x2a8: {  	s29 =	simm.s32 $0x0;
	[sflag:s23] =	ssyncadd.s32 $0xFFFF8000  }
.LBB2_30:
0x2a9: {  	v0 =	vmov s28;
	_ =	sdelay $0x3  }
0x2aa: {  	s30 =	simm.s32 $0x0  }
0x2ab: {  	v1 =	vld.idx.msk [tilespmem:v0+s30+$0x8000 ss:$0x1], $0xffff;
	_ =	sdelay $0x1  }
0x2ac: {  	v2 =	vld.idx.msk [tilespmem:v0+s30+$0x8010 ss:$0x1], $0xffff;
	_ =	sdelay $0x1  }
0x2ad: {  	v3 =	vimm.f32 $0.0e+00;
	v4 =	vld.idx.msk [tilespmem:v0+s30+$0x8020 ss:$0x1], $0xffff  }
0x2ae: {  	v1 =	vadd.f32 v1, v3  }
0x2af: {  	v3 =	vld.idx.msk [tilespmem:v0+s30+$0x8030 ss:$0x1], $0xffff  }
0x2b0: {  	v1 =	vadd.f32 v2, v1  }
0x2b1: {  	v2 =	vld.idx.msk [tilespmem:v0+s30+$0x8040 ss:$0x1], $0xffff  }
0x2b2: {  	v1 =	vadd.f32 v4, v1  }
0x2b3: {  	v4 =	vld.idx.msk [tilespmem:v0+s30+$0x8050 ss:$0x1], $0xffff  }
0x2b4: {  	v1 =	vadd.f32 v3, v1  }
0x2b5: {  	v3 =	vld.idx.msk [tilespmem:v0+s30+$0x8060 ss:$0x1], $0xffff  }
0x2b6: {  	v1 =	vadd.f32 v2, v1  }
0x2b7: {  	v2 =	vld.idx.msk [tilespmem:v0+s30+$0x8070 ss:$0x1], $0xffff  }
0x2b8: {  	v1 =	vadd.f32 v4, v1  }
0x2b9: {  	v4 =	vld.idx.msk [tilespmem:v0+s30+$0x8400 ss:$0x1], $0xffff  }
0x2ba: {  	v1 =	vadd.f32 v3, v1  }
0x2bb: {  	v3 =	vld.idx.msk [tilespmem:v0+s30+$0x8410 ss:$0x1], $0xffff  }
0x2bc: {  	v1 =	vadd.f32 v2, v1  }
0x2bd: {  	v2 =	vld.idx.msk [tilespmem:v0+s30+$0x8420 ss:$0x1], $0xffff  }
0x2be: {  	v1 =	vadd.f32 v4, v1  }
0x2bf: {  	v4 =	vld.idx.msk [tilespmem:v0+s30+$0x8430 ss:$0x1], $0xffff  }
0x2c0: {  	v1 =	vadd.f32 v3, v1  }
0x2c1: {  	v3 =	vld.idx.msk [tilespmem:v0+s30+$0x8440 ss:$0x1], $0xffff  }
0x2c2: {  	v2 =	vadd.f32 v2, v1  }
0x2c3: {  	v1 =	vld.idx.msk [tilespmem:v0+s30+$0x8450 ss:$0x1], $0xffff  }
0x2c4: {  	v4 =	vadd.f32 v4, v2  }
0x2c5: {  	v2 =	vld.idx.msk [tilespmem:v0+s30+$0x8460 ss:$0x1], $0xffff  }
0x2c6: {  	v4 =	vadd.f32 v3, v4  }
0x2c7: {  	s31 =	simm.s32 $0x4000;
	v3 =	vld.idx.msk [tilespmem:v0+s30+$0x8470 ss:$0x1], $0xffff;
	s30 =	simm.s32 $0x800  }
.LBB2_31:
0x2c8: {  	p0 =	sne.s32 s31, $0x1E000;
	v5 =	vld.idx.msk [tilespmem:v0+s30+$0x8000 ss:$0x1], $0xffff;
	v1 =	vadd.f32 v1, v4;
	_ =	sdelay $0x1  }
0x2c9: {  	v4 =	vld.idx.msk [tilespmem:v0+s30+$0x8010 ss:$0x1], $0xffff;
	v1 =	vadd.f32 v2, v1;
	_ =	sdelay $0x1  }
0x2ca: {  	v2 =	vld.idx.msk [tilespmem:v0+s30+$0x8020 ss:$0x1], $0xffff;
	v1 =	vadd.f32 v3, v1;
	_ =	sdelay $0x1  }
0x2cb: {  	v1 =	vadd.f32 v5, v1;
	v3 =	vld.idx.msk [tilespmem:v0+s30+$0x8030 ss:$0x1], $0xffff;
	_ =	sdelay $0x1  }
0x2cc: {  	v1 =	vadd.f32 v4, v1;
	v4 =	vld.idx.msk [tilespmem:v0+s30+$0x8040 ss:$0x1], $0xffff;
	_ =	sdelay $0x1  }
0x2cd: {  	v1 =	vadd.f32 v2, v1;
	v2 =	vld.idx.msk [tilespmem:v0+s30+$0x8050 ss:$0x1], $0xffff;
	_ =	sdelay $0x1  }
0x2ce: {  	v1 =	vadd.f32 v3, v1;
	v3 =	vld.idx.msk [tilespmem:v0+s30+$0x8060 ss:$0x1], $0xffff;
	_ =	sdelay $0x1  }
0x2cf: {  	v1 =	vadd.f32 v4, v1;
	v4 =	vld.idx.msk [tilespmem:v0+s30+$0x8070 ss:$0x1], $0xffff;
	_ =	sdelay $0x1  }
0x2d0: {  	v1 =	vadd.f32 v2, v1;
	v2 =	vld.idx.msk [tilespmem:v0+s30+$0x8400 ss:$0x1], $0xffff;
	_ =	sdelay $0x1  }
0x2d1: {  	v1 =	vadd.f32 v3, v1;
	v3 =	vld.idx.msk [tilespmem:v0+s30+$0x8410 ss:$0x1], $0xffff;
	_ =	sdelay $0x1  }
0x2d2: {  	v1 =	vadd.f32 v4, v1;
	v4 =	vld.idx.msk [tilespmem:v0+s30+$0x8420 ss:$0x1], $0xffff;
	_ =	sdelay $0x1  }
0x2d3: {  	v1 =	vadd.f32 v2, v1;
	v2 =	vld.idx.msk [tilespmem:v0+s30+$0x8430 ss:$0x1], $0xffff;
	_ =	sdelay $0x1  }
0x2d4: {  	v1 =	vadd.f32 v3, v1;
	v3 =	vld.idx.msk [tilespmem:v0+s30+$0x8440 ss:$0x1], $0xffff;
	_ =	sdelay $0x1  }
0x2d5: {  	v4 =	vadd.f32 v4, v1;
	v1 =	vld.idx.msk [tilespmem:v0+s30+$0x8450 ss:$0x1], $0xffff  }
.Ltmp14:
0x2d6: {  	(pc) =	sbr.rel @p0 .LBB2_31-.Ltmp14, $3  }
0x2d7: {  	v4 =	vadd.f32 v2, v4;
	v2 =	vld.idx.msk [tilespmem:v0+s30+$0x8460 ss:$0x1], $0xffff;
	_ =	sdelay $0x1  }
0x2d8: {  	v4 =	vadd.f32 v3, v4;
	v3 =	vld.idx.msk [tilespmem:v0+s30+$0x8470 ss:$0x1], $0xffff  }
0x2d9: {  	s30 =	sshra.s32 s31, $0x2;
	s31 =	sadd.s32 $0x2000, s31  }
0x2da: {  	_ =	sdelay $0x2  }
0x2db: {  	v1 =	vadd.f32 v1, v4  }
0x2dc: {  	v48 =	vld.idx.msk [tilespmem:v0+s30+$0x8000 ss:$0x1], $0xffff  }
0x2dd: {  	v1 =	vadd.f32 v2, v1  }
0x2de: {  	v49 =	vld.idx.msk [tilespmem:v0+s30+$0x8010 ss:$0x1], $0xffff  }
0x2df: {  	v1 =	vadd.f32 v3, v1  }
0x2e0: {  	v50 =	vld.idx.msk [tilespmem:v0+s30+$0x8020 ss:$0x1], $0xffff  }
0x2e1: {  	v1 =	vadd.f32 v48, v1  }
0x2e2: {  	v51 =	vld.idx.msk [tilespmem:v0+s30+$0x8030 ss:$0x1], $0xffff  }
0x2e3: {  	v1 =	vadd.f32 v49, v1  }
0x2e4: {  	v52 =	vld.idx.msk [tilespmem:v0+s30+$0x8040 ss:$0x1], $0xffff  }
0x2e5: {  	v1 =	vadd.f32 v50, v1  }
0x2e6: {  	v53 =	vld.idx.msk [tilespmem:v0+s30+$0x8050 ss:$0x1], $0xffff  }
0x2e7: {  	v1 =	vadd.f32 v51, v1  }
0x2e8: {  	v54 =	vld.idx.msk [tilespmem:v0+s30+$0x8060 ss:$0x1], $0xffff  }
0x2e9: {  	v1 =	vadd.f32 v52, v1  }
0x2ea: {  	v55 =	vld.idx.msk [tilespmem:v0+s30+$0x8070 ss:$0x1], $0xffff  }
0x2eb: {  	v1 =	vadd.f32 v53, v1  }
0x2ec: {  	v56 =	vld.idx.msk [tilespmem:v0+s30+$0x8400 ss:$0x1], $0xffff  }
0x2ed: {  	v1 =	vadd.f32 v54, v1  }
0x2ee: {  	v57 =	vld.idx.msk [tilespmem:v0+s30+$0x8410 ss:$0x1], $0xffff  }
0x2ef: {  	v1 =	vadd.f32 v55, v1  }
0x2f0: {  	v58 =	vld.idx.msk [tilespmem:v0+s30+$0x8420 ss:$0x1], $0xffff  }
0x2f1: {  	v1 =	vadd.f32 v56, v1  }
0x2f2: {  	v59 =	vld.idx.msk [tilespmem:v0+s30+$0x8430 ss:$0x1], $0xffff  }
0x2f3: {  	v1 =	vadd.f32 v57, v1  }
0x2f4: {  	v60 =	vld.idx.msk [tilespmem:v0+s30+$0x8440 ss:$0x1], $0xffff  }
0x2f5: {  	v1 =	vadd.f32 v58, v1  }
0x2f6: {  	v61 =	vld.idx.msk [tilespmem:v0+s30+$0x8450 ss:$0x1], $0xffff  }
0x2f7: {  	v1 =	vadd.f32 v59, v1  }
0x2f8: {  	v62 =	vld.idx.msk [tilespmem:v0+s30+$0x8460 ss:$0x1], $0xffff  }
0x2f9: {  	v1 =	vadd.f32 v60, v1  }
0x2fa: {  	v63 =	vld.idx.msk [tilespmem:v0+s30+$0x8470 ss:$0x1], $0xffff  }
0x2fb: {  	s31 =	sshll.u32 s29, $0x7;
	s29 =	sadd.s32 $0x1, s29;
	v1 =	vadd.f32 v61, v1  }
0x2fc: {  	p0 =	sne.s32 s29, $0x8  }
.Ltmp15:
0x2fd: {  	v1 =	vadd.f32 v62, v1;
	(pc) =	sbr.rel @p0 .LBB2_30-.Ltmp15, $4  }
0x2fe: {  	_ = 	snop  }
0x2ff: {  	v0 =	vadd.f32 v63, v1  }
0x300: {  	s30 =	sand.u32 $0x3FFFFF80, s31  }
0x301: {  	s28 =	sadd.s32 $0x80, s28;
	[tilespmem:s30+$0x11C00] =	vst v0  }
0x302: {  	s28 =	simm.s32 $0x0  }
0x303: {  	[tilespmem:s21], [sflag:$0x2] =	stream.linear.gather [hbm4b:s12+s28], $0x8000, $0x38;
	[tilespmem:$0x14000] =	vst v63  }
0x304: {  	_ =	swait.ge [sflag:s22], $0x8000  }
0x305: {  	[sflag:s22] =	ssyncset.done $0x0  }
0x306: {  	s29 =	simm.s32 $0x470;
	[sflag:s22] =	ssyncadd.s32 $0xFFFF8000  }
.LBB2_34:
0x307: {  	v0 =	vmov s29;
	_ =	sdelay $0x3  }
0x308: {  	s30 =	simm.s32 $0x0  }
0x309: {  	v1 =	vld.idx.msk [tilespmem:v0+s30+$0xFFFFFB90 ss:$0x1], $0xffff;
	_ =	sdelay $0x1  }
0x30a: {  	v2 =	vld.idx.msk [tilespmem:v0+s30+$0xFFFFFBA0 ss:$0x1], $0xffff;
	_ =	sdelay $0x1  }
0x30b: {  	v3 =	vimm.f32 $0.0e+00;
	v4 =	vld.idx.msk [tilespmem:v0+s30+$0xFFFFFBB0 ss:$0x1], $0xffff  }
0x30c: {  	v1 =	vadd.f32 v1, v3  }
0x30d: {  	v3 =	vld.idx.msk [tilespmem:v0+s30+$0xFFFFFBC0 ss:$0x1], $0xffff  }
0x30e: {  	v1 =	vadd.f32 v2, v1  }
0x30f: {  	v2 =	vld.idx.msk [tilespmem:v0+s30+$0xFFFFFBD0 ss:$0x1], $0xffff  }
0x310: {  	v1 =	vadd.f32 v4, v1  }
0x311: {  	v4 =	vld.idx.msk [tilespmem:v0+s30+$0xFFFFFBE0 ss:$0x1], $0xffff  }
0x312: {  	v1 =	vadd.f32 v3, v1  }
0x313: {  	v3 =	vld.idx.msk [tilespmem:v0+s30+$0xFFFFFBF0 ss:$0x1], $0xffff  }
0x314: {  	v1 =	vadd.f32 v2, v1  }
0x315: {  	v2 =	vld.idx.msk [tilespmem:v0+s30+$0xFFFFFC00 ss:$0x1], $0xffff  }
0x316: {  	v1 =	vadd.f32 v4, v1  }
0x317: {  	v4 =	vld.idx.msk [tilespmem:v0+s30+$0xFFFFFF90 ss:$0x1], $0xffff  }
0x318: {  	v1 =	vadd.f32 v3, v1  }
0x319: {  	v3 =	vld.idx.msk [tilespmem:v0+s30+$0xFFFFFFA0 ss:$0x1], $0xffff  }
0x31a: {  	v1 =	vadd.f32 v2, v1  }
0x31b: {  	v2 =	vld.idx.msk [tilespmem:v0+s30+$0xFFFFFFB0 ss:$0x1], $0xffff  }
0x31c: {  	v1 =	vadd.f32 v4, v1  }
0x31d: {  	v4 =	vld.idx.msk [tilespmem:v0+s30+$0xFFFFFFC0 ss:$0x1], $0xffff  }
0x31e: {  	v1 =	vadd.f32 v3, v1  }
0x31f: {  	v3 =	vld.idx.msk [tilespmem:v0+s30+$0xFFFFFFD0 ss:$0x1], $0xffff  }
0x320: {  	v2 =	vadd.f32 v2, v1  }
0x321: {  	v1 =	vld.idx.msk [tilespmem:v0+s30+$0xFFFFFFE0 ss:$0x1], $0xffff  }
0x322: {  	v4 =	vadd.f32 v4, v2  }
0x323: {  	v2 =	vld.idx.msk [tilespmem:v0+s30+$0xFFFFFFF0 ss:$0x1], $0xffff  }
0x324: {  	v4 =	vadd.f32 v3, v4  }
0x325: {  	s31 =	simm.s32 $0x4000;
	v3 =	vld.idx.msk [tilespmem:v0+s30+$0x0 ss:$0x1], $0xffff;
	s30 =	simm.s32 $0x800  }
.LBB2_35:
0x326: {  	p0 =	sne.s32 s31, $0x1E000;
	v5 =	vld.idx.msk [tilespmem:v0+s30+$0xFFFFFB90 ss:$0x1], $0xffff;
	v1 =	vadd.f32 v1, v4;
	_ =	sdelay $0x1  }
0x327: {  	v4 =	vld.idx.msk [tilespmem:v0+s30+$0xFFFFFBA0 ss:$0x1], $0xffff;
	v1 =	vadd.f32 v2, v1;
	_ =	sdelay $0x1  }
0x328: {  	v2 =	vld.idx.msk [tilespmem:v0+s30+$0xFFFFFBB0 ss:$0x1], $0xffff;
	v1 =	vadd.f32 v3, v1;
	_ =	sdelay $0x1  }
0x329: {  	v1 =	vadd.f32 v5, v1;
	v3 =	vld.idx.msk [tilespmem:v0+s30+$0xFFFFFBC0 ss:$0x1], $0xffff;
	_ =	sdelay $0x1  }
0x32a: {  	v1 =	vadd.f32 v4, v1;
	v4 =	vld.idx.msk [tilespmem:v0+s30+$0xFFFFFBD0 ss:$0x1], $0xffff;
	_ =	sdelay $0x1  }
0x32b: {  	v1 =	vadd.f32 v2, v1;
	v2 =	vld.idx.msk [tilespmem:v0+s30+$0xFFFFFBE0 ss:$0x1], $0xffff;
	_ =	sdelay $0x1  }
0x32c: {  	v1 =	vadd.f32 v3, v1;
	v3 =	vld.idx.msk [tilespmem:v0+s30+$0xFFFFFBF0 ss:$0x1], $0xffff;
	_ =	sdelay $0x1  }
0x32d: {  	v1 =	vadd.f32 v4, v1;
	v4 =	vld.idx.msk [tilespmem:v0+s30+$0xFFFFFC00 ss:$0x1], $0xffff;
	_ =	sdelay $0x1  }
0x32e: {  	v1 =	vadd.f32 v2, v1;
	v2 =	vld.idx.msk [tilespmem:v0+s30+$0xFFFFFF90 ss:$0x1], $0xffff;
	_ =	sdelay $0x1  }
0x32f: {  	v1 =	vadd.f32 v3, v1;
	v3 =	vld.idx.msk [tilespmem:v0+s30+$0xFFFFFFA0 ss:$0x1], $0xffff;
	_ =	sdelay $0x1  }
0x330: {  	v1 =	vadd.f32 v4, v1;
	v4 =	vld.idx.msk [tilespmem:v0+s30+$0xFFFFFFB0 ss:$0x1], $0xffff;
	_ =	sdelay $0x1  }
0x331: {  	v1 =	vadd.f32 v2, v1;
	v2 =	vld.idx.msk [tilespmem:v0+s30+$0xFFFFFFC0 ss:$0x1], $0xffff;
	_ =	sdelay $0x1  }
0x332: {  	v1 =	vadd.f32 v3, v1;
	v3 =	vld.idx.msk [tilespmem:v0+s30+$0xFFFFFFD0 ss:$0x1], $0xffff;
	_ =	sdelay $0x1  }
0x333: {  	v4 =	vadd.f32 v4, v1;
	v1 =	vld.idx.msk [tilespmem:v0+s30+$0xFFFFFFE0 ss:$0x1], $0xffff  }
.Ltmp16:
0x334: {  	(pc) =	sbr.rel @p0 .LBB2_35-.Ltmp16, $3  }
0x335: {  	v4 =	vadd.f32 v2, v4;
	v2 =	vld.idx.msk [tilespmem:v0+s30+$0xFFFFFFF0 ss:$0x1], $0xffff;
	_ =	sdelay $0x1  }
0x336: {  	v4 =	vadd.f32 v3, v4;
	v3 =	vld.idx.msk [tilespmem:v0+s30+$0x0 ss:$0x1], $0xffff  }
0x337: {  	s30 =	sshra.s32 s31, $0x2;
	s31 =	sadd.s32 $0x2000, s31  }
0x338: {  	_ =	sdelay $0x2  }
0x339: {  	v1 =	vadd.f32 v1, v4  }
0x33a: {  	v48 =	vld.idx.msk [tilespmem:v0+s30+$0xFFFFFB90 ss:$0x1], $0xffff  }
0x33b: {  	v1 =	vadd.f32 v2, v1  }
0x33c: {  	v49 =	vld.idx.msk [tilespmem:v0+s30+$0xFFFFFBA0 ss:$0x1], $0xffff  }
0x33d: {  	v1 =	vadd.f32 v3, v1  }
0x33e: {  	v50 =	vld.idx.msk [tilespmem:v0+s30+$0xFFFFFBB0 ss:$0x1], $0xffff  }
0x33f: {  	v1 =	vadd.f32 v48, v1  }
0x340: {  	v51 =	vld.idx.msk [tilespmem:v0+s30+$0xFFFFFBC0 ss:$0x1], $0xffff  }
0x341: {  	v1 =	vadd.f32 v49, v1  }
0x342: {  	v52 =	vld.idx.msk [tilespmem:v0+s30+$0xFFFFFBD0 ss:$0x1], $0xffff  }
0x343: {  	v1 =	vadd.f32 v50, v1  }
0x344: {  	v53 =	vld.idx.msk [tilespmem:v0+s30+$0xFFFFFBE0 ss:$0x1], $0xffff  }
0x345: {  	v1 =	vadd.f32 v51, v1  }
0x346: {  	v54 =	vld.idx.msk [tilespmem:v0+s30+$0xFFFFFBF0 ss:$0x1], $0xffff  }
0x347: {  	v1 =	vadd.f32 v52, v1  }
0x348: {  	v55 =	vld.idx.msk [tilespmem:v0+s30+$0xFFFFFC00 ss:$0x1], $0xffff  }
0x349: {  	v1 =	vadd.f32 v53, v1  }
0x34a: {  	v56 =	vld.idx.msk [tilespmem:v0+s30+$0xFFFFFF90 ss:$0x1], $0xffff  }
0x34b: {  	v1 =	vadd.f32 v54, v1  }
0x34c: {  	v57 =	vld.idx.msk [tilespmem:v0+s30+$0xFFFFFFA0 ss:$0x1], $0xffff  }
0x34d: {  	v1 =	vadd.f32 v55, v1  }
0x34e: {  	v58 =	vld.idx.msk [tilespmem:v0+s30+$0xFFFFFFB0 ss:$0x1], $0xffff  }
0x34f: {  	v1 =	vadd.f32 v56, v1  }
0x350: {  	v59 =	vld.idx.msk [tilespmem:v0+s30+$0xFFFFFFC0 ss:$0x1], $0xffff  }
0x351: {  	v1 =	vadd.f32 v57, v1  }
0x352: {  	v60 =	vld.idx.msk [tilespmem:v0+s30+$0xFFFFFFD0 ss:$0x1], $0xffff  }
0x353: {  	v1 =	vadd.f32 v58, v1  }
0x354: {  	v61 =	vld.idx.msk [tilespmem:v0+s30+$0xFFFFFFE0 ss:$0x1], $0xffff  }
0x355: {  	v1 =	vadd.f32 v59, v1  }
0x356: {  	v62 =	vld.idx.msk [tilespmem:v0+s30+$0xFFFFFFF0 ss:$0x1], $0xffff  }
0x357: {  	v1 =	vadd.f32 v60, v1  }
0x358: {  	v63 =	vld.idx.msk [tilespmem:v0+s30+$0x0 ss:$0x1], $0xffff  }
0x359: {  	s31 =	sshll.u32 s28, $0x7;
	s28 =	sadd.s32 $0x1, s28;
	v1 =	vadd.f32 v61, v1  }
0x35a: {  	p0 =	sne.s32 s28, $0x8  }
.Ltmp17:
0x35b: {  	v1 =	vadd.f32 v62, v1;
	(pc) =	sbr.rel @p0 .LBB2_34-.Ltmp17, $4  }
0x35c: {  	_ = 	snop  }
0x35d: {  	v0 =	vadd.f32 v63, v1  }
0x35e: {  	s30 =	sand.u32 $0x3FFFFF80, s31  }
0x35f: {  	s29 =	sadd.s32 $0x80, s29;
	[tilespmem:s30+$0x12000] =	vst v0  }
0x360: {  	s28 =	simm.s32 $0x0  }
0x361: {  	[tilespmem:s28], [sflag:$0x1] =	stream.linear.gather [hbm4b:s13+s28], $0x8000, $0x38;
	[tilespmem:$0x14000] =	vst v63  }
0x362: {  	_ =	swait.ge [sflag:s23], $0x8000  }
0x363: {  	[sflag:s23] =	ssyncset.done $0x0  }
0x364: {  	s29 =	simm.s32 $0x0;
	[sflag:s23] =	ssyncadd.s32 $0xFFFF8000  }
.LBB2_38:
0x365: {  	v0 =	vmov s28;
	_ =	sdelay $0x3  }
0x366: {  	s30 =	simm.s32 $0x0  }
0x367: {  	v1 =	vld.idx.msk [tilespmem:v0+s30+$0x8000 ss:$0x1], $0xffff;
	_ =	sdelay $0x1  }
0x368: {  	v2 =	vld.idx.msk [tilespmem:v0+s30+$0x8010 ss:$0x1], $0xffff;
	_ =	sdelay $0x1  }
0x369: {  	v3 =	vimm.f32 $0.0e+00;
	v4 =	vld.idx.msk [tilespmem:v0+s30+$0x8020 ss:$0x1], $0xffff  }
0x36a: {  	v1 =	vadd.f32 v1, v3  }
0x36b: {  	v3 =	vld.idx.msk [tilespmem:v0+s30+$0x8030 ss:$0x1], $0xffff  }
0x36c: {  	v1 =	vadd.f32 v2, v1  }
0x36d: {  	v2 =	vld.idx.msk [tilespmem:v0+s30+$0x8040 ss:$0x1], $0xffff  }
0x36e: {  	v1 =	vadd.f32 v4, v1  }
0x36f: {  	v4 =	vld.idx.msk [tilespmem:v0+s30+$0x8050 ss:$0x1], $0xffff  }
0x370: {  	v1 =	vadd.f32 v3, v1  }
0x371: {  	v3 =	vld.idx.msk [tilespmem:v0+s30+$0x8060 ss:$0x1], $0xffff  }
0x372: {  	v1 =	vadd.f32 v2, v1  }
0x373: {  	v2 =	vld.idx.msk [tilespmem:v0+s30+$0x8070 ss:$0x1], $0xffff  }
0x374: {  	v1 =	vadd.f32 v4, v1  }
0x375: {  	v4 =	vld.idx.msk [tilespmem:v0+s30+$0x8400 ss:$0x1], $0xffff  }
0x376: {  	v1 =	vadd.f32 v3, v1  }
0x377: {  	v3 =	vld.idx.msk [tilespmem:v0+s30+$0x8410 ss:$0x1], $0xffff  }
0x378: {  	v1 =	vadd.f32 v2, v1  }
0x379: {  	v2 =	vld.idx.msk [tilespmem:v0+s30+$0x8420 ss:$0x1], $0xffff  }
0x37a: {  	v1 =	vadd.f32 v4, v1  }
0x37b: {  	v4 =	vld.idx.msk [tilespmem:v0+s30+$0x8430 ss:$0x1], $0xffff  }
0x37c: {  	v1 =	vadd.f32 v3, v1  }
0x37d: {  	v3 =	vld.idx.msk [tilespmem:v0+s30+$0x8440 ss:$0x1], $0xffff  }
0x37e: {  	v2 =	vadd.f32 v2, v1  }
0x37f: {  	v1 =	vld.idx.msk [tilespmem:v0+s30+$0x8450 ss:$0x1], $0xffff  }
0x380: {  	v4 =	vadd.f32 v4, v2  }
0x381: {  	v2 =	vld.idx.msk [tilespmem:v0+s30+$0x8460 ss:$0x1], $0xffff  }
0x382: {  	v4 =	vadd.f32 v3, v4  }
0x383: {  	s31 =	simm.s32 $0x4000;
	v3 =	vld.idx.msk [tilespmem:v0+s30+$0x8470 ss:$0x1], $0xffff;
	s30 =	simm.s32 $0x800  }
.LBB2_39:
0x384: {  	p0 =	sne.s32 s31, $0x1E000;
	v5 =	vld.idx.msk [tilespmem:v0+s30+$0x8000 ss:$0x1], $0xffff;
	v1 =	vadd.f32 v1, v4;
	_ =	sdelay $0x1  }
0x385: {  	v4 =	vld.idx.msk [tilespmem:v0+s30+$0x8010 ss:$0x1], $0xffff;
	v1 =	vadd.f32 v2, v1;
	_ =	sdelay $0x1  }
0x386: {  	v2 =	vld.idx.msk [tilespmem:v0+s30+$0x8020 ss:$0x1], $0xffff;
	v1 =	vadd.f32 v3, v1;
	_ =	sdelay $0x1  }
0x387: {  	v1 =	vadd.f32 v5, v1;
	v3 =	vld.idx.msk [tilespmem:v0+s30+$0x8030 ss:$0x1], $0xffff;
	_ =	sdelay $0x1  }
0x388: {  	v1 =	vadd.f32 v4, v1;
	v4 =	vld.idx.msk [tilespmem:v0+s30+$0x8040 ss:$0x1], $0xffff;
	_ =	sdelay $0x1  }
0x389: {  	v1 =	vadd.f32 v2, v1;
	v2 =	vld.idx.msk [tilespmem:v0+s30+$0x8050 ss:$0x1], $0xffff;
	_ =	sdelay $0x1  }
0x38a: {  	v1 =	vadd.f32 v3, v1;
	v3 =	vld.idx.msk [tilespmem:v0+s30+$0x8060 ss:$0x1], $0xffff;
	_ =	sdelay $0x1  }
0x38b: {  	v1 =	vadd.f32 v4, v1;
	v4 =	vld.idx.msk [tilespmem:v0+s30+$0x8070 ss:$0x1], $0xffff;
	_ =	sdelay $0x1  }
0x38c: {  	v1 =	vadd.f32 v2, v1;
	v2 =	vld.idx.msk [tilespmem:v0+s30+$0x8400 ss:$0x1], $0xffff;
	_ =	sdelay $0x1  }
0x38d: {  	v1 =	vadd.f32 v3, v1;
	v3 =	vld.idx.msk [tilespmem:v0+s30+$0x8410 ss:$0x1], $0xffff;
	_ =	sdelay $0x1  }
0x38e: {  	v1 =	vadd.f32 v4, v1;
	v4 =	vld.idx.msk [tilespmem:v0+s30+$0x8420 ss:$0x1], $0xffff;
	_ =	sdelay $0x1  }
0x38f: {  	v1 =	vadd.f32 v2, v1;
	v2 =	vld.idx.msk [tilespmem:v0+s30+$0x8430 ss:$0x1], $0xffff;
	_ =	sdelay $0x1  }
0x390: {  	v1 =	vadd.f32 v3, v1;
	v3 =	vld.idx.msk [tilespmem:v0+s30+$0x8440 ss:$0x1], $0xffff;
	_ =	sdelay $0x1  }
0x391: {  	v4 =	vadd.f32 v4, v1;
	v1 =	vld.idx.msk [tilespmem:v0+s30+$0x8450 ss:$0x1], $0xffff  }
.Ltmp18:
0x392: {  	(pc) =	sbr.rel @p0 .LBB2_39-.Ltmp18, $3  }
0x393: {  	v4 =	vadd.f32 v2, v4;
	v2 =	vld.idx.msk [tilespmem:v0+s30+$0x8460 ss:$0x1], $0xffff;
	_ =	sdelay $0x1  }
0x394: {  	v4 =	vadd.f32 v3, v4;
	v3 =	vld.idx.msk [tilespmem:v0+s30+$0x8470 ss:$0x1], $0xffff  }
0x395: {  	s30 =	sshra.s32 s31, $0x2;
	s31 =	sadd.s32 $0x2000, s31  }
0x396: {  	_ =	sdelay $0x2  }
0x397: {  	v1 =	vadd.f32 v1, v4  }
0x398: {  	v48 =	vld.idx.msk [tilespmem:v0+s30+$0x8000 ss:$0x1], $0xffff  }
0x399: {  	v1 =	vadd.f32 v2, v1  }
0x39a: {  	v49 =	vld.idx.msk [tilespmem:v0+s30+$0x8010 ss:$0x1], $0xffff  }
0x39b: {  	v1 =	vadd.f32 v3, v1  }
0x39c: {  	v50 =	vld.idx.msk [tilespmem:v0+s30+$0x8020 ss:$0x1], $0xffff  }
0x39d: {  	v1 =	vadd.f32 v48, v1  }
0x39e: {  	v51 =	vld.idx.msk [tilespmem:v0+s30+$0x8030 ss:$0x1], $0xffff  }
0x39f: {  	v1 =	vadd.f32 v49, v1  }
0x3a0: {  	v52 =	vld.idx.msk [tilespmem:v0+s30+$0x8040 ss:$0x1], $0xffff  }
0x3a1: {  	v1 =	vadd.f32 v50, v1  }
0x3a2: {  	v53 =	vld.idx.msk [tilespmem:v0+s30+$0x8050 ss:$0x1], $0xffff  }
0x3a3: {  	v1 =	vadd.f32 v51, v1  }
0x3a4: {  	v54 =	vld.idx.msk [tilespmem:v0+s30+$0x8060 ss:$0x1], $0xffff  }
0x3a5: {  	v1 =	vadd.f32 v52, v1  }
0x3a6: {  	v55 =	vld.idx.msk [tilespmem:v0+s30+$0x8070 ss:$0x1], $0xffff  }
0x3a7: {  	v1 =	vadd.f32 v53, v1  }
0x3a8: {  	v56 =	vld.idx.msk [tilespmem:v0+s30+$0x8400 ss:$0x1], $0xffff  }
0x3a9: {  	v1 =	vadd.f32 v54, v1  }
0x3aa: {  	v57 =	vld.idx.msk [tilespmem:v0+s30+$0x8410 ss:$0x1], $0xffff  }
0x3ab: {  	v1 =	vadd.f32 v55, v1  }
0x3ac: {  	v58 =	vld.idx.msk [tilespmem:v0+s30+$0x8420 ss:$0x1], $0xffff  }
0x3ad: {  	v1 =	vadd.f32 v56, v1  }
0x3ae: {  	v59 =	vld.idx.msk [tilespmem:v0+s30+$0x8430 ss:$0x1], $0xffff  }
0x3af: {  	v1 =	vadd.f32 v57, v1  }
0x3b0: {  	v60 =	vld.idx.msk [tilespmem:v0+s30+$0x8440 ss:$0x1], $0xffff  }
0x3b1: {  	v1 =	vadd.f32 v58, v1  }
0x3b2: {  	v61 =	vld.idx.msk [tilespmem:v0+s30+$0x8450 ss:$0x1], $0xffff  }
0x3b3: {  	v1 =	vadd.f32 v59, v1  }
0x3b4: {  	v62 =	vld.idx.msk [tilespmem:v0+s30+$0x8460 ss:$0x1], $0xffff  }
0x3b5: {  	v1 =	vadd.f32 v60, v1  }
0x3b6: {  	v63 =	vld.idx.msk [tilespmem:v0+s30+$0x8470 ss:$0x1], $0xffff  }
0x3b7: {  	s31 =	sshll.u32 s29, $0x7;
	s29 =	sadd.s32 $0x1, s29;
	v1 =	vadd.f32 v61, v1  }
0x3b8: {  	p0 =	sne.s32 s29, $0x8  }
.Ltmp19:
0x3b9: {  	v1 =	vadd.f32 v62, v1;
	(pc) =	sbr.rel @p0 .LBB2_38-.Ltmp19, $4  }
0x3ba: {  	_ = 	snop  }
0x3bb: {  	v0 =	vadd.f32 v63, v1  }
0x3bc: {  	s30 =	sand.u32 $0x3FFFFF80, s31  }
0x3bd: {  	s28 =	sadd.s32 $0x80, s28;
	[tilespmem:s30+$0x12400] =	vst v0  }
0x3be: {  	s28 =	simm.s32 $0x0  }
0x3bf: {  	[tilespmem:s21], [sflag:$0x2] =	stream.linear.gather [hbm4b:s14+s28], $0x8000, $0x38;
	[tilespmem:$0x14000] =	vst v63  }
0x3c0: {  	_ =	swait.ge [sflag:s22], $0x8000  }
0x3c1: {  	[sflag:s22] =	ssyncset.done $0x0  }
0x3c2: {  	s29 =	simm.s32 $0x470;
	[sflag:s22] =	ssyncadd.s32 $0xFFFF8000  }
.LBB2_42:
0x3c3: {  	v0 =	vmov s29;
	_ =	sdelay $0x3  }
0x3c4: {  	s30 =	simm.s32 $0x0  }
0x3c5: {  	v1 =	vld.idx.msk [tilespmem:v0+s30+$0xFFFFFB90 ss:$0x1], $0xffff;
	_ =	sdelay $0x1  }
0x3c6: {  	v2 =	vld.idx.msk [tilespmem:v0+s30+$0xFFFFFBA0 ss:$0x1], $0xffff;
	_ =	sdelay $0x1  }
0x3c7: {  	v3 =	vimm.f32 $0.0e+00;
	v4 =	vld.idx.msk [tilespmem:v0+s30+$0xFFFFFBB0 ss:$0x1], $0xffff  }
0x3c8: {  	v1 =	vadd.f32 v1, v3  }
0x3c9: {  	v3 =	vld.idx.msk [tilespmem:v0+s30+$0xFFFFFBC0 ss:$0x1], $0xffff  }
0x3ca: {  	v1 =	vadd.f32 v2, v1  }
0x3cb: {  	v2 =	vld.idx.msk [tilespmem:v0+s30+$0xFFFFFBD0 ss:$0x1], $0xffff  }
0x3cc: {  	v1 =	vadd.f32 v4, v1  }
0x3cd: {  	v4 =	vld.idx.msk [tilespmem:v0+s30+$0xFFFFFBE0 ss:$0x1], $0xffff  }
0x3ce: {  	v1 =	vadd.f32 v3, v1  }
0x3cf: {  	v3 =	vld.idx.msk [tilespmem:v0+s30+$0xFFFFFBF0 ss:$0x1], $0xffff  }
0x3d0: {  	v1 =	vadd.f32 v2, v1  }
0x3d1: {  	v2 =	vld.idx.msk [tilespmem:v0+s30+$0xFFFFFC00 ss:$0x1], $0xffff  }
0x3d2: {  	v1 =	vadd.f32 v4, v1  }
0x3d3: {  	v4 =	vld.idx.msk [tilespmem:v0+s30+$0xFFFFFF90 ss:$0x1], $0xffff  }
0x3d4: {  	v1 =	vadd.f32 v3, v1  }
0x3d5: {  	v3 =	vld.idx.msk [tilespmem:v0+s30+$0xFFFFFFA0 ss:$0x1], $0xffff  }
0x3d6: {  	v1 =	vadd.f32 v2, v1  }
0x3d7: {  	v2 =	vld.idx.msk [tilespmem:v0+s30+$0xFFFFFFB0 ss:$0x1], $0xffff  }
0x3d8: {  	v1 =	vadd.f32 v4, v1  }
0x3d9: {  	v4 =	vld.idx.msk [tilespmem:v0+s30+$0xFFFFFFC0 ss:$0x1], $0xffff  }
0x3da: {  	v1 =	vadd.f32 v3, v1  }
0x3db: {  	v3 =	vld.idx.msk [tilespmem:v0+s30+$0xFFFFFFD0 ss:$0x1], $0xffff  }
0x3dc: {  	v2 =	vadd.f32 v2, v1  }
0x3dd: {  	v1 =	vld.idx.msk [tilespmem:v0+s30+$0xFFFFFFE0 ss:$0x1], $0xffff  }
0x3de: {  	v4 =	vadd.f32 v4, v2  }
0x3df: {  	v2 =	vld.idx.msk [tilespmem:v0+s30+$0xFFFFFFF0 ss:$0x1], $0xffff  }
0x3e0: {  	v4 =	vadd.f32 v3, v4  }
0x3e1: {  	s31 =	simm.s32 $0x4000;
	v3 =	vld.idx.msk [tilespmem:v0+s30+$0x0 ss:$0x1], $0xffff;
	s30 =	simm.s32 $0x800  }
.LBB2_43:
0x3e2: {  	p0 =	sne.s32 s31, $0x1E000;
	v5 =	vld.idx.msk [tilespmem:v0+s30+$0xFFFFFB90 ss:$0x1], $0xffff;
	v1 =	vadd.f32 v1, v4;
	_ =	sdelay $0x1  }
0x3e3: {  	v4 =	vld.idx.msk [tilespmem:v0+s30+$0xFFFFFBA0 ss:$0x1], $0xffff;
	v1 =	vadd.f32 v2, v1;
	_ =	sdelay $0x1  }
0x3e4: {  	v2 =	vld.idx.msk [tilespmem:v0+s30+$0xFFFFFBB0 ss:$0x1], $0xffff;
	v1 =	vadd.f32 v3, v1;
	_ =	sdelay $0x1  }
0x3e5: {  	v1 =	vadd.f32 v5, v1;
	v3 =	vld.idx.msk [tilespmem:v0+s30+$0xFFFFFBC0 ss:$0x1], $0xffff;
	_ =	sdelay $0x1  }
0x3e6: {  	v1 =	vadd.f32 v4, v1;
	v4 =	vld.idx.msk [tilespmem:v0+s30+$0xFFFFFBD0 ss:$0x1], $0xffff;
	_ =	sdelay $0x1  }
0x3e7: {  	v1 =	vadd.f32 v2, v1;
	v2 =	vld.idx.msk [tilespmem:v0+s30+$0xFFFFFBE0 ss:$0x1], $0xffff;
	_ =	sdelay $0x1  }
0x3e8: {  	v1 =	vadd.f32 v3, v1;
	v3 =	vld.idx.msk [tilespmem:v0+s30+$0xFFFFFBF0 ss:$0x1], $0xffff;
	_ =	sdelay $0x1  }
0x3e9: {  	v1 =	vadd.f32 v4, v1;
	v4 =	vld.idx.msk [tilespmem:v0+s30+$0xFFFFFC00 ss:$0x1], $0xffff;
	_ =	sdelay $0x1  }
0x3ea: {  	v1 =	vadd.f32 v2, v1;
	v2 =	vld.idx.msk [tilespmem:v0+s30+$0xFFFFFF90 ss:$0x1], $0xffff;
	_ =	sdelay $0x1  }
0x3eb: {  	v1 =	vadd.f32 v3, v1;
	v3 =	vld.idx.msk [tilespmem:v0+s30+$0xFFFFFFA0 ss:$0x1], $0xffff;
	_ =	sdelay $0x1  }
0x3ec: {  	v1 =	vadd.f32 v4, v1;
	v4 =	vld.idx.msk [tilespmem:v0+s30+$0xFFFFFFB0 ss:$0x1], $0xffff;
	_ =	sdelay $0x1  }
0x3ed: {  	v1 =	vadd.f32 v2, v1;
	v2 =	vld.idx.msk [tilespmem:v0+s30+$0xFFFFFFC0 ss:$0x1], $0xffff;
	_ =	sdelay $0x1  }
0x3ee: {  	v1 =	vadd.f32 v3, v1;
	v3 =	vld.idx.msk [tilespmem:v0+s30+$0xFFFFFFD0 ss:$0x1], $0xffff;
	_ =	sdelay $0x1  }
0x3ef: {  	v4 =	vadd.f32 v4, v1;
	v1 =	vld.idx.msk [tilespmem:v0+s30+$0xFFFFFFE0 ss:$0x1], $0xffff  }
.Ltmp20:
0x3f0: {  	(pc) =	sbr.rel @p0 .LBB2_43-.Ltmp20, $3  }
0x3f1: {  	v4 =	vadd.f32 v2, v4;
	v2 =	vld.idx.msk [tilespmem:v0+s30+$0xFFFFFFF0 ss:$0x1], $0xffff;
	_ =	sdelay $0x1  }
0x3f2: {  	v4 =	vadd.f32 v3, v4;
	v3 =	vld.idx.msk [tilespmem:v0+s30+$0x0 ss:$0x1], $0xffff  }
0x3f3: {  	s30 =	sshra.s32 s31, $0x2;
	s31 =	sadd.s32 $0x2000, s31  }
0x3f4: {  	_ =	sdelay $0x2  }
0x3f5: {  	v1 =	vadd.f32 v1, v4  }
0x3f6: {  	v48 =	vld.idx.msk [tilespmem:v0+s30+$0xFFFFFB90 ss:$0x1], $0xffff  }
0x3f7: {  	v1 =	vadd.f32 v2, v1  }
0x3f8: {  	v49 =	vld.idx.msk [tilespmem:v0+s30+$0xFFFFFBA0 ss:$0x1], $0xffff  }
0x3f9: {  	v1 =	vadd.f32 v3, v1  }
0x3fa: {  	v50 =	vld.idx.msk [tilespmem:v0+s30+$0xFFFFFBB0 ss:$0x1], $0xffff  }
0x3fb: {  	v1 =	vadd.f32 v48, v1  }
0x3fc: {  	v51 =	vld.idx.msk [tilespmem:v0+s30+$0xFFFFFBC0 ss:$0x1], $0xffff  }
0x3fd: {  	v1 =	vadd.f32 v49, v1  }
0x3fe: {  	v52 =	vld.idx.msk [tilespmem:v0+s30+$0xFFFFFBD0 ss:$0x1], $0xffff  }
0x3ff: {  	v1 =	vadd.f32 v50, v1  }
0x400: {  	v53 =	vld.idx.msk [tilespmem:v0+s30+$0xFFFFFBE0 ss:$0x1], $0xffff  }
0x401: {  	v1 =	vadd.f32 v51, v1  }
0x402: {  	v54 =	vld.idx.msk [tilespmem:v0+s30+$0xFFFFFBF0 ss:$0x1], $0xffff  }
0x403: {  	v1 =	vadd.f32 v52, v1  }
0x404: {  	v55 =	vld.idx.msk [tilespmem:v0+s30+$0xFFFFFC00 ss:$0x1], $0xffff  }
0x405: {  	v1 =	vadd.f32 v53, v1  }
0x406: {  	v56 =	vld.idx.msk [tilespmem:v0+s30+$0xFFFFFF90 ss:$0x1], $0xffff  }
0x407: {  	v1 =	vadd.f32 v54, v1  }
0x408: {  	v57 =	vld.idx.msk [tilespmem:v0+s30+$0xFFFFFFA0 ss:$0x1], $0xffff  }
0x409: {  	v1 =	vadd.f32 v55, v1  }
0x40a: {  	v58 =	vld.idx.msk [tilespmem:v0+s30+$0xFFFFFFB0 ss:$0x1], $0xffff  }
0x40b: {  	v1 =	vadd.f32 v56, v1  }
0x40c: {  	v59 =	vld.idx.msk [tilespmem:v0+s30+$0xFFFFFFC0 ss:$0x1], $0xffff  }
0x40d: {  	v1 =	vadd.f32 v57, v1  }
0x40e: {  	v60 =	vld.idx.msk [tilespmem:v0+s30+$0xFFFFFFD0 ss:$0x1], $0xffff  }
0x40f: {  	v1 =	vadd.f32 v58, v1  }
0x410: {  	v61 =	vld.idx.msk [tilespmem:v0+s30+$0xFFFFFFE0 ss:$0x1], $0xffff  }
0x411: {  	v1 =	vadd.f32 v59, v1  }
0x412: {  	v62 =	vld.idx.msk [tilespmem:v0+s30+$0xFFFFFFF0 ss:$0x1], $0xffff  }
0x413: {  	v1 =	vadd.f32 v60, v1  }
0x414: {  	v63 =	vld.idx.msk [tilespmem:v0+s30+$0x0 ss:$0x1], $0xffff  }
0x415: {  	s31 =	sshll.u32 s28, $0x7;
	s28 =	sadd.s32 $0x1, s28;
	v1 =	vadd.f32 v61, v1  }
0x416: {  	p0 =	sne.s32 s28, $0x8  }
.Ltmp21:
0x417: {  	v1 =	vadd.f32 v62, v1;
	(pc) =	sbr.rel @p0 .LBB2_42-.Ltmp21, $4  }
0x418: {  	_ = 	snop  }
0x419: {  	v0 =	vadd.f32 v63, v1  }
0x41a: {  	s30 =	sand.u32 $0x3FFFFF80, s31  }
0x41b: {  	s29 =	sadd.s32 $0x80, s29;
	[tilespmem:s30+$0x12800] =	vst v0  }
0x41c: {  	s28 =	simm.s32 $0x0  }
0x41d: {  	[tilespmem:s28], [sflag:$0x1] =	stream.linear.gather [hbm4b:s15+s28], $0x8000, $0x38;
	[tilespmem:$0x14000] =	vst v63  }
0x41e: {  	_ =	swait.ge [sflag:s23], $0x8000  }
0x41f: {  	[sflag:s23] =	ssyncset.done $0x0  }
0x420: {  	s29 =	simm.s32 $0x0;
	[sflag:s23] =	ssyncadd.s32 $0xFFFF8000  }
.LBB2_46:
0x421: {  	v0 =	vmov s28;
	_ =	sdelay $0x3  }
0x422: {  	s30 =	simm.s32 $0x0  }
0x423: {  	v1 =	vld.idx.msk [tilespmem:v0+s30+$0x8000 ss:$0x1], $0xffff;
	_ =	sdelay $0x1  }
0x424: {  	v2 =	vld.idx.msk [tilespmem:v0+s30+$0x8010 ss:$0x1], $0xffff;
	_ =	sdelay $0x1  }
0x425: {  	v3 =	vimm.f32 $0.0e+00;
	v4 =	vld.idx.msk [tilespmem:v0+s30+$0x8020 ss:$0x1], $0xffff  }
0x426: {  	v1 =	vadd.f32 v1, v3  }
0x427: {  	v3 =	vld.idx.msk [tilespmem:v0+s30+$0x8030 ss:$0x1], $0xffff  }
0x428: {  	v1 =	vadd.f32 v2, v1  }
0x429: {  	v2 =	vld.idx.msk [tilespmem:v0+s30+$0x8040 ss:$0x1], $0xffff  }
0x42a: {  	v1 =	vadd.f32 v4, v1  }
0x42b: {  	v4 =	vld.idx.msk [tilespmem:v0+s30+$0x8050 ss:$0x1], $0xffff  }
0x42c: {  	v1 =	vadd.f32 v3, v1  }
0x42d: {  	v3 =	vld.idx.msk [tilespmem:v0+s30+$0x8060 ss:$0x1], $0xffff  }
0x42e: {  	v1 =	vadd.f32 v2, v1  }
0x42f: {  	v2 =	vld.idx.msk [tilespmem:v0+s30+$0x8070 ss:$0x1], $0xffff  }
0x430: {  	v1 =	vadd.f32 v4, v1  }
0x431: {  	v4 =	vld.idx.msk [tilespmem:v0+s30+$0x8400 ss:$0x1], $0xffff  }
0x432: {  	v1 =	vadd.f32 v3, v1  }
0x433: {  	v3 =	vld.idx.msk [tilespmem:v0+s30+$0x8410 ss:$0x1], $0xffff  }
0x434: {  	v1 =	vadd.f32 v2, v1  }
0x435: {  	v2 =	vld.idx.msk [tilespmem:v0+s30+$0x8420 ss:$0x1], $0xffff  }
0x436: {  	v1 =	vadd.f32 v4, v1  }
0x437: {  	v4 =	vld.idx.msk [tilespmem:v0+s30+$0x8430 ss:$0x1], $0xffff  }
0x438: {  	v1 =	vadd.f32 v3, v1  }
0x439: {  	v3 =	vld.idx.msk [tilespmem:v0+s30+$0x8440 ss:$0x1], $0xffff  }
0x43a: {  	v2 =	vadd.f32 v2, v1  }
0x43b: {  	v1 =	vld.idx.msk [tilespmem:v0+s30+$0x8450 ss:$0x1], $0xffff  }
0x43c: {  	v4 =	vadd.f32 v4, v2  }
0x43d: {  	v2 =	vld.idx.msk [tilespmem:v0+s30+$0x8460 ss:$0x1], $0xffff  }
0x43e: {  	v4 =	vadd.f32 v3, v4  }
0x43f: {  	s31 =	simm.s32 $0x4000;
	v3 =	vld.idx.msk [tilespmem:v0+s30+$0x8470 ss:$0x1], $0xffff;
	s30 =	simm.s32 $0x800  }
.LBB2_47:
0x440: {  	p0 =	sne.s32 s31, $0x1E000;
	v5 =	vld.idx.msk [tilespmem:v0+s30+$0x8000 ss:$0x1], $0xffff;
	v1 =	vadd.f32 v1, v4;
	_ =	sdelay $0x1  }
0x441: {  	v4 =	vld.idx.msk [tilespmem:v0+s30+$0x8010 ss:$0x1], $0xffff;
	v1 =	vadd.f32 v2, v1;
	_ =	sdelay $0x1  }
0x442: {  	v2 =	vld.idx.msk [tilespmem:v0+s30+$0x8020 ss:$0x1], $0xffff;
	v1 =	vadd.f32 v3, v1;
	_ =	sdelay $0x1  }
0x443: {  	v1 =	vadd.f32 v5, v1;
	v3 =	vld.idx.msk [tilespmem:v0+s30+$0x8030 ss:$0x1], $0xffff;
	_ =	sdelay $0x1  }
0x444: {  	v1 =	vadd.f32 v4, v1;
	v4 =	vld.idx.msk [tilespmem:v0+s30+$0x8040 ss:$0x1], $0xffff;
	_ =	sdelay $0x1  }
0x445: {  	v1 =	vadd.f32 v2, v1;
	v2 =	vld.idx.msk [tilespmem:v0+s30+$0x8050 ss:$0x1], $0xffff;
	_ =	sdelay $0x1  }
0x446: {  	v1 =	vadd.f32 v3, v1;
	v3 =	vld.idx.msk [tilespmem:v0+s30+$0x8060 ss:$0x1], $0xffff;
	_ =	sdelay $0x1  }
0x447: {  	v1 =	vadd.f32 v4, v1;
	v4 =	vld.idx.msk [tilespmem:v0+s30+$0x8070 ss:$0x1], $0xffff;
	_ =	sdelay $0x1  }
0x448: {  	v1 =	vadd.f32 v2, v1;
	v2 =	vld.idx.msk [tilespmem:v0+s30+$0x8400 ss:$0x1], $0xffff;
	_ =	sdelay $0x1  }
0x449: {  	v1 =	vadd.f32 v3, v1;
	v3 =	vld.idx.msk [tilespmem:v0+s30+$0x8410 ss:$0x1], $0xffff;
	_ =	sdelay $0x1  }
0x44a: {  	v1 =	vadd.f32 v4, v1;
	v4 =	vld.idx.msk [tilespmem:v0+s30+$0x8420 ss:$0x1], $0xffff;
	_ =	sdelay $0x1  }
0x44b: {  	v1 =	vadd.f32 v2, v1;
	v2 =	vld.idx.msk [tilespmem:v0+s30+$0x8430 ss:$0x1], $0xffff;
	_ =	sdelay $0x1  }
0x44c: {  	v1 =	vadd.f32 v3, v1;
	v3 =	vld.idx.msk [tilespmem:v0+s30+$0x8440 ss:$0x1], $0xffff;
	_ =	sdelay $0x1  }
0x44d: {  	v4 =	vadd.f32 v4, v1;
	v1 =	vld.idx.msk [tilespmem:v0+s30+$0x8450 ss:$0x1], $0xffff  }
.Ltmp22:
0x44e: {  	(pc) =	sbr.rel @p0 .LBB2_47-.Ltmp22, $3  }
0x44f: {  	v4 =	vadd.f32 v2, v4;
	v2 =	vld.idx.msk [tilespmem:v0+s30+$0x8460 ss:$0x1], $0xffff;
	_ =	sdelay $0x1  }
0x450: {  	v4 =	vadd.f32 v3, v4;
	v3 =	vld.idx.msk [tilespmem:v0+s30+$0x8470 ss:$0x1], $0xffff  }
0x451: {  	s30 =	sshra.s32 s31, $0x2;
	s31 =	sadd.s32 $0x2000, s31  }
0x452: {  	_ =	sdelay $0x2  }
0x453: {  	v1 =	vadd.f32 v1, v4  }
0x454: {  	v48 =	vld.idx.msk [tilespmem:v0+s30+$0x8000 ss:$0x1], $0xffff  }
0x455: {  	v1 =	vadd.f32 v2, v1  }
0x456: {  	v49 =	vld.idx.msk [tilespmem:v0+s30+$0x8010 ss:$0x1], $0xffff  }
0x457: {  	v1 =	vadd.f32 v3, v1  }
0x458: {  	v50 =	vld.idx.msk [tilespmem:v0+s30+$0x8020 ss:$0x1], $0xffff  }
0x459: {  	v1 =	vadd.f32 v48, v1  }
0x45a: {  	v51 =	vld.idx.msk [tilespmem:v0+s30+$0x8030 ss:$0x1], $0xffff  }
0x45b: {  	v1 =	vadd.f32 v49, v1  }
0x45c: {  	v52 =	vld.idx.msk [tilespmem:v0+s30+$0x8040 ss:$0x1], $0xffff  }
0x45d: {  	v1 =	vadd.f32 v50, v1  }
0x45e: {  	v53 =	vld.idx.msk [tilespmem:v0+s30+$0x8050 ss:$0x1], $0xffff  }
0x45f: {  	v1 =	vadd.f32 v51, v1  }
0x460: {  	v54 =	vld.idx.msk [tilespmem:v0+s30+$0x8060 ss:$0x1], $0xffff  }
0x461: {  	v1 =	vadd.f32 v52, v1  }
0x462: {  	v55 =	vld.idx.msk [tilespmem:v0+s30+$0x8070 ss:$0x1], $0xffff  }
0x463: {  	v1 =	vadd.f32 v53, v1  }
0x464: {  	v56 =	vld.idx.msk [tilespmem:v0+s30+$0x8400 ss:$0x1], $0xffff  }
0x465: {  	v1 =	vadd.f32 v54, v1  }
0x466: {  	v57 =	vld.idx.msk [tilespmem:v0+s30+$0x8410 ss:$0x1], $0xffff  }
0x467: {  	v1 =	vadd.f32 v55, v1  }
0x468: {  	v58 =	vld.idx.msk [tilespmem:v0+s30+$0x8420 ss:$0x1], $0xffff  }
0x469: {  	v1 =	vadd.f32 v56, v1  }
0x46a: {  	v59 =	vld.idx.msk [tilespmem:v0+s30+$0x8430 ss:$0x1], $0xffff  }
0x46b: {  	v1 =	vadd.f32 v57, v1  }
0x46c: {  	v60 =	vld.idx.msk [tilespmem:v0+s30+$0x8440 ss:$0x1], $0xffff  }
0x46d: {  	v1 =	vadd.f32 v58, v1  }
0x46e: {  	v61 =	vld.idx.msk [tilespmem:v0+s30+$0x8450 ss:$0x1], $0xffff  }
0x46f: {  	v1 =	vadd.f32 v59, v1  }
0x470: {  	v62 =	vld.idx.msk [tilespmem:v0+s30+$0x8460 ss:$0x1], $0xffff  }
0x471: {  	v1 =	vadd.f32 v60, v1  }
0x472: {  	v63 =	vld.idx.msk [tilespmem:v0+s30+$0x8470 ss:$0x1], $0xffff  }
0x473: {  	s31 =	sshll.u32 s29, $0x7;
	s29 =	sadd.s32 $0x1, s29;
	v1 =	vadd.f32 v61, v1  }
0x474: {  	p0 =	sne.s32 s29, $0x8  }
.Ltmp23:
0x475: {  	v1 =	vadd.f32 v62, v1;
	(pc) =	sbr.rel @p0 .LBB2_46-.Ltmp23, $4  }
0x476: {  	_ = 	snop  }
0x477: {  	v0 =	vadd.f32 v63, v1  }
0x478: {  	s30 =	sand.u32 $0x3FFFFF80, s31  }
0x479: {  	s28 =	sadd.s32 $0x80, s28;
	[tilespmem:s30+$0x12C00] =	vst v0  }
0x47a: {  	s28 =	simm.s32 $0x0  }
0x47b: {  	[tilespmem:s21], [sflag:$0x2] =	stream.linear.gather [hbm4b:s16+s28], $0x8000, $0x38;
	[tilespmem:$0x14000] =	vst v63  }
0x47c: {  	_ =	swait.ge [sflag:s22], $0x8000  }
0x47d: {  	[sflag:s22] =	ssyncset.done $0x0  }
0x47e: {  	s29 =	simm.s32 $0x470;
	[sflag:s22] =	ssyncadd.s32 $0xFFFF8000  }
.LBB2_50:
0x47f: {  	v0 =	vmov s29;
	_ =	sdelay $0x3  }
0x480: {  	s30 =	simm.s32 $0x0  }
0x481: {  	v1 =	vld.idx.msk [tilespmem:v0+s30+$0xFFFFFB90 ss:$0x1], $0xffff;
	_ =	sdelay $0x1  }
0x482: {  	v2 =	vld.idx.msk [tilespmem:v0+s30+$0xFFFFFBA0 ss:$0x1], $0xffff;
	_ =	sdelay $0x1  }
0x483: {  	v3 =	vimm.f32 $0.0e+00;
	v4 =	vld.idx.msk [tilespmem:v0+s30+$0xFFFFFBB0 ss:$0x1], $0xffff  }
0x484: {  	v1 =	vadd.f32 v1, v3  }
0x485: {  	v3 =	vld.idx.msk [tilespmem:v0+s30+$0xFFFFFBC0 ss:$0x1], $0xffff  }
0x486: {  	v1 =	vadd.f32 v2, v1  }
0x487: {  	v2 =	vld.idx.msk [tilespmem:v0+s30+$0xFFFFFBD0 ss:$0x1], $0xffff  }
0x488: {  	v1 =	vadd.f32 v4, v1  }
0x489: {  	v4 =	vld.idx.msk [tilespmem:v0+s30+$0xFFFFFBE0 ss:$0x1], $0xffff  }
0x48a: {  	v1 =	vadd.f32 v3, v1  }
0x48b: {  	v3 =	vld.idx.msk [tilespmem:v0+s30+$0xFFFFFBF0 ss:$0x1], $0xffff  }
0x48c: {  	v1 =	vadd.f32 v2, v1  }
0x48d: {  	v2 =	vld.idx.msk [tilespmem:v0+s30+$0xFFFFFC00 ss:$0x1], $0xffff  }
0x48e: {  	v1 =	vadd.f32 v4, v1  }
0x48f: {  	v4 =	vld.idx.msk [tilespmem:v0+s30+$0xFFFFFF90 ss:$0x1], $0xffff  }
0x490: {  	v1 =	vadd.f32 v3, v1  }
0x491: {  	v3 =	vld.idx.msk [tilespmem:v0+s30+$0xFFFFFFA0 ss:$0x1], $0xffff  }
0x492: {  	v1 =	vadd.f32 v2, v1  }
0x493: {  	v2 =	vld.idx.msk [tilespmem:v0+s30+$0xFFFFFFB0 ss:$0x1], $0xffff  }
0x494: {  	v1 =	vadd.f32 v4, v1  }
0x495: {  	v4 =	vld.idx.msk [tilespmem:v0+s30+$0xFFFFFFC0 ss:$0x1], $0xffff  }
0x496: {  	v1 =	vadd.f32 v3, v1  }
0x497: {  	v3 =	vld.idx.msk [tilespmem:v0+s30+$0xFFFFFFD0 ss:$0x1], $0xffff  }
0x498: {  	v2 =	vadd.f32 v2, v1  }
0x499: {  	v1 =	vld.idx.msk [tilespmem:v0+s30+$0xFFFFFFE0 ss:$0x1], $0xffff  }
0x49a: {  	v4 =	vadd.f32 v4, v2  }
0x49b: {  	v2 =	vld.idx.msk [tilespmem:v0+s30+$0xFFFFFFF0 ss:$0x1], $0xffff  }
0x49c: {  	v4 =	vadd.f32 v3, v4  }
0x49d: {  	s31 =	simm.s32 $0x4000;
	v3 =	vld.idx.msk [tilespmem:v0+s30+$0x0 ss:$0x1], $0xffff;
	s30 =	simm.s32 $0x800  }
.LBB2_51:
0x49e: {  	p0 =	sne.s32 s31, $0x1E000;
	v5 =	vld.idx.msk [tilespmem:v0+s30+$0xFFFFFB90 ss:$0x1], $0xffff;
	v1 =	vadd.f32 v1, v4;
	_ =	sdelay $0x1  }
0x49f: {  	v4 =	vld.idx.msk [tilespmem:v0+s30+$0xFFFFFBA0 ss:$0x1], $0xffff;
	v1 =	vadd.f32 v2, v1;
	_ =	sdelay $0x1  }
0x4a0: {  	v2 =	vld.idx.msk [tilespmem:v0+s30+$0xFFFFFBB0 ss:$0x1], $0xffff;
	v1 =	vadd.f32 v3, v1;
	_ =	sdelay $0x1  }
0x4a1: {  	v1 =	vadd.f32 v5, v1;
	v3 =	vld.idx.msk [tilespmem:v0+s30+$0xFFFFFBC0 ss:$0x1], $0xffff;
	_ =	sdelay $0x1  }
0x4a2: {  	v1 =	vadd.f32 v4, v1;
	v4 =	vld.idx.msk [tilespmem:v0+s30+$0xFFFFFBD0 ss:$0x1], $0xffff;
	_ =	sdelay $0x1  }
0x4a3: {  	v1 =	vadd.f32 v2, v1;
	v2 =	vld.idx.msk [tilespmem:v0+s30+$0xFFFFFBE0 ss:$0x1], $0xffff;
	_ =	sdelay $0x1  }
0x4a4: {  	v1 =	vadd.f32 v3, v1;
	v3 =	vld.idx.msk [tilespmem:v0+s30+$0xFFFFFBF0 ss:$0x1], $0xffff;
	_ =	sdelay $0x1  }
0x4a5: {  	v1 =	vadd.f32 v4, v1;
	v4 =	vld.idx.msk [tilespmem:v0+s30+$0xFFFFFC00 ss:$0x1], $0xffff;
	_ =	sdelay $0x1  }
0x4a6: {  	v1 =	vadd.f32 v2, v1;
	v2 =	vld.idx.msk [tilespmem:v0+s30+$0xFFFFFF90 ss:$0x1], $0xffff;
	_ =	sdelay $0x1  }
0x4a7: {  	v1 =	vadd.f32 v3, v1;
	v3 =	vld.idx.msk [tilespmem:v0+s30+$0xFFFFFFA0 ss:$0x1], $0xffff;
	_ =	sdelay $0x1  }
0x4a8: {  	v1 =	vadd.f32 v4, v1;
	v4 =	vld.idx.msk [tilespmem:v0+s30+$0xFFFFFFB0 ss:$0x1], $0xffff;
	_ =	sdelay $0x1  }
0x4a9: {  	v1 =	vadd.f32 v2, v1;
	v2 =	vld.idx.msk [tilespmem:v0+s30+$0xFFFFFFC0 ss:$0x1], $0xffff;
	_ =	sdelay $0x1  }
0x4aa: {  	v1 =	vadd.f32 v3, v1;
	v3 =	vld.idx.msk [tilespmem:v0+s30+$0xFFFFFFD0 ss:$0x1], $0xffff;
	_ =	sdelay $0x1  }
0x4ab: {  	v4 =	vadd.f32 v4, v1;
	v1 =	vld.idx.msk [tilespmem:v0+s30+$0xFFFFFFE0 ss:$0x1], $0xffff  }
.Ltmp24:
0x4ac: {  	(pc) =	sbr.rel @p0 .LBB2_51-.Ltmp24, $3  }
0x4ad: {  	v4 =	vadd.f32 v2, v4;
	v2 =	vld.idx.msk [tilespmem:v0+s30+$0xFFFFFFF0 ss:$0x1], $0xffff;
	_ =	sdelay $0x1  }
0x4ae: {  	v4 =	vadd.f32 v3, v4;
	v3 =	vld.idx.msk [tilespmem:v0+s30+$0x0 ss:$0x1], $0xffff  }
0x4af: {  	s30 =	sshra.s32 s31, $0x2;
	s31 =	sadd.s32 $0x2000, s31  }
0x4b0: {  	_ =	sdelay $0x2  }
0x4b1: {  	v1 =	vadd.f32 v1, v4  }
0x4b2: {  	v48 =	vld.idx.msk [tilespmem:v0+s30+$0xFFFFFB90 ss:$0x1], $0xffff  }
0x4b3: {  	v1 =	vadd.f32 v2, v1  }
0x4b4: {  	v49 =	vld.idx.msk [tilespmem:v0+s30+$0xFFFFFBA0 ss:$0x1], $0xffff  }
0x4b5: {  	v1 =	vadd.f32 v3, v1  }
0x4b6: {  	v50 =	vld.idx.msk [tilespmem:v0+s30+$0xFFFFFBB0 ss:$0x1], $0xffff  }
0x4b7: {  	v1 =	vadd.f32 v48, v1  }
0x4b8: {  	v51 =	vld.idx.msk [tilespmem:v0+s30+$0xFFFFFBC0 ss:$0x1], $0xffff  }
0x4b9: {  	v1 =	vadd.f32 v49, v1  }
0x4ba: {  	v52 =	vld.idx.msk [tilespmem:v0+s30+$0xFFFFFBD0 ss:$0x1], $0xffff  }
0x4bb: {  	v1 =	vadd.f32 v50, v1  }
0x4bc: {  	v53 =	vld.idx.msk [tilespmem:v0+s30+$0xFFFFFBE0 ss:$0x1], $0xffff  }
0x4bd: {  	v1 =	vadd.f32 v51, v1  }
0x4be: {  	v54 =	vld.idx.msk [tilespmem:v0+s30+$0xFFFFFBF0 ss:$0x1], $0xffff  }
0x4bf: {  	v1 =	vadd.f32 v52, v1  }
0x4c0: {  	v55 =	vld.idx.msk [tilespmem:v0+s30+$0xFFFFFC00 ss:$0x1], $0xffff  }
0x4c1: {  	v1 =	vadd.f32 v53, v1  }
0x4c2: {  	v56 =	vld.idx.msk [tilespmem:v0+s30+$0xFFFFFF90 ss:$0x1], $0xffff  }
0x4c3: {  	v1 =	vadd.f32 v54, v1  }
0x4c4: {  	v57 =	vld.idx.msk [tilespmem:v0+s30+$0xFFFFFFA0 ss:$0x1], $0xffff  }
0x4c5: {  	v1 =	vadd.f32 v55, v1  }
0x4c6: {  	v58 =	vld.idx.msk [tilespmem:v0+s30+$0xFFFFFFB0 ss:$0x1], $0xffff  }
0x4c7: {  	v1 =	vadd.f32 v56, v1  }
0x4c8: {  	v59 =	vld.idx.msk [tilespmem:v0+s30+$0xFFFFFFC0 ss:$0x1], $0xffff  }
0x4c9: {  	v1 =	vadd.f32 v57, v1  }
0x4ca: {  	v60 =	vld.idx.msk [tilespmem:v0+s30+$0xFFFFFFD0 ss:$0x1], $0xffff  }
0x4cb: {  	v1 =	vadd.f32 v58, v1  }
0x4cc: {  	v61 =	vld.idx.msk [tilespmem:v0+s30+$0xFFFFFFE0 ss:$0x1], $0xffff  }
0x4cd: {  	v1 =	vadd.f32 v59, v1  }
0x4ce: {  	v62 =	vld.idx.msk [tilespmem:v0+s30+$0xFFFFFFF0 ss:$0x1], $0xffff  }
0x4cf: {  	v1 =	vadd.f32 v60, v1  }
0x4d0: {  	v63 =	vld.idx.msk [tilespmem:v0+s30+$0x0 ss:$0x1], $0xffff  }
0x4d1: {  	s31 =	sshll.u32 s28, $0x7;
	s28 =	sadd.s32 $0x1, s28;
	v1 =	vadd.f32 v61, v1  }
0x4d2: {  	p0 =	sne.s32 s28, $0x8  }
.Ltmp25:
0x4d3: {  	v1 =	vadd.f32 v62, v1;
	(pc) =	sbr.rel @p0 .LBB2_50-.Ltmp25, $4  }
0x4d4: {  	_ = 	snop  }
0x4d5: {  	v0 =	vadd.f32 v63, v1  }
0x4d6: {  	s30 =	sand.u32 $0x3FFFFF80, s31  }
0x4d7: {  	s29 =	sadd.s32 $0x80, s29;
	[tilespmem:s30+$0x13000] =	vst v0  }
0x4d8: {  	s28 =	simm.s32 $0x0  }
0x4d9: {  	[tilespmem:s28], [sflag:$0x1] =	stream.linear.gather [hbm4b:s17+s28], $0x8000, $0x38;
	[tilespmem:$0x14000] =	vst v63  }
0x4da: {  	_ =	swait.ge [sflag:s23], $0x8000  }
0x4db: {  	[sflag:s23] =	ssyncset.done $0x0  }
0x4dc: {  	s29 =	simm.s32 $0x0;
	[sflag:s23] =	ssyncadd.s32 $0xFFFF8000  }
.LBB2_54:
0x4dd: {  	v0 =	vmov s28;
	_ =	sdelay $0x3  }
0x4de: {  	s30 =	simm.s32 $0x0  }
0x4df: {  	v1 =	vld.idx.msk [tilespmem:v0+s30+$0x8000 ss:$0x1], $0xffff;
	_ =	sdelay $0x1  }
0x4e0: {  	v2 =	vld.idx.msk [tilespmem:v0+s30+$0x8010 ss:$0x1], $0xffff;
	_ =	sdelay $0x1  }
0x4e1: {  	v3 =	vimm.f32 $0.0e+00;
	v4 =	vld.idx.msk [tilespmem:v0+s30+$0x8020 ss:$0x1], $0xffff  }
0x4e2: {  	v1 =	vadd.f32 v1, v3  }
0x4e3: {  	v3 =	vld.idx.msk [tilespmem:v0+s30+$0x8030 ss:$0x1], $0xffff  }
0x4e4: {  	v1 =	vadd.f32 v2, v1  }
0x4e5: {  	v2 =	vld.idx.msk [tilespmem:v0+s30+$0x8040 ss:$0x1], $0xffff  }
0x4e6: {  	v1 =	vadd.f32 v4, v1  }
0x4e7: {  	v4 =	vld.idx.msk [tilespmem:v0+s30+$0x8050 ss:$0x1], $0xffff  }
0x4e8: {  	v1 =	vadd.f32 v3, v1  }
0x4e9: {  	v3 =	vld.idx.msk [tilespmem:v0+s30+$0x8060 ss:$0x1], $0xffff  }
0x4ea: {  	v1 =	vadd.f32 v2, v1  }
0x4eb: {  	v2 =	vld.idx.msk [tilespmem:v0+s30+$0x8070 ss:$0x1], $0xffff  }
0x4ec: {  	v1 =	vadd.f32 v4, v1  }
0x4ed: {  	v4 =	vld.idx.msk [tilespmem:v0+s30+$0x8400 ss:$0x1], $0xffff  }
0x4ee: {  	v1 =	vadd.f32 v3, v1  }
0x4ef: {  	v3 =	vld.idx.msk [tilespmem:v0+s30+$0x8410 ss:$0x1], $0xffff  }
0x4f0: {  	v1 =	vadd.f32 v2, v1  }
0x4f1: {  	v2 =	vld.idx.msk [tilespmem:v0+s30+$0x8420 ss:$0x1], $0xffff  }
0x4f2: {  	v1 =	vadd.f32 v4, v1  }
0x4f3: {  	v4 =	vld.idx.msk [tilespmem:v0+s30+$0x8430 ss:$0x1], $0xffff  }
0x4f4: {  	v1 =	vadd.f32 v3, v1  }
0x4f5: {  	v3 =	vld.idx.msk [tilespmem:v0+s30+$0x8440 ss:$0x1], $0xffff  }
0x4f6: {  	v2 =	vadd.f32 v2, v1  }
0x4f7: {  	v1 =	vld.idx.msk [tilespmem:v0+s30+$0x8450 ss:$0x1], $0xffff  }
0x4f8: {  	v4 =	vadd.f32 v4, v2  }
0x4f9: {  	v2 =	vld.idx.msk [tilespmem:v0+s30+$0x8460 ss:$0x1], $0xffff  }
0x4fa: {  	v4 =	vadd.f32 v3, v4  }
0x4fb: {  	s31 =	simm.s32 $0x4000;
	v3 =	vld.idx.msk [tilespmem:v0+s30+$0x8470 ss:$0x1], $0xffff;
	s30 =	simm.s32 $0x800  }
.LBB2_55:
0x4fc: {  	p0 =	sne.s32 s31, $0x1E000;
	v5 =	vld.idx.msk [tilespmem:v0+s30+$0x8000 ss:$0x1], $0xffff;
	v1 =	vadd.f32 v1, v4;
	_ =	sdelay $0x1  }
0x4fd: {  	v4 =	vld.idx.msk [tilespmem:v0+s30+$0x8010 ss:$0x1], $0xffff;
	v1 =	vadd.f32 v2, v1;
	_ =	sdelay $0x1  }
0x4fe: {  	v2 =	vld.idx.msk [tilespmem:v0+s30+$0x8020 ss:$0x1], $0xffff;
	v1 =	vadd.f32 v3, v1;
	_ =	sdelay $0x1  }
0x4ff: {  	v1 =	vadd.f32 v5, v1;
	v3 =	vld.idx.msk [tilespmem:v0+s30+$0x8030 ss:$0x1], $0xffff;
	_ =	sdelay $0x1  }
0x500: {  	v1 =	vadd.f32 v4, v1;
	v4 =	vld.idx.msk [tilespmem:v0+s30+$0x8040 ss:$0x1], $0xffff;
	_ =	sdelay $0x1  }
0x501: {  	v1 =	vadd.f32 v2, v1;
	v2 =	vld.idx.msk [tilespmem:v0+s30+$0x8050 ss:$0x1], $0xffff;
	_ =	sdelay $0x1  }
0x502: {  	v1 =	vadd.f32 v3, v1;
	v3 =	vld.idx.msk [tilespmem:v0+s30+$0x8060 ss:$0x1], $0xffff;
	_ =	sdelay $0x1  }
0x503: {  	v1 =	vadd.f32 v4, v1;
	v4 =	vld.idx.msk [tilespmem:v0+s30+$0x8070 ss:$0x1], $0xffff;
	_ =	sdelay $0x1  }
0x504: {  	v1 =	vadd.f32 v2, v1;
	v2 =	vld.idx.msk [tilespmem:v0+s30+$0x8400 ss:$0x1], $0xffff;
	_ =	sdelay $0x1  }
0x505: {  	v1 =	vadd.f32 v3, v1;
	v3 =	vld.idx.msk [tilespmem:v0+s30+$0x8410 ss:$0x1], $0xffff;
	_ =	sdelay $0x1  }
0x506: {  	v1 =	vadd.f32 v4, v1;
	v4 =	vld.idx.msk [tilespmem:v0+s30+$0x8420 ss:$0x1], $0xffff;
	_ =	sdelay $0x1  }
0x507: {  	v1 =	vadd.f32 v2, v1;
	v2 =	vld.idx.msk [tilespmem:v0+s30+$0x8430 ss:$0x1], $0xffff;
	_ =	sdelay $0x1  }
0x508: {  	v1 =	vadd.f32 v3, v1;
	v3 =	vld.idx.msk [tilespmem:v0+s30+$0x8440 ss:$0x1], $0xffff;
	_ =	sdelay $0x1  }
0x509: {  	v4 =	vadd.f32 v4, v1;
	v1 =	vld.idx.msk [tilespmem:v0+s30+$0x8450 ss:$0x1], $0xffff  }
.Ltmp26:
0x50a: {  	(pc) =	sbr.rel @p0 .LBB2_55-.Ltmp26, $3  }
0x50b: {  	v4 =	vadd.f32 v2, v4;
	v2 =	vld.idx.msk [tilespmem:v0+s30+$0x8460 ss:$0x1], $0xffff;
	_ =	sdelay $0x1  }
0x50c: {  	v4 =	vadd.f32 v3, v4;
	v3 =	vld.idx.msk [tilespmem:v0+s30+$0x8470 ss:$0x1], $0xffff  }
0x50d: {  	s30 =	sshra.s32 s31, $0x2;
	s31 =	sadd.s32 $0x2000, s31  }
0x50e: {  	_ =	sdelay $0x2  }
0x50f: {  	v1 =	vadd.f32 v1, v4  }
0x510: {  	v48 =	vld.idx.msk [tilespmem:v0+s30+$0x8000 ss:$0x1], $0xffff  }
0x511: {  	v1 =	vadd.f32 v2, v1  }
0x512: {  	v49 =	vld.idx.msk [tilespmem:v0+s30+$0x8010 ss:$0x1], $0xffff  }
0x513: {  	v1 =	vadd.f32 v3, v1  }
0x514: {  	v50 =	vld.idx.msk [tilespmem:v0+s30+$0x8020 ss:$0x1], $0xffff  }
0x515: {  	v1 =	vadd.f32 v48, v1  }
0x516: {  	v51 =	vld.idx.msk [tilespmem:v0+s30+$0x8030 ss:$0x1], $0xffff  }
0x517: {  	v1 =	vadd.f32 v49, v1  }
0x518: {  	v52 =	vld.idx.msk [tilespmem:v0+s30+$0x8040 ss:$0x1], $0xffff  }
0x519: {  	v1 =	vadd.f32 v50, v1  }
0x51a: {  	v53 =	vld.idx.msk [tilespmem:v0+s30+$0x8050 ss:$0x1], $0xffff  }
0x51b: {  	v1 =	vadd.f32 v51, v1  }
0x51c: {  	v54 =	vld.idx.msk [tilespmem:v0+s30+$0x8060 ss:$0x1], $0xffff  }
0x51d: {  	v1 =	vadd.f32 v52, v1  }
0x51e: {  	v55 =	vld.idx.msk [tilespmem:v0+s30+$0x8070 ss:$0x1], $0xffff  }
0x51f: {  	v1 =	vadd.f32 v53, v1  }
0x520: {  	v56 =	vld.idx.msk [tilespmem:v0+s30+$0x8400 ss:$0x1], $0xffff  }
0x521: {  	v1 =	vadd.f32 v54, v1  }
0x522: {  	v57 =	vld.idx.msk [tilespmem:v0+s30+$0x8410 ss:$0x1], $0xffff  }
0x523: {  	v1 =	vadd.f32 v55, v1  }
0x524: {  	v58 =	vld.idx.msk [tilespmem:v0+s30+$0x8420 ss:$0x1], $0xffff  }
0x525: {  	v1 =	vadd.f32 v56, v1  }
0x526: {  	v59 =	vld.idx.msk [tilespmem:v0+s30+$0x8430 ss:$0x1], $0xffff  }
0x527: {  	v1 =	vadd.f32 v57, v1  }
0x528: {  	v60 =	vld.idx.msk [tilespmem:v0+s30+$0x8440 ss:$0x1], $0xffff  }
0x529: {  	v1 =	vadd.f32 v58, v1  }
0x52a: {  	v61 =	vld.idx.msk [tilespmem:v0+s30+$0x8450 ss:$0x1], $0xffff  }
0x52b: {  	v1 =	vadd.f32 v59, v1  }
0x52c: {  	v62 =	vld.idx.msk [tilespmem:v0+s30+$0x8460 ss:$0x1], $0xffff  }
0x52d: {  	v1 =	vadd.f32 v60, v1  }
0x52e: {  	v63 =	vld.idx.msk [tilespmem:v0+s30+$0x8470 ss:$0x1], $0xffff  }
0x52f: {  	s31 =	sshll.u32 s29, $0x7;
	s29 =	sadd.s32 $0x1, s29;
	v1 =	vadd.f32 v61, v1  }
0x530: {  	p0 =	sne.s32 s29, $0x8  }
.Ltmp27:
0x531: {  	v1 =	vadd.f32 v62, v1;
	(pc) =	sbr.rel @p0 .LBB2_54-.Ltmp27, $4  }
0x532: {  	_ = 	snop  }
0x533: {  	v0 =	vadd.f32 v63, v1  }
0x534: {  	s30 =	sand.u32 $0x3FFFFF80, s31  }
0x535: {  	s28 =	sadd.s32 $0x80, s28;
	[tilespmem:s30+$0x13400] =	vst v0  }
0x536: {  	s28 =	simm.s32 $0x0  }
0x537: {  	[tilespmem:s21], [sflag:$0x2] =	stream.linear.gather [hbm4b:s18+s28], $0x8000, $0x38;
	[tilespmem:$0x14000] =	vst v63  }
0x538: {  	_ =	swait.ge [sflag:s22], $0x8000  }
0x539: {  	[sflag:s22] =	ssyncset.done $0x0  }
0x53a: {  	s29 =	simm.s32 $0x470;
	[sflag:s22] =	ssyncadd.s32 $0xFFFF8000  }
.LBB2_58:
0x53b: {  	v0 =	vmov s29;
	_ =	sdelay $0x3  }
0x53c: {  	s30 =	simm.s32 $0x0  }
0x53d: {  	v1 =	vld.idx.msk [tilespmem:v0+s30+$0xFFFFFB90 ss:$0x1], $0xffff;
	_ =	sdelay $0x1  }
0x53e: {  	v2 =	vld.idx.msk [tilespmem:v0+s30+$0xFFFFFBA0 ss:$0x1], $0xffff;
	_ =	sdelay $0x1  }
0x53f: {  	v3 =	vimm.f32 $0.0e+00;
	v4 =	vld.idx.msk [tilespmem:v0+s30+$0xFFFFFBB0 ss:$0x1], $0xffff  }
0x540: {  	v1 =	vadd.f32 v1, v3  }
0x541: {  	v3 =	vld.idx.msk [tilespmem:v0+s30+$0xFFFFFBC0 ss:$0x1], $0xffff  }
0x542: {  	v1 =	vadd.f32 v2, v1  }
0x543: {  	v2 =	vld.idx.msk [tilespmem:v0+s30+$0xFFFFFBD0 ss:$0x1], $0xffff  }
0x544: {  	v1 =	vadd.f32 v4, v1  }
0x545: {  	v4 =	vld.idx.msk [tilespmem:v0+s30+$0xFFFFFBE0 ss:$0x1], $0xffff  }
0x546: {  	v1 =	vadd.f32 v3, v1  }
0x547: {  	v3 =	vld.idx.msk [tilespmem:v0+s30+$0xFFFFFBF0 ss:$0x1], $0xffff  }
0x548: {  	v1 =	vadd.f32 v2, v1  }
0x549: {  	v2 =	vld.idx.msk [tilespmem:v0+s30+$0xFFFFFC00 ss:$0x1], $0xffff  }
0x54a: {  	v1 =	vadd.f32 v4, v1  }
0x54b: {  	v4 =	vld.idx.msk [tilespmem:v0+s30+$0xFFFFFF90 ss:$0x1], $0xffff  }
0x54c: {  	v1 =	vadd.f32 v3, v1  }
0x54d: {  	v3 =	vld.idx.msk [tilespmem:v0+s30+$0xFFFFFFA0 ss:$0x1], $0xffff  }
0x54e: {  	v1 =	vadd.f32 v2, v1  }
0x54f: {  	v2 =	vld.idx.msk [tilespmem:v0+s30+$0xFFFFFFB0 ss:$0x1], $0xffff  }
0x550: {  	v1 =	vadd.f32 v4, v1  }
0x551: {  	v4 =	vld.idx.msk [tilespmem:v0+s30+$0xFFFFFFC0 ss:$0x1], $0xffff  }
0x552: {  	v1 =	vadd.f32 v3, v1  }
0x553: {  	v3 =	vld.idx.msk [tilespmem:v0+s30+$0xFFFFFFD0 ss:$0x1], $0xffff  }
0x554: {  	v2 =	vadd.f32 v2, v1  }
0x555: {  	v1 =	vld.idx.msk [tilespmem:v0+s30+$0xFFFFFFE0 ss:$0x1], $0xffff  }
0x556: {  	v4 =	vadd.f32 v4, v2  }
0x557: {  	v2 =	vld.idx.msk [tilespmem:v0+s30+$0xFFFFFFF0 ss:$0x1], $0xffff  }
0x558: {  	v4 =	vadd.f32 v3, v4  }
0x559: {  	s31 =	simm.s32 $0x4000;
	v3 =	vld.idx.msk [tilespmem:v0+s30+$0x0 ss:$0x1], $0xffff;
	s30 =	simm.s32 $0x800  }
.LBB2_59:
0x55a: {  	p0 =	sne.s32 s31, $0x1E000;
	v5 =	vld.idx.msk [tilespmem:v0+s30+$0xFFFFFB90 ss:$0x1], $0xffff;
	v1 =	vadd.f32 v1, v4;
	_ =	sdelay $0x1  }
0x55b: {  	v4 =	vld.idx.msk [tilespmem:v0+s30+$0xFFFFFBA0 ss:$0x1], $0xffff;
	v1 =	vadd.f32 v2, v1;
	_ =	sdelay $0x1  }
0x55c: {  	v2 =	vld.idx.msk [tilespmem:v0+s30+$0xFFFFFBB0 ss:$0x1], $0xffff;
	v1 =	vadd.f32 v3, v1;
	_ =	sdelay $0x1  }
0x55d: {  	v1 =	vadd.f32 v5, v1;
	v3 =	vld.idx.msk [tilespmem:v0+s30+$0xFFFFFBC0 ss:$0x1], $0xffff;
	_ =	sdelay $0x1  }
0x55e: {  	v1 =	vadd.f32 v4, v1;
	v4 =	vld.idx.msk [tilespmem:v0+s30+$0xFFFFFBD0 ss:$0x1], $0xffff;
	_ =	sdelay $0x1  }
0x55f: {  	v1 =	vadd.f32 v2, v1;
	v2 =	vld.idx.msk [tilespmem:v0+s30+$0xFFFFFBE0 ss:$0x1], $0xffff;
	_ =	sdelay $0x1  }
0x560: {  	v1 =	vadd.f32 v3, v1;
	v3 =	vld.idx.msk [tilespmem:v0+s30+$0xFFFFFBF0 ss:$0x1], $0xffff;
	_ =	sdelay $0x1  }
0x561: {  	v1 =	vadd.f32 v4, v1;
	v4 =	vld.idx.msk [tilespmem:v0+s30+$0xFFFFFC00 ss:$0x1], $0xffff;
	_ =	sdelay $0x1  }
0x562: {  	v1 =	vadd.f32 v2, v1;
	v2 =	vld.idx.msk [tilespmem:v0+s30+$0xFFFFFF90 ss:$0x1], $0xffff;
	_ =	sdelay $0x1  }
0x563: {  	v1 =	vadd.f32 v3, v1;
	v3 =	vld.idx.msk [tilespmem:v0+s30+$0xFFFFFFA0 ss:$0x1], $0xffff;
	_ =	sdelay $0x1  }
0x564: {  	v1 =	vadd.f32 v4, v1;
	v4 =	vld.idx.msk [tilespmem:v0+s30+$0xFFFFFFB0 ss:$0x1], $0xffff;
	_ =	sdelay $0x1  }
0x565: {  	v1 =	vadd.f32 v2, v1;
	v2 =	vld.idx.msk [tilespmem:v0+s30+$0xFFFFFFC0 ss:$0x1], $0xffff;
	_ =	sdelay $0x1  }
0x566: {  	v1 =	vadd.f32 v3, v1;
	v3 =	vld.idx.msk [tilespmem:v0+s30+$0xFFFFFFD0 ss:$0x1], $0xffff;
	_ =	sdelay $0x1  }
0x567: {  	v4 =	vadd.f32 v4, v1;
	v1 =	vld.idx.msk [tilespmem:v0+s30+$0xFFFFFFE0 ss:$0x1], $0xffff  }
.Ltmp28:
0x568: {  	(pc) =	sbr.rel @p0 .LBB2_59-.Ltmp28, $3  }
0x569: {  	v4 =	vadd.f32 v2, v4;
	v2 =	vld.idx.msk [tilespmem:v0+s30+$0xFFFFFFF0 ss:$0x1], $0xffff;
	_ =	sdelay $0x1  }
0x56a: {  	v4 =	vadd.f32 v3, v4;
	v3 =	vld.idx.msk [tilespmem:v0+s30+$0x0 ss:$0x1], $0xffff  }
0x56b: {  	s30 =	sshra.s32 s31, $0x2;
	s31 =	sadd.s32 $0x2000, s31  }
0x56c: {  	_ =	sdelay $0x2  }
0x56d: {  	v1 =	vadd.f32 v1, v4  }
0x56e: {  	v48 =	vld.idx.msk [tilespmem:v0+s30+$0xFFFFFB90 ss:$0x1], $0xffff  }
0x56f: {  	v1 =	vadd.f32 v2, v1  }
0x570: {  	v49 =	vld.idx.msk [tilespmem:v0+s30+$0xFFFFFBA0 ss:$0x1], $0xffff  }
0x571: {  	v1 =	vadd.f32 v3, v1  }
0x572: {  	v50 =	vld.idx.msk [tilespmem:v0+s30+$0xFFFFFBB0 ss:$0x1], $0xffff  }
0x573: {  	v1 =	vadd.f32 v48, v1  }
0x574: {  	v51 =	vld.idx.msk [tilespmem:v0+s30+$0xFFFFFBC0 ss:$0x1], $0xffff  }
0x575: {  	v1 =	vadd.f32 v49, v1  }
0x576: {  	v52 =	vld.idx.msk [tilespmem:v0+s30+$0xFFFFFBD0 ss:$0x1], $0xffff  }
0x577: {  	v1 =	vadd.f32 v50, v1  }
0x578: {  	v53 =	vld.idx.msk [tilespmem:v0+s30+$0xFFFFFBE0 ss:$0x1], $0xffff  }
0x579: {  	v1 =	vadd.f32 v51, v1  }
0x57a: {  	v54 =	vld.idx.msk [tilespmem:v0+s30+$0xFFFFFBF0 ss:$0x1], $0xffff  }
0x57b: {  	v1 =	vadd.f32 v52, v1  }
0x57c: {  	v55 =	vld.idx.msk [tilespmem:v0+s30+$0xFFFFFC00 ss:$0x1], $0xffff  }
0x57d: {  	v1 =	vadd.f32 v53, v1  }
0x57e: {  	v56 =	vld.idx.msk [tilespmem:v0+s30+$0xFFFFFF90 ss:$0x1], $0xffff  }
0x57f: {  	v1 =	vadd.f32 v54, v1  }
0x580: {  	v57 =	vld.idx.msk [tilespmem:v0+s30+$0xFFFFFFA0 ss:$0x1], $0xffff  }
0x581: {  	v1 =	vadd.f32 v55, v1  }
0x582: {  	v58 =	vld.idx.msk [tilespmem:v0+s30+$0xFFFFFFB0 ss:$0x1], $0xffff  }
0x583: {  	v1 =	vadd.f32 v56, v1  }
0x584: {  	v59 =	vld.idx.msk [tilespmem:v0+s30+$0xFFFFFFC0 ss:$0x1], $0xffff  }
0x585: {  	v1 =	vadd.f32 v57, v1  }
0x586: {  	v60 =	vld.idx.msk [tilespmem:v0+s30+$0xFFFFFFD0 ss:$0x1], $0xffff  }
0x587: {  	v1 =	vadd.f32 v58, v1  }
0x588: {  	v61 =	vld.idx.msk [tilespmem:v0+s30+$0xFFFFFFE0 ss:$0x1], $0xffff  }
0x589: {  	v1 =	vadd.f32 v59, v1  }
0x58a: {  	v62 =	vld.idx.msk [tilespmem:v0+s30+$0xFFFFFFF0 ss:$0x1], $0xffff  }
0x58b: {  	v1 =	vadd.f32 v60, v1  }
0x58c: {  	v63 =	vld.idx.msk [tilespmem:v0+s30+$0x0 ss:$0x1], $0xffff  }
0x58d: {  	s31 =	sshll.u32 s28, $0x7;
	s28 =	sadd.s32 $0x1, s28;
	v1 =	vadd.f32 v61, v1  }
0x58e: {  	p0 =	sne.s32 s28, $0x8  }
.Ltmp29:
0x58f: {  	v1 =	vadd.f32 v62, v1;
	(pc) =	sbr.rel @p0 .LBB2_58-.Ltmp29, $4  }
0x590: {  	_ = 	snop  }
0x591: {  	v0 =	vadd.f32 v63, v1  }
0x592: {  	s30 =	sand.u32 $0x3FFFFF80, s31  }
0x593: {  	s29 =	sadd.s32 $0x80, s29;
	[tilespmem:s30+$0x13800] =	vst v0  }
0x594: {  	_ =	swait.ge [sflag:s23], $0x8000  }
0x595: {  	[sflag:s23] =	ssyncset.done $0x0  }
0x596: {  	s28 =	simm.s32 $0x0;
	s29 =	simm.s32 $0x0;
	[sflag:s23] =	ssyncadd.s32 $0xFFFF8000  }
.LBB2_62:
0x597: {  	v0 =	vmov s28;
	_ =	sdelay $0x3  }
0x598: {  	s30 =	simm.s32 $0x0  }
0x599: {  	v1 =	vld.idx.msk [tilespmem:v0+s30+$0x8000 ss:$0x1], $0xffff;
	_ =	sdelay $0x1  }
0x59a: {  	v2 =	vld.idx.msk [tilespmem:v0+s30+$0x8010 ss:$0x1], $0xffff;
	_ =	sdelay $0x1  }
0x59b: {  	v3 =	vimm.f32 $0.0e+00;
	v4 =	vld.idx.msk [tilespmem:v0+s30+$0x8020 ss:$0x1], $0xffff  }
0x59c: {  	v1 =	vadd.f32 v1, v3  }
0x59d: {  	v3 =	vld.idx.msk [tilespmem:v0+s30+$0x8030 ss:$0x1], $0xffff  }
0x59e: {  	v1 =	vadd.f32 v2, v1  }
0x59f: {  	v2 =	vld.idx.msk [tilespmem:v0+s30+$0x8040 ss:$0x1], $0xffff  }
0x5a0: {  	v1 =	vadd.f32 v4, v1  }
0x5a1: {  	v4 =	vld.idx.msk [tilespmem:v0+s30+$0x8050 ss:$0x1], $0xffff  }
0x5a2: {  	v1 =	vadd.f32 v3, v1  }
0x5a3: {  	v3 =	vld.idx.msk [tilespmem:v0+s30+$0x8060 ss:$0x1], $0xffff  }
0x5a4: {  	v1 =	vadd.f32 v2, v1  }
0x5a5: {  	v2 =	vld.idx.msk [tilespmem:v0+s30+$0x8070 ss:$0x1], $0xffff  }
0x5a6: {  	v1 =	vadd.f32 v4, v1  }
0x5a7: {  	v4 =	vld.idx.msk [tilespmem:v0+s30+$0x8400 ss:$0x1], $0xffff  }
0x5a8: {  	v1 =	vadd.f32 v3, v1  }
0x5a9: {  	v3 =	vld.idx.msk [tilespmem:v0+s30+$0x8410 ss:$0x1], $0xffff  }
0x5aa: {  	v1 =	vadd.f32 v2, v1  }
0x5ab: {  	v2 =	vld.idx.msk [tilespmem:v0+s30+$0x8420 ss:$0x1], $0xffff  }
0x5ac: {  	v1 =	vadd.f32 v4, v1  }
0x5ad: {  	v4 =	vld.idx.msk [tilespmem:v0+s30+$0x8430 ss:$0x1], $0xffff  }
0x5ae: {  	v1 =	vadd.f32 v3, v1  }
0x5af: {  	v3 =	vld.idx.msk [tilespmem:v0+s30+$0x8440 ss:$0x1], $0xffff  }
0x5b0: {  	v2 =	vadd.f32 v2, v1  }
0x5b1: {  	v1 =	vld.idx.msk [tilespmem:v0+s30+$0x8450 ss:$0x1], $0xffff  }
0x5b2: {  	v4 =	vadd.f32 v4, v2  }
0x5b3: {  	v2 =	vld.idx.msk [tilespmem:v0+s30+$0x8460 ss:$0x1], $0xffff  }
0x5b4: {  	v4 =	vadd.f32 v3, v4  }
0x5b5: {  	s31 =	simm.s32 $0x4000;
	v3 =	vld.idx.msk [tilespmem:v0+s30+$0x8470 ss:$0x1], $0xffff;
	s30 =	simm.s32 $0x800  }
.LBB2_63:
0x5b6: {  	p0 =	sne.s32 s31, $0x1E000;
	v5 =	vld.idx.msk [tilespmem:v0+s30+$0x8000 ss:$0x1], $0xffff;
	v1 =	vadd.f32 v1, v4;
	_ =	sdelay $0x1  }
0x5b7: {  	v4 =	vld.idx.msk [tilespmem:v0+s30+$0x8010 ss:$0x1], $0xffff;
	v1 =	vadd.f32 v2, v1;
	_ =	sdelay $0x1  }
0x5b8: {  	v2 =	vld.idx.msk [tilespmem:v0+s30+$0x8020 ss:$0x1], $0xffff;
	v1 =	vadd.f32 v3, v1;
	_ =	sdelay $0x1  }
0x5b9: {  	v1 =	vadd.f32 v5, v1;
	v3 =	vld.idx.msk [tilespmem:v0+s30+$0x8030 ss:$0x1], $0xffff;
	_ =	sdelay $0x1  }
0x5ba: {  	v1 =	vadd.f32 v4, v1;
	v4 =	vld.idx.msk [tilespmem:v0+s30+$0x8040 ss:$0x1], $0xffff;
	_ =	sdelay $0x1  }
0x5bb: {  	v1 =	vadd.f32 v2, v1;
	v2 =	vld.idx.msk [tilespmem:v0+s30+$0x8050 ss:$0x1], $0xffff;
	_ =	sdelay $0x1  }
0x5bc: {  	v1 =	vadd.f32 v3, v1;
	v3 =	vld.idx.msk [tilespmem:v0+s30+$0x8060 ss:$0x1], $0xffff;
	_ =	sdelay $0x1  }
0x5bd: {  	v1 =	vadd.f32 v4, v1;
	v4 =	vld.idx.msk [tilespmem:v0+s30+$0x8070 ss:$0x1], $0xffff;
	_ =	sdelay $0x1  }
0x5be: {  	v1 =	vadd.f32 v2, v1;
	v2 =	vld.idx.msk [tilespmem:v0+s30+$0x8400 ss:$0x1], $0xffff;
	_ =	sdelay $0x1  }
0x5bf: {  	v1 =	vadd.f32 v3, v1;
	v3 =	vld.idx.msk [tilespmem:v0+s30+$0x8410 ss:$0x1], $0xffff;
	_ =	sdelay $0x1  }
0x5c0: {  	v1 =	vadd.f32 v4, v1;
	v4 =	vld.idx.msk [tilespmem:v0+s30+$0x8420 ss:$0x1], $0xffff;
	_ =	sdelay $0x1  }
0x5c1: {  	v1 =	vadd.f32 v2, v1;
	v2 =	vld.idx.msk [tilespmem:v0+s30+$0x8430 ss:$0x1], $0xffff;
	_ =	sdelay $0x1  }
0x5c2: {  	v1 =	vadd.f32 v3, v1;
	v3 =	vld.idx.msk [tilespmem:v0+s30+$0x8440 ss:$0x1], $0xffff;
	_ =	sdelay $0x1  }
0x5c3: {  	v4 =	vadd.f32 v4, v1;
	v1 =	vld.idx.msk [tilespmem:v0+s30+$0x8450 ss:$0x1], $0xffff  }
.Ltmp30:
0x5c4: {  	(pc) =	sbr.rel @p0 .LBB2_63-.Ltmp30, $3  }
0x5c5: {  	v4 =	vadd.f32 v2, v4;
	v2 =	vld.idx.msk [tilespmem:v0+s30+$0x8460 ss:$0x1], $0xffff;
	_ =	sdelay $0x1  }
0x5c6: {  	v4 =	vadd.f32 v3, v4;
	v3 =	vld.idx.msk [tilespmem:v0+s30+$0x8470 ss:$0x1], $0xffff  }
0x5c7: {  	s30 =	sshra.s32 s31, $0x2;
	s31 =	sadd.s32 $0x2000, s31  }
0x5c8: {  	_ =	sdelay $0x2  }
0x5c9: {  	v1 =	vadd.f32 v1, v4  }
0x5ca: {  	v48 =	vld.idx.msk [tilespmem:v0+s30+$0x8000 ss:$0x1], $0xffff  }
0x5cb: {  	v1 =	vadd.f32 v2, v1  }
0x5cc: {  	v49 =	vld.idx.msk [tilespmem:v0+s30+$0x8010 ss:$0x1], $0xffff  }
0x5cd: {  	v1 =	vadd.f32 v3, v1  }
0x5ce: {  	v50 =	vld.idx.msk [tilespmem:v0+s30+$0x8020 ss:$0x1], $0xffff  }
0x5cf: {  	v1 =	vadd.f32 v48, v1  }
0x5d0: {  	v51 =	vld.idx.msk [tilespmem:v0+s30+$0x8030 ss:$0x1], $0xffff  }
0x5d1: {  	v1 =	vadd.f32 v49, v1  }
0x5d2: {  	v52 =	vld.idx.msk [tilespmem:v0+s30+$0x8040 ss:$0x1], $0xffff  }
0x5d3: {  	v1 =	vadd.f32 v50, v1  }
0x5d4: {  	v53 =	vld.idx.msk [tilespmem:v0+s30+$0x8050 ss:$0x1], $0xffff  }
0x5d5: {  	v1 =	vadd.f32 v51, v1  }
0x5d6: {  	v54 =	vld.idx.msk [tilespmem:v0+s30+$0x8060 ss:$0x1], $0xffff  }
0x5d7: {  	v1 =	vadd.f32 v52, v1  }
0x5d8: {  	v55 =	vld.idx.msk [tilespmem:v0+s30+$0x8070 ss:$0x1], $0xffff  }
0x5d9: {  	v1 =	vadd.f32 v53, v1  }
0x5da: {  	v56 =	vld.idx.msk [tilespmem:v0+s30+$0x8400 ss:$0x1], $0xffff  }
0x5db: {  	v1 =	vadd.f32 v54, v1  }
0x5dc: {  	v57 =	vld.idx.msk [tilespmem:v0+s30+$0x8410 ss:$0x1], $0xffff  }
0x5dd: {  	v1 =	vadd.f32 v55, v1  }
0x5de: {  	v58 =	vld.idx.msk [tilespmem:v0+s30+$0x8420 ss:$0x1], $0xffff  }
0x5df: {  	v1 =	vadd.f32 v56, v1  }
0x5e0: {  	v59 =	vld.idx.msk [tilespmem:v0+s30+$0x8430 ss:$0x1], $0xffff  }
0x5e1: {  	v1 =	vadd.f32 v57, v1  }
0x5e2: {  	v60 =	vld.idx.msk [tilespmem:v0+s30+$0x8440 ss:$0x1], $0xffff  }
0x5e3: {  	v1 =	vadd.f32 v58, v1  }
0x5e4: {  	v61 =	vld.idx.msk [tilespmem:v0+s30+$0x8450 ss:$0x1], $0xffff  }
0x5e5: {  	v1 =	vadd.f32 v59, v1  }
0x5e6: {  	v62 =	vld.idx.msk [tilespmem:v0+s30+$0x8460 ss:$0x1], $0xffff  }
0x5e7: {  	v1 =	vadd.f32 v60, v1  }
0x5e8: {  	v63 =	vld.idx.msk [tilespmem:v0+s30+$0x8470 ss:$0x1], $0xffff  }
0x5e9: {  	s31 =	sshll.u32 s29, $0x7;
	s29 =	sadd.s32 $0x1, s29;
	v1 =	vadd.f32 v61, v1  }
0x5ea: {  	p0 =	sne.s32 s29, $0x8  }
.Ltmp31:
0x5eb: {  	v1 =	vadd.f32 v62, v1;
	(pc) =	sbr.rel @p0 .LBB2_62-.Ltmp31, $4  }
0x5ec: {  	_ = 	snop  }
0x5ed: {  	v0 =	vadd.f32 v63, v1  }
0x5ee: {  	s30 =	sand.u32 $0x3FFFFF80, s31  }
0x5ef: {  	s28 =	sadd.s32 $0x80, s28;
	[tilespmem:s30+$0x13C00] =	vst v0  }
0x5f0: {  	s26 =	sadd.s32 $0x1, s26  }
0x5f1: {  	p0 =	sne.s32 s26, s20  }
.Ltmp32:
0x5f2: {  	_ = 	snop;
	(pc) =	sbr.rel @p0 .LBB2_1-.Ltmp32, $4  }
0x5f3: {  	[hbm4b:s19+s2] =	stream.linear.scatter [tilespmem:s24], [sflag:$0x3], $0x4000, $0x38;
	[tilespmem:$0x14000] =	vst v63  }
0x5f4: {  	_ =	swait.ge [sflag:s25], $0x4000  }
0x5f5: {  	[sflag:s25] =	ssyncset.done $0x0  }
0x5f6: {  	[sflag:s25] =	ssyncadd.s32 $0xFFFFC000  }
0x5f7: {  	_ =	sfence.sel $0x180000  }
0x5f8: {  	[bflag:$0x0] =	sbarrier.arrive $0xFFFF  }
0x5f9: {  	p0 =	sne.s32 s1, $0x0;
	_ =	strace $0x90000047  }
0x5fa: {  	s0 =	sadd.s32 @!p0 $0x100000, s0;
	[bflag:$0x2] =	sbarrier.arrive $0xFFFF  }
0x5fb: {  	[sflag:s0] =	ssyncadd.tile.s32 @!p0 $0x1;
	_ =	shalt  }
.Lfunc_end2:
_tile_overlayer_lowered:
.L_overlay_start_2:
0x5fc: {  	(tag) =	ssettag $0x2  }
0x5fd: {  	s0 =	rddreg [dreg:$0x0];
	s2 =	stileid.u32  }
0x5fe: {  	s1 =	rddreg [dreg:$0x1];
	p0 =	sne.s32 s2, $0x0  }
0x5ff: {  	s3 =	rddreg [dreg:$0x2];
	[bflag:$0x3] =	sbarrier.arrive $0xFFFF;
	s2 =	simm.s32 @!p0 $0x1C03  }
0x600: {  	[timem:s3], [sflag:s2] =	dma.local @!p0 [hbm:s0], s1  }
0x601: {  	s0 =	simm.s32 @!p0 $0x3  }
0x602: {  	_ =	swait.ge @!p0 [sflag:s0], s1  }
0x603: {  	s1 =	ssub.s32 @!p0 $0x0, s1;
	[sflag:s0] =	ssyncset.done @!p0 $0x0  }
0x604: {  	[sflag:s0] =	ssyncadd.s32 @!p0 s1  }
0x605: {  	[bflag:$0x3] =	sbarrier.arrive $0xFFFF  }
0x606: {  	_ =	shalt  }

</sc_bundles>
